<compile_context>
chip_gen: v7x
topology: tpu7x:2x2x1
jax: 0.10.2.dev20260603
libtpu: 0.0.44.dev20260713+nightly
codegen_flags: <defaults>
</compile_context>

<pallas_src>
import functools

import jax
import jax.numpy as jnp
import numpy as np
from jax.experimental import pallas as pl
from jax import lax
from jax.experimental.pallas import tpu as pltpu
from jax.experimental.pallas import tpu_sc as plsc

NEG = -1e9
EPS = 1e-12


def _ln(x, g, b):
    m = jnp.mean(x, axis=-1, keepdims=True)
    v = jnp.mean((x - m) ** 2, axis=-1, keepdims=True)
    return (x - m) / jnp.sqrt(v + EPS) * g + b


def _dot(a, b):
    return jax.lax.dot_general(a, b, (((1,), (0,)), ((), ())),
                               preferred_element_type=jnp.float32)


def _dot_t(a, b):
    return jax.lax.dot_general(a, b, (((1,), (1,)), ((), ())),
                               preferred_element_type=jnp.float32)


def _bf(x):
    return x.astype(jnp.bfloat16)


def _dotb(a, b):
    return jax.lax.dot_general(_bf(a), _bf(b), (((1,), (0,)), ((), ())),
                               preferred_element_type=jnp.float32)


def _dotb_t(a, b):
    return jax.lax.dot_general(_bf(a), _bf(b), (((1,), (1,)), ((), ())),
                               preferred_element_type=jnp.float32)



def _moe_pre_kernel(tag_ref, wm_ref, bm_ref, wg_ref, we_ref, be_ref,
                    x_ref, lg_ref, eo_ref):
    x = _dot(tag_ref[...], wm_ref[...]) + bm_ref[...]
    x_ref[...] = x
    lg_ref[...] = _dot(x, wg_ref[...])
    eo_ref[...] = _bf(jnp.maximum(_dotb(x, we_ref[...]) + be_ref[...], 0.0))



def _route_sc(ntok, E):
    NW = 32
    CHUNK = ntok // NW
    mesh = plsc.VectorSubcoreMesh(core_axis_name="c", subcore_axis_name="s")

    @functools.partial(
        pl.kernel, mesh=mesh,
        out_type=jax.ShapeDtypeStruct((NW, 8, CHUNK), jnp.float32),
        scratch_types=[pltpu.VMEM((8, CHUNK), jnp.float32),
                       pltpu.VMEM((8, CHUNK), jnp.float32)],
    )
    def k(lg_hbm, w_hbm, lg_v, w_v):
        wid = lax.axis_index("s") * 2 + lax.axis_index("c")
        pltpu.sync_copy(lg_hbm.at[wid], lg_v)
        one = jnp.ones((16,), jnp.float32)
        zero = jnp.zeros((16,), jnp.float32)
        for c in range(CHUNK // 16):
            sl = pl.ds(c * 16, 16)
            l = [lg_v[e, sl] for e in range(E)]
            m1 = l[0]
            for e in range(1, E):
                m1 = jnp.maximum(m1, l[e])
            oh1, seen = [], zero
            for e in range(E):
                eqf = jnp.where(l[e] == m1, one, zero)
                oh1.append(eqf * (one - seen))
                seen = jnp.maximum(seen, eqf)
            lm = [l[e] - oh1[e] * 1e30 for e in range(E)]
            m2 = lm[0]
            for e in range(1, E):
                m2 = jnp.maximum(m2, lm[e])
            oh2, seen2 = [], zero
            for e in range(E):
                eqf2 = jnp.where(lm[e] == m2, one, zero)
                oh2.append(eqf2 * (one - seen2))
                seen2 = jnp.maximum(seen2, eqf2)
            e2 = jnp.exp(m2 - m1)
            g1 = 1.0 / (1.0 + e2)
            g2 = e2 * g1
            for e in range(E):
                w_v[e, sl] = oh1[e] * g1 + oh2[e] * g2
            for e in range(E, 8):
                w_v[e, sl] = zero
        pltpu.sync_copy(w_v, w_hbm.at[wid])

    return k



def _combine_qkv_kernel(x_ref, eo_ref, w_ref,
                        wq_ref, bq_ref, wk_ref, bk_ref, wv_ref, bv_ref,
                        gpr_ref, bpr_ref,
                        out_ref, q_ref, k_ref, v_ref, *, E, DP):
    x = x_ref[...]
    eo = eo_ref[...].astype(jnp.float32)
    w = w_ref[...]
    acc = x
    for e in range(E):
        acc = acc + w[:, e:e + 1] * eo[:, e * DP:(e + 1) * DP]
    out_ref[...] = acc
    normed = _ln(acc, gpr_ref[...], bpr_ref[...])
    q_ref[...] = _bf(_dotb(normed, wq_ref[...]) + bq_ref[...])
    k_ref[...] = _bf(_dotb(normed, wk_ref[...]) + bk_ref[...])
    v_ref[...] = _bf(_dotb(normed, wv_ref[...]) + bv_ref[...])



def _pattn_kernel(qh_ref, kh_ref, vh_ref, pr_ref,
                  wo_ref, bo_ref, wp_ref, bp_ref, gh_ref, bh_ref,
                  wkf_ref, bkf_ref, wvf_ref, bvf_ref,
                  kf_ref, vf_ref, *, NH, HD, QBLK, KBLK):
    qi = pl.program_id(1)
    qh = qh_ref[0]
    DP = qh.shape[1]
    q0 = qi * QBLK

    lane = jax.lax.broadcasted_iota(jnp.int32, (1, DP), 1)
    row = jax.lax.broadcasted_iota(jnp.int32, (QBLK, KBLK), 0) + q0
    col0 = jax.lax.broadcasted_iota(jnp.int32, (QBLK, KBLK), 1)
    scale = 1.0 / np.sqrt(float(HD))
    nkb = qi * QBLK // KBLK + 1

    nfull = q0 // KBLK

    def body_h(h, total):
        hm = (lane // HD == h)
        qm = qh * hm.astype(jnp.bfloat16)

        def body_nm(kb, carry):
            l, acc = carry
            k = kh_ref[0, pl.ds(kb * KBLK, KBLK), :]
            v = vh_ref[0, pl.ds(kb * KBLK, KBLK), :]
            e = jnp.exp(_dot_t(qm, k) * scale)
            return l + jnp.sum(e, axis=-1, keepdims=True), acc + _dot(_bf(e), v)

        def body_m(kb, carry):
            l, acc = carry
            k = kh_ref[0, pl.ds(kb * KBLK, KBLK), :]
            v = vh_ref[0, pl.ds(kb * KBLK, KBLK), :]
            s = _dot_t(qm, k) * scale
            s = jnp.where(col0 + kb * KBLK > row, NEG, s)
            e = jnp.exp(s)
            return l + jnp.sum(e, axis=-1, keepdims=True), acc + _dot(_bf(e), v)

        l0 = jnp.zeros((QBLK, 1), jnp.float32)
        a0 = jnp.zeros((QBLK, DP), jnp.float32)
        l, acc = jax.lax.fori_loop(0, nfull, body_nm, (l0, a0))
        l, acc = jax.lax.fori_loop(nfull, nkb, body_m, (l, acc))
        return total + jnp.where(hm, acc, 0.0) / l

    acc = jax.lax.fori_loop(0, NH, body_h,
                            jnp.zeros((QBLK, DP), jnp.float32))
    o = _dotb(acc, wo_ref[...]) + bo_ref[...] + pr_ref[0]
    pr768 = _dotb(o, wp_ref[...]) + bp_ref[...]
    normed = _ln(pr768, gh_ref[...], bh_ref[...])
    kf = _dotb(normed, wkf_ref[...]) + bkf_ref[...]
    vf = _dotb(normed, wvf_ref[...]) + bvf_ref[...]
    HDF = kf.shape[1] // NH
    for h in range(NH):
        kf_ref[0, h] = _bf(kf[:, h * HDF:(h + 1) * HDF])
        vf_ref[0, h] = _bf(vf[:, h * HDF:(h + 1) * HDF])



def _fattn_kernel(hid_ref, k_ref, v_ref, wq_ref, bq_ref, wo_ref, bo_ref,
                  gf_ref, bf_ref, f_ref, wq2_ref, bq2_ref, wk2_ref, bk2_ref,
                  wv2_ref, bv2_ref, wo2_ref, bo2_ref, go_ref, bo3_ref,
                  out_ref, *, NH, HD, QBLK, KBLK):
    qi = pl.program_id(1)
    hid = hid_ref[0]
    qall = _bf(_dotb(hid, wq_ref[...]) + bq_ref[...])
    scale = 1.0 / np.sqrt(float(HD))
    row = jax.lax.broadcasted_iota(jnp.int32, (QBLK, KBLK), 0) + qi * QBLK
    col0 = jax.lax.broadcasted_iota(jnp.int32, (QBLK, KBLK), 1)
    nkb = qi * QBLK // KBLK + 1

    nfull = qi * QBLK // KBLK
    parts = []
    for h in range(NH):
        q = qall[:, h * HD:(h + 1) * HD]

        def body_nm(kb, carry, h=h, q=q):
            l, acc = carry
            k = k_ref[0, h, pl.ds(kb * KBLK, KBLK), :]
            v = v_ref[0, h, pl.ds(kb * KBLK, KBLK), :]
            e = jnp.exp(_dot_t(q, k) * scale)
            return l + jnp.sum(e, axis=-1, keepdims=True), acc + _dot(_bf(e), v)

        def body_m(kb, carry, h=h, q=q):
            l, acc = carry
            k = k_ref[0, h, pl.ds(kb * KBLK, KBLK), :]
            v = v_ref[0, h, pl.ds(kb * KBLK, KBLK), :]
            s = _dot_t(q, k) * scale
            s = jnp.where(col0 + kb * KBLK > row, NEG, s)
            e = jnp.exp(s)
            return l + jnp.sum(e, axis=-1, keepdims=True), acc + _dot(_bf(e), v)

        l0 = jnp.zeros((QBLK, 1), jnp.float32)
        a0 = jnp.zeros((QBLK, HD), jnp.float32)
        l, acc = jax.lax.fori_loop(0, nfull, body_nm, (l0, a0))
        l, acc = jax.lax.fori_loop(nfull, nkb, body_m, (l, acc))
        parts.append(acc / l)
    o = jnp.concatenate(parts, axis=1)
    out = _dotb(o, wo_ref[...]) + bo_ref[...] + hid
    x = _ln(out, gf_ref[...], bf_ref[...])

    f = f_ref[0]
    qall2 = _bf(_dotb(x, wq2_ref[...]) + bq2_ref[...])
    kall = _bf(_dotb(f, wk2_ref[...]) + bk2_ref[...])
    vall = _bf(_dotb(f, wv2_ref[...]) + bv2_ref[...])
    parts = []
    for h in range(NH):
        q = qall2[:, h * HD:(h + 1) * HD]
        k = kall[:, h * HD:(h + 1) * HD]
        v = vall[:, h * HD:(h + 1) * HD]
        e = jnp.exp(_dot_t(q, k) * scale)
        p = e / jnp.sum(e, axis=-1, keepdims=True)
        parts.append(_dot(_bf(p), v))
    o2 = jnp.concatenate(parts, axis=1)
    out2 = _dotb(o2, wo2_ref[...]) + bo2_ref[...] + x
    out_ref[0] = _ln(out2, go_ref[...], bo3_ref[...])


def _row(x):
    return x.reshape(1, -1)


def kernel(hidden_states, tag_hidden_state, feats, video_ids, params):
    p = params
    B, S, D = hidden_states.shape
    TAG_D = tag_hidden_state.shape[2]
    DP = p['Wm'].shape[1]
    E = p['Wg'].shape[1]
    NH = D // 64
    HD = D // NH
    HDP = DP // NH
    F = feats.shape[1]
    QBLK = 256
    NQ = S // QBLK
    MBLK = 512
    NM = (B * S) // MBLK

    f32 = jnp.float32

    NTOK = B * S
    tag2d = tag_hidden_state.reshape(NTOK, TAG_D)
    we2 = p['We'].transpose(1, 0, 2).reshape(DP, E * DP)
    be2 = p['be'].reshape(1, E * DP)
    wg8 = jnp.pad(p['Wg'], ((0, 0), (0, 8 - E)))
    x_flat, lg8, eo = pl.pallas_call(
        _moe_pre_kernel,
        grid=(NM,),
        in_specs=[
            pl.BlockSpec((MBLK, TAG_D), lambda i: (i, 0)),
            pl.BlockSpec((TAG_D, DP), lambda i: (0, 0)),
            pl.BlockSpec((1, DP), lambda i: (0, 0)),
            pl.BlockSpec((DP, 8), lambda i: (0, 0)),
            pl.BlockSpec((DP, E * DP), lambda i: (0, 0)),
            pl.BlockSpec((1, E * DP), lambda i: (0, 0)),
        ],
        out_specs=[pl.BlockSpec((MBLK, DP), lambda i: (i, 0)),
                   pl.BlockSpec((MBLK, 8), lambda i: (i, 0)),
                   pl.BlockSpec((MBLK, E * DP), lambda i: (i, 0))],
        out_shape=[jax.ShapeDtypeStruct((NTOK, DP), f32),
                   jax.ShapeDtypeStruct((NTOK, 8), f32),
                   jax.ShapeDtypeStruct((NTOK, E * DP), jnp.bfloat16)],
    )(tag2d, p['Wm'], _row(p['bm']), wg8, we2, be2)

    lg_c = lg8.reshape(32, NTOK // 32, 8).transpose(0, 2, 1)
    w_c = _route_sc(NTOK, E)(lg_c)
    w8 = w_c.transpose(0, 2, 1).reshape(NTOK, 8)

    pa = p['pattn']
    priori, pqh, pkh, pvh = pl.pallas_call(
        functools.partial(_combine_qkv_kernel, E=E, DP=DP),
        grid=(NM,),
        in_specs=[
            pl.BlockSpec((MBLK, DP), lambda i: (i, 0)),
            pl.BlockSpec((MBLK, E * DP), lambda i: (i, 0)),
            pl.BlockSpec((MBLK, 8), lambda i: (i, 0)),
            pl.BlockSpec((DP, DP), lambda i: (0, 0)),
            pl.BlockSpec((1, DP), lambda i: (0, 0)),
            pl.BlockSpec((DP, DP), lambda i: (0, 0)),
            pl.BlockSpec((1, DP), lambda i: (0, 0)),
            pl.BlockSpec((DP, DP), lambda i: (0, 0)),
            pl.BlockSpec((1, DP), lambda i: (0, 0)),
            pl.BlockSpec((1, DP), lambda i: (0, 0)),
            pl.BlockSpec((1, DP), lambda i: (0, 0)),
        ],
        out_specs=[pl.BlockSpec((MBLK, DP), lambda i: (i, 0)),
                   pl.BlockSpec((MBLK, DP), lambda i: (i, 0)),
                   pl.BlockSpec((MBLK, DP), lambda i: (i, 0)),
                   pl.BlockSpec((MBLK, DP), lambda i: (i, 0))],
        out_shape=[jax.ShapeDtypeStruct((NTOK, DP), f32),
                   jax.ShapeDtypeStruct((NTOK, DP), jnp.bfloat16),
                   jax.ShapeDtypeStruct((NTOK, DP), jnp.bfloat16),
                   jax.ShapeDtypeStruct((NTOK, DP), jnp.bfloat16)],
    )(x_flat, eo, w8, pa['Wq'], _row(pa['bq']), pa['Wk'], _row(pa['bk']),
      pa['Wv'], _row(pa['bv']), _row(p['g_pr']), _row(p['b_pr']))
    priori = priori.reshape(B, S, DP)
    pqh = pqh.reshape(B, S, DP)
    pkh = pkh.reshape(B, S, DP)
    pvh = pvh.reshape(B, S, DP)

    fa = p['fattn']
    kp, vp = pl.pallas_call(
        functools.partial(_pattn_kernel, NH=NH, HD=HDP, QBLK=QBLK, KBLK=QBLK),
        grid=(B, NQ),
        in_specs=[
            pl.BlockSpec((1, QBLK, DP), lambda b, q: (b, q, 0)),
            pl.BlockSpec((1, S, DP), lambda b, q: (b, 0, 0)),
            pl.BlockSpec((1, S, DP), lambda b, q: (b, 0, 0)),
            pl.BlockSpec((1, QBLK, DP), lambda b, q: (b, q, 0)),
            pl.BlockSpec((DP, DP), lambda b, q: (0, 0)),
            pl.BlockSpec((1, DP), lambda b, q: (0, 0)),
            pl.BlockSpec((DP, D), lambda b, q: (0, 0)),
            pl.BlockSpec((1, D), lambda b, q: (0, 0)),
            pl.BlockSpec((1, D), lambda b, q: (0, 0)),
            pl.BlockSpec((1, D), lambda b, q: (0, 0)),
            pl.BlockSpec((D, D), lambda b, q: (0, 0)),
            pl.BlockSpec((1, D), lambda b, q: (0, 0)),
            pl.BlockSpec((D, D), lambda b, q: (0, 0)),
            pl.BlockSpec((1, D), lambda b, q: (0, 0)),
        ],
        out_specs=[pl.BlockSpec((1, NH, QBLK, HD),
                                lambda b, q: (b, 0, q, 0))] * 2,
        out_shape=[jax.ShapeDtypeStruct((B, NH, S, HD), jnp.bfloat16)] * 2,
    )(pqh, pkh, pvh, priori, pa['Wo'], _row(pa['bo']),
      p['Wp'], _row(p['bp']), _row(p['g_h']), _row(p['b_h']),
      fa['Wk'], _row(fa['bk']), fa['Wv'], _row(fa['bv']))
    kph, vph = kp, vp

    sa = p['sattn']
    out = pl.pallas_call(
        functools.partial(_fattn_kernel, NH=NH, HD=HD, QBLK=QBLK, KBLK=512),
        grid=(B, NQ),
        in_specs=[
            pl.BlockSpec((1, QBLK, D), lambda b, q: (b, q, 0)),
            pl.BlockSpec((1, NH, S, HD), lambda b, q: (b, 0, 0, 0)),
            pl.BlockSpec((1, NH, S, HD), lambda b, q: (b, 0, 0, 0)),
            pl.BlockSpec((D, D), lambda b, q: (0, 0)),
            pl.BlockSpec((1, D), lambda b, q: (0, 0)),
            pl.BlockSpec((D, D), lambda b, q: (0, 0)),
            pl.BlockSpec((1, D), lambda b, q: (0, 0)),
            pl.BlockSpec((1, D), lambda b, q: (0, 0)),
            pl.BlockSpec((1, D), lambda b, q: (0, 0)),
            pl.BlockSpec((1, F, D), lambda b, q: (b, 0, 0)),
            pl.BlockSpec((D, D), lambda b, q: (0, 0)),
            pl.BlockSpec((1, D), lambda b, q: (0, 0)),
            pl.BlockSpec((D, D), lambda b, q: (0, 0)),
            pl.BlockSpec((1, D), lambda b, q: (0, 0)),
            pl.BlockSpec((D, D), lambda b, q: (0, 0)),
            pl.BlockSpec((1, D), lambda b, q: (0, 0)),
            pl.BlockSpec((D, D), lambda b, q: (0, 0)),
            pl.BlockSpec((1, D), lambda b, q: (0, 0)),
            pl.BlockSpec((1, D), lambda b, q: (0, 0)),
            pl.BlockSpec((1, D), lambda b, q: (0, 0)),
        ],
        out_specs=pl.BlockSpec((1, QBLK, D), lambda b, q: (b, q, 0)),
        out_shape=jax.ShapeDtypeStruct((B, S, D), f32),
        compiler_params=pltpu.CompilerParams(
            dimension_semantics=("parallel", "arbitrary"),
            vmem_limit_bytes=100 * 1024 * 1024),
    )(hidden_states, kph, vph, fa['Wq'], _row(fa['bq']),
      fa['Wo'], _row(fa['bo']), _row(p['g_f']), _row(p['b_f']),
      feats, sa['Wq'], _row(sa['bq']), sa['Wk'], _row(sa['bk']),
      sa['Wv'], _row(sa['bv']), sa['Wo'], _row(sa['bo']),
      _row(p['g_o']), _row(p['b_o']))

    return (out, jnp.zeros_like(out), jnp.zeros_like(out))

# --- scband reference (transcript-rebuilt; emitter-appended) ---
"""Pipeline reference for scband-pair-multi-head-attention-86328842649686 (READ-ONLY COPY).

The authoritative reference and input builder live on the scoring server;
editing this copy changes nothing except your own understanding.
"""

import jax, jax.numpy as jnp
import numpy as np

B, S, D = 2, 2048, 768
DP = D // 8
E, TOPK = 6, 2
NH = D // 64
FEAT_LEN = 84
TAG_D = 512


def layer_norm(x, g, b, eps=1e-12):
    m = jnp.mean(x, axis=-1, keepdims=True)
    v = jnp.mean((x - m) ** 2, axis=-1, keepdims=True)
    return (x - m) / jnp.sqrt(v + eps) * g + b


def mha(q, k, v, p, n_heads, mask=None):
    Bq, Lq, Dm = q.shape
    hd = Dm // n_heads
    def proj(x, W, b_):
        y = x @ W + b_
        return y.reshape(x.shape[0], x.shape[1], n_heads, hd).transpose(0, 2, 1, 3)
    qh = proj(q, p['Wq'], p['bq'])
    kh = proj(k, p['Wk'], p['bk'])
    vh = proj(v, p['Wv'], p['bv'])
    scores = jnp.einsum('bhqd,bhkd->bhqk', qh, kh) / np.sqrt(float(hd))
    if mask is not None:
        scores = jnp.where(mask[None, None, :, :], -1e9, scores)
    a = jax.nn.softmax(scores, axis=-1)
    o = jnp.einsum('bhqk,bhkd->bhqd', a, vh).transpose(0, 2, 1, 3).reshape(Bq, Lq, Dm)
    return o @ p['Wo'] + p['bo']


def _attn_params(key, dm):
    ks = jax.random.split(key, 4)
    mk = lambda kk: jax.random.normal(kk, (dm, dm), jnp.float32) * 0.02
    return {'Wq': mk(ks[0]), 'bq': jnp.zeros((dm,), jnp.float32),
            'Wk': mk(ks[1]), 'bk': jnp.zeros((dm,), jnp.float32),
            'Wv': mk(ks[2]), 'bv': jnp.zeros((dm,), jnp.float32),
            'Wo': mk(ks[3]), 'bo': jnp.zeros((dm,), jnp.float32)}


def setup_inputs(seed: int = 0):
    key = jax.random.key(seed)
    ks = jax.random.split(key, 16)
    params = {
        'Wt': jax.random.normal(ks[0], (TAG_D, 19), jnp.float32) * 0.02, 'bt': jnp.zeros((19,), jnp.float32),
        'Wm': jax.random.normal(ks[1], (TAG_D, DP), jnp.float32) * 0.02, 'bm': jnp.zeros((DP,), jnp.float32),
        'Wg': jax.random.normal(ks[2], (DP, E), jnp.float32) * 0.02,
        'We': jax.random.normal(ks[3], (E, DP, DP), jnp.float32) * 0.02, 'be': jnp.zeros((E, DP), jnp.float32),
        'g_pr': jnp.ones((DP,), jnp.float32), 'b_pr': jnp.zeros((DP,), jnp.float32),
        'pattn': _attn_params(ks[4], DP),
        'Wp': jax.random.normal(ks[5], (DP, D), jnp.float32) * 0.02, 'bp': jnp.zeros((D,), jnp.float32),
        'g_h': jnp.ones((D,), jnp.float32), 'b_h': jnp.zeros((D,), jnp.float32),
        'fattn': _attn_params(ks[6], D),
        'g_f': jnp.ones((D,), jnp.float32), 'b_f': jnp.zeros((D,), jnp.float32),
        'sattn': _attn_params(ks[7], D),
        'g_o': jnp.ones((D,), jnp.float32), 'b_o': jnp.zeros((D,), jnp.float32),
    }
    return {
        'hidden_states': jax.random.normal(ks[8], (B, S, D), jnp.float32),
        'tag_hidden_state': jax.random.normal(ks[9], (B, S, TAG_D), jnp.float32),
        'feats': jax.random.normal(ks[10], (B, FEAT_LEN, D), jnp.float32),
        'video_ids': jax.random.randint(ks[11], (B,), 0, 1000),
        'params': params,
    }


def _forward(hidden_states, tag_hidden_state, feats, p):
    Sq = tag_hidden_state.shape[1]
    causal = jnp.triu(jnp.ones((Sq, Sq), dtype=bool), 1)
    # tag head (side output, stored as self.tag_pred in torch)
    tag_pred = tag_hidden_state @ p['Wt'] + p['bt']
    # MOE: Linear(512 -> dim//8) then top-k expert routing
    x = tag_hidden_state @ p['Wm'] + p['bm']
    logits = x @ p['Wg']
    top_vals, top_idx = jax.lax.top_k(logits, TOPK)
    gates = jax.nn.softmax(top_vals, axis=-1)
    all_out = jax.nn.relu(jnp.einsum('bsd,edf->bsef', x, p['We']) + p['be'])
    sel = jnp.take_along_axis(all_out, top_idx[..., None], axis=2)
    priori = jnp.sum(sel * gates[..., None], axis=2) + x
    # priori self-attention (pre-LN, causal mask, residual)
    normed = layer_norm(priori, p['g_pr'], p['b_pr'])
    priori = mha(normed, normed, normed, p['pattn'], NH, mask=causal) + priori
    # prior encoder: dim//8 -> dim
    priori = priori @ p['Wp'] + p['bp']
    normed_priori = layer_norm(priori, p['g_h'], p['b_h'])
    # fusion cross attention (hidden queries, priori keys/values, causal mask, residual)
    hidden = mha(hidden_states, normed_priori, normed_priori, p['fattn'], NH, mask=causal) + hidden_states
    normed_hidden = layer_norm(hidden, p['g_f'], p['b_f'])
    # feat attention: SDPA cross to feats + dense + residual + post-LN
    ctx = mha(normed_hidden, feats, feats, p['sattn'], NH, mask=None)
    out = layer_norm(ctx + normed_hidden, p['g_o'], p['b_o'])
    return out


def reference(hidden_states, tag_hidden_state, feats, video_ids, params):
    out = _forward(hidden_states, tag_hidden_state, feats, params)
    return (out, jnp.zeros_like(out), jnp.zeros_like(out))

if __name__ == "__main__":
    import jax
    _d = setup_inputs()
    print(jax.jit(kernel)(*tuple(_d.values())))

</pallas_src>

<mosaic_0001>
#map = affine_map<(d0, d1) -> (0, 0, 0)>
module attributes {stable_mosaic.version = 14 : i64} {
  func.func @k(%arg0: i32, %arg1: i32, %arg2: memref<32x8x128xf32, #tpu.memory_space<hbm>>, %arg3: memref<32x8x128xf32, #tpu.memory_space<hbm>>, %arg4: memref<8x128xf32, #tpu.memory_space<vmem>>, %arg5: memref<8x128xf32, #tpu.memory_space<vmem>>) attributes {dimension_semantics = [#tpu.dimension_semantics<core_parallel>, #tpu.dimension_semantics<subcore_parallel>], iteration_bounds = array<i64: 2, 16>, scalar_prefetch = 0 : i64, scratch_operands = 2 : i64, tpu.core_type = #tpu.core_type<sc_vector_subcore>, window_params = [{transform_indices = #map}, {transform_indices = #map}]} {
    %mul3A = arith.constant 2 : i32
    %mul3A_0 = arith.muli %arg1, %mul3A : i32
    %add3A = arith.addi %mul3A_0, %arg0 : i32
    "tpu.region"() ({
      %run_scoped3A = tpu.sem_alloc : memref<!tpu.dma_semaphore, #tpu.memory_space<semaphore_mem>>
      %dma_start3A = arith.constant 0 : i32
      %dma_start3A_1588 = arith.constant 0 : i32
      %dma_start3A_1589 = tpu.memref_slice %arg2[%add3A, %dma_start3A, %dma_start3A_1588] : memref<32x8x128xf32, #tpu.memory_space<hbm>> -> memref<1x8x128xf32, #tpu.memory_space<hbm>>
      %dma_start3A_1590 = tpu.memref_squeeze %dma_start3A_1589 : memref<1x8x128xf32, #tpu.memory_space<hbm>> -> memref<8x128xf32, #tpu.memory_space<hbm>>
      %dma_start3A_1591 = arith.constant 0 : i32
      %dma_start3A_1592 = arith.constant 0 : i32
      %dma_start3A_1593 = tpu.memref_slice %arg2[%add3A, %dma_start3A_1591, %dma_start3A_1592] : memref<32x8x128xf32, #tpu.memory_space<hbm>> -> memref<1x8x128xf32, #tpu.memory_space<hbm>>
      %dma_start3A_1594 = tpu.memref_squeeze %dma_start3A_1593 : memref<1x8x128xf32, #tpu.memory_space<hbm>> -> memref<8x128xf32, #tpu.memory_space<hbm>>
      tpu.enqueue_dma source(%dma_start3A_1594 : memref<8x128xf32, #tpu.memory_space<hbm>>) target(%arg4 : memref<8x128xf32, #tpu.memory_space<vmem>>) target_semaphore(%run_scoped3A : memref<!tpu.dma_semaphore, #tpu.memory_space<semaphore_mem>>)
      %dma_wait3A = arith.constant 0 : i32
      %dma_wait3A_1595 = arith.constant 0 : i32
      %dma_wait3A_1596 = tpu.memref_slice %arg2[%add3A, %dma_wait3A, %dma_wait3A_1595] : memref<32x8x128xf32, #tpu.memory_space<hbm>> -> memref<1x8x128xf32, #tpu.memory_space<hbm>>
      %dma_wait3A_1597 = tpu.memref_squeeze %dma_wait3A_1596 : memref<1x8x128xf32, #tpu.memory_space<hbm>> -> memref<8x128xf32, #tpu.memory_space<hbm>>
      %dma_wait3A_1598 = arith.constant 0 : i32
      %dma_wait3A_1599 = arith.constant 0 : i32
      %dma_wait3A_1600 = tpu.memref_slice %arg2[%add3A, %dma_wait3A_1598, %dma_wait3A_1599] : memref<32x8x128xf32, #tpu.memory_space<hbm>> -> memref<1x8x128xf32, #tpu.memory_space<hbm>>
      %dma_wait3A_1601 = tpu.memref_squeeze %dma_wait3A_1600 : memref<1x8x128xf32, #tpu.memory_space<hbm>> -> memref<8x128xf32, #tpu.memory_space<hbm>>
      tpu.wait_dma2 semaphore(%run_scoped3A : memref<!tpu.dma_semaphore, #tpu.memory_space<semaphore_mem>>) src(%dma_wait3A_1601 : memref<8x128xf32, #tpu.memory_space<hbm>>) dst(%arg4 : memref<8x128xf32, #tpu.memory_space<vmem>>)
      tpu.yield
    }) : () -> ()
    %broadcast_in_dim3A = arith.constant 1.000000e+00 : f32
    %broadcast_in_dim3A_1 = vector.broadcast %broadcast_in_dim3A : f32 to vector<16xf32>
    %broadcast_in_dim3A_2 = arith.constant 0.000000e+00 : f32
    %broadcast_in_dim3A_3 = vector.broadcast %broadcast_in_dim3A_2 : f32 to vector<16xf32>
    %get3A = arith.constant 0 : i32
    %get3A_4 = arith.index_cast %get3A : i32 to index
    %get3A_5 = arith.constant 0 : index
    %get3A_6 = tpu.vector_load %arg4[%get3A_4, %get3A_5] {strides = array<i32>} : memref<8x128xf32, #tpu.memory_space<vmem>>, vector<1x16xf32>,
    %get3A_7 = vector.shape_cast %get3A_6 : vector<1x16xf32> to vector<16xf32>
    %get3A_8 = arith.constant 1 : i32
    %get3A_9 = arith.index_cast %get3A_8 : i32 to index
    %get3A_10 = arith.constant 0 : index
    %get3A_11 = tpu.vector_load %arg4[%get3A_9, %get3A_10] {strides = array<i32>} : memref<8x128xf32, #tpu.memory_space<vmem>>, vector<1x16xf32>,
    %get3A_12 = vector.shape_cast %get3A_11 : vector<1x16xf32> to vector<16xf32>
    %get3A_13 = arith.constant 2 : i32
    %get3A_14 = arith.index_cast %get3A_13 : i32 to index
    %get3A_15 = arith.constant 0 : index
    %get3A_16 = tpu.vector_load %arg4[%get3A_14, %get3A_15] {strides = array<i32>} : memref<8x128xf32, #tpu.memory_space<vmem>>, vector<1x16xf32>,
    %get3A_17 = vector.shape_cast %get3A_16 : vector<1x16xf32> to vector<16xf32>
    %get3A_18 = arith.constant 3 : i32
    %get3A_19 = arith.index_cast %get3A_18 : i32 to index
    %get3A_20 = arith.constant 0 : index
    %get3A_21 = tpu.vector_load %arg4[%get3A_19, %get3A_20] {strides = array<i32>} : memref<8x128xf32, #tpu.memory_space<vmem>>, vector<1x16xf32>,
    %get3A_22 = vector.shape_cast %get3A_21 : vector<1x16xf32> to vector<16xf32>
    %get3A_23 = arith.constant 4 : i32
    %get3A_24 = arith.index_cast %get3A_23 : i32 to index
    %get3A_25 = arith.constant 0 : index
    %get3A_26 = tpu.vector_load %arg4[%get3A_24, %get3A_25] {strides = array<i32>} : memref<8x128xf32, #tpu.memory_space<vmem>>, vector<1x16xf32>,
    %get3A_27 = vector.shape_cast %get3A_26 : vector<1x16xf32> to vector<16xf32>
    %get3A_28 = arith.constant 5 : i32
    %get3A_29 = arith.index_cast %get3A_28 : i32 to index
    %get3A_30 = arith.constant 0 : index
    %get3A_31 = tpu.vector_load %arg4[%get3A_29, %get3A_30] {strides = array<i32>} : memref<8x128xf32, #tpu.memory_space<vmem>>, vector<1x16xf32>,
    %get3A_32 = vector.shape_cast %get3A_31 : vector<1x16xf32> to vector<16xf32>
    %max3A = arith.maximumf %get3A_7, %get3A_12 : vector<16xf32>
    %max3A_33 = arith.maximumf %max3A, %get3A_17 : vector<16xf32>
    %max3A_34 = arith.maximumf %max3A_33, %get3A_22 : vector<16xf32>
    %max3A_35 = arith.maximumf %max3A_34, %get3A_27 : vector<16xf32>
    %max3A_36 = arith.maximumf %max3A_35, %get3A_32 : vector<16xf32>
    %eq3A = arith.cmpf oeq, %get3A_7, %max3A_36 : vector<16xf32>
    %select_n3A = arith.select %eq3A, %broadcast_in_dim3A_1, %broadcast_in_dim3A_3 : vector<16xi1>, vector<16xf32>
    %sub3A = arith.subf %broadcast_in_dim3A_1, %broadcast_in_dim3A_3 : vector<16xf32>
    %mul3A_37 = arith.mulf %select_n3A, %sub3A : vector<16xf32>
    %max3A_38 = arith.maximumf %broadcast_in_dim3A_3, %select_n3A : vector<16xf32>
    %eq3A_39 = arith.cmpf oeq, %get3A_12, %max3A_36 : vector<16xf32>
    %select_n3A_40 = arith.select %eq3A_39, %broadcast_in_dim3A_1, %broadcast_in_dim3A_3 : vector<16xi1>, vector<16xf32>
    %sub3A_41 = arith.subf %broadcast_in_dim3A_1, %max3A_38 : vector<16xf32>
    %mul3A_42 = arith.mulf %select_n3A_40, %sub3A_41 : vector<16xf32>
    %max3A_43 = arith.maximumf %max3A_38, %select_n3A_40 : vector<16xf32>
    %eq3A_44 = arith.cmpf oeq, %get3A_17, %max3A_36 : vector<16xf32>
    %select_n3A_45 = arith.select %eq3A_44, %broadcast_in_dim3A_1, %broadcast_in_dim3A_3 : vector<16xi1>, vector<16xf32>
    %sub3A_46 = arith.subf %broadcast_in_dim3A_1, %max3A_43 : vector<16xf32>
    %mul3A_47 = arith.mulf %select_n3A_45, %sub3A_46 : vector<16xf32>
    %max3A_48 = arith.maximumf %max3A_43, %select_n3A_45 : vector<16xf32>
    %eq3A_49 = arith.cmpf oeq, %get3A_22, %max3A_36 : vector<16xf32>
    %select_n3A_50 = arith.select %eq3A_49, %broadcast_in_dim3A_1, %broadcast_in_dim3A_3 : vector<16xi1>, vector<16xf32>
    %sub3A_51 = arith.subf %broadcast_in_dim3A_1, %max3A_48 : vector<16xf32>
    %mul3A_52 = arith.mulf %select_n3A_50, %sub3A_51 : vector<16xf32>
    %max3A_53 = arith.maximumf %max3A_48, %select_n3A_50 : vector<16xf32>
    %eq3A_54 = arith.cmpf oeq, %get3A_27, %max3A_36 : vector<16xf32>
    %select_n3A_55 = arith.select %eq3A_54, %broadcast_in_dim3A_1, %broadcast_in_dim3A_3 : vector<16xi1>, vector<16xf32>
    %sub3A_56 = arith.subf %broadcast_in_dim3A_1, %max3A_53 : vector<16xf32>
    %mul3A_57 = arith.mulf %select_n3A_55, %sub3A_56 : vector<16xf32>
    %max3A_58 = arith.maximumf %max3A_53, %select_n3A_55 : vector<16xf32>
    %eq3A_59 = arith.cmpf oeq, %get3A_32, %max3A_36 : vector<16xf32>
    %select_n3A_60 = arith.select %eq3A_59, %broadcast_in_dim3A_1, %broadcast_in_dim3A_3 : vector<16xi1>, vector<16xf32>
    %sub3A_61 = arith.subf %broadcast_in_dim3A_1, %max3A_58 : vector<16xf32>
    %mul3A_62 = arith.mulf %select_n3A_60, %sub3A_61 : vector<16xf32>
    %max3A_63 = arith.maximumf %max3A_58, %select_n3A_60 : vector<16xf32>
    %mul3A_64 = arith.constant 1.000000e+30 : f32
    %mul3A_65 = vector.broadcast %mul3A_64 : f32 to vector<16xf32>
    %mul3A_66 = arith.mulf %mul3A_37, %mul3A_65 : vector<16xf32>
    %sub3A_67 = arith.subf %get3A_7, %mul3A_66 : vector<16xf32>
    %mul3A_68 = arith.constant 1.000000e+30 : f32
    %mul3A_69 = vector.broadcast %mul3A_68 : f32 to vector<16xf32>
    %mul3A_70 = arith.mulf %mul3A_42, %mul3A_69 : vector<16xf32>
    %sub3A_71 = arith.subf %get3A_12, %mul3A_70 : vector<16xf32>
    %mul3A_72 = arith.constant 1.000000e+30 : f32
    %mul3A_73 = vector.broadcast %mul3A_72 : f32 to vector<16xf32>
    %mul3A_74 = arith.mulf %mul3A_47, %mul3A_73 : vector<16xf32>
    %sub3A_75 = arith.subf %get3A_17, %mul3A_74 : vector<16xf32>
    %mul3A_76 = arith.constant 1.000000e+30 : f32
    %mul3A_77 = vector.broadcast %mul3A_76 : f32 to vector<16xf32>
    %mul3A_78 = arith.mulf %mul3A_52, %mul3A_77 : vector<16xf32>
    %sub3A_79 = arith.subf %get3A_22, %mul3A_78 : vector<16xf32>
    %mul3A_80 = arith.constant 1.000000e+30 : f32
    %mul3A_81 = vector.broadcast %mul3A_80 : f32 to vector<16xf32>
    %mul3A_82 = arith.mulf %mul3A_57, %mul3A_81 : vector<16xf32>
    %sub3A_83 = arith.subf %get3A_27, %mul3A_82 : vector<16xf32>
    %mul3A_84 = arith.constant 1.000000e+30 : f32
    %mul3A_85 = vector.broadcast %mul3A_84 : f32 to vector<16xf32>
    %mul3A_86 = arith.mulf %mul3A_62, %mul3A_85 : vector<16xf32>
    %sub3A_87 = arith.subf %get3A_32, %mul3A_86 : vector<16xf32>
    %max3A_88 = arith.maximumf %sub3A_67, %sub3A_71 : vector<16xf32>
    %max3A_89 = arith.maximumf %max3A_88, %sub3A_75 : vector<16xf32>
    %max3A_90 = arith.maximumf %max3A_89, %sub3A_79 : vector<16xf32>
    %max3A_91 = arith.maximumf %max3A_90, %sub3A_83 : vector<16xf32>
    %max3A_92 = arith.maximumf %max3A_91, %sub3A_87 : vector<16xf32>
    %eq3A_93 = arith.cmpf oeq, %sub3A_67, %max3A_92 : vector<16xf32>
    %select_n3A_94 = arith.select %eq3A_93, %broadcast_in_dim3A_1, %broadcast_in_dim3A_3 : vector<16xi1>, vector<16xf32>
    %sub3A_95 = arith.subf %broadcast_in_dim3A_1, %broadcast_in_dim3A_3 : vector<16xf32>
    %mul3A_96 = arith.mulf %select_n3A_94, %sub3A_95 : vector<16xf32>
    %max3A_97 = arith.maximumf %broadcast_in_dim3A_3, %select_n3A_94 : vector<16xf32>
    %eq3A_98 = arith.cmpf oeq, %sub3A_71, %max3A_92 : vector<16xf32>
    %select_n3A_99 = arith.select %eq3A_98, %broadcast_in_dim3A_1, %broadcast_in_dim3A_3 : vector<16xi1>, vector<16xf32>
    %sub3A_100 = arith.subf %broadcast_in_dim3A_1, %max3A_97 : vector<16xf32>
    %mul3A_101 = arith.mulf %select_n3A_99, %sub3A_100 : vector<16xf32>
    %max3A_102 = arith.maximumf %max3A_97, %select_n3A_99 : vector<16xf32>
    %eq3A_103 = arith.cmpf oeq, %sub3A_75, %max3A_92 : vector<16xf32>
    %select_n3A_104 = arith.select %eq3A_103, %broadcast_in_dim3A_1, %broadcast_in_dim3A_3 : vector<16xi1>, vector<16xf32>
    %sub3A_105 = arith.subf %broadcast_in_dim3A_1, %max3A_102 : vector<16xf32>
    %mul3A_106 = arith.mulf %select_n3A_104, %sub3A_105 : vector<16xf32>
    %max3A_107 = arith.maximumf %max3A_102, %select_n3A_104 : vector<16xf32>
    %eq3A_108 = arith.cmpf oeq, %sub3A_79, %max3A_92 : vector<16xf32>
    %select_n3A_109 = arith.select %eq3A_108, %broadcast_in_dim3A_1, %broadcast_in_dim3A_3 : vector<16xi1>, vector<16xf32>
    %sub3A_110 = arith.subf %broadcast_in_dim3A_1, %max3A_107 : vector<16xf32>
    %mul3A_111 = arith.mulf %select_n3A_109, %sub3A_110 : vector<16xf32>
    %max3A_112 = arith.maximumf %max3A_107, %select_n3A_109 : vector<16xf32>
    %eq3A_113 = arith.cmpf oeq, %sub3A_83, %max3A_92 : vector<16xf32>
    %select_n3A_114 = arith.select %eq3A_113, %broadcast_in_dim3A_1, %broadcast_in_dim3A_3 : vector<16xi1>, vector<16xf32>
    %sub3A_115 = arith.subf %broadcast_in_dim3A_1, %max3A_112 : vector<16xf32>
    %mul3A_116 = arith.mulf %select_n3A_114, %sub3A_115 : vector<16xf32>
    %max3A_117 = arith.maximumf %max3A_112, %select_n3A_114 : vector<16xf32>
    %eq3A_118 = arith.cmpf oeq, %sub3A_87, %max3A_92 : vector<16xf32>
    %select_n3A_119 = arith.select %eq3A_118, %broadcast_in_dim3A_1, %broadcast_in_dim3A_3 : vector<16xi1>, vector<16xf32>
    %sub3A_120 = arith.subf %broadcast_in_dim3A_1, %max3A_117 : vector<16xf32>
    %mul3A_121 = arith.mulf %select_n3A_119, %sub3A_120 : vector<16xf32>
    %max3A_122 = arith.maximumf %max3A_117, %select_n3A_119 : vector<16xf32>
    %sub3A_123 = arith.subf %max3A_92, %max3A_36 : vector<16xf32>
    %exp3A = math.exp %sub3A_123 : vector<16xf32>
    %add3A_124 = arith.constant 1.000000e+00 : f32
    %add3A_125 = vector.broadcast %add3A_124 : f32 to vector<16xf32>
    %add3A_126 = arith.addf %add3A_125, %exp3A : vector<16xf32>
    %div3A = arith.constant 1.000000e+00 : f32
    %div3A_127 = vector.broadcast %div3A : f32 to vector<16xf32>
    %div3A_128 = arith.divf %div3A_127, %add3A_126 : vector<16xf32>
    %mul3A_129 = arith.mulf %exp3A, %div3A_128 : vector<16xf32>
    %mul3A_130 = arith.mulf %mul3A_37, %div3A_128 : vector<16xf32>
    %mul3A_131 = arith.mulf %mul3A_96, %mul3A_129 : vector<16xf32>
    %add3A_132 = arith.addf %mul3A_130, %mul3A_131 : vector<16xf32>
    %swap3A = arith.constant 0 : i32
    %swap3A_133 = arith.index_cast %swap3A : i32 to index
    %swap3A_134 = arith.constant 0 : index
    %swap3A_135 = tpu.vector_load %arg5[%swap3A_133, %swap3A_134] {strides = array<i32>} : memref<8x128xf32, #tpu.memory_space<vmem>>, vector<1x16xf32>,
    %swap3A_136 = vector.shape_cast %swap3A_135 : vector<1x16xf32> to vector<16xf32>
    %swap3A_137 = vector.shape_cast %add3A_132 : vector<16xf32> to vector<1x16xf32>
    tpu.vector_store %arg5[%swap3A_133, %swap3A_134], %swap3A_137 {strides = array<i32>} : memref<8x128xf32, #tpu.memory_space<vmem>>, vector<1x16xf32>,
    %mul3A_138 = arith.mulf %mul3A_42, %div3A_128 : vector<16xf32>
    %mul3A_139 = arith.mulf %mul3A_101, %mul3A_129 : vector<16xf32>
    %add3A_140 = arith.addf %mul3A_138, %mul3A_139 : vector<16xf32>
    %swap3A_141 = arith.constant 1 : i32
    %swap3A_142 = arith.index_cast %swap3A_141 : i32 to index
    %swap3A_143 = arith.constant 0 : index
    %swap3A_144 = tpu.vector_load %arg5[%swap3A_142, %swap3A_143] {strides = array<i32>} : memref<8x128xf32, #tpu.memory_space<vmem>>, vector<1x16xf32>,
    %swap3A_145 = vector.shape_cast %swap3A_144 : vector<1x16xf32> to vector<16xf32>
    %swap3A_146 = vector.shape_cast %add3A_140 : vector<16xf32> to vector<1x16xf32>
    tpu.vector_store %arg5[%swap3A_142, %swap3A_143], %swap3A_146 {strides = array<i32>} : memref<8x128xf32, #tpu.memory_space<vmem>>, vector<1x16xf32>,
    %mul3A_147 = arith.mulf %mul3A_47, %div3A_128 : vector<16xf32>
    %mul3A_148 = arith.mulf %mul3A_106, %mul3A_129 : vector<16xf32>
    %add3A_149 = arith.addf %mul3A_147, %mul3A_148 : vector<16xf32>
    %swap3A_150 = arith.constant 2 : i32
    %swap3A_151 = arith.index_cast %swap3A_150 : i32 to index
    %swap3A_152 = arith.constant 0 : index
    %swap3A_153 = tpu.vector_load %arg5[%swap3A_151, %swap3A_152] {strides = array<i32>} : memref<8x128xf32, #tpu.memory_space<vmem>>, vector<1x16xf32>,
    %swap3A_154 = vector.shape_cast %swap3A_153 : vector<1x16xf32> to vector<16xf32>
    %swap3A_155 = vector.shape_cast %add3A_149 : vector<16xf32> to vector<1x16xf32>
    tpu.vector_store %arg5[%swap3A_151, %swap3A_152], %swap3A_155 {strides = array<i32>} : memref<8x128xf32, #tpu.memory_space<vmem>>, vector<1x16xf32>,
    %mul3A_156 = arith.mulf %mul3A_52, %div3A_128 : vector<16xf32>
    %mul3A_157 = arith.mulf %mul3A_111, %mul3A_129 : vector<16xf32>
    %add3A_158 = arith.addf %mul3A_156, %mul3A_157 : vector<16xf32>
    %swap3A_159 = arith.constant 3 : i32
    %swap3A_160 = arith.index_cast %swap3A_159 : i32 to index
    %swap3A_161 = arith.constant 0 : index
    %swap3A_162 = tpu.vector_load %arg5[%swap3A_160, %swap3A_161] {strides = array<i32>} : memref<8x128xf32, #tpu.memory_space<vmem>>, vector<1x16xf32>,
    %swap3A_163 = vector.shape_cast %swap3A_162 : vector<1x16xf32> to vector<16xf32>
    %swap3A_164 = vector.shape_cast %add3A_158 : vector<16xf32> to vector<1x16xf32>
    tpu.vector_store %arg5[%swap3A_160, %swap3A_161], %swap3A_164 {strides = array<i32>} : memref<8x128xf32, #tpu.memory_space<vmem>>, vector<1x16xf32>,
    %mul3A_165 = arith.mulf %mul3A_57, %div3A_128 : vector<16xf32>
    %mul3A_166 = arith.mulf %mul3A_116, %mul3A_129 : vector<16xf32>
    %add3A_167 = arith.addf %mul3A_165, %mul3A_166 : vector<16xf32>
    %swap3A_168 = arith.constant 4 : i32
    %swap3A_169 = arith.index_cast %swap3A_168 : i32 to index
    %swap3A_170 = arith.constant 0 : index
    %swap3A_171 = tpu.vector_load %arg5[%swap3A_169, %swap3A_170] {strides = array<i32>} : memref<8x128xf32, #tpu.memory_space<vmem>>, vector<1x16xf32>,
    %swap3A_172 = vector.shape_cast %swap3A_171 : vector<1x16xf32> to vector<16xf32>
    %swap3A_173 = vector.shape_cast %add3A_167 : vector<16xf32> to vector<1x16xf32>
    tpu.vector_store %arg5[%swap3A_169, %swap3A_170], %swap3A_173 {strides = array<i32>} : memref<8x128xf32, #tpu.memory_space<vmem>>, vector<1x16xf32>,
    %mul3A_174 = arith.mulf %mul3A_62, %div3A_128 : vector<16xf32>
    %mul3A_175 = arith.mulf %mul3A_121, %mul3A_129 : vector<16xf32>
    %add3A_176 = arith.addf %mul3A_174, %mul3A_175 : vector<16xf32>
    %swap3A_177 = arith.constant 5 : i32
    %swap3A_178 = arith.index_cast %swap3A_177 : i32 to index
    %swap3A_179 = arith.constant 0 : index
    %swap3A_180 = tpu.vector_load %arg5[%swap3A_178, %swap3A_179] {strides = array<i32>} : memref<8x128xf32, #tpu.memory_space<vmem>>, vector<1x16xf32>,
    %swap3A_181 = vector.shape_cast %swap3A_180 : vector<1x16xf32> to vector<16xf32>
    %swap3A_182 = vector.shape_cast %add3A_176 : vector<16xf32> to vector<1x16xf32>
    tpu.vector_store %arg5[%swap3A_178, %swap3A_179], %swap3A_182 {strides = array<i32>} : memref<8x128xf32, #tpu.memory_space<vmem>>, vector<1x16xf32>,
    %swap3A_183 = arith.constant 6 : i32
    %swap3A_184 = arith.index_cast %swap3A_183 : i32 to index
    %swap3A_185 = arith.constant 0 : index
    %swap3A_186 = tpu.vector_load %arg5[%swap3A_184, %swap3A_185] {strides = array<i32>} : memref<8x128xf32, #tpu.memory_space<vmem>>, vector<1x16xf32>,
    %swap3A_187 = vector.shape_cast %swap3A_186 : vector<1x16xf32> to vector<16xf32>
    %swap3A_188 = vector.shape_cast %broadcast_in_dim3A_3 : vector<16xf32> to vector<1x16xf32>
    tpu.vector_store %arg5[%swap3A_184, %swap3A_185], %swap3A_188 {strides = array<i32>} : memref<8x128xf32, #tpu.memory_space<vmem>>, vector<1x16xf32>,
    %swap3A_189 = arith.constant 7 : i32
    %swap3A_190 = arith.index_cast %swap3A_189 : i32 to index
    %swap3A_191 = arith.constant 0 : index
    %swap3A_192 = tpu.vector_load %arg5[%swap3A_190, %swap3A_191] {strides = array<i32>} : memref<8x128xf32, #tpu.memory_space<vmem>>, vector<1x16xf32>,
    %swap3A_193 = vector.shape_cast %swap3A_192 : vector<1x16xf32> to vector<16xf32>
    %swap3A_194 = vector.shape_cast %broadcast_in_dim3A_3 : vector<16xf32> to vector<1x16xf32>
    tpu.vector_store %arg5[%swap3A_190, %swap3A_191], %swap3A_194 {strides = array<i32>} : memref<8x128xf32, #tpu.memory_space<vmem>>, vector<1x16xf32>,
    %get3A_195 = arith.constant 0 : i32
    %get3A_196 = arith.index_cast %get3A_195 : i32 to index
    %get3A_197 = arith.constant 16 : index
    %get3A_198 = tpu.vector_load %arg4[%get3A_196, %get3A_197] {strides = array<i32>} : memref<8x128xf32, #tpu.memory_space<vmem>>, vector<1x16xf32>,
    %get3A_199 = vector.shape_cast %get3A_198 : vector<1x16xf32> to vector<16xf32>
    %get3A_200 = arith.constant 1 : i32
    %get3A_201 = arith.index_cast %get3A_200 : i32 to index
    %get3A_202 = arith.constant 16 : index
    %get3A_203 = tpu.vector_load %arg4[%get3A_201, %get3A_202] {strides = array<i32>} : memref<8x128xf32, #tpu.memory_space<vmem>>, vector<1x16xf32>,
    %get3A_204 = vector.shape_cast %get3A_203 : vector<1x16xf32> to vector<16xf32>
    %get3A_205 = arith.constant 2 : i32
    %get3A_206 = arith.index_cast %get3A_205 : i32 to index
    %get3A_207 = arith.constant 16 : index
    %get3A_208 = tpu.vector_load %arg4[%get3A_206, %get3A_207] {strides = array<i32>} : memref<8x128xf32, #tpu.memory_space<vmem>>, vector<1x16xf32>,
    %get3A_209 = vector.shape_cast %get3A_208 : vector<1x16xf32> to vector<16xf32>
    %get3A_210 = arith.constant 3 : i32
    %get3A_211 = arith.index_cast %get3A_210 : i32 to index
    %get3A_212 = arith.constant 16 : index
    %get3A_213 = tpu.vector_load %arg4[%get3A_211, %get3A_212] {strides = array<i32>} : memref<8x128xf32, #tpu.memory_space<vmem>>, vector<1x16xf32>,
    %get3A_214 = vector.shape_cast %get3A_213 : vector<1x16xf32> to vector<16xf32>
    %get3A_215 = arith.constant 4 : i32
    %get3A_216 = arith.index_cast %get3A_215 : i32 to index
    %get3A_217 = arith.constant 16 : index
    %get3A_218 = tpu.vector_load %arg4[%get3A_216, %get3A_217] {strides = array<i32>} : memref<8x128xf32, #tpu.memory_space<vmem>>, vector<1x16xf32>,
    %get3A_219 = vector.shape_cast %get3A_218 : vector<1x16xf32> to vector<16xf32>
    %get3A_220 = arith.constant 5 : i32
    %get3A_221 = arith.index_cast %get3A_220 : i32 to index
    %get3A_222 = arith.constant 16 : index
    %get3A_223 = tpu.vector_load %arg4[%get3A_221, %get3A_222] {strides = array<i32>} : memref<8x128xf32, #tpu.memory_space<vmem>>, vector<1x16xf32>,
    %get3A_224 = vector.shape_cast %get3A_223 : vector<1x16xf32> to vector<16xf32>
    %max3A_225 = arith.maximumf %get3A_199, %get3A_204 : vector<16xf32>
    %max3A_226 = arith.maximumf %max3A_225, %get3A_209 : vector<16xf32>
    %max3A_227 = arith.maximumf %max3A_226, %get3A_214 : vector<16xf32>
    %max3A_228 = arith.maximumf %max3A_227, %get3A_219 : vector<16xf32>
    %max3A_229 = arith.maximumf %max3A_228, %get3A_224 : vector<16xf32>
    %eq3A_230 = arith.cmpf oeq, %get3A_199, %max3A_229 : vector<16xf32>
    %select_n3A_231 = arith.select %eq3A_230, %broadcast_in_dim3A_1, %broadcast_in_dim3A_3 : vector<16xi1>, vector<16xf32>
    %sub3A_232 = arith.subf %broadcast_in_dim3A_1, %broadcast_in_dim3A_3 : vector<16xf32>
    %mul3A_233 = arith.mulf %select_n3A_231, %sub3A_232 : vector<16xf32>
    %max3A_234 = arith.maximumf %broadcast_in_dim3A_3, %select_n3A_231 : vector<16xf32>
    %eq3A_235 = arith.cmpf oeq, %get3A_204, %max3A_229 : vector<16xf32>
    %select_n3A_236 = arith.select %eq3A_235, %broadcast_in_dim3A_1, %broadcast_in_dim3A_3 : vector<16xi1>, vector<16xf32>
    %sub3A_237 = arith.subf %broadcast_in_dim3A_1, %max3A_234 : vector<16xf32>
    %mul3A_238 = arith.mulf %select_n3A_236, %sub3A_237 : vector<16xf32>
    %max3A_239 = arith.maximumf %max3A_234, %select_n3A_236 : vector<16xf32>
    %eq3A_240 = arith.cmpf oeq, %get3A_209, %max3A_229 : vector<16xf32>
    %select_n3A_241 = arith.select %eq3A_240, %broadcast_in_dim3A_1, %broadcast_in_dim3A_3 : vector<16xi1>, vector<16xf32>
    %sub3A_242 = arith.subf %broadcast_in_dim3A_1, %max3A_239 : vector<16xf32>
    %mul3A_243 = arith.mulf %select_n3A_241, %sub3A_242 : vector<16xf32>
    %max3A_244 = arith.maximumf %max3A_239, %select_n3A_241 : vector<16xf32>
    %eq3A_245 = arith.cmpf oeq, %get3A_214, %max3A_229 : vector<16xf32>
    %select_n3A_246 = arith.select %eq3A_245, %broadcast_in_dim3A_1, %broadcast_in_dim3A_3 : vector<16xi1>, vector<16xf32>
    %sub3A_247 = arith.subf %broadcast_in_dim3A_1, %max3A_244 : vector<16xf32>
    %mul3A_248 = arith.mulf %select_n3A_246, %sub3A_247 : vector<16xf32>
    %max3A_249 = arith.maximumf %max3A_244, %select_n3A_246 : vector<16xf32>
    %eq3A_250 = arith.cmpf oeq, %get3A_219, %max3A_229 : vector<16xf32>
    %select_n3A_251 = arith.select %eq3A_250, %broadcast_in_dim3A_1, %broadcast_in_dim3A_3 : vector<16xi1>, vector<16xf32>
    %sub3A_252 = arith.subf %broadcast_in_dim3A_1, %max3A_249 : vector<16xf32>
    %mul3A_253 = arith.mulf %select_n3A_251, %sub3A_252 : vector<16xf32>
    %max3A_254 = arith.maximumf %max3A_249, %select_n3A_251 : vector<16xf32>
    %eq3A_255 = arith.cmpf oeq, %get3A_224, %max3A_229 : vector<16xf32>
    %select_n3A_256 = arith.select %eq3A_255, %broadcast_in_dim3A_1, %broadcast_in_dim3A_3 : vector<16xi1>, vector<16xf32>
    %sub3A_257 = arith.subf %broadcast_in_dim3A_1, %max3A_254 : vector<16xf32>
    %mul3A_258 = arith.mulf %select_n3A_256, %sub3A_257 : vector<16xf32>
    %max3A_259 = arith.maximumf %max3A_254, %select_n3A_256 : vector<16xf32>
    %mul3A_260 = arith.constant 1.000000e+30 : f32
    %mul3A_261 = vector.broadcast %mul3A_260 : f32 to vector<16xf32>
    %mul3A_262 = arith.mulf %mul3A_233, %mul3A_261 : vector<16xf32>
    %sub3A_263 = arith.subf %get3A_199, %mul3A_262 : vector<16xf32>
    %mul3A_264 = arith.constant 1.000000e+30 : f32
    %mul3A_265 = vector.broadcast %mul3A_264 : f32 to vector<16xf32>
    %mul3A_266 = arith.mulf %mul3A_238, %mul3A_265 : vector<16xf32>
    %sub3A_267 = arith.subf %get3A_204, %mul3A_266 : vector<16xf32>
    %mul3A_268 = arith.constant 1.000000e+30 : f32
    %mul3A_269 = vector.broadcast %mul3A_268 : f32 to vector<16xf32>
    %mul3A_270 = arith.mulf %mul3A_243, %mul3A_269 : vector<16xf32>
    %sub3A_271 = arith.subf %get3A_209, %mul3A_270 : vector<16xf32>
    %mul3A_272 = arith.constant 1.000000e+30 : f32
    %mul3A_273 = vector.broadcast %mul3A_272 : f32 to vector<16xf32>
    %mul3A_274 = arith.mulf %mul3A_248, %mul3A_273 : vector<16xf32>
    %sub3A_275 = arith.subf %get3A_214, %mul3A_274 : vector<16xf32>
    %mul3A_276 = arith.constant 1.000000e+30 : f32
    %mul3A_277 = vector.broadcast %mul3A_276 : f32 to vector<16xf32>
    %mul3A_278 = arith.mulf %mul3A_253, %mul3A_277 : vector<16xf32>
    %sub3A_279 = arith.subf %get3A_219, %mul3A_278 : vector<16xf32>
    %mul3A_280 = arith.constant 1.000000e+30 : f32
    %mul3A_281 = vector.broadcast %mul3A_280 : f32 to vector<16xf32>
    %mul3A_282 = arith.mulf %mul3A_258, %mul3A_281 : vector<16xf32>
    %sub3A_283 = arith.subf %get3A_224, %mul3A_282 : vector<16xf32>
    %max3A_284 = arith.maximumf %sub3A_263, %sub3A_267 : vector<16xf32>
    %max3A_285 = arith.maximumf %max3A_284, %sub3A_271 : vector<16xf32>
    %max3A_286 = arith.maximumf %max3A_285, %sub3A_275 : vector<16xf32>
    %max3A_287 = arith.maximumf %max3A_286, %sub3A_279 : vector<16xf32>
    %max3A_288 = arith.maximumf %max3A_287, %sub3A_283 : vector<16xf32>
    %eq3A_289 = arith.cmpf oeq, %sub3A_263, %max3A_288 : vector<16xf32>
    %select_n3A_290 = arith.select %eq3A_289, %broadcast_in_dim3A_1, %broadcast_in_dim3A_3 : vector<16xi1>, vector<16xf32>
    %sub3A_291 = arith.subf %broadcast_in_dim3A_1, %broadcast_in_dim3A_3 : vector<16xf32>
    %mul3A_292 = arith.mulf %select_n3A_290, %sub3A_291 : vector<16xf32>
    %max3A_293 = arith.maximumf %broadcast_in_dim3A_3, %select_n3A_290 : vector<16xf32>
    %eq3A_294 = arith.cmpf oeq, %sub3A_267, %max3A_288 : vector<16xf32>
    %select_n3A_295 = arith.select %eq3A_294, %broadcast_in_dim3A_1, %broadcast_in_dim3A_3 : vector<16xi1>, vector<16xf32>
    %sub3A_296 = arith.subf %broadcast_in_dim3A_1, %max3A_293 : vector<16xf32>
    %mul3A_297 = arith.mulf %select_n3A_295, %sub3A_296 : vector<16xf32>
    %max3A_298 = arith.maximumf %max3A_293, %select_n3A_295 : vector<16xf32>
    %eq3A_299 = arith.cmpf oeq, %sub3A_271, %max3A_288 : vector<16xf32>
    %select_n3A_300 = arith.select %eq3A_299, %broadcast_in_dim3A_1, %broadcast_in_dim3A_3 : vector<16xi1>, vector<16xf32>
    %sub3A_301 = arith.subf %broadcast_in_dim3A_1, %max3A_298 : vector<16xf32>
    %mul3A_302 = arith.mulf %select_n3A_300, %sub3A_301 : vector<16xf32>
    %max3A_303 = arith.maximumf %max3A_298, %select_n3A_300 : vector<16xf32>
    %eq3A_304 = arith.cmpf oeq, %sub3A_275, %max3A_288 : vector<16xf32>
    %select_n3A_305 = arith.select %eq3A_304, %broadcast_in_dim3A_1, %broadcast_in_dim3A_3 : vector<16xi1>, vector<16xf32>
    %sub3A_306 = arith.subf %broadcast_in_dim3A_1, %max3A_303 : vector<16xf32>
    %mul3A_307 = arith.mulf %select_n3A_305, %sub3A_306 : vector<16xf32>
    %max3A_308 = arith.maximumf %max3A_303, %select_n3A_305 : vector<16xf32>
    %eq3A_309 = arith.cmpf oeq, %sub3A_279, %max3A_288 : vector<16xf32>
    %select_n3A_310 = arith.select %eq3A_309, %broadcast_in_dim3A_1, %broadcast_in_dim3A_3 : vector<16xi1>, vector<16xf32>
    %sub3A_311 = arith.subf %broadcast_in_dim3A_1, %max3A_308 : vector<16xf32>
    %mul3A_312 = arith.mulf %select_n3A_310, %sub3A_311 : vector<16xf32>
    %max3A_313 = arith.maximumf %max3A_308, %select_n3A_310 : vector<16xf32>
    %eq3A_314 = arith.cmpf oeq, %sub3A_283, %max3A_288 : vector<16xf32>
    %select_n3A_315 = arith.select %eq3A_314, %broadcast_in_dim3A_1, %broadcast_in_dim3A_3 : vector<16xi1>, vector<16xf32>
    %sub3A_316 = arith.subf %broadcast_in_dim3A_1, %max3A_313 : vector<16xf32>
    %mul3A_317 = arith.mulf %select_n3A_315, %sub3A_316 : vector<16xf32>
    %max3A_318 = arith.maximumf %max3A_313, %select_n3A_315 : vector<16xf32>
    %sub3A_319 = arith.subf %max3A_288, %max3A_229 : vector<16xf32>
    %exp3A_320 = math.exp %sub3A_319 : vector<16xf32>
    %add3A_321 = arith.constant 1.000000e+00 : f32
    %add3A_322 = vector.broadcast %add3A_321 : f32 to vector<16xf32>
    %add3A_323 = arith.addf %add3A_322, %exp3A_320 : vector<16xf32>
    %div3A_324 = arith.constant 1.000000e+00 : f32
    %div3A_325 = vector.broadcast %div3A_324 : f32 to vector<16xf32>
    %div3A_326 = arith.divf %div3A_325, %add3A_323 : vector<16xf32>
    %mul3A_327 = arith.mulf %exp3A_320, %div3A_326 : vector<16xf32>
    %mul3A_328 = arith.mulf %mul3A_233, %div3A_326 : vector<16xf32>
    %mul3A_329 = arith.mulf %mul3A_292, %mul3A_327 : vector<16xf32>
    %add3A_330 = arith.addf %mul3A_328, %mul3A_329 : vector<16xf32>
    %swap3A_331 = arith.constant 0 : i32
    %swap3A_332 = arith.index_cast %swap3A_331 : i32 to index
    %swap3A_333 = arith.constant 16 : index
    %swap3A_334 = tpu.vector_load %arg5[%swap3A_332, %swap3A_333] {strides = array<i32>} : memref<8x128xf32, #tpu.memory_space<vmem>>, vector<1x16xf32>,
    %swap3A_335 = vector.shape_cast %swap3A_334 : vector<1x16xf32> to vector<16xf32>
    %swap3A_336 = vector.shape_cast %add3A_330 : vector<16xf32> to vector<1x16xf32>
    tpu.vector_store %arg5[%swap3A_332, %swap3A_333], %swap3A_336 {strides = array<i32>} : memref<8x128xf32, #tpu.memory_space<vmem>>, vector<1x16xf32>,
    %mul3A_337 = arith.mulf %mul3A_238, %div3A_326 : vector<16xf32>
    %mul3A_338 = arith.mulf %mul3A_297, %mul3A_327 : vector<16xf32>
    %add3A_339 = arith.addf %mul3A_337, %mul3A_338 : vector<16xf32>
    %swap3A_340 = arith.constant 1 : i32
    %swap3A_341 = arith.index_cast %swap3A_340 : i32 to index
    %swap3A_342 = arith.constant 16 : index
    %swap3A_343 = tpu.vector_load %arg5[%swap3A_341, %swap3A_342] {strides = array<i32>} : memref<8x128xf32, #tpu.memory_space<vmem>>, vector<1x16xf32>,
    %swap3A_344 = vector.shape_cast %swap3A_343 : vector<1x16xf32> to vector<16xf32>
    %swap3A_345 = vector.shape_cast %add3A_339 : vector<16xf32> to vector<1x16xf32>
    tpu.vector_store %arg5[%swap3A_341, %swap3A_342], %swap3A_345 {strides = array<i32>} : memref<8x128xf32, #tpu.memory_space<vmem>>, vector<1x16xf32>,
    %mul3A_346 = arith.mulf %mul3A_243, %div3A_326 : vector<16xf32>
    %mul3A_347 = arith.mulf %mul3A_302, %mul3A_327 : vector<16xf32>
    %add3A_348 = arith.addf %mul3A_346, %mul3A_347 : vector<16xf32>
    %swap3A_349 = arith.constant 2 : i32
    %swap3A_350 = arith.index_cast %swap3A_349 : i32 to index
    %swap3A_351 = arith.constant 16 : index
    %swap3A_352 = tpu.vector_load %arg5[%swap3A_350, %swap3A_351] {strides = array<i32>} : memref<8x128xf32, #tpu.memory_space<vmem>>, vector<1x16xf32>,
    %swap3A_353 = vector.shape_cast %swap3A_352 : vector<1x16xf32> to vector<16xf32>
    %swap3A_354 = vector.shape_cast %add3A_348 : vector<16xf32> to vector<1x16xf32>
    tpu.vector_store %arg5[%swap3A_350, %swap3A_351], %swap3A_354 {strides = array<i32>} : memref<8x128xf32, #tpu.memory_space<vmem>>, vector<1x16xf32>,
    %mul3A_355 = arith.mulf %mul3A_248, %div3A_326 : vector<16xf32>
    %mul3A_356 = arith.mulf %mul3A_307, %mul3A_327 : vector<16xf32>
    %add3A_357 = arith.addf %mul3A_355, %mul3A_356 : vector<16xf32>
    %swap3A_358 = arith.constant 3 : i32
    %swap3A_359 = arith.index_cast %swap3A_358 : i32 to index
    %swap3A_360 = arith.constant 16 : index
    %swap3A_361 = tpu.vector_load %arg5[%swap3A_359, %swap3A_360] {strides = array<i32>} : memref<8x128xf32, #tpu.memory_space<vmem>>, vector<1x16xf32>,
    %swap3A_362 = vector.shape_cast %swap3A_361 : vector<1x16xf32> to vector<16xf32>
    %swap3A_363 = vector.shape_cast %add3A_357 : vector<16xf32> to vector<1x16xf32>
    tpu.vector_store %arg5[%swap3A_359, %swap3A_360], %swap3A_363 {strides = array<i32>} : memref<8x128xf32, #tpu.memory_space<vmem>>, vector<1x16xf32>,
    %mul3A_364 = arith.mulf %mul3A_253, %div3A_326 : vector<16xf32>
    %mul3A_365 = arith.mulf %mul3A_312, %mul3A_327 : vector<16xf32>
    %add3A_366 = arith.addf %mul3A_364, %mul3A_365 : vector<16xf32>
    %swap3A_367 = arith.constant 4 : i32
    %swap3A_368 = arith.index_cast %swap3A_367 : i32 to index
    %swap3A_369 = arith.constant 16 : index
    %swap3A_370 = tpu.vector_load %arg5[%swap3A_368, %swap3A_369] {strides = array<i32>} : memref<8x128xf32, #tpu.memory_space<vmem>>, vector<1x16xf32>,
    %swap3A_371 = vector.shape_cast %swap3A_370 : vector<1x16xf32> to vector<16xf32>
    %swap3A_372 = vector.shape_cast %add3A_366 : vector<16xf32> to vector<1x16xf32>
    tpu.vector_store %arg5[%swap3A_368, %swap3A_369], %swap3A_372 {strides = array<i32>} : memref<8x128xf32, #tpu.memory_space<vmem>>, vector<1x16xf32>,
    %mul3A_373 = arith.mulf %mul3A_258, %div3A_326 : vector<16xf32>
    %mul3A_374 = arith.mulf %mul3A_317, %mul3A_327 : vector<16xf32>
    %add3A_375 = arith.addf %mul3A_373, %mul3A_374 : vector<16xf32>
    %swap3A_376 = arith.constant 5 : i32
    %swap3A_377 = arith.index_cast %swap3A_376 : i32 to index
    %swap3A_378 = arith.constant 16 : index
    %swap3A_379 = tpu.vector_load %arg5[%swap3A_377, %swap3A_378] {strides = array<i32>} : memref<8x128xf32, #tpu.memory_space<vmem>>, vector<1x16xf32>,
    %swap3A_380 = vector.shape_cast %swap3A_379 : vector<1x16xf32> to vector<16xf32>
    %swap3A_381 = vector.shape_cast %add3A_375 : vector<16xf32> to vector<1x16xf32>
    tpu.vector_store %arg5[%swap3A_377, %swap3A_378], %swap3A_381 {strides = array<i32>} : memref<8x128xf32, #tpu.memory_space<vmem>>, vector<1x16xf32>,
    %swap3A_382 = arith.constant 6 : i32
    %swap3A_383 = arith.index_cast %swap3A_382 : i32 to index
    %swap3A_384 = arith.constant 16 : index
    %swap3A_385 = tpu.vector_load %arg5[%swap3A_383, %swap3A_384] {strides = array<i32>} : memref<8x128xf32, #tpu.memory_space<vmem>>, vector<1x16xf32>,
    %swap3A_386 = vector.shape_cast %swap3A_385 : vector<1x16xf32> to vector<16xf32>
    %swap3A_387 = vector.shape_cast %broadcast_in_dim3A_3 : vector<16xf32> to vector<1x16xf32>
    tpu.vector_store %arg5[%swap3A_383, %swap3A_384], %swap3A_387 {strides = array<i32>} : memref<8x128xf32, #tpu.memory_space<vmem>>, vector<1x16xf32>,
    %swap3A_388 = arith.constant 7 : i32
    %swap3A_389 = arith.index_cast %swap3A_388 : i32 to index
    %swap3A_390 = arith.constant 16 : index
    %swap3A_391 = tpu.vector_load %arg5[%swap3A_389, %swap3A_390] {strides = array<i32>} : memref<8x128xf32, #tpu.memory_space<vmem>>, vector<1x16xf32>,
    %swap3A_392 = vector.shape_cast %swap3A_391 : vector<1x16xf32> to vector<16xf32>
    %swap3A_393 = vector.shape_cast %broadcast_in_dim3A_3 : vector<16xf32> to vector<1x16xf32>
    tpu.vector_store %arg5[%swap3A_389, %swap3A_390], %swap3A_393 {strides = array<i32>} : memref<8x128xf32, #tpu.memory_space<vmem>>, vector<1x16xf32>,
    %get3A_394 = arith.constant 0 : i32
    %get3A_395 = arith.index_cast %get3A_394 : i32 to index
    %get3A_396 = arith.constant 32 : index
    %get3A_397 = tpu.vector_load %arg4[%get3A_395, %get3A_396] {strides = array<i32>} : memref<8x128xf32, #tpu.memory_space<vmem>>, vector<1x16xf32>,
    %get3A_398 = vector.shape_cast %get3A_397 : vector<1x16xf32> to vector<16xf32>
    %get3A_399 = arith.constant 1 : i32
    %get3A_400 = arith.index_cast %get3A_399 : i32 to index
    %get3A_401 = arith.constant 32 : index
    %get3A_402 = tpu.vector_load %arg4[%get3A_400, %get3A_401] {strides = array<i32>} : memref<8x128xf32, #tpu.memory_space<vmem>>, vector<1x16xf32>,
    %get3A_403 = vector.shape_cast %get3A_402 : vector<1x16xf32> to vector<16xf32>
    %get3A_404 = arith.constant 2 : i32
    %get3A_405 = arith.index_cast %get3A_404 : i32 to index
    %get3A_406 = arith.constant 32 : index
    %get3A_407 = tpu.vector_load %arg4[%get3A_405, %get3A_406] {strides = array<i32>} : memref<8x128xf32, #tpu.memory_space<vmem>>, vector<1x16xf32>,
    %get3A_408 = vector.shape_cast %get3A_407 : vector<1x16xf32> to vector<16xf32>
    %get3A_409 = arith.constant 3 : i32
    %get3A_410 = arith.index_cast %get3A_409 : i32 to index
    %get3A_411 = arith.constant 32 : index
    %get3A_412 = tpu.vector_load %arg4[%get3A_410, %get3A_411] {strides = array<i32>} : memref<8x128xf32, #tpu.memory_space<vmem>>, vector<1x16xf32>,
    %get3A_413 = vector.shape_cast %get3A_412 : vector<1x16xf32> to vector<16xf32>
    %get3A_414 = arith.constant 4 : i32
    %get3A_415 = arith.index_cast %get3A_414 : i32 to index
    %get3A_416 = arith.constant 32 : index
    %get3A_417 = tpu.vector_load %arg4[%get3A_415, %get3A_416] {strides = array<i32>} : memref<8x128xf32, #tpu.memory_space<vmem>>, vector<1x16xf32>,
    %get3A_418 = vector.shape_cast %get3A_417 : vector<1x16xf32> to vector<16xf32>
    %get3A_419 = arith.constant 5 : i32
    %get3A_420 = arith.index_cast %get3A_419 : i32 to index
    %get3A_421 = arith.constant 32 : index
    %get3A_422 = tpu.vector_load %arg4[%get3A_420, %get3A_421] {strides = array<i32>} : memref<8x128xf32, #tpu.memory_space<vmem>>, vector<1x16xf32>,
    %get3A_423 = vector.shape_cast %get3A_422 : vector<1x16xf32> to vector<16xf32>
    %max3A_424 = arith.maximumf %get3A_398, %get3A_403 : vector<16xf32>
    %max3A_425 = arith.maximumf %max3A_424, %get3A_408 : vector<16xf32>
    %max3A_426 = arith.maximumf %max3A_425, %get3A_413 : vector<16xf32>
    %max3A_427 = arith.maximumf %max3A_426, %get3A_418 : vector<16xf32>
    %max3A_428 = arith.maximumf %max3A_427, %get3A_423 : vector<16xf32>
    %eq3A_429 = arith.cmpf oeq, %get3A_398, %max3A_428 : vector<16xf32>
    %select_n3A_430 = arith.select %eq3A_429, %broadcast_in_dim3A_1, %broadcast_in_dim3A_3 : vector<16xi1>, vector<16xf32>
    %sub3A_431 = arith.subf %broadcast_in_dim3A_1, %broadcast_in_dim3A_3 : vector<16xf32>
    %mul3A_432 = arith.mulf %select_n3A_430, %sub3A_431 : vector<16xf32>
    %max3A_433 = arith.maximumf %broadcast_in_dim3A_3, %select_n3A_430 : vector<16xf32>
    %eq3A_434 = arith.cmpf oeq, %get3A_403, %max3A_428 : vector<16xf32>
    %select_n3A_435 = arith.select %eq3A_434, %broadcast_in_dim3A_1, %broadcast_in_dim3A_3 : vector<16xi1>, vector<16xf32>
    %sub3A_436 = arith.subf %broadcast_in_dim3A_1, %max3A_433 : vector<16xf32>
    %mul3A_437 = arith.mulf %select_n3A_435, %sub3A_436 : vector<16xf32>
    %max3A_438 = arith.maximumf %max3A_433, %select_n3A_435 : vector<16xf32>
    %eq3A_439 = arith.cmpf oeq, %get3A_408, %max3A_428 : vector<16xf32>
    %select_n3A_440 = arith.select %eq3A_439, %broadcast_in_dim3A_1, %broadcast_in_dim3A_3 : vector<16xi1>, vector<16xf32>
    %sub3A_441 = arith.subf %broadcast_in_dim3A_1, %max3A_438 : vector<16xf32>
    %mul3A_442 = arith.mulf %select_n3A_440, %sub3A_441 : vector<16xf32>
    %max3A_443 = arith.maximumf %max3A_438, %select_n3A_440 : vector<16xf32>
    %eq3A_444 = arith.cmpf oeq, %get3A_413, %max3A_428 : vector<16xf32>
    %select_n3A_445 = arith.select %eq3A_444, %broadcast_in_dim3A_1, %broadcast_in_dim3A_3 : vector<16xi1>, vector<16xf32>
    %sub3A_446 = arith.subf %broadcast_in_dim3A_1, %max3A_443 : vector<16xf32>
    %mul3A_447 = arith.mulf %select_n3A_445, %sub3A_446 : vector<16xf32>
    %max3A_448 = arith.maximumf %max3A_443, %select_n3A_445 : vector<16xf32>
    %eq3A_449 = arith.cmpf oeq, %get3A_418, %max3A_428 : vector<16xf32>
    %select_n3A_450 = arith.select %eq3A_449, %broadcast_in_dim3A_1, %broadcast_in_dim3A_3 : vector<16xi1>, vector<16xf32>
    %sub3A_451 = arith.subf %broadcast_in_dim3A_1, %max3A_448 : vector<16xf32>
    %mul3A_452 = arith.mulf %select_n3A_450, %sub3A_451 : vector<16xf32>
    %max3A_453 = arith.maximumf %max3A_448, %select_n3A_450 : vector<16xf32>
    %eq3A_454 = arith.cmpf oeq, %get3A_423, %max3A_428 : vector<16xf32>
    %select_n3A_455 = arith.select %eq3A_454, %broadcast_in_dim3A_1, %broadcast_in_dim3A_3 : vector<16xi1>, vector<16xf32>
    %sub3A_456 = arith.subf %broadcast_in_dim3A_1, %max3A_453 : vector<16xf32>
    %mul3A_457 = arith.mulf %select_n3A_455, %sub3A_456 : vector<16xf32>
    %max3A_458 = arith.maximumf %max3A_453, %select_n3A_455 : vector<16xf32>
    %mul3A_459 = arith.constant 1.000000e+30 : f32
    %mul3A_460 = vector.broadcast %mul3A_459 : f32 to vector<16xf32>
    %mul3A_461 = arith.mulf %mul3A_432, %mul3A_460 : vector<16xf32>
    %sub3A_462 = arith.subf %get3A_398, %mul3A_461 : vector<16xf32>
    %mul3A_463 = arith.constant 1.000000e+30 : f32
    %mul3A_464 = vector.broadcast %mul3A_463 : f32 to vector<16xf32>
    %mul3A_465 = arith.mulf %mul3A_437, %mul3A_464 : vector<16xf32>
    %sub3A_466 = arith.subf %get3A_403, %mul3A_465 : vector<16xf32>
    %mul3A_467 = arith.constant 1.000000e+30 : f32
    %mul3A_468 = vector.broadcast %mul3A_467 : f32 to vector<16xf32>
    %mul3A_469 = arith.mulf %mul3A_442, %mul3A_468 : vector<16xf32>
    %sub3A_470 = arith.subf %get3A_408, %mul3A_469 : vector<16xf32>
    %mul3A_471 = arith.constant 1.000000e+30 : f32
    %mul3A_472 = vector.broadcast %mul3A_471 : f32 to vector<16xf32>
    %mul3A_473 = arith.mulf %mul3A_447, %mul3A_472 : vector<16xf32>
    %sub3A_474 = arith.subf %get3A_413, %mul3A_473 : vector<16xf32>
    %mul3A_475 = arith.constant 1.000000e+30 : f32
    %mul3A_476 = vector.broadcast %mul3A_475 : f32 to vector<16xf32>
    %mul3A_477 = arith.mulf %mul3A_452, %mul3A_476 : vector<16xf32>
    %sub3A_478 = arith.subf %get3A_418, %mul3A_477 : vector<16xf32>
    %mul3A_479 = arith.constant 1.000000e+30 : f32
    %mul3A_480 = vector.broadcast %mul3A_479 : f32 to vector<16xf32>
    %mul3A_481 = arith.mulf %mul3A_457, %mul3A_480 : vector<16xf32>
    %sub3A_482 = arith.subf %get3A_423, %mul3A_481 : vector<16xf32>
    %max3A_483 = arith.maximumf %sub3A_462, %sub3A_466 : vector<16xf32>
    %max3A_484 = arith.maximumf %max3A_483, %sub3A_470 : vector<16xf32>
    %max3A_485 = arith.maximumf %max3A_484, %sub3A_474 : vector<16xf32>
    %max3A_486 = arith.maximumf %max3A_485, %sub3A_478 : vector<16xf32>
    %max3A_487 = arith.maximumf %max3A_486, %sub3A_482 : vector<16xf32>
    %eq3A_488 = arith.cmpf oeq, %sub3A_462, %max3A_487 : vector<16xf32>
    %select_n3A_489 = arith.select %eq3A_488, %broadcast_in_dim3A_1, %broadcast_in_dim3A_3 : vector<16xi1>, vector<16xf32>
    %sub3A_490 = arith.subf %broadcast_in_dim3A_1, %broadcast_in_dim3A_3 : vector<16xf32>
    %mul3A_491 = arith.mulf %select_n3A_489, %sub3A_490 : vector<16xf32>
    %max3A_492 = arith.maximumf %broadcast_in_dim3A_3, %select_n3A_489 : vector<16xf32>
    %eq3A_493 = arith.cmpf oeq, %sub3A_466, %max3A_487 : vector<16xf32>
    %select_n3A_494 = arith.select %eq3A_493, %broadcast_in_dim3A_1, %broadcast_in_dim3A_3 : vector<16xi1>, vector<16xf32>
    %sub3A_495 = arith.subf %broadcast_in_dim3A_1, %max3A_492 : vector<16xf32>
    %mul3A_496 = arith.mulf %select_n3A_494, %sub3A_495 : vector<16xf32>
    %max3A_497 = arith.maximumf %max3A_492, %select_n3A_494 : vector<16xf32>
    %eq3A_498 = arith.cmpf oeq, %sub3A_470, %max3A_487 : vector<16xf32>
    %select_n3A_499 = arith.select %eq3A_498, %broadcast_in_dim3A_1, %broadcast_in_dim3A_3 : vector<16xi1>, vector<16xf32>
    %sub3A_500 = arith.subf %broadcast_in_dim3A_1, %max3A_497 : vector<16xf32>
    %mul3A_501 = arith.mulf %select_n3A_499, %sub3A_500 : vector<16xf32>
    %max3A_502 = arith.maximumf %max3A_497, %select_n3A_499 : vector<16xf32>
    %eq3A_503 = arith.cmpf oeq, %sub3A_474, %max3A_487 : vector<16xf32>
    %select_n3A_504 = arith.select %eq3A_503, %broadcast_in_dim3A_1, %broadcast_in_dim3A_3 : vector<16xi1>, vector<16xf32>
    %sub3A_505 = arith.subf %broadcast_in_dim3A_1, %max3A_502 : vector<16xf32>
    %mul3A_506 = arith.mulf %select_n3A_504, %sub3A_505 : vector<16xf32>
    %max3A_507 = arith.maximumf %max3A_502, %select_n3A_504 : vector<16xf32>
    %eq3A_508 = arith.cmpf oeq, %sub3A_478, %max3A_487 : vector<16xf32>
    %select_n3A_509 = arith.select %eq3A_508, %broadcast_in_dim3A_1, %broadcast_in_dim3A_3 : vector<16xi1>, vector<16xf32>
    %sub3A_510 = arith.subf %broadcast_in_dim3A_1, %max3A_507 : vector<16xf32>
    %mul3A_511 = arith.mulf %select_n3A_509, %sub3A_510 : vector<16xf32>
    %max3A_512 = arith.maximumf %max3A_507, %select_n3A_509 : vector<16xf32>
    %eq3A_513 = arith.cmpf oeq, %sub3A_482, %max3A_487 : vector<16xf32>
    %select_n3A_514 = arith.select %eq3A_513, %broadcast_in_dim3A_1, %broadcast_in_dim3A_3 : vector<16xi1>, vector<16xf32>
    %sub3A_515 = arith.subf %broadcast_in_dim3A_1, %max3A_512 : vector<16xf32>
    %mul3A_516 = arith.mulf %select_n3A_514, %sub3A_515 : vector<16xf32>
    %max3A_517 = arith.maximumf %max3A_512, %select_n3A_514 : vector<16xf32>
    %sub3A_518 = arith.subf %max3A_487, %max3A_428 : vector<16xf32>
    %exp3A_519 = math.exp %sub3A_518 : vector<16xf32>
    %add3A_520 = arith.constant 1.000000e+00 : f32
    %add3A_521 = vector.broadcast %add3A_520 : f32 to vector<16xf32>
    %add3A_522 = arith.addf %add3A_521, %exp3A_519 : vector<16xf32>
    %div3A_523 = arith.constant 1.000000e+00 : f32
    %div3A_524 = vector.broadcast %div3A_523 : f32 to vector<16xf32>
    %div3A_525 = arith.divf %div3A_524, %add3A_522 : vector<16xf32>
    %mul3A_526 = arith.mulf %exp3A_519, %div3A_525 : vector<16xf32>
    %mul3A_527 = arith.mulf %mul3A_432, %div3A_525 : vector<16xf32>
    %mul3A_528 = arith.mulf %mul3A_491, %mul3A_526 : vector<16xf32>
    %add3A_529 = arith.addf %mul3A_527, %mul3A_528 : vector<16xf32>
    %swap3A_530 = arith.constant 0 : i32
    %swap3A_531 = arith.index_cast %swap3A_530 : i32 to index
    %swap3A_532 = arith.constant 32 : index
    %swap3A_533 = tpu.vector_load %arg5[%swap3A_531, %swap3A_532] {strides = array<i32>} : memref<8x128xf32, #tpu.memory_space<vmem>>, vector<1x16xf32>,
    %swap3A_534 = vector.shape_cast %swap3A_533 : vector<1x16xf32> to vector<16xf32>
    %swap3A_535 = vector.shape_cast %add3A_529 : vector<16xf32> to vector<1x16xf32>
    tpu.vector_store %arg5[%swap3A_531, %swap3A_532], %swap3A_535 {strides = array<i32>} : memref<8x128xf32, #tpu.memory_space<vmem>>, vector<1x16xf32>,
    %mul3A_536 = arith.mulf %mul3A_437, %div3A_525 : vector<16xf32>
    %mul3A_537 = arith.mulf %mul3A_496, %mul3A_526 : vector<16xf32>
    %add3A_538 = arith.addf %mul3A_536, %mul3A_537 : vector<16xf32>
    %swap3A_539 = arith.constant 1 : i32
    %swap3A_540 = arith.index_cast %swap3A_539 : i32 to index
    %swap3A_541 = arith.constant 32 : index
    %swap3A_542 = tpu.vector_load %arg5[%swap3A_540, %swap3A_541] {strides = array<i32>} : memref<8x128xf32, #tpu.memory_space<vmem>>, vector<1x16xf32>,
    %swap3A_543 = vector.shape_cast %swap3A_542 : vector<1x16xf32> to vector<16xf32>
    %swap3A_544 = vector.shape_cast %add3A_538 : vector<16xf32> to vector<1x16xf32>
    tpu.vector_store %arg5[%swap3A_540, %swap3A_541], %swap3A_544 {strides = array<i32>} : memref<8x128xf32, #tpu.memory_space<vmem>>, vector<1x16xf32>,
    %mul3A_545 = arith.mulf %mul3A_442, %div3A_525 : vector<16xf32>
    %mul3A_546 = arith.mulf %mul3A_501, %mul3A_526 : vector<16xf32>
    %add3A_547 = arith.addf %mul3A_545, %mul3A_546 : vector<16xf32>
    %swap3A_548 = arith.constant 2 : i32
    %swap3A_549 = arith.index_cast %swap3A_548 : i32 to index
    %swap3A_550 = arith.constant 32 : index
    %swap3A_551 = tpu.vector_load %arg5[%swap3A_549, %swap3A_550] {strides = array<i32>} : memref<8x128xf32, #tpu.memory_space<vmem>>, vector<1x16xf32>,
    %swap3A_552 = vector.shape_cast %swap3A_551 : vector<1x16xf32> to vector<16xf32>
    %swap3A_553 = vector.shape_cast %add3A_547 : vector<16xf32> to vector<1x16xf32>
    tpu.vector_store %arg5[%swap3A_549, %swap3A_550], %swap3A_553 {strides = array<i32>} : memref<8x128xf32, #tpu.memory_space<vmem>>, vector<1x16xf32>,
    %mul3A_554 = arith.mulf %mul3A_447, %div3A_525 : vector<16xf32>
    %mul3A_555 = arith.mulf %mul3A_506, %mul3A_526 : vector<16xf32>
    %add3A_556 = arith.addf %mul3A_554, %mul3A_555 : vector<16xf32>
    %swap3A_557 = arith.constant 3 : i32
    %swap3A_558 = arith.index_cast %swap3A_557 : i32 to index
    %swap3A_559 = arith.constant 32 : index
    %swap3A_560 = tpu.vector_load %arg5[%swap3A_558, %swap3A_559] {strides = array<i32>} : memref<8x128xf32, #tpu.memory_space<vmem>>, vector<1x16xf32>,
    %swap3A_561 = vector.shape_cast %swap3A_560 : vector<1x16xf32> to vector<16xf32>
    %swap3A_562 = vector.shape_cast %add3A_556 : vector<16xf32> to vector<1x16xf32>
    tpu.vector_store %arg5[%swap3A_558, %swap3A_559], %swap3A_562 {strides = array<i32>} : memref<8x128xf32, #tpu.memory_space<vmem>>, vector<1x16xf32>,
    %mul3A_563 = arith.mulf %mul3A_452, %div3A_525 : vector<16xf32>
    %mul3A_564 = arith.mulf %mul3A_511, %mul3A_526 : vector<16xf32>
    %add3A_565 = arith.addf %mul3A_563, %mul3A_564 : vector<16xf32>
    %swap3A_566 = arith.constant 4 : i32
    %swap3A_567 = arith.index_cast %swap3A_566 : i32 to index
    %swap3A_568 = arith.constant 32 : index
    %swap3A_569 = tpu.vector_load %arg5[%swap3A_567, %swap3A_568] {strides = array<i32>} : memref<8x128xf32, #tpu.memory_space<vmem>>, vector<1x16xf32>,
    %swap3A_570 = vector.shape_cast %swap3A_569 : vector<1x16xf32> to vector<16xf32>
    %swap3A_571 = vector.shape_cast %add3A_565 : vector<16xf32> to vector<1x16xf32>
    tpu.vector_store %arg5[%swap3A_567, %swap3A_568], %swap3A_571 {strides = array<i32>} : memref<8x128xf32, #tpu.memory_space<vmem>>, vector<1x16xf32>,
    %mul3A_572 = arith.mulf %mul3A_457, %div3A_525 : vector<16xf32>
    %mul3A_573 = arith.mulf %mul3A_516, %mul3A_526 : vector<16xf32>
    %add3A_574 = arith.addf %mul3A_572, %mul3A_573 : vector<16xf32>
    %swap3A_575 = arith.constant 5 : i32
    %swap3A_576 = arith.index_cast %swap3A_575 : i32 to index
    %swap3A_577 = arith.constant 32 : index
    %swap3A_578 = tpu.vector_load %arg5[%swap3A_576, %swap3A_577] {strides = array<i32>} : memref<8x128xf32, #tpu.memory_space<vmem>>, vector<1x16xf32>,
    %swap3A_579 = vector.shape_cast %swap3A_578 : vector<1x16xf32> to vector<16xf32>
    %swap3A_580 = vector.shape_cast %add3A_574 : vector<16xf32> to vector<1x16xf32>
    tpu.vector_store %arg5[%swap3A_576, %swap3A_577], %swap3A_580 {strides = array<i32>} : memref<8x128xf32, #tpu.memory_space<vmem>>, vector<1x16xf32>,
    %swap3A_581 = arith.constant 6 : i32
    %swap3A_582 = arith.index_cast %swap3A_581 : i32 to index
    %swap3A_583 = arith.constant 32 : index
    %swap3A_584 = tpu.vector_load %arg5[%swap3A_582, %swap3A_583] {strides = array<i32>} : memref<8x128xf32, #tpu.memory_space<vmem>>, vector<1x16xf32>,
    %swap3A_585 = vector.shape_cast %swap3A_584 : vector<1x16xf32> to vector<16xf32>
    %swap3A_586 = vector.shape_cast %broadcast_in_dim3A_3 : vector<16xf32> to vector<1x16xf32>
    tpu.vector_store %arg5[%swap3A_582, %swap3A_583], %swap3A_586 {strides = array<i32>} : memref<8x128xf32, #tpu.memory_space<vmem>>, vector<1x16xf32>,
    %swap3A_587 = arith.constant 7 : i32
    %swap3A_588 = arith.index_cast %swap3A_587 : i32 to index
    %swap3A_589 = arith.constant 32 : index
    %swap3A_590 = tpu.vector_load %arg5[%swap3A_588, %swap3A_589] {strides = array<i32>} : memref<8x128xf32, #tpu.memory_space<vmem>>, vector<1x16xf32>,
    %swap3A_591 = vector.shape_cast %swap3A_590 : vector<1x16xf32> to vector<16xf32>
    %swap3A_592 = vector.shape_cast %broadcast_in_dim3A_3 : vector<16xf32> to vector<1x16xf32>
    tpu.vector_store %arg5[%swap3A_588, %swap3A_589], %swap3A_592 {strides = array<i32>} : memref<8x128xf32, #tpu.memory_space<vmem>>, vector<1x16xf32>,
    %get3A_593 = arith.constant 0 : i32
    %get3A_594 = arith.index_cast %get3A_593 : i32 to index
    %get3A_595 = arith.constant 48 : index
    %get3A_596 = tpu.vector_load %arg4[%get3A_594, %get3A_595] {strides = array<i32>} : memref<8x128xf32, #tpu.memory_space<vmem>>, vector<1x16xf32>,
    %get3A_597 = vector.shape_cast %get3A_596 : vector<1x16xf32> to vector<16xf32>
    %get3A_598 = arith.constant 1 : i32
    %get3A_599 = arith.index_cast %get3A_598 : i32 to index
    %get3A_600 = arith.constant 48 : index
    %get3A_601 = tpu.vector_load %arg4[%get3A_599, %get3A_600] {strides = array<i32>} : memref<8x128xf32, #tpu.memory_space<vmem>>, vector<1x16xf32>,
    %get3A_602 = vector.shape_cast %get3A_601 : vector<1x16xf32> to vector<16xf32>
    %get3A_603 = arith.constant 2 : i32
    %get3A_604 = arith.index_cast %get3A_603 : i32 to index
    %get3A_605 = arith.constant 48 : index
    %get3A_606 = tpu.vector_load %arg4[%get3A_604, %get3A_605] {strides = array<i32>} : memref<8x128xf32, #tpu.memory_space<vmem>>, vector<1x16xf32>,
    %get3A_607 = vector.shape_cast %get3A_606 : vector<1x16xf32> to vector<16xf32>
    %get3A_608 = arith.constant 3 : i32
    %get3A_609 = arith.index_cast %get3A_608 : i32 to index
    %get3A_610 = arith.constant 48 : index
    %get3A_611 = tpu.vector_load %arg4[%get3A_609, %get3A_610] {strides = array<i32>} : memref<8x128xf32, #tpu.memory_space<vmem>>, vector<1x16xf32>,
    %get3A_612 = vector.shape_cast %get3A_611 : vector<1x16xf32> to vector<16xf32>
    %get3A_613 = arith.constant 4 : i32
    %get3A_614 = arith.index_cast %get3A_613 : i32 to index
    %get3A_615 = arith.constant 48 : index
    %get3A_616 = tpu.vector_load %arg4[%get3A_614, %get3A_615] {strides = array<i32>} : memref<8x128xf32, #tpu.memory_space<vmem>>, vector<1x16xf32>,
    %get3A_617 = vector.shape_cast %get3A_616 : vector<1x16xf32> to vector<16xf32>
    %get3A_618 = arith.constant 5 : i32
    %get3A_619 = arith.index_cast %get3A_618 : i32 to index
    %get3A_620 = arith.constant 48 : index
    %get3A_621 = tpu.vector_load %arg4[%get3A_619, %get3A_620] {strides = array<i32>} : memref<8x128xf32, #tpu.memory_space<vmem>>, vector<1x16xf32>,
    %get3A_622 = vector.shape_cast %get3A_621 : vector<1x16xf32> to vector<16xf32>
    %max3A_623 = arith.maximumf %get3A_597, %get3A_602 : vector<16xf32>
    %max3A_624 = arith.maximumf %max3A_623, %get3A_607 : vector<16xf32>
    %max3A_625 = arith.maximumf %max3A_624, %get3A_612 : vector<16xf32>
    %max3A_626 = arith.maximumf %max3A_625, %get3A_617 : vector<16xf32>
    %max3A_627 = arith.maximumf %max3A_626, %get3A_622 : vector<16xf32>
    %eq3A_628 = arith.cmpf oeq, %get3A_597, %max3A_627 : vector<16xf32>
    %select_n3A_629 = arith.select %eq3A_628, %broadcast_in_dim3A_1, %broadcast_in_dim3A_3 : vector<16xi1>, vector<16xf32>
    %sub3A_630 = arith.subf %broadcast_in_dim3A_1, %broadcast_in_dim3A_3 : vector<16xf32>
    %mul3A_631 = arith.mulf %select_n3A_629, %sub3A_630 : vector<16xf32>
    %max3A_632 = arith.maximumf %broadcast_in_dim3A_3, %select_n3A_629 : vector<16xf32>
    %eq3A_633 = arith.cmpf oeq, %get3A_602, %max3A_627 : vector<16xf32>
    %select_n3A_634 = arith.select %eq3A_633, %broadcast_in_dim3A_1, %broadcast_in_dim3A_3 : vector<16xi1>, vector<16xf32>
    %sub3A_635 = arith.subf %broadcast_in_dim3A_1, %max3A_632 : vector<16xf32>
    %mul3A_636 = arith.mulf %select_n3A_634, %sub3A_635 : vector<16xf32>
    %max3A_637 = arith.maximumf %max3A_632, %select_n3A_634 : vector<16xf32>
    %eq3A_638 = arith.cmpf oeq, %get3A_607, %max3A_627 : vector<16xf32>
    %select_n3A_639 = arith.select %eq3A_638, %broadcast_in_dim3A_1, %broadcast_in_dim3A_3 : vector<16xi1>, vector<16xf32>
    %sub3A_640 = arith.subf %broadcast_in_dim3A_1, %max3A_637 : vector<16xf32>
    %mul3A_641 = arith.mulf %select_n3A_639, %sub3A_640 : vector<16xf32>
    %max3A_642 = arith.maximumf %max3A_637, %select_n3A_639 : vector<16xf32>
    %eq3A_643 = arith.cmpf oeq, %get3A_612, %max3A_627 : vector<16xf32>
    %select_n3A_644 = arith.select %eq3A_643, %broadcast_in_dim3A_1, %broadcast_in_dim3A_3 : vector<16xi1>, vector<16xf32>
    %sub3A_645 = arith.subf %broadcast_in_dim3A_1, %max3A_642 : vector<16xf32>
    %mul3A_646 = arith.mulf %select_n3A_644, %sub3A_645 : vector<16xf32>
    %max3A_647 = arith.maximumf %max3A_642, %select_n3A_644 : vector<16xf32>
    %eq3A_648 = arith.cmpf oeq, %get3A_617, %max3A_627 : vector<16xf32>
    %select_n3A_649 = arith.select %eq3A_648, %broadcast_in_dim3A_1, %broadcast_in_dim3A_3 : vector<16xi1>, vector<16xf32>
    %sub3A_650 = arith.subf %broadcast_in_dim3A_1, %max3A_647 : vector<16xf32>
    %mul3A_651 = arith.mulf %select_n3A_649, %sub3A_650 : vector<16xf32>
    %max3A_652 = arith.maximumf %max3A_647, %select_n3A_649 : vector<16xf32>
    %eq3A_653 = arith.cmpf oeq, %get3A_622, %max3A_627 : vector<16xf32>
    %select_n3A_654 = arith.select %eq3A_653, %broadcast_in_dim3A_1, %broadcast_in_dim3A_3 : vector<16xi1>, vector<16xf32>
    %sub3A_655 = arith.subf %broadcast_in_dim3A_1, %max3A_652 : vector<16xf32>
    %mul3A_656 = arith.mulf %select_n3A_654, %sub3A_655 : vector<16xf32>
    %max3A_657 = arith.maximumf %max3A_652, %select_n3A_654 : vector<16xf32>
    %mul3A_658 = arith.constant 1.000000e+30 : f32
    %mul3A_659 = vector.broadcast %mul3A_658 : f32 to vector<16xf32>
    %mul3A_660 = arith.mulf %mul3A_631, %mul3A_659 : vector<16xf32>
    %sub3A_661 = arith.subf %get3A_597, %mul3A_660 : vector<16xf32>
    %mul3A_662 = arith.constant 1.000000e+30 : f32
    %mul3A_663 = vector.broadcast %mul3A_662 : f32 to vector<16xf32>
    %mul3A_664 = arith.mulf %mul3A_636, %mul3A_663 : vector<16xf32>
    %sub3A_665 = arith.subf %get3A_602, %mul3A_664 : vector<16xf32>
    %mul3A_666 = arith.constant 1.000000e+30 : f32
    %mul3A_667 = vector.broadcast %mul3A_666 : f32 to vector<16xf32>
    %mul3A_668 = arith.mulf %mul3A_641, %mul3A_667 : vector<16xf32>
    %sub3A_669 = arith.subf %get3A_607, %mul3A_668 : vector<16xf32>
    %mul3A_670 = arith.constant 1.000000e+30 : f32
    %mul3A_671 = vector.broadcast %mul3A_670 : f32 to vector<16xf32>
    %mul3A_672 = arith.mulf %mul3A_646, %mul3A_671 : vector<16xf32>
    %sub3A_673 = arith.subf %get3A_612, %mul3A_672 : vector<16xf32>
    %mul3A_674 = arith.constant 1.000000e+30 : f32
    %mul3A_675 = vector.broadcast %mul3A_674 : f32 to vector<16xf32>
    %mul3A_676 = arith.mulf %mul3A_651, %mul3A_675 : vector<16xf32>
    %sub3A_677 = arith.subf %get3A_617, %mul3A_676 : vector<16xf32>
    %mul3A_678 = arith.constant 1.000000e+30 : f32
    %mul3A_679 = vector.broadcast %mul3A_678 : f32 to vector<16xf32>
    %mul3A_680 = arith.mulf %mul3A_656, %mul3A_679 : vector<16xf32>
    %sub3A_681 = arith.subf %get3A_622, %mul3A_680 : vector<16xf32>
    %max3A_682 = arith.maximumf %sub3A_661, %sub3A_665 : vector<16xf32>
    %max3A_683 = arith.maximumf %max3A_682, %sub3A_669 : vector<16xf32>
    %max3A_684 = arith.maximumf %max3A_683, %sub3A_673 : vector<16xf32>
    %max3A_685 = arith.maximumf %max3A_684, %sub3A_677 : vector<16xf32>
    %max3A_686 = arith.maximumf %max3A_685, %sub3A_681 : vector<16xf32>
    %eq3A_687 = arith.cmpf oeq, %sub3A_661, %max3A_686 : vector<16xf32>
    %select_n3A_688 = arith.select %eq3A_687, %broadcast_in_dim3A_1, %broadcast_in_dim3A_3 : vector<16xi1>, vector<16xf32>
    %sub3A_689 = arith.subf %broadcast_in_dim3A_1, %broadcast_in_dim3A_3 : vector<16xf32>
    %mul3A_690 = arith.mulf %select_n3A_688, %sub3A_689 : vector<16xf32>
    %max3A_691 = arith.maximumf %broadcast_in_dim3A_3, %select_n3A_688 : vector<16xf32>
    %eq3A_692 = arith.cmpf oeq, %sub3A_665, %max3A_686 : vector<16xf32>
    %select_n3A_693 = arith.select %eq3A_692, %broadcast_in_dim3A_1, %broadcast_in_dim3A_3 : vector<16xi1>, vector<16xf32>
    %sub3A_694 = arith.subf %broadcast_in_dim3A_1, %max3A_691 : vector<16xf32>
    %mul3A_695 = arith.mulf %select_n3A_693, %sub3A_694 : vector<16xf32>
    %max3A_696 = arith.maximumf %max3A_691, %select_n3A_693 : vector<16xf32>
    %eq3A_697 = arith.cmpf oeq, %sub3A_669, %max3A_686 : vector<16xf32>
    %select_n3A_698 = arith.select %eq3A_697, %broadcast_in_dim3A_1, %broadcast_in_dim3A_3 : vector<16xi1>, vector<16xf32>
    %sub3A_699 = arith.subf %broadcast_in_dim3A_1, %max3A_696 : vector<16xf32>
    %mul3A_700 = arith.mulf %select_n3A_698, %sub3A_699 : vector<16xf32>
    %max3A_701 = arith.maximumf %max3A_696, %select_n3A_698 : vector<16xf32>
    %eq3A_702 = arith.cmpf oeq, %sub3A_673, %max3A_686 : vector<16xf32>
    %select_n3A_703 = arith.select %eq3A_702, %broadcast_in_dim3A_1, %broadcast_in_dim3A_3 : vector<16xi1>, vector<16xf32>
    %sub3A_704 = arith.subf %broadcast_in_dim3A_1, %max3A_701 : vector<16xf32>
    %mul3A_705 = arith.mulf %select_n3A_703, %sub3A_704 : vector<16xf32>
    %max3A_706 = arith.maximumf %max3A_701, %select_n3A_703 : vector<16xf32>
    %eq3A_707 = arith.cmpf oeq, %sub3A_677, %max3A_686 : vector<16xf32>
    %select_n3A_708 = arith.select %eq3A_707, %broadcast_in_dim3A_1, %broadcast_in_dim3A_3 : vector<16xi1>, vector<16xf32>
    %sub3A_709 = arith.subf %broadcast_in_dim3A_1, %max3A_706 : vector<16xf32>
    %mul3A_710 = arith.mulf %select_n3A_708, %sub3A_709 : vector<16xf32>
    %max3A_711 = arith.maximumf %max3A_706, %select_n3A_708 : vector<16xf32>
    %eq3A_712 = arith.cmpf oeq, %sub3A_681, %max3A_686 : vector<16xf32>
    %select_n3A_713 = arith.select %eq3A_712, %broadcast_in_dim3A_1, %broadcast_in_dim3A_3 : vector<16xi1>, vector<16xf32>
    %sub3A_714 = arith.subf %broadcast_in_dim3A_1, %max3A_711 : vector<16xf32>
    %mul3A_715 = arith.mulf %select_n3A_713, %sub3A_714 : vector<16xf32>
    %max3A_716 = arith.maximumf %max3A_711, %select_n3A_713 : vector<16xf32>
    %sub3A_717 = arith.subf %max3A_686, %max3A_627 : vector<16xf32>
    %exp3A_718 = math.exp %sub3A_717 : vector<16xf32>
    %add3A_719 = arith.constant 1.000000e+00 : f32
    %add3A_720 = vector.broadcast %add3A_719 : f32 to vector<16xf32>
    %add3A_721 = arith.addf %add3A_720, %exp3A_718 : vector<16xf32>
    %div3A_722 = arith.constant 1.000000e+00 : f32
    %div3A_723 = vector.broadcast %div3A_722 : f32 to vector<16xf32>
    %div3A_724 = arith.divf %div3A_723, %add3A_721 : vector<16xf32>
    %mul3A_725 = arith.mulf %exp3A_718, %div3A_724 : vector<16xf32>
    %mul3A_726 = arith.mulf %mul3A_631, %div3A_724 : vector<16xf32>
    %mul3A_727 = arith.mulf %mul3A_690, %mul3A_725 : vector<16xf32>
    %add3A_728 = arith.addf %mul3A_726, %mul3A_727 : vector<16xf32>
    %swap3A_729 = arith.constant 0 : i32
    %swap3A_730 = arith.index_cast %swap3A_729 : i32 to index
    %swap3A_731 = arith.constant 48 : index
    %swap3A_732 = tpu.vector_load %arg5[%swap3A_730, %swap3A_731] {strides = array<i32>} : memref<8x128xf32, #tpu.memory_space<vmem>>, vector<1x16xf32>,
    %swap3A_733 = vector.shape_cast %swap3A_732 : vector<1x16xf32> to vector<16xf32>
    %swap3A_734 = vector.shape_cast %add3A_728 : vector<16xf32> to vector<1x16xf32>
    tpu.vector_store %arg5[%swap3A_730, %swap3A_731], %swap3A_734 {strides = array<i32>} : memref<8x128xf32, #tpu.memory_space<vmem>>, vector<1x16xf32>,
    %mul3A_735 = arith.mulf %mul3A_636, %div3A_724 : vector<16xf32>
    %mul3A_736 = arith.mulf %mul3A_695, %mul3A_725 : vector<16xf32>
    %add3A_737 = arith.addf %mul3A_735, %mul3A_736 : vector<16xf32>
    %swap3A_738 = arith.constant 1 : i32
    %swap3A_739 = arith.index_cast %swap3A_738 : i32 to index
    %swap3A_740 = arith.constant 48 : index
    %swap3A_741 = tpu.vector_load %arg5[%swap3A_739, %swap3A_740] {strides = array<i32>} : memref<8x128xf32, #tpu.memory_space<vmem>>, vector<1x16xf32>,
    %swap3A_742 = vector.shape_cast %swap3A_741 : vector<1x16xf32> to vector<16xf32>
    %swap3A_743 = vector.shape_cast %add3A_737 : vector<16xf32> to vector<1x16xf32>
    tpu.vector_store %arg5[%swap3A_739, %swap3A_740], %swap3A_743 {strides = array<i32>} : memref<8x128xf32, #tpu.memory_space<vmem>>, vector<1x16xf32>,
    %mul3A_744 = arith.mulf %mul3A_641, %div3A_724 : vector<16xf32>
    %mul3A_745 = arith.mulf %mul3A_700, %mul3A_725 : vector<16xf32>
    %add3A_746 = arith.addf %mul3A_744, %mul3A_745 : vector<16xf32>
    %swap3A_747 = arith.constant 2 : i32
    %swap3A_748 = arith.index_cast %swap3A_747 : i32 to index
    %swap3A_749 = arith.constant 48 : index
    %swap3A_750 = tpu.vector_load %arg5[%swap3A_748, %swap3A_749] {strides = array<i32>} : memref<8x128xf32, #tpu.memory_space<vmem>>, vector<1x16xf32>,
    %swap3A_751 = vector.shape_cast %swap3A_750 : vector<1x16xf32> to vector<16xf32>
    %swap3A_752 = vector.shape_cast %add3A_746 : vector<16xf32> to vector<1x16xf32>
    tpu.vector_store %arg5[%swap3A_748, %swap3A_749], %swap3A_752 {strides = array<i32>} : memref<8x128xf32, #tpu.memory_space<vmem>>, vector<1x16xf32>,
    %mul3A_753 = arith.mulf %mul3A_646, %div3A_724 : vector<16xf32>
    %mul3A_754 = arith.mulf %mul3A_705, %mul3A_725 : vector<16xf32>
    %add3A_755 = arith.addf %mul3A_753, %mul3A_754 : vector<16xf32>
    %swap3A_756 = arith.constant 3 : i32
    %swap3A_757 = arith.index_cast %swap3A_756 : i32 to index
    %swap3A_758 = arith.constant 48 : index
    %swap3A_759 = tpu.vector_load %arg5[%swap3A_757, %swap3A_758] {strides = array<i32>} : memref<8x128xf32, #tpu.memory_space<vmem>>, vector<1x16xf32>,
    %swap3A_760 = vector.shape_cast %swap3A_759 : vector<1x16xf32> to vector<16xf32>
    %swap3A_761 = vector.shape_cast %add3A_755 : vector<16xf32> to vector<1x16xf32>
    tpu.vector_store %arg5[%swap3A_757, %swap3A_758], %swap3A_761 {strides = array<i32>} : memref<8x128xf32, #tpu.memory_space<vmem>>, vector<1x16xf32>,
    %mul3A_762 = arith.mulf %mul3A_651, %div3A_724 : vector<16xf32>
    %mul3A_763 = arith.mulf %mul3A_710, %mul3A_725 : vector<16xf32>
    %add3A_764 = arith.addf %mul3A_762, %mul3A_763 : vector<16xf32>
    %swap3A_765 = arith.constant 4 : i32
    %swap3A_766 = arith.index_cast %swap3A_765 : i32 to index
    %swap3A_767 = arith.constant 48 : index
    %swap3A_768 = tpu.vector_load %arg5[%swap3A_766, %swap3A_767] {strides = array<i32>} : memref<8x128xf32, #tpu.memory_space<vmem>>, vector<1x16xf32>,
    %swap3A_769 = vector.shape_cast %swap3A_768 : vector<1x16xf32> to vector<16xf32>
    %swap3A_770 = vector.shape_cast %add3A_764 : vector<16xf32> to vector<1x16xf32>
    tpu.vector_store %arg5[%swap3A_766, %swap3A_767], %swap3A_770 {strides = array<i32>} : memref<8x128xf32, #tpu.memory_space<vmem>>, vector<1x16xf32>,
    %mul3A_771 = arith.mulf %mul3A_656, %div3A_724 : vector<16xf32>
    %mul3A_772 = arith.mulf %mul3A_715, %mul3A_725 : vector<16xf32>
    %add3A_773 = arith.addf %mul3A_771, %mul3A_772 : vector<16xf32>
    %swap3A_774 = arith.constant 5 : i32
    %swap3A_775 = arith.index_cast %swap3A_774 : i32 to index
    %swap3A_776 = arith.constant 48 : index
    %swap3A_777 = tpu.vector_load %arg5[%swap3A_775, %swap3A_776] {strides = array<i32>} : memref<8x128xf32, #tpu.memory_space<vmem>>, vector<1x16xf32>,
    %swap3A_778 = vector.shape_cast %swap3A_777 : vector<1x16xf32> to vector<16xf32>
    %swap3A_779 = vector.shape_cast %add3A_773 : vector<16xf32> to vector<1x16xf32>
    tpu.vector_store %arg5[%swap3A_775, %swap3A_776], %swap3A_779 {strides = array<i32>} : memref<8x128xf32, #tpu.memory_space<vmem>>, vector<1x16xf32>,
    %swap3A_780 = arith.constant 6 : i32
    %swap3A_781 = arith.index_cast %swap3A_780 : i32 to index
    %swap3A_782 = arith.constant 48 : index
    %swap3A_783 = tpu.vector_load %arg5[%swap3A_781, %swap3A_782] {strides = array<i32>} : memref<8x128xf32, #tpu.memory_space<vmem>>, vector<1x16xf32>,
    %swap3A_784 = vector.shape_cast %swap3A_783 : vector<1x16xf32> to vector<16xf32>
    %swap3A_785 = vector.shape_cast %broadcast_in_dim3A_3 : vector<16xf32> to vector<1x16xf32>
    tpu.vector_store %arg5[%swap3A_781, %swap3A_782], %swap3A_785 {strides = array<i32>} : memref<8x128xf32, #tpu.memory_space<vmem>>, vector<1x16xf32>,
    %swap3A_786 = arith.constant 7 : i32
    %swap3A_787 = arith.index_cast %swap3A_786 : i32 to index
    %swap3A_788 = arith.constant 48 : index
    %swap3A_789 = tpu.vector_load %arg5[%swap3A_787, %swap3A_788] {strides = array<i32>} : memref<8x128xf32, #tpu.memory_space<vmem>>, vector<1x16xf32>,
    %swap3A_790 = vector.shape_cast %swap3A_789 : vector<1x16xf32> to vector<16xf32>
    %swap3A_791 = vector.shape_cast %broadcast_in_dim3A_3 : vector<16xf32> to vector<1x16xf32>
    tpu.vector_store %arg5[%swap3A_787, %swap3A_788], %swap3A_791 {strides = array<i32>} : memref<8x128xf32, #tpu.memory_space<vmem>>, vector<1x16xf32>,
    %get3A_792 = arith.constant 0 : i32
    %get3A_793 = arith.index_cast %get3A_792 : i32 to index
    %get3A_794 = arith.constant 64 : index
    %get3A_795 = tpu.vector_load %arg4[%get3A_793, %get3A_794] {strides = array<i32>} : memref<8x128xf32, #tpu.memory_space<vmem>>, vector<1x16xf32>,
    %get3A_796 = vector.shape_cast %get3A_795 : vector<1x16xf32> to vector<16xf32>
    %get3A_797 = arith.constant 1 : i32
    %get3A_798 = arith.index_cast %get3A_797 : i32 to index
    %get3A_799 = arith.constant 64 : index
    %get3A_800 = tpu.vector_load %arg4[%get3A_798, %get3A_799] {strides = array<i32>} : memref<8x128xf32, #tpu.memory_space<vmem>>, vector<1x16xf32>,
    %get3A_801 = vector.shape_cast %get3A_800 : vector<1x16xf32> to vector<16xf32>
    %get3A_802 = arith.constant 2 : i32
    %get3A_803 = arith.index_cast %get3A_802 : i32 to index
    %get3A_804 = arith.constant 64 : index
    %get3A_805 = tpu.vector_load %arg4[%get3A_803, %get3A_804] {strides = array<i32>} : memref<8x128xf32, #tpu.memory_space<vmem>>, vector<1x16xf32>,
    %get3A_806 = vector.shape_cast %get3A_805 : vector<1x16xf32> to vector<16xf32>
    %get3A_807 = arith.constant 3 : i32
    %get3A_808 = arith.index_cast %get3A_807 : i32 to index
    %get3A_809 = arith.constant 64 : index
    %get3A_810 = tpu.vector_load %arg4[%get3A_808, %get3A_809] {strides = array<i32>} : memref<8x128xf32, #tpu.memory_space<vmem>>, vector<1x16xf32>,
    %get3A_811 = vector.shape_cast %get3A_810 : vector<1x16xf32> to vector<16xf32>
    %get3A_812 = arith.constant 4 : i32
    %get3A_813 = arith.index_cast %get3A_812 : i32 to index
    %get3A_814 = arith.constant 64 : index
    %get3A_815 = tpu.vector_load %arg4[%get3A_813, %get3A_814] {strides = array<i32>} : memref<8x128xf32, #tpu.memory_space<vmem>>, vector<1x16xf32>,
    %get3A_816 = vector.shape_cast %get3A_815 : vector<1x16xf32> to vector<16xf32>
    %get3A_817 = arith.constant 5 : i32
    %get3A_818 = arith.index_cast %get3A_817 : i32 to index
    %get3A_819 = arith.constant 64 : index
    %get3A_820 = tpu.vector_load %arg4[%get3A_818, %get3A_819] {strides = array<i32>} : memref<8x128xf32, #tpu.memory_space<vmem>>, vector<1x16xf32>,
    %get3A_821 = vector.shape_cast %get3A_820 : vector<1x16xf32> to vector<16xf32>
    %max3A_822 = arith.maximumf %get3A_796, %get3A_801 : vector<16xf32>
    %max3A_823 = arith.maximumf %max3A_822, %get3A_806 : vector<16xf32>
    %max3A_824 = arith.maximumf %max3A_823, %get3A_811 : vector<16xf32>
    %max3A_825 = arith.maximumf %max3A_824, %get3A_816 : vector<16xf32>
    %max3A_826 = arith.maximumf %max3A_825, %get3A_821 : vector<16xf32>
    %eq3A_827 = arith.cmpf oeq, %get3A_796, %max3A_826 : vector<16xf32>
    %select_n3A_828 = arith.select %eq3A_827, %broadcast_in_dim3A_1, %broadcast_in_dim3A_3 : vector<16xi1>, vector<16xf32>
    %sub3A_829 = arith.subf %broadcast_in_dim3A_1, %broadcast_in_dim3A_3 : vector<16xf32>
    %mul3A_830 = arith.mulf %select_n3A_828, %sub3A_829 : vector<16xf32>
    %max3A_831 = arith.maximumf %broadcast_in_dim3A_3, %select_n3A_828 : vector<16xf32>
    %eq3A_832 = arith.cmpf oeq, %get3A_801, %max3A_826 : vector<16xf32>
    %select_n3A_833 = arith.select %eq3A_832, %broadcast_in_dim3A_1, %broadcast_in_dim3A_3 : vector<16xi1>, vector<16xf32>
    %sub3A_834 = arith.subf %broadcast_in_dim3A_1, %max3A_831 : vector<16xf32>
    %mul3A_835 = arith.mulf %select_n3A_833, %sub3A_834 : vector<16xf32>
    %max3A_836 = arith.maximumf %max3A_831, %select_n3A_833 : vector<16xf32>
    %eq3A_837 = arith.cmpf oeq, %get3A_806, %max3A_826 : vector<16xf32>
    %select_n3A_838 = arith.select %eq3A_837, %broadcast_in_dim3A_1, %broadcast_in_dim3A_3 : vector<16xi1>, vector<16xf32>
    %sub3A_839 = arith.subf %broadcast_in_dim3A_1, %max3A_836 : vector<16xf32>
    %mul3A_840 = arith.mulf %select_n3A_838, %sub3A_839 : vector<16xf32>
    %max3A_841 = arith.maximumf %max3A_836, %select_n3A_838 : vector<16xf32>
    %eq3A_842 = arith.cmpf oeq, %get3A_811, %max3A_826 : vector<16xf32>
    %select_n3A_843 = arith.select %eq3A_842, %broadcast_in_dim3A_1, %broadcast_in_dim3A_3 : vector<16xi1>, vector<16xf32>
    %sub3A_844 = arith.subf %broadcast_in_dim3A_1, %max3A_841 : vector<16xf32>
    %mul3A_845 = arith.mulf %select_n3A_843, %sub3A_844 : vector<16xf32>
    %max3A_846 = arith.maximumf %max3A_841, %select_n3A_843 : vector<16xf32>
    %eq3A_847 = arith.cmpf oeq, %get3A_816, %max3A_826 : vector<16xf32>
    %select_n3A_848 = arith.select %eq3A_847, %broadcast_in_dim3A_1, %broadcast_in_dim3A_3 : vector<16xi1>, vector<16xf32>
    %sub3A_849 = arith.subf %broadcast_in_dim3A_1, %max3A_846 : vector<16xf32>
    %mul3A_850 = arith.mulf %select_n3A_848, %sub3A_849 : vector<16xf32>
    %max3A_851 = arith.maximumf %max3A_846, %select_n3A_848 : vector<16xf32>
    %eq3A_852 = arith.cmpf oeq, %get3A_821, %max3A_826 : vector<16xf32>
    %select_n3A_853 = arith.select %eq3A_852, %broadcast_in_dim3A_1, %broadcast_in_dim3A_3 : vector<16xi1>, vector<16xf32>
    %sub3A_854 = arith.subf %broadcast_in_dim3A_1, %max3A_851 : vector<16xf32>
    %mul3A_855 = arith.mulf %select_n3A_853, %sub3A_854 : vector<16xf32>
    %max3A_856 = arith.maximumf %max3A_851, %select_n3A_853 : vector<16xf32>
    %mul3A_857 = arith.constant 1.000000e+30 : f32
    %mul3A_858 = vector.broadcast %mul3A_857 : f32 to vector<16xf32>
    %mul3A_859 = arith.mulf %mul3A_830, %mul3A_858 : vector<16xf32>
    %sub3A_860 = arith.subf %get3A_796, %mul3A_859 : vector<16xf32>
    %mul3A_861 = arith.constant 1.000000e+30 : f32
    %mul3A_862 = vector.broadcast %mul3A_861 : f32 to vector<16xf32>
    %mul3A_863 = arith.mulf %mul3A_835, %mul3A_862 : vector<16xf32>
    %sub3A_864 = arith.subf %get3A_801, %mul3A_863 : vector<16xf32>
    %mul3A_865 = arith.constant 1.000000e+30 : f32
    %mul3A_866 = vector.broadcast %mul3A_865 : f32 to vector<16xf32>
    %mul3A_867 = arith.mulf %mul3A_840, %mul3A_866 : vector<16xf32>
    %sub3A_868 = arith.subf %get3A_806, %mul3A_867 : vector<16xf32>
    %mul3A_869 = arith.constant 1.000000e+30 : f32
    %mul3A_870 = vector.broadcast %mul3A_869 : f32 to vector<16xf32>
    %mul3A_871 = arith.mulf %mul3A_845, %mul3A_870 : vector<16xf32>
    %sub3A_872 = arith.subf %get3A_811, %mul3A_871 : vector<16xf32>
    %mul3A_873 = arith.constant 1.000000e+30 : f32
    %mul3A_874 = vector.broadcast %mul3A_873 : f32 to vector<16xf32>
    %mul3A_875 = arith.mulf %mul3A_850, %mul3A_874 : vector<16xf32>
    %sub3A_876 = arith.subf %get3A_816, %mul3A_875 : vector<16xf32>
    %mul3A_877 = arith.constant 1.000000e+30 : f32
    %mul3A_878 = vector.broadcast %mul3A_877 : f32 to vector<16xf32>
    %mul3A_879 = arith.mulf %mul3A_855, %mul3A_878 : vector<16xf32>
    %sub3A_880 = arith.subf %get3A_821, %mul3A_879 : vector<16xf32>
    %max3A_881 = arith.maximumf %sub3A_860, %sub3A_864 : vector<16xf32>
    %max3A_882 = arith.maximumf %max3A_881, %sub3A_868 : vector<16xf32>
    %max3A_883 = arith.maximumf %max3A_882, %sub3A_872 : vector<16xf32>
    %max3A_884 = arith.maximumf %max3A_883, %sub3A_876 : vector<16xf32>
    %max3A_885 = arith.maximumf %max3A_884, %sub3A_880 : vector<16xf32>
    %eq3A_886 = arith.cmpf oeq, %sub3A_860, %max3A_885 : vector<16xf32>
    %select_n3A_887 = arith.select %eq3A_886, %broadcast_in_dim3A_1, %broadcast_in_dim3A_3 : vector<16xi1>, vector<16xf32>
    %sub3A_888 = arith.subf %broadcast_in_dim3A_1, %broadcast_in_dim3A_3 : vector<16xf32>
    %mul3A_889 = arith.mulf %select_n3A_887, %sub3A_888 : vector<16xf32>
    %max3A_890 = arith.maximumf %broadcast_in_dim3A_3, %select_n3A_887 : vector<16xf32>
    %eq3A_891 = arith.cmpf oeq, %sub3A_864, %max3A_885 : vector<16xf32>
    %select_n3A_892 = arith.select %eq3A_891, %broadcast_in_dim3A_1, %broadcast_in_dim3A_3 : vector<16xi1>, vector<16xf32>
    %sub3A_893 = arith.subf %broadcast_in_dim3A_1, %max3A_890 : vector<16xf32>
    %mul3A_894 = arith.mulf %select_n3A_892, %sub3A_893 : vector<16xf32>
    %max3A_895 = arith.maximumf %max3A_890, %select_n3A_892 : vector<16xf32>
    %eq3A_896 = arith.cmpf oeq, %sub3A_868, %max3A_885 : vector<16xf32>
    %select_n3A_897 = arith.select %eq3A_896, %broadcast_in_dim3A_1, %broadcast_in_dim3A_3 : vector<16xi1>, vector<16xf32>
    %sub3A_898 = arith.subf %broadcast_in_dim3A_1, %max3A_895 : vector<16xf32>
    %mul3A_899 = arith.mulf %select_n3A_897, %sub3A_898 : vector<16xf32>
    %max3A_900 = arith.maximumf %max3A_895, %select_n3A_897 : vector<16xf32>
    %eq3A_901 = arith.cmpf oeq, %sub3A_872, %max3A_885 : vector<16xf32>
    %select_n3A_902 = arith.select %eq3A_901, %broadcast_in_dim3A_1, %broadcast_in_dim3A_3 : vector<16xi1>, vector<16xf32>
    %sub3A_903 = arith.subf %broadcast_in_dim3A_1, %max3A_900 : vector<16xf32>
    %mul3A_904 = arith.mulf %select_n3A_902, %sub3A_903 : vector<16xf32>
    %max3A_905 = arith.maximumf %max3A_900, %select_n3A_902 : vector<16xf32>
    %eq3A_906 = arith.cmpf oeq, %sub3A_876, %max3A_885 : vector<16xf32>
    %select_n3A_907 = arith.select %eq3A_906, %broadcast_in_dim3A_1, %broadcast_in_dim3A_3 : vector<16xi1>, vector<16xf32>
    %sub3A_908 = arith.subf %broadcast_in_dim3A_1, %max3A_905 : vector<16xf32>
    %mul3A_909 = arith.mulf %select_n3A_907, %sub3A_908 : vector<16xf32>
    %max3A_910 = arith.maximumf %max3A_905, %select_n3A_907 : vector<16xf32>
    %eq3A_911 = arith.cmpf oeq, %sub3A_880, %max3A_885 : vector<16xf32>
    %select_n3A_912 = arith.select %eq3A_911, %broadcast_in_dim3A_1, %broadcast_in_dim3A_3 : vector<16xi1>, vector<16xf32>
    %sub3A_913 = arith.subf %broadcast_in_dim3A_1, %max3A_910 : vector<16xf32>
    %mul3A_914 = arith.mulf %select_n3A_912, %sub3A_913 : vector<16xf32>
    %max3A_915 = arith.maximumf %max3A_910, %select_n3A_912 : vector<16xf32>
    %sub3A_916 = arith.subf %max3A_885, %max3A_826 : vector<16xf32>
    %exp3A_917 = math.exp %sub3A_916 : vector<16xf32>
    %add3A_918 = arith.constant 1.000000e+00 : f32
    %add3A_919 = vector.broadcast %add3A_918 : f32 to vector<16xf32>
    %add3A_920 = arith.addf %add3A_919, %exp3A_917 : vector<16xf32>
    %div3A_921 = arith.constant 1.000000e+00 : f32
    %div3A_922 = vector.broadcast %div3A_921 : f32 to vector<16xf32>
    %div3A_923 = arith.divf %div3A_922, %add3A_920 : vector<16xf32>
    %mul3A_924 = arith.mulf %exp3A_917, %div3A_923 : vector<16xf32>
    %mul3A_925 = arith.mulf %mul3A_830, %div3A_923 : vector<16xf32>
    %mul3A_926 = arith.mulf %mul3A_889, %mul3A_924 : vector<16xf32>
    %add3A_927 = arith.addf %mul3A_925, %mul3A_926 : vector<16xf32>
    %swap3A_928 = arith.constant 0 : i32
    %swap3A_929 = arith.index_cast %swap3A_928 : i32 to index
    %swap3A_930 = arith.constant 64 : index
    %swap3A_931 = tpu.vector_load %arg5[%swap3A_929, %swap3A_930] {strides = array<i32>} : memref<8x128xf32, #tpu.memory_space<vmem>>, vector<1x16xf32>,
    %swap3A_932 = vector.shape_cast %swap3A_931 : vector<1x16xf32> to vector<16xf32>
    %swap3A_933 = vector.shape_cast %add3A_927 : vector<16xf32> to vector<1x16xf32>
    tpu.vector_store %arg5[%swap3A_929, %swap3A_930], %swap3A_933 {strides = array<i32>} : memref<8x128xf32, #tpu.memory_space<vmem>>, vector<1x16xf32>,
    %mul3A_934 = arith.mulf %mul3A_835, %div3A_923 : vector<16xf32>
    %mul3A_935 = arith.mulf %mul3A_894, %mul3A_924 : vector<16xf32>
    %add3A_936 = arith.addf %mul3A_934, %mul3A_935 : vector<16xf32>
    %swap3A_937 = arith.constant 1 : i32
    %swap3A_938 = arith.index_cast %swap3A_937 : i32 to index
    %swap3A_939 = arith.constant 64 : index
    %swap3A_940 = tpu.vector_load %arg5[%swap3A_938, %swap3A_939] {strides = array<i32>} : memref<8x128xf32, #tpu.memory_space<vmem>>, vector<1x16xf32>,
    %swap3A_941 = vector.shape_cast %swap3A_940 : vector<1x16xf32> to vector<16xf32>
    %swap3A_942 = vector.shape_cast %add3A_936 : vector<16xf32> to vector<1x16xf32>
    tpu.vector_store %arg5[%swap3A_938, %swap3A_939], %swap3A_942 {strides = array<i32>} : memref<8x128xf32, #tpu.memory_space<vmem>>, vector<1x16xf32>,
    %mul3A_943 = arith.mulf %mul3A_840, %div3A_923 : vector<16xf32>
    %mul3A_944 = arith.mulf %mul3A_899, %mul3A_924 : vector<16xf32>
    %add3A_945 = arith.addf %mul3A_943, %mul3A_944 : vector<16xf32>
    %swap3A_946 = arith.constant 2 : i32
    %swap3A_947 = arith.index_cast %swap3A_946 : i32 to index
    %swap3A_948 = arith.constant 64 : index
    %swap3A_949 = tpu.vector_load %arg5[%swap3A_947, %swap3A_948] {strides = array<i32>} : memref<8x128xf32, #tpu.memory_space<vmem>>, vector<1x16xf32>,
    %swap3A_950 = vector.shape_cast %swap3A_949 : vector<1x16xf32> to vector<16xf32>
    %swap3A_951 = vector.shape_cast %add3A_945 : vector<16xf32> to vector<1x16xf32>
    tpu.vector_store %arg5[%swap3A_947, %swap3A_948], %swap3A_951 {strides = array<i32>} : memref<8x128xf32, #tpu.memory_space<vmem>>, vector<1x16xf32>,
    %mul3A_952 = arith.mulf %mul3A_845, %div3A_923 : vector<16xf32>
    %mul3A_953 = arith.mulf %mul3A_904, %mul3A_924 : vector<16xf32>
    %add3A_954 = arith.addf %mul3A_952, %mul3A_953 : vector<16xf32>
    %swap3A_955 = arith.constant 3 : i32
    %swap3A_956 = arith.index_cast %swap3A_955 : i32 to index
    %swap3A_957 = arith.constant 64 : index
    %swap3A_958 = tpu.vector_load %arg5[%swap3A_956, %swap3A_957] {strides = array<i32>} : memref<8x128xf32, #tpu.memory_space<vmem>>, vector<1x16xf32>,
    %swap3A_959 = vector.shape_cast %swap3A_958 : vector<1x16xf32> to vector<16xf32>
    %swap3A_960 = vector.shape_cast %add3A_954 : vector<16xf32> to vector<1x16xf32>
    tpu.vector_store %arg5[%swap3A_956, %swap3A_957], %swap3A_960 {strides = array<i32>} : memref<8x128xf32, #tpu.memory_space<vmem>>, vector<1x16xf32>,
    %mul3A_961 = arith.mulf %mul3A_850, %div3A_923 : vector<16xf32>
    %mul3A_962 = arith.mulf %mul3A_909, %mul3A_924 : vector<16xf32>
    %add3A_963 = arith.addf %mul3A_961, %mul3A_962 : vector<16xf32>
    %swap3A_964 = arith.constant 4 : i32
    %swap3A_965 = arith.index_cast %swap3A_964 : i32 to index
    %swap3A_966 = arith.constant 64 : index
    %swap3A_967 = tpu.vector_load %arg5[%swap3A_965, %swap3A_966] {strides = array<i32>} : memref<8x128xf32, #tpu.memory_space<vmem>>, vector<1x16xf32>,
    %swap3A_968 = vector.shape_cast %swap3A_967 : vector<1x16xf32> to vector<16xf32>
    %swap3A_969 = vector.shape_cast %add3A_963 : vector<16xf32> to vector<1x16xf32>
    tpu.vector_store %arg5[%swap3A_965, %swap3A_966], %swap3A_969 {strides = array<i32>} : memref<8x128xf32, #tpu.memory_space<vmem>>, vector<1x16xf32>,
    %mul3A_970 = arith.mulf %mul3A_855, %div3A_923 : vector<16xf32>
    %mul3A_971 = arith.mulf %mul3A_914, %mul3A_924 : vector<16xf32>
    %add3A_972 = arith.addf %mul3A_970, %mul3A_971 : vector<16xf32>
    %swap3A_973 = arith.constant 5 : i32
    %swap3A_974 = arith.index_cast %swap3A_973 : i32 to index
    %swap3A_975 = arith.constant 64 : index
    %swap3A_976 = tpu.vector_load %arg5[%swap3A_974, %swap3A_975] {strides = array<i32>} : memref<8x128xf32, #tpu.memory_space<vmem>>, vector<1x16xf32>,
    %swap3A_977 = vector.shape_cast %swap3A_976 : vector<1x16xf32> to vector<16xf32>
    %swap3A_978 = vector.shape_cast %add3A_972 : vector<16xf32> to vector<1x16xf32>
    tpu.vector_store %arg5[%swap3A_974, %swap3A_975], %swap3A_978 {strides = array<i32>} : memref<8x128xf32, #tpu.memory_space<vmem>>, vector<1x16xf32>,
    %swap3A_979 = arith.constant 6 : i32
    %swap3A_980 = arith.index_cast %swap3A_979 : i32 to index
    %swap3A_981 = arith.constant 64 : index
    %swap3A_982 = tpu.vector_load %arg5[%swap3A_980, %swap3A_981] {strides = array<i32>} : memref<8x128xf32, #tpu.memory_space<vmem>>, vector<1x16xf32>,
    %swap3A_983 = vector.shape_cast %swap3A_982 : vector<1x16xf32> to vector<16xf32>
    %swap3A_984 = vector.shape_cast %broadcast_in_dim3A_3 : vector<16xf32> to vector<1x16xf32>
    tpu.vector_store %arg5[%swap3A_980, %swap3A_981], %swap3A_984 {strides = array<i32>} : memref<8x128xf32, #tpu.memory_space<vmem>>, vector<1x16xf32>,
    %swap3A_985 = arith.constant 7 : i32
    %swap3A_986 = arith.index_cast %swap3A_985 : i32 to index
    %swap3A_987 = arith.constant 64 : index
    %swap3A_988 = tpu.vector_load %arg5[%swap3A_986, %swap3A_987] {strides = array<i32>} : memref<8x128xf32, #tpu.memory_space<vmem>>, vector<1x16xf32>,
    %swap3A_989 = vector.shape_cast %swap3A_988 : vector<1x16xf32> to vector<16xf32>
    %swap3A_990 = vector.shape_cast %broadcast_in_dim3A_3 : vector<16xf32> to vector<1x16xf32>
    tpu.vector_store %arg5[%swap3A_986, %swap3A_987], %swap3A_990 {strides = array<i32>} : memref<8x128xf32, #tpu.memory_space<vmem>>, vector<1x16xf32>,
    %get3A_991 = arith.constant 0 : i32
    %get3A_992 = arith.index_cast %get3A_991 : i32 to index
    %get3A_993 = arith.constant 80 : index
    %get3A_994 = tpu.vector_load %arg4[%get3A_992, %get3A_993] {strides = array<i32>} : memref<8x128xf32, #tpu.memory_space<vmem>>, vector<1x16xf32>,
    %get3A_995 = vector.shape_cast %get3A_994 : vector<1x16xf32> to vector<16xf32>
    %get3A_996 = arith.constant 1 : i32
    %get3A_997 = arith.index_cast %get3A_996 : i32 to index
    %get3A_998 = arith.constant 80 : index
    %get3A_999 = tpu.vector_load %arg4[%get3A_997, %get3A_998] {strides = array<i32>} : memref<8x128xf32, #tpu.memory_space<vmem>>, vector<1x16xf32>,
    %get3A_1000 = vector.shape_cast %get3A_999 : vector<1x16xf32> to vector<16xf32>
    %get3A_1001 = arith.constant 2 : i32
    %get3A_1002 = arith.index_cast %get3A_1001 : i32 to index
    %get3A_1003 = arith.constant 80 : index
    %get3A_1004 = tpu.vector_load %arg4[%get3A_1002, %get3A_1003] {strides = array<i32>} : memref<8x128xf32, #tpu.memory_space<vmem>>, vector<1x16xf32>,
    %get3A_1005 = vector.shape_cast %get3A_1004 : vector<1x16xf32> to vector<16xf32>
    %get3A_1006 = arith.constant 3 : i32
    %get3A_1007 = arith.index_cast %get3A_1006 : i32 to index
    %get3A_1008 = arith.constant 80 : index
    %get3A_1009 = tpu.vector_load %arg4[%get3A_1007, %get3A_1008] {strides = array<i32>} : memref<8x128xf32, #tpu.memory_space<vmem>>, vector<1x16xf32>,
    %get3A_1010 = vector.shape_cast %get3A_1009 : vector<1x16xf32> to vector<16xf32>
    %get3A_1011 = arith.constant 4 : i32
    %get3A_1012 = arith.index_cast %get3A_1011 : i32 to index
    %get3A_1013 = arith.constant 80 : index
    %get3A_1014 = tpu.vector_load %arg4[%get3A_1012, %get3A_1013] {strides = array<i32>} : memref<8x128xf32, #tpu.memory_space<vmem>>, vector<1x16xf32>,
    %get3A_1015 = vector.shape_cast %get3A_1014 : vector<1x16xf32> to vector<16xf32>
    %get3A_1016 = arith.constant 5 : i32
    %get3A_1017 = arith.index_cast %get3A_1016 : i32 to index
    %get3A_1018 = arith.constant 80 : index
    %get3A_1019 = tpu.vector_load %arg4[%get3A_1017, %get3A_1018] {strides = array<i32>} : memref<8x128xf32, #tpu.memory_space<vmem>>, vector<1x16xf32>,
    %get3A_1020 = vector.shape_cast %get3A_1019 : vector<1x16xf32> to vector<16xf32>
    %max3A_1021 = arith.maximumf %get3A_995, %get3A_1000 : vector<16xf32>
    %max3A_1022 = arith.maximumf %max3A_1021, %get3A_1005 : vector<16xf32>
    %max3A_1023 = arith.maximumf %max3A_1022, %get3A_1010 : vector<16xf32>
    %max3A_1024 = arith.maximumf %max3A_1023, %get3A_1015 : vector<16xf32>
    %max3A_1025 = arith.maximumf %max3A_1024, %get3A_1020 : vector<16xf32>
    %eq3A_1026 = arith.cmpf oeq, %get3A_995, %max3A_1025 : vector<16xf32>
    %select_n3A_1027 = arith.select %eq3A_1026, %broadcast_in_dim3A_1, %broadcast_in_dim3A_3 : vector<16xi1>, vector<16xf32>
    %sub3A_1028 = arith.subf %broadcast_in_dim3A_1, %broadcast_in_dim3A_3 : vector<16xf32>
    %mul3A_1029 = arith.mulf %select_n3A_1027, %sub3A_1028 : vector<16xf32>
    %max3A_1030 = arith.maximumf %broadcast_in_dim3A_3, %select_n3A_1027 : vector<16xf32>
    %eq3A_1031 = arith.cmpf oeq, %get3A_1000, %max3A_1025 : vector<16xf32>
    %select_n3A_1032 = arith.select %eq3A_1031, %broadcast_in_dim3A_1, %broadcast_in_dim3A_3 : vector<16xi1>, vector<16xf32>
    %sub3A_1033 = arith.subf %broadcast_in_dim3A_1, %max3A_1030 : vector<16xf32>
    %mul3A_1034 = arith.mulf %select_n3A_1032, %sub3A_1033 : vector<16xf32>
    %max3A_1035 = arith.maximumf %max3A_1030, %select_n3A_1032 : vector<16xf32>
    %eq3A_1036 = arith.cmpf oeq, %get3A_1005, %max3A_1025 : vector<16xf32>
    %select_n3A_1037 = arith.select %eq3A_1036, %broadcast_in_dim3A_1, %broadcast_in_dim3A_3 : vector<16xi1>, vector<16xf32>
    %sub3A_1038 = arith.subf %broadcast_in_dim3A_1, %max3A_1035 : vector<16xf32>
    %mul3A_1039 = arith.mulf %select_n3A_1037, %sub3A_1038 : vector<16xf32>
    %max3A_1040 = arith.maximumf %max3A_1035, %select_n3A_1037 : vector<16xf32>
    %eq3A_1041 = arith.cmpf oeq, %get3A_1010, %max3A_1025 : vector<16xf32>
    %select_n3A_1042 = arith.select %eq3A_1041, %broadcast_in_dim3A_1, %broadcast_in_dim3A_3 : vector<16xi1>, vector<16xf32>
    %sub3A_1043 = arith.subf %broadcast_in_dim3A_1, %max3A_1040 : vector<16xf32>
    %mul3A_1044 = arith.mulf %select_n3A_1042, %sub3A_1043 : vector<16xf32>
    %max3A_1045 = arith.maximumf %max3A_1040, %select_n3A_1042 : vector<16xf32>
    %eq3A_1046 = arith.cmpf oeq, %get3A_1015, %max3A_1025 : vector<16xf32>
    %select_n3A_1047 = arith.select %eq3A_1046, %broadcast_in_dim3A_1, %broadcast_in_dim3A_3 : vector<16xi1>, vector<16xf32>
    %sub3A_1048 = arith.subf %broadcast_in_dim3A_1, %max3A_1045 : vector<16xf32>
    %mul3A_1049 = arith.mulf %select_n3A_1047, %sub3A_1048 : vector<16xf32>
    %max3A_1050 = arith.maximumf %max3A_1045, %select_n3A_1047 : vector<16xf32>
    %eq3A_1051 = arith.cmpf oeq, %get3A_1020, %max3A_1025 : vector<16xf32>
    %select_n3A_1052 = arith.select %eq3A_1051, %broadcast_in_dim3A_1, %broadcast_in_dim3A_3 : vector<16xi1>, vector<16xf32>
    %sub3A_1053 = arith.subf %broadcast_in_dim3A_1, %max3A_1050 : vector<16xf32>
    %mul3A_1054 = arith.mulf %select_n3A_1052, %sub3A_1053 : vector<16xf32>
    %max3A_1055 = arith.maximumf %max3A_1050, %select_n3A_1052 : vector<16xf32>
    %mul3A_1056 = arith.constant 1.000000e+30 : f32
    %mul3A_1057 = vector.broadcast %mul3A_1056 : f32 to vector<16xf32>
    %mul3A_1058 = arith.mulf %mul3A_1029, %mul3A_1057 : vector<16xf32>
    %sub3A_1059 = arith.subf %get3A_995, %mul3A_1058 : vector<16xf32>
    %mul3A_1060 = arith.constant 1.000000e+30 : f32
    %mul3A_1061 = vector.broadcast %mul3A_1060 : f32 to vector<16xf32>
    %mul3A_1062 = arith.mulf %mul3A_1034, %mul3A_1061 : vector<16xf32>
    %sub3A_1063 = arith.subf %get3A_1000, %mul3A_1062 : vector<16xf32>
    %mul3A_1064 = arith.constant 1.000000e+30 : f32
    %mul3A_1065 = vector.broadcast %mul3A_1064 : f32 to vector<16xf32>
    %mul3A_1066 = arith.mulf %mul3A_1039, %mul3A_1065 : vector<16xf32>
    %sub3A_1067 = arith.subf %get3A_1005, %mul3A_1066 : vector<16xf32>
    %mul3A_1068 = arith.constant 1.000000e+30 : f32
    %mul3A_1069 = vector.broadcast %mul3A_1068 : f32 to vector<16xf32>
    %mul3A_1070 = arith.mulf %mul3A_1044, %mul3A_1069 : vector<16xf32>
    %sub3A_1071 = arith.subf %get3A_1010, %mul3A_1070 : vector<16xf32>
    %mul3A_1072 = arith.constant 1.000000e+30 : f32
    %mul3A_1073 = vector.broadcast %mul3A_1072 : f32 to vector<16xf32>
    %mul3A_1074 = arith.mulf %mul3A_1049, %mul3A_1073 : vector<16xf32>
    %sub3A_1075 = arith.subf %get3A_1015, %mul3A_1074 : vector<16xf32>
    %mul3A_1076 = arith.constant 1.000000e+30 : f32
    %mul3A_1077 = vector.broadcast %mul3A_1076 : f32 to vector<16xf32>
    %mul3A_1078 = arith.mulf %mul3A_1054, %mul3A_1077 : vector<16xf32>
    %sub3A_1079 = arith.subf %get3A_1020, %mul3A_1078 : vector<16xf32>
    %max3A_1080 = arith.maximumf %sub3A_1059, %sub3A_1063 : vector<16xf32>
    %max3A_1081 = arith.maximumf %max3A_1080, %sub3A_1067 : vector<16xf32>
    %max3A_1082 = arith.maximumf %max3A_1081, %sub3A_1071 : vector<16xf32>
    %max3A_1083 = arith.maximumf %max3A_1082, %sub3A_1075 : vector<16xf32>
    %max3A_1084 = arith.maximumf %max3A_1083, %sub3A_1079 : vector<16xf32>
    %eq3A_1085 = arith.cmpf oeq, %sub3A_1059, %max3A_1084 : vector<16xf32>
    %select_n3A_1086 = arith.select %eq3A_1085, %broadcast_in_dim3A_1, %broadcast_in_dim3A_3 : vector<16xi1>, vector<16xf32>
    %sub3A_1087 = arith.subf %broadcast_in_dim3A_1, %broadcast_in_dim3A_3 : vector<16xf32>
    %mul3A_1088 = arith.mulf %select_n3A_1086, %sub3A_1087 : vector<16xf32>
    %max3A_1089 = arith.maximumf %broadcast_in_dim3A_3, %select_n3A_1086 : vector<16xf32>
    %eq3A_1090 = arith.cmpf oeq, %sub3A_1063, %max3A_1084 : vector<16xf32>
    %select_n3A_1091 = arith.select %eq3A_1090, %broadcast_in_dim3A_1, %broadcast_in_dim3A_3 : vector<16xi1>, vector<16xf32>
    %sub3A_1092 = arith.subf %broadcast_in_dim3A_1, %max3A_1089 : vector<16xf32>
    %mul3A_1093 = arith.mulf %select_n3A_1091, %sub3A_1092 : vector<16xf32>
    %max3A_1094 = arith.maximumf %max3A_1089, %select_n3A_1091 : vector<16xf32>
    %eq3A_1095 = arith.cmpf oeq, %sub3A_1067, %max3A_1084 : vector<16xf32>
    %select_n3A_1096 = arith.select %eq3A_1095, %broadcast_in_dim3A_1, %broadcast_in_dim3A_3 : vector<16xi1>, vector<16xf32>
    %sub3A_1097 = arith.subf %broadcast_in_dim3A_1, %max3A_1094 : vector<16xf32>
    %mul3A_1098 = arith.mulf %select_n3A_1096, %sub3A_1097 : vector<16xf32>
    %max3A_1099 = arith.maximumf %max3A_1094, %select_n3A_1096 : vector<16xf32>
    %eq3A_1100 = arith.cmpf oeq, %sub3A_1071, %max3A_1084 : vector<16xf32>
    %select_n3A_1101 = arith.select %eq3A_1100, %broadcast_in_dim3A_1, %broadcast_in_dim3A_3 : vector<16xi1>, vector<16xf32>
    %sub3A_1102 = arith.subf %broadcast_in_dim3A_1, %max3A_1099 : vector<16xf32>
    %mul3A_1103 = arith.mulf %select_n3A_1101, %sub3A_1102 : vector<16xf32>
    %max3A_1104 = arith.maximumf %max3A_1099, %select_n3A_1101 : vector<16xf32>
    %eq3A_1105 = arith.cmpf oeq, %sub3A_1075, %max3A_1084 : vector<16xf32>
    %select_n3A_1106 = arith.select %eq3A_1105, %broadcast_in_dim3A_1, %broadcast_in_dim3A_3 : vector<16xi1>, vector<16xf32>
    %sub3A_1107 = arith.subf %broadcast_in_dim3A_1, %max3A_1104 : vector<16xf32>
    %mul3A_1108 = arith.mulf %select_n3A_1106, %sub3A_1107 : vector<16xf32>
    %max3A_1109 = arith.maximumf %max3A_1104, %select_n3A_1106 : vector<16xf32>
    %eq3A_1110 = arith.cmpf oeq, %sub3A_1079, %max3A_1084 : vector<16xf32>
    %select_n3A_1111 = arith.select %eq3A_1110, %broadcast_in_dim3A_1, %broadcast_in_dim3A_3 : vector<16xi1>, vector<16xf32>
    %sub3A_1112 = arith.subf %broadcast_in_dim3A_1, %max3A_1109 : vector<16xf32>
    %mul3A_1113 = arith.mulf %select_n3A_1111, %sub3A_1112 : vector<16xf32>
    %max3A_1114 = arith.maximumf %max3A_1109, %select_n3A_1111 : vector<16xf32>
    %sub3A_1115 = arith.subf %max3A_1084, %max3A_1025 : vector<16xf32>
    %exp3A_1116 = math.exp %sub3A_1115 : vector<16xf32>
    %add3A_1117 = arith.constant 1.000000e+00 : f32
    %add3A_1118 = vector.broadcast %add3A_1117 : f32 to vector<16xf32>
    %add3A_1119 = arith.addf %add3A_1118, %exp3A_1116 : vector<16xf32>
    %div3A_1120 = arith.constant 1.000000e+00 : f32
    %div3A_1121 = vector.broadcast %div3A_1120 : f32 to vector<16xf32>
    %div3A_1122 = arith.divf %div3A_1121, %add3A_1119 : vector<16xf32>
    %mul3A_1123 = arith.mulf %exp3A_1116, %div3A_1122 : vector<16xf32>
    %mul3A_1124 = arith.mulf %mul3A_1029, %div3A_1122 : vector<16xf32>
    %mul3A_1125 = arith.mulf %mul3A_1088, %mul3A_1123 : vector<16xf32>
    %add3A_1126 = arith.addf %mul3A_1124, %mul3A_1125 : vector<16xf32>
    %swap3A_1127 = arith.constant 0 : i32
    %swap3A_1128 = arith.index_cast %swap3A_1127 : i32 to index
    %swap3A_1129 = arith.constant 80 : index
    %swap3A_1130 = tpu.vector_load %arg5[%swap3A_1128, %swap3A_1129] {strides = array<i32>} : memref<8x128xf32, #tpu.memory_space<vmem>>, vector<1x16xf32>,
    %swap3A_1131 = vector.shape_cast %swap3A_1130 : vector<1x16xf32> to vector<16xf32>
    %swap3A_1132 = vector.shape_cast %add3A_1126 : vector<16xf32> to vector<1x16xf32>
    tpu.vector_store %arg5[%swap3A_1128, %swap3A_1129], %swap3A_1132 {strides = array<i32>} : memref<8x128xf32, #tpu.memory_space<vmem>>, vector<1x16xf32>,
    %mul3A_1133 = arith.mulf %mul3A_1034, %div3A_1122 : vector<16xf32>
    %mul3A_1134 = arith.mulf %mul3A_1093, %mul3A_1123 : vector<16xf32>
    %add3A_1135 = arith.addf %mul3A_1133, %mul3A_1134 : vector<16xf32>
    %swap3A_1136 = arith.constant 1 : i32
    %swap3A_1137 = arith.index_cast %swap3A_1136 : i32 to index
    %swap3A_1138 = arith.constant 80 : index
    %swap3A_1139 = tpu.vector_load %arg5[%swap3A_1137, %swap3A_1138] {strides = array<i32>} : memref<8x128xf32, #tpu.memory_space<vmem>>, vector<1x16xf32>,
    %swap3A_1140 = vector.shape_cast %swap3A_1139 : vector<1x16xf32> to vector<16xf32>
    %swap3A_1141 = vector.shape_cast %add3A_1135 : vector<16xf32> to vector<1x16xf32>
    tpu.vector_store %arg5[%swap3A_1137, %swap3A_1138], %swap3A_1141 {strides = array<i32>} : memref<8x128xf32, #tpu.memory_space<vmem>>, vector<1x16xf32>,
    %mul3A_1142 = arith.mulf %mul3A_1039, %div3A_1122 : vector<16xf32>
    %mul3A_1143 = arith.mulf %mul3A_1098, %mul3A_1123 : vector<16xf32>
    %add3A_1144 = arith.addf %mul3A_1142, %mul3A_1143 : vector<16xf32>
    %swap3A_1145 = arith.constant 2 : i32
    %swap3A_1146 = arith.index_cast %swap3A_1145 : i32 to index
    %swap3A_1147 = arith.constant 80 : index
    %swap3A_1148 = tpu.vector_load %arg5[%swap3A_1146, %swap3A_1147] {strides = array<i32>} : memref<8x128xf32, #tpu.memory_space<vmem>>, vector<1x16xf32>,
    %swap3A_1149 = vector.shape_cast %swap3A_1148 : vector<1x16xf32> to vector<16xf32>
    %swap3A_1150 = vector.shape_cast %add3A_1144 : vector<16xf32> to vector<1x16xf32>
    tpu.vector_store %arg5[%swap3A_1146, %swap3A_1147], %swap3A_1150 {strides = array<i32>} : memref<8x128xf32, #tpu.memory_space<vmem>>, vector<1x16xf32>,
    %mul3A_1151 = arith.mulf %mul3A_1044, %div3A_1122 : vector<16xf32>
    %mul3A_1152 = arith.mulf %mul3A_1103, %mul3A_1123 : vector<16xf32>
    %add3A_1153 = arith.addf %mul3A_1151, %mul3A_1152 : vector<16xf32>
    %swap3A_1154 = arith.constant 3 : i32
    %swap3A_1155 = arith.index_cast %swap3A_1154 : i32 to index
    %swap3A_1156 = arith.constant 80 : index
    %swap3A_1157 = tpu.vector_load %arg5[%swap3A_1155, %swap3A_1156] {strides = array<i32>} : memref<8x128xf32, #tpu.memory_space<vmem>>, vector<1x16xf32>,
    %swap3A_1158 = vector.shape_cast %swap3A_1157 : vector<1x16xf32> to vector<16xf32>
    %swap3A_1159 = vector.shape_cast %add3A_1153 : vector<16xf32> to vector<1x16xf32>
    tpu.vector_store %arg5[%swap3A_1155, %swap3A_1156], %swap3A_1159 {strides = array<i32>} : memref<8x128xf32, #tpu.memory_space<vmem>>, vector<1x16xf32>,
    %mul3A_1160 = arith.mulf %mul3A_1049, %div3A_1122 : vector<16xf32>
    %mul3A_1161 = arith.mulf %mul3A_1108, %mul3A_1123 : vector<16xf32>
    %add3A_1162 = arith.addf %mul3A_1160, %mul3A_1161 : vector<16xf32>
    %swap3A_1163 = arith.constant 4 : i32
    %swap3A_1164 = arith.index_cast %swap3A_1163 : i32 to index
    %swap3A_1165 = arith.constant 80 : index
    %swap3A_1166 = tpu.vector_load %arg5[%swap3A_1164, %swap3A_1165] {strides = array<i32>} : memref<8x128xf32, #tpu.memory_space<vmem>>, vector<1x16xf32>,
    %swap3A_1167 = vector.shape_cast %swap3A_1166 : vector<1x16xf32> to vector<16xf32>
    %swap3A_1168 = vector.shape_cast %add3A_1162 : vector<16xf32> to vector<1x16xf32>
    tpu.vector_store %arg5[%swap3A_1164, %swap3A_1165], %swap3A_1168 {strides = array<i32>} : memref<8x128xf32, #tpu.memory_space<vmem>>, vector<1x16xf32>,
    %mul3A_1169 = arith.mulf %mul3A_1054, %div3A_1122 : vector<16xf32>
    %mul3A_1170 = arith.mulf %mul3A_1113, %mul3A_1123 : vector<16xf32>
    %add3A_1171 = arith.addf %mul3A_1169, %mul3A_1170 : vector<16xf32>
    %swap3A_1172 = arith.constant 5 : i32
    %swap3A_1173 = arith.index_cast %swap3A_1172 : i32 to index
    %swap3A_1174 = arith.constant 80 : index
    %swap3A_1175 = tpu.vector_load %arg5[%swap3A_1173, %swap3A_1174] {strides = array<i32>} : memref<8x128xf32, #tpu.memory_space<vmem>>, vector<1x16xf32>,
    %swap3A_1176 = vector.shape_cast %swap3A_1175 : vector<1x16xf32> to vector<16xf32>
    %swap3A_1177 = vector.shape_cast %add3A_1171 : vector<16xf32> to vector<1x16xf32>
    tpu.vector_store %arg5[%swap3A_1173, %swap3A_1174], %swap3A_1177 {strides = array<i32>} : memref<8x128xf32, #tpu.memory_space<vmem>>, vector<1x16xf32>,
    %swap3A_1178 = arith.constant 6 : i32
    %swap3A_1179 = arith.index_cast %swap3A_1178 : i32 to index
    %swap3A_1180 = arith.constant 80 : index
    %swap3A_1181 = tpu.vector_load %arg5[%swap3A_1179, %swap3A_1180] {strides = array<i32>} : memref<8x128xf32, #tpu.memory_space<vmem>>, vector<1x16xf32>,
    %swap3A_1182 = vector.shape_cast %swap3A_1181 : vector<1x16xf32> to vector<16xf32>
    %swap3A_1183 = vector.shape_cast %broadcast_in_dim3A_3 : vector<16xf32> to vector<1x16xf32>
    tpu.vector_store %arg5[%swap3A_1179, %swap3A_1180], %swap3A_1183 {strides = array<i32>} : memref<8x128xf32, #tpu.memory_space<vmem>>, vector<1x16xf32>,
    %swap3A_1184 = arith.constant 7 : i32
    %swap3A_1185 = arith.index_cast %swap3A_1184 : i32 to index
    %swap3A_1186 = arith.constant 80 : index
    %swap3A_1187 = tpu.vector_load %arg5[%swap3A_1185, %swap3A_1186] {strides = array<i32>} : memref<8x128xf32, #tpu.memory_space<vmem>>, vector<1x16xf32>,
    %swap3A_1188 = vector.shape_cast %swap3A_1187 : vector<1x16xf32> to vector<16xf32>
    %swap3A_1189 = vector.shape_cast %broadcast_in_dim3A_3 : vector<16xf32> to vector<1x16xf32>
    tpu.vector_store %arg5[%swap3A_1185, %swap3A_1186], %swap3A_1189 {strides = array<i32>} : memref<8x128xf32, #tpu.memory_space<vmem>>, vector<1x16xf32>,
    %get3A_1190 = arith.constant 0 : i32
    %get3A_1191 = arith.index_cast %get3A_1190 : i32 to index
    %get3A_1192 = arith.constant 96 : index
    %get3A_1193 = tpu.vector_load %arg4[%get3A_1191, %get3A_1192] {strides = array<i32>} : memref<8x128xf32, #tpu.memory_space<vmem>>, vector<1x16xf32>,
    %get3A_1194 = vector.shape_cast %get3A_1193 : vector<1x16xf32> to vector<16xf32>
    %get3A_1195 = arith.constant 1 : i32
    %get3A_1196 = arith.index_cast %get3A_1195 : i32 to index
    %get3A_1197 = arith.constant 96 : index
    %get3A_1198 = tpu.vector_load %arg4[%get3A_1196, %get3A_1197] {strides = array<i32>} : memref<8x128xf32, #tpu.memory_space<vmem>>, vector<1x16xf32>,
    %get3A_1199 = vector.shape_cast %get3A_1198 : vector<1x16xf32> to vector<16xf32>
    %get3A_1200 = arith.constant 2 : i32
    %get3A_1201 = arith.index_cast %get3A_1200 : i32 to index
    %get3A_1202 = arith.constant 96 : index
    %get3A_1203 = tpu.vector_load %arg4[%get3A_1201, %get3A_1202] {strides = array<i32>} : memref<8x128xf32, #tpu.memory_space<vmem>>, vector<1x16xf32>,
    %get3A_1204 = vector.shape_cast %get3A_1203 : vector<1x16xf32> to vector<16xf32>
    %get3A_1205 = arith.constant 3 : i32
    %get3A_1206 = arith.index_cast %get3A_1205 : i32 to index
    %get3A_1207 = arith.constant 96 : index
    %get3A_1208 = tpu.vector_load %arg4[%get3A_1206, %get3A_1207] {strides = array<i32>} : memref<8x128xf32, #tpu.memory_space<vmem>>, vector<1x16xf32>,
    %get3A_1209 = vector.shape_cast %get3A_1208 : vector<1x16xf32> to vector<16xf32>
    %get3A_1210 = arith.constant 4 : i32
    %get3A_1211 = arith.index_cast %get3A_1210 : i32 to index
    %get3A_1212 = arith.constant 96 : index
    %get3A_1213 = tpu.vector_load %arg4[%get3A_1211, %get3A_1212] {strides = array<i32>} : memref<8x128xf32, #tpu.memory_space<vmem>>, vector<1x16xf32>,
    %get3A_1214 = vector.shape_cast %get3A_1213 : vector<1x16xf32> to vector<16xf32>
    %get3A_1215 = arith.constant 5 : i32
    %get3A_1216 = arith.index_cast %get3A_1215 : i32 to index
    %get3A_1217 = arith.constant 96 : index
    %get3A_1218 = tpu.vector_load %arg4[%get3A_1216, %get3A_1217] {strides = array<i32>} : memref<8x128xf32, #tpu.memory_space<vmem>>, vector<1x16xf32>,
    %get3A_1219 = vector.shape_cast %get3A_1218 : vector<1x16xf32> to vector<16xf32>
    %max3A_1220 = arith.maximumf %get3A_1194, %get3A_1199 : vector<16xf32>
    %max3A_1221 = arith.maximumf %max3A_1220, %get3A_1204 : vector<16xf32>
    %max3A_1222 = arith.maximumf %max3A_1221, %get3A_1209 : vector<16xf32>
    %max3A_1223 = arith.maximumf %max3A_1222, %get3A_1214 : vector<16xf32>
    %max3A_1224 = arith.maximumf %max3A_1223, %get3A_1219 : vector<16xf32>
    %eq3A_1225 = arith.cmpf oeq, %get3A_1194, %max3A_1224 : vector<16xf32>
    %select_n3A_1226 = arith.select %eq3A_1225, %broadcast_in_dim3A_1, %broadcast_in_dim3A_3 : vector<16xi1>, vector<16xf32>
    %sub3A_1227 = arith.subf %broadcast_in_dim3A_1, %broadcast_in_dim3A_3 : vector<16xf32>
    %mul3A_1228 = arith.mulf %select_n3A_1226, %sub3A_1227 : vector<16xf32>
    %max3A_1229 = arith.maximumf %broadcast_in_dim3A_3, %select_n3A_1226 : vector<16xf32>
    %eq3A_1230 = arith.cmpf oeq, %get3A_1199, %max3A_1224 : vector<16xf32>
    %select_n3A_1231 = arith.select %eq3A_1230, %broadcast_in_dim3A_1, %broadcast_in_dim3A_3 : vector<16xi1>, vector<16xf32>
    %sub3A_1232 = arith.subf %broadcast_in_dim3A_1, %max3A_1229 : vector<16xf32>
    %mul3A_1233 = arith.mulf %select_n3A_1231, %sub3A_1232 : vector<16xf32>
    %max3A_1234 = arith.maximumf %max3A_1229, %select_n3A_1231 : vector<16xf32>
    %eq3A_1235 = arith.cmpf oeq, %get3A_1204, %max3A_1224 : vector<16xf32>
    %select_n3A_1236 = arith.select %eq3A_1235, %broadcast_in_dim3A_1, %broadcast_in_dim3A_3 : vector<16xi1>, vector<16xf32>
    %sub3A_1237 = arith.subf %broadcast_in_dim3A_1, %max3A_1234 : vector<16xf32>
    %mul3A_1238 = arith.mulf %select_n3A_1236, %sub3A_1237 : vector<16xf32>
    %max3A_1239 = arith.maximumf %max3A_1234, %select_n3A_1236 : vector<16xf32>
    %eq3A_1240 = arith.cmpf oeq, %get3A_1209, %max3A_1224 : vector<16xf32>
    %select_n3A_1241 = arith.select %eq3A_1240, %broadcast_in_dim3A_1, %broadcast_in_dim3A_3 : vector<16xi1>, vector<16xf32>
    %sub3A_1242 = arith.subf %broadcast_in_dim3A_1, %max3A_1239 : vector<16xf32>
    %mul3A_1243 = arith.mulf %select_n3A_1241, %sub3A_1242 : vector<16xf32>
    %max3A_1244 = arith.maximumf %max3A_1239, %select_n3A_1241 : vector<16xf32>
    %eq3A_1245 = arith.cmpf oeq, %get3A_1214, %max3A_1224 : vector<16xf32>
    %select_n3A_1246 = arith.select %eq3A_1245, %broadcast_in_dim3A_1, %broadcast_in_dim3A_3 : vector<16xi1>, vector<16xf32>
    %sub3A_1247 = arith.subf %broadcast_in_dim3A_1, %max3A_1244 : vector<16xf32>
    %mul3A_1248 = arith.mulf %select_n3A_1246, %sub3A_1247 : vector<16xf32>
    %max3A_1249 = arith.maximumf %max3A_1244, %select_n3A_1246 : vector<16xf32>
    %eq3A_1250 = arith.cmpf oeq, %get3A_1219, %max3A_1224 : vector<16xf32>
    %select_n3A_1251 = arith.select %eq3A_1250, %broadcast_in_dim3A_1, %broadcast_in_dim3A_3 : vector<16xi1>, vector<16xf32>
    %sub3A_1252 = arith.subf %broadcast_in_dim3A_1, %max3A_1249 : vector<16xf32>
    %mul3A_1253 = arith.mulf %select_n3A_1251, %sub3A_1252 : vector<16xf32>
    %max3A_1254 = arith.maximumf %max3A_1249, %select_n3A_1251 : vector<16xf32>
    %mul3A_1255 = arith.constant 1.000000e+30 : f32
    %mul3A_1256 = vector.broadcast %mul3A_1255 : f32 to vector<16xf32>
    %mul3A_1257 = arith.mulf %mul3A_1228, %mul3A_1256 : vector<16xf32>
    %sub3A_1258 = arith.subf %get3A_1194, %mul3A_1257 : vector<16xf32>
    %mul3A_1259 = arith.constant 1.000000e+30 : f32
    %mul3A_1260 = vector.broadcast %mul3A_1259 : f32 to vector<16xf32>
    %mul3A_1261 = arith.mulf %mul3A_1233, %mul3A_1260 : vector<16xf32>
    %sub3A_1262 = arith.subf %get3A_1199, %mul3A_1261 : vector<16xf32>
    %mul3A_1263 = arith.constant 1.000000e+30 : f32
    %mul3A_1264 = vector.broadcast %mul3A_1263 : f32 to vector<16xf32>
    %mul3A_1265 = arith.mulf %mul3A_1238, %mul3A_1264 : vector<16xf32>
    %sub3A_1266 = arith.subf %get3A_1204, %mul3A_1265 : vector<16xf32>
    %mul3A_1267 = arith.constant 1.000000e+30 : f32
    %mul3A_1268 = vector.broadcast %mul3A_1267 : f32 to vector<16xf32>
    %mul3A_1269 = arith.mulf %mul3A_1243, %mul3A_1268 : vector<16xf32>
    %sub3A_1270 = arith.subf %get3A_1209, %mul3A_1269 : vector<16xf32>
    %mul3A_1271 = arith.constant 1.000000e+30 : f32
    %mul3A_1272 = vector.broadcast %mul3A_1271 : f32 to vector<16xf32>
    %mul3A_1273 = arith.mulf %mul3A_1248, %mul3A_1272 : vector<16xf32>
    %sub3A_1274 = arith.subf %get3A_1214, %mul3A_1273 : vector<16xf32>
    %mul3A_1275 = arith.constant 1.000000e+30 : f32
    %mul3A_1276 = vector.broadcast %mul3A_1275 : f32 to vector<16xf32>
    %mul3A_1277 = arith.mulf %mul3A_1253, %mul3A_1276 : vector<16xf32>
    %sub3A_1278 = arith.subf %get3A_1219, %mul3A_1277 : vector<16xf32>
    %max3A_1279 = arith.maximumf %sub3A_1258, %sub3A_1262 : vector<16xf32>
    %max3A_1280 = arith.maximumf %max3A_1279, %sub3A_1266 : vector<16xf32>
    %max3A_1281 = arith.maximumf %max3A_1280, %sub3A_1270 : vector<16xf32>
    %max3A_1282 = arith.maximumf %max3A_1281, %sub3A_1274 : vector<16xf32>
    %max3A_1283 = arith.maximumf %max3A_1282, %sub3A_1278 : vector<16xf32>
    %eq3A_1284 = arith.cmpf oeq, %sub3A_1258, %max3A_1283 : vector<16xf32>
    %select_n3A_1285 = arith.select %eq3A_1284, %broadcast_in_dim3A_1, %broadcast_in_dim3A_3 : vector<16xi1>, vector<16xf32>
    %sub3A_1286 = arith.subf %broadcast_in_dim3A_1, %broadcast_in_dim3A_3 : vector<16xf32>
    %mul3A_1287 = arith.mulf %select_n3A_1285, %sub3A_1286 : vector<16xf32>
    %max3A_1288 = arith.maximumf %broadcast_in_dim3A_3, %select_n3A_1285 : vector<16xf32>
    %eq3A_1289 = arith.cmpf oeq, %sub3A_1262, %max3A_1283 : vector<16xf32>
    %select_n3A_1290 = arith.select %eq3A_1289, %broadcast_in_dim3A_1, %broadcast_in_dim3A_3 : vector<16xi1>, vector<16xf32>
    %sub3A_1291 = arith.subf %broadcast_in_dim3A_1, %max3A_1288 : vector<16xf32>
    %mul3A_1292 = arith.mulf %select_n3A_1290, %sub3A_1291 : vector<16xf32>
    %max3A_1293 = arith.maximumf %max3A_1288, %select_n3A_1290 : vector<16xf32>
    %eq3A_1294 = arith.cmpf oeq, %sub3A_1266, %max3A_1283 : vector<16xf32>
    %select_n3A_1295 = arith.select %eq3A_1294, %broadcast_in_dim3A_1, %broadcast_in_dim3A_3 : vector<16xi1>, vector<16xf32>
    %sub3A_1296 = arith.subf %broadcast_in_dim3A_1, %max3A_1293 : vector<16xf32>
    %mul3A_1297 = arith.mulf %select_n3A_1295, %sub3A_1296 : vector<16xf32>
    %max3A_1298 = arith.maximumf %max3A_1293, %select_n3A_1295 : vector<16xf32>
    %eq3A_1299 = arith.cmpf oeq, %sub3A_1270, %max3A_1283 : vector<16xf32>
    %select_n3A_1300 = arith.select %eq3A_1299, %broadcast_in_dim3A_1, %broadcast_in_dim3A_3 : vector<16xi1>, vector<16xf32>
    %sub3A_1301 = arith.subf %broadcast_in_dim3A_1, %max3A_1298 : vector<16xf32>
    %mul3A_1302 = arith.mulf %select_n3A_1300, %sub3A_1301 : vector<16xf32>
    %max3A_1303 = arith.maximumf %max3A_1298, %select_n3A_1300 : vector<16xf32>
    %eq3A_1304 = arith.cmpf oeq, %sub3A_1274, %max3A_1283 : vector<16xf32>
    %select_n3A_1305 = arith.select %eq3A_1304, %broadcast_in_dim3A_1, %broadcast_in_dim3A_3 : vector<16xi1>, vector<16xf32>
    %sub3A_1306 = arith.subf %broadcast_in_dim3A_1, %max3A_1303 : vector<16xf32>
    %mul3A_1307 = arith.mulf %select_n3A_1305, %sub3A_1306 : vector<16xf32>
    %max3A_1308 = arith.maximumf %max3A_1303, %select_n3A_1305 : vector<16xf32>
    %eq3A_1309 = arith.cmpf oeq, %sub3A_1278, %max3A_1283 : vector<16xf32>
    %select_n3A_1310 = arith.select %eq3A_1309, %broadcast_in_dim3A_1, %broadcast_in_dim3A_3 : vector<16xi1>, vector<16xf32>
    %sub3A_1311 = arith.subf %broadcast_in_dim3A_1, %max3A_1308 : vector<16xf32>
    %mul3A_1312 = arith.mulf %select_n3A_1310, %sub3A_1311 : vector<16xf32>
    %max3A_1313 = arith.maximumf %max3A_1308, %select_n3A_1310 : vector<16xf32>
    %sub3A_1314 = arith.subf %max3A_1283, %max3A_1224 : vector<16xf32>
    %exp3A_1315 = math.exp %sub3A_1314 : vector<16xf32>
    %add3A_1316 = arith.constant 1.000000e+00 : f32
    %add3A_1317 = vector.broadcast %add3A_1316 : f32 to vector<16xf32>
    %add3A_1318 = arith.addf %add3A_1317, %exp3A_1315 : vector<16xf32>
    %div3A_1319 = arith.constant 1.000000e+00 : f32
    %div3A_1320 = vector.broadcast %div3A_1319 : f32 to vector<16xf32>
    %div3A_1321 = arith.divf %div3A_1320, %add3A_1318 : vector<16xf32>
    %mul3A_1322 = arith.mulf %exp3A_1315, %div3A_1321 : vector<16xf32>
    %mul3A_1323 = arith.mulf %mul3A_1228, %div3A_1321 : vector<16xf32>
    %mul3A_1324 = arith.mulf %mul3A_1287, %mul3A_1322 : vector<16xf32>
    %add3A_1325 = arith.addf %mul3A_1323, %mul3A_1324 : vector<16xf32>
    %swap3A_1326 = arith.constant 0 : i32
    %swap3A_1327 = arith.index_cast %swap3A_1326 : i32 to index
    %swap3A_1328 = arith.constant 96 : index
    %swap3A_1329 = tpu.vector_load %arg5[%swap3A_1327, %swap3A_1328] {strides = array<i32>} : memref<8x128xf32, #tpu.memory_space<vmem>>, vector<1x16xf32>,
    %swap3A_1330 = vector.shape_cast %swap3A_1329 : vector<1x16xf32> to vector<16xf32>
    %swap3A_1331 = vector.shape_cast %add3A_1325 : vector<16xf32> to vector<1x16xf32>
    tpu.vector_store %arg5[%swap3A_1327, %swap3A_1328], %swap3A_1331 {strides = array<i32>} : memref<8x128xf32, #tpu.memory_space<vmem>>, vector<1x16xf32>,
    %mul3A_1332 = arith.mulf %mul3A_1233, %div3A_1321 : vector<16xf32>
    %mul3A_1333 = arith.mulf %mul3A_1292, %mul3A_1322 : vector<16xf32>
    %add3A_1334 = arith.addf %mul3A_1332, %mul3A_1333 : vector<16xf32>
    %swap3A_1335 = arith.constant 1 : i32
    %swap3A_1336 = arith.index_cast %swap3A_1335 : i32 to index
    %swap3A_1337 = arith.constant 96 : index
    %swap3A_1338 = tpu.vector_load %arg5[%swap3A_1336, %swap3A_1337] {strides = array<i32>} : memref<8x128xf32, #tpu.memory_space<vmem>>, vector<1x16xf32>,
    %swap3A_1339 = vector.shape_cast %swap3A_1338 : vector<1x16xf32> to vector<16xf32>
    %swap3A_1340 = vector.shape_cast %add3A_1334 : vector<16xf32> to vector<1x16xf32>
    tpu.vector_store %arg5[%swap3A_1336, %swap3A_1337], %swap3A_1340 {strides = array<i32>} : memref<8x128xf32, #tpu.memory_space<vmem>>, vector<1x16xf32>,
    %mul3A_1341 = arith.mulf %mul3A_1238, %div3A_1321 : vector<16xf32>
    %mul3A_1342 = arith.mulf %mul3A_1297, %mul3A_1322 : vector<16xf32>
    %add3A_1343 = arith.addf %mul3A_1341, %mul3A_1342 : vector<16xf32>
    %swap3A_1344 = arith.constant 2 : i32
    %swap3A_1345 = arith.index_cast %swap3A_1344 : i32 to index
    %swap3A_1346 = arith.constant 96 : index
    %swap3A_1347 = tpu.vector_load %arg5[%swap3A_1345, %swap3A_1346] {strides = array<i32>} : memref<8x128xf32, #tpu.memory_space<vmem>>, vector<1x16xf32>,
    %swap3A_1348 = vector.shape_cast %swap3A_1347 : vector<1x16xf32> to vector<16xf32>
    %swap3A_1349 = vector.shape_cast %add3A_1343 : vector<16xf32> to vector<1x16xf32>
    tpu.vector_store %arg5[%swap3A_1345, %swap3A_1346], %swap3A_1349 {strides = array<i32>} : memref<8x128xf32, #tpu.memory_space<vmem>>, vector<1x16xf32>,
    %mul3A_1350 = arith.mulf %mul3A_1243, %div3A_1321 : vector<16xf32>
    %mul3A_1351 = arith.mulf %mul3A_1302, %mul3A_1322 : vector<16xf32>
    %add3A_1352 = arith.addf %mul3A_1350, %mul3A_1351 : vector<16xf32>
    %swap3A_1353 = arith.constant 3 : i32
    %swap3A_1354 = arith.index_cast %swap3A_1353 : i32 to index
    %swap3A_1355 = arith.constant 96 : index
    %swap3A_1356 = tpu.vector_load %arg5[%swap3A_1354, %swap3A_1355] {strides = array<i32>} : memref<8x128xf32, #tpu.memory_space<vmem>>, vector<1x16xf32>,
    %swap3A_1357 = vector.shape_cast %swap3A_1356 : vector<1x16xf32> to vector<16xf32>
    %swap3A_1358 = vector.shape_cast %add3A_1352 : vector<16xf32> to vector<1x16xf32>
    tpu.vector_store %arg5[%swap3A_1354, %swap3A_1355], %swap3A_1358 {strides = array<i32>} : memref<8x128xf32, #tpu.memory_space<vmem>>, vector<1x16xf32>,
    %mul3A_1359 = arith.mulf %mul3A_1248, %div3A_1321 : vector<16xf32>
    %mul3A_1360 = arith.mulf %mul3A_1307, %mul3A_1322 : vector<16xf32>
    %add3A_1361 = arith.addf %mul3A_1359, %mul3A_1360 : vector<16xf32>
    %swap3A_1362 = arith.constant 4 : i32
    %swap3A_1363 = arith.index_cast %swap3A_1362 : i32 to index
    %swap3A_1364 = arith.constant 96 : index
    %swap3A_1365 = tpu.vector_load %arg5[%swap3A_1363, %swap3A_1364] {strides = array<i32>} : memref<8x128xf32, #tpu.memory_space<vmem>>, vector<1x16xf32>,
    %swap3A_1366 = vector.shape_cast %swap3A_1365 : vector<1x16xf32> to vector<16xf32>
    %swap3A_1367 = vector.shape_cast %add3A_1361 : vector<16xf32> to vector<1x16xf32>
    tpu.vector_store %arg5[%swap3A_1363, %swap3A_1364], %swap3A_1367 {strides = array<i32>} : memref<8x128xf32, #tpu.memory_space<vmem>>, vector<1x16xf32>,
    %mul3A_1368 = arith.mulf %mul3A_1253, %div3A_1321 : vector<16xf32>
    %mul3A_1369 = arith.mulf %mul3A_1312, %mul3A_1322 : vector<16xf32>
    %add3A_1370 = arith.addf %mul3A_1368, %mul3A_1369 : vector<16xf32>
    %swap3A_1371 = arith.constant 5 : i32
    %swap3A_1372 = arith.index_cast %swap3A_1371 : i32 to index
    %swap3A_1373 = arith.constant 96 : index
    %swap3A_1374 = tpu.vector_load %arg5[%swap3A_1372, %swap3A_1373] {strides = array<i32>} : memref<8x128xf32, #tpu.memory_space<vmem>>, vector<1x16xf32>,
    %swap3A_1375 = vector.shape_cast %swap3A_1374 : vector<1x16xf32> to vector<16xf32>
    %swap3A_1376 = vector.shape_cast %add3A_1370 : vector<16xf32> to vector<1x16xf32>
    tpu.vector_store %arg5[%swap3A_1372, %swap3A_1373], %swap3A_1376 {strides = array<i32>} : memref<8x128xf32, #tpu.memory_space<vmem>>, vector<1x16xf32>,
    %swap3A_1377 = arith.constant 6 : i32
    %swap3A_1378 = arith.index_cast %swap3A_1377 : i32 to index
    %swap3A_1379 = arith.constant 96 : index
    %swap3A_1380 = tpu.vector_load %arg5[%swap3A_1378, %swap3A_1379] {strides = array<i32>} : memref<8x128xf32, #tpu.memory_space<vmem>>, vector<1x16xf32>,
    %swap3A_1381 = vector.shape_cast %swap3A_1380 : vector<1x16xf32> to vector<16xf32>
    %swap3A_1382 = vector.shape_cast %broadcast_in_dim3A_3 : vector<16xf32> to vector<1x16xf32>
    tpu.vector_store %arg5[%swap3A_1378, %swap3A_1379], %swap3A_1382 {strides = array<i32>} : memref<8x128xf32, #tpu.memory_space<vmem>>, vector<1x16xf32>,
    %swap3A_1383 = arith.constant 7 : i32
    %swap3A_1384 = arith.index_cast %swap3A_1383 : i32 to index
    %swap3A_1385 = arith.constant 96 : index
    %swap3A_1386 = tpu.vector_load %arg5[%swap3A_1384, %swap3A_1385] {strides = array<i32>} : memref<8x128xf32, #tpu.memory_space<vmem>>, vector<1x16xf32>,
    %swap3A_1387 = vector.shape_cast %swap3A_1386 : vector<1x16xf32> to vector<16xf32>
    %swap3A_1388 = vector.shape_cast %broadcast_in_dim3A_3 : vector<16xf32> to vector<1x16xf32>
    tpu.vector_store %arg5[%swap3A_1384, %swap3A_1385], %swap3A_1388 {strides = array<i32>} : memref<8x128xf32, #tpu.memory_space<vmem>>, vector<1x16xf32>,
    %get3A_1389 = arith.constant 0 : i32
    %get3A_1390 = arith.index_cast %get3A_1389 : i32 to index
    %get3A_1391 = arith.constant 112 : index
    %get3A_1392 = tpu.vector_load %arg4[%get3A_1390, %get3A_1391] {strides = array<i32>} : memref<8x128xf32, #tpu.memory_space<vmem>>, vector<1x16xf32>,
    %get3A_1393 = vector.shape_cast %get3A_1392 : vector<1x16xf32> to vector<16xf32>
    %get3A_1394 = arith.constant 1 : i32
    %get3A_1395 = arith.index_cast %get3A_1394 : i32 to index
    %get3A_1396 = arith.constant 112 : index
    %get3A_1397 = tpu.vector_load %arg4[%get3A_1395, %get3A_1396] {strides = array<i32>} : memref<8x128xf32, #tpu.memory_space<vmem>>, vector<1x16xf32>,
    %get3A_1398 = vector.shape_cast %get3A_1397 : vector<1x16xf32> to vector<16xf32>
    %get3A_1399 = arith.constant 2 : i32
    %get3A_1400 = arith.index_cast %get3A_1399 : i32 to index
    %get3A_1401 = arith.constant 112 : index
    %get3A_1402 = tpu.vector_load %arg4[%get3A_1400, %get3A_1401] {strides = array<i32>} : memref<8x128xf32, #tpu.memory_space<vmem>>, vector<1x16xf32>,
    %get3A_1403 = vector.shape_cast %get3A_1402 : vector<1x16xf32> to vector<16xf32>
    %get3A_1404 = arith.constant 3 : i32
    %get3A_1405 = arith.index_cast %get3A_1404 : i32 to index
    %get3A_1406 = arith.constant 112 : index
    %get3A_1407 = tpu.vector_load %arg4[%get3A_1405, %get3A_1406] {strides = array<i32>} : memref<8x128xf32, #tpu.memory_space<vmem>>, vector<1x16xf32>,
    %get3A_1408 = vector.shape_cast %get3A_1407 : vector<1x16xf32> to vector<16xf32>
    %get3A_1409 = arith.constant 4 : i32
    %get3A_1410 = arith.index_cast %get3A_1409 : i32 to index
    %get3A_1411 = arith.constant 112 : index
    %get3A_1412 = tpu.vector_load %arg4[%get3A_1410, %get3A_1411] {strides = array<i32>} : memref<8x128xf32, #tpu.memory_space<vmem>>, vector<1x16xf32>,
    %get3A_1413 = vector.shape_cast %get3A_1412 : vector<1x16xf32> to vector<16xf32>
    %get3A_1414 = arith.constant 5 : i32
    %get3A_1415 = arith.index_cast %get3A_1414 : i32 to index
    %get3A_1416 = arith.constant 112 : index
    %get3A_1417 = tpu.vector_load %arg4[%get3A_1415, %get3A_1416] {strides = array<i32>} : memref<8x128xf32, #tpu.memory_space<vmem>>, vector<1x16xf32>,
    %get3A_1418 = vector.shape_cast %get3A_1417 : vector<1x16xf32> to vector<16xf32>
    %max3A_1419 = arith.maximumf %get3A_1393, %get3A_1398 : vector<16xf32>
    %max3A_1420 = arith.maximumf %max3A_1419, %get3A_1403 : vector<16xf32>
    %max3A_1421 = arith.maximumf %max3A_1420, %get3A_1408 : vector<16xf32>
    %max3A_1422 = arith.maximumf %max3A_1421, %get3A_1413 : vector<16xf32>
    %max3A_1423 = arith.maximumf %max3A_1422, %get3A_1418 : vector<16xf32>
    %eq3A_1424 = arith.cmpf oeq, %get3A_1393, %max3A_1423 : vector<16xf32>
    %select_n3A_1425 = arith.select %eq3A_1424, %broadcast_in_dim3A_1, %broadcast_in_dim3A_3 : vector<16xi1>, vector<16xf32>
    %sub3A_1426 = arith.subf %broadcast_in_dim3A_1, %broadcast_in_dim3A_3 : vector<16xf32>
    %mul3A_1427 = arith.mulf %select_n3A_1425, %sub3A_1426 : vector<16xf32>
    %max3A_1428 = arith.maximumf %broadcast_in_dim3A_3, %select_n3A_1425 : vector<16xf32>
    %eq3A_1429 = arith.cmpf oeq, %get3A_1398, %max3A_1423 : vector<16xf32>
    %select_n3A_1430 = arith.select %eq3A_1429, %broadcast_in_dim3A_1, %broadcast_in_dim3A_3 : vector<16xi1>, vector<16xf32>
    %sub3A_1431 = arith.subf %broadcast_in_dim3A_1, %max3A_1428 : vector<16xf32>
    %mul3A_1432 = arith.mulf %select_n3A_1430, %sub3A_1431 : vector<16xf32>
    %max3A_1433 = arith.maximumf %max3A_1428, %select_n3A_1430 : vector<16xf32>
    %eq3A_1434 = arith.cmpf oeq, %get3A_1403, %max3A_1423 : vector<16xf32>
    %select_n3A_1435 = arith.select %eq3A_1434, %broadcast_in_dim3A_1, %broadcast_in_dim3A_3 : vector<16xi1>, vector<16xf32>
    %sub3A_1436 = arith.subf %broadcast_in_dim3A_1, %max3A_1433 : vector<16xf32>
    %mul3A_1437 = arith.mulf %select_n3A_1435, %sub3A_1436 : vector<16xf32>
    %max3A_1438 = arith.maximumf %max3A_1433, %select_n3A_1435 : vector<16xf32>
    %eq3A_1439 = arith.cmpf oeq, %get3A_1408, %max3A_1423 : vector<16xf32>
    %select_n3A_1440 = arith.select %eq3A_1439, %broadcast_in_dim3A_1, %broadcast_in_dim3A_3 : vector<16xi1>, vector<16xf32>
    %sub3A_1441 = arith.subf %broadcast_in_dim3A_1, %max3A_1438 : vector<16xf32>
    %mul3A_1442 = arith.mulf %select_n3A_1440, %sub3A_1441 : vector<16xf32>
    %max3A_1443 = arith.maximumf %max3A_1438, %select_n3A_1440 : vector<16xf32>
    %eq3A_1444 = arith.cmpf oeq, %get3A_1413, %max3A_1423 : vector<16xf32>
    %select_n3A_1445 = arith.select %eq3A_1444, %broadcast_in_dim3A_1, %broadcast_in_dim3A_3 : vector<16xi1>, vector<16xf32>
    %sub3A_1446 = arith.subf %broadcast_in_dim3A_1, %max3A_1443 : vector<16xf32>
    %mul3A_1447 = arith.mulf %select_n3A_1445, %sub3A_1446 : vector<16xf32>
    %max3A_1448 = arith.maximumf %max3A_1443, %select_n3A_1445 : vector<16xf32>
    %eq3A_1449 = arith.cmpf oeq, %get3A_1418, %max3A_1423 : vector<16xf32>
    %select_n3A_1450 = arith.select %eq3A_1449, %broadcast_in_dim3A_1, %broadcast_in_dim3A_3 : vector<16xi1>, vector<16xf32>
    %sub3A_1451 = arith.subf %broadcast_in_dim3A_1, %max3A_1448 : vector<16xf32>
    %mul3A_1452 = arith.mulf %select_n3A_1450, %sub3A_1451 : vector<16xf32>
    %max3A_1453 = arith.maximumf %max3A_1448, %select_n3A_1450 : vector<16xf32>
    %mul3A_1454 = arith.constant 1.000000e+30 : f32
    %mul3A_1455 = vector.broadcast %mul3A_1454 : f32 to vector<16xf32>
    %mul3A_1456 = arith.mulf %mul3A_1427, %mul3A_1455 : vector<16xf32>
    %sub3A_1457 = arith.subf %get3A_1393, %mul3A_1456 : vector<16xf32>
    %mul3A_1458 = arith.constant 1.000000e+30 : f32
    %mul3A_1459 = vector.broadcast %mul3A_1458 : f32 to vector<16xf32>
    %mul3A_1460 = arith.mulf %mul3A_1432, %mul3A_1459 : vector<16xf32>
    %sub3A_1461 = arith.subf %get3A_1398, %mul3A_1460 : vector<16xf32>
    %mul3A_1462 = arith.constant 1.000000e+30 : f32
    %mul3A_1463 = vector.broadcast %mul3A_1462 : f32 to vector<16xf32>
    %mul3A_1464 = arith.mulf %mul3A_1437, %mul3A_1463 : vector<16xf32>
    %sub3A_1465 = arith.subf %get3A_1403, %mul3A_1464 : vector<16xf32>
    %mul3A_1466 = arith.constant 1.000000e+30 : f32
    %mul3A_1467 = vector.broadcast %mul3A_1466 : f32 to vector<16xf32>
    %mul3A_1468 = arith.mulf %mul3A_1442, %mul3A_1467 : vector<16xf32>
    %sub3A_1469 = arith.subf %get3A_1408, %mul3A_1468 : vector<16xf32>
    %mul3A_1470 = arith.constant 1.000000e+30 : f32
    %mul3A_1471 = vector.broadcast %mul3A_1470 : f32 to vector<16xf32>
    %mul3A_1472 = arith.mulf %mul3A_1447, %mul3A_1471 : vector<16xf32>
    %sub3A_1473 = arith.subf %get3A_1413, %mul3A_1472 : vector<16xf32>
    %mul3A_1474 = arith.constant 1.000000e+30 : f32
    %mul3A_1475 = vector.broadcast %mul3A_1474 : f32 to vector<16xf32>
    %mul3A_1476 = arith.mulf %mul3A_1452, %mul3A_1475 : vector<16xf32>
    %sub3A_1477 = arith.subf %get3A_1418, %mul3A_1476 : vector<16xf32>
    %max3A_1478 = arith.maximumf %sub3A_1457, %sub3A_1461 : vector<16xf32>
    %max3A_1479 = arith.maximumf %max3A_1478, %sub3A_1465 : vector<16xf32>
    %max3A_1480 = arith.maximumf %max3A_1479, %sub3A_1469 : vector<16xf32>
    %max3A_1481 = arith.maximumf %max3A_1480, %sub3A_1473 : vector<16xf32>
    %max3A_1482 = arith.maximumf %max3A_1481, %sub3A_1477 : vector<16xf32>
    %eq3A_1483 = arith.cmpf oeq, %sub3A_1457, %max3A_1482 : vector<16xf32>
    %select_n3A_1484 = arith.select %eq3A_1483, %broadcast_in_dim3A_1, %broadcast_in_dim3A_3 : vector<16xi1>, vector<16xf32>
    %sub3A_1485 = arith.subf %broadcast_in_dim3A_1, %broadcast_in_dim3A_3 : vector<16xf32>
    %mul3A_1486 = arith.mulf %select_n3A_1484, %sub3A_1485 : vector<16xf32>
    %max3A_1487 = arith.maximumf %broadcast_in_dim3A_3, %select_n3A_1484 : vector<16xf32>
    %eq3A_1488 = arith.cmpf oeq, %sub3A_1461, %max3A_1482 : vector<16xf32>
    %select_n3A_1489 = arith.select %eq3A_1488, %broadcast_in_dim3A_1, %broadcast_in_dim3A_3 : vector<16xi1>, vector<16xf32>
    %sub3A_1490 = arith.subf %broadcast_in_dim3A_1, %max3A_1487 : vector<16xf32>
    %mul3A_1491 = arith.mulf %select_n3A_1489, %sub3A_1490 : vector<16xf32>
    %max3A_1492 = arith.maximumf %max3A_1487, %select_n3A_1489 : vector<16xf32>
    %eq3A_1493 = arith.cmpf oeq, %sub3A_1465, %max3A_1482 : vector<16xf32>
    %select_n3A_1494 = arith.select %eq3A_1493, %broadcast_in_dim3A_1, %broadcast_in_dim3A_3 : vector<16xi1>, vector<16xf32>
    %sub3A_1495 = arith.subf %broadcast_in_dim3A_1, %max3A_1492 : vector<16xf32>
    %mul3A_1496 = arith.mulf %select_n3A_1494, %sub3A_1495 : vector<16xf32>
    %max3A_1497 = arith.maximumf %max3A_1492, %select_n3A_1494 : vector<16xf32>
    %eq3A_1498 = arith.cmpf oeq, %sub3A_1469, %max3A_1482 : vector<16xf32>
    %select_n3A_1499 = arith.select %eq3A_1498, %broadcast_in_dim3A_1, %broadcast_in_dim3A_3 : vector<16xi1>, vector<16xf32>
    %sub3A_1500 = arith.subf %broadcast_in_dim3A_1, %max3A_1497 : vector<16xf32>
    %mul3A_1501 = arith.mulf %select_n3A_1499, %sub3A_1500 : vector<16xf32>
    %max3A_1502 = arith.maximumf %max3A_1497, %select_n3A_1499 : vector<16xf32>
    %eq3A_1503 = arith.cmpf oeq, %sub3A_1473, %max3A_1482 : vector<16xf32>
    %select_n3A_1504 = arith.select %eq3A_1503, %broadcast_in_dim3A_1, %broadcast_in_dim3A_3 : vector<16xi1>, vector<16xf32>
    %sub3A_1505 = arith.subf %broadcast_in_dim3A_1, %max3A_1502 : vector<16xf32>
    %mul3A_1506 = arith.mulf %select_n3A_1504, %sub3A_1505 : vector<16xf32>
    %max3A_1507 = arith.maximumf %max3A_1502, %select_n3A_1504 : vector<16xf32>
    %eq3A_1508 = arith.cmpf oeq, %sub3A_1477, %max3A_1482 : vector<16xf32>
    %select_n3A_1509 = arith.select %eq3A_1508, %broadcast_in_dim3A_1, %broadcast_in_dim3A_3 : vector<16xi1>, vector<16xf32>
    %sub3A_1510 = arith.subf %broadcast_in_dim3A_1, %max3A_1507 : vector<16xf32>
    %mul3A_1511 = arith.mulf %select_n3A_1509, %sub3A_1510 : vector<16xf32>
    %max3A_1512 = arith.maximumf %max3A_1507, %select_n3A_1509 : vector<16xf32>
    %sub3A_1513 = arith.subf %max3A_1482, %max3A_1423 : vector<16xf32>
    %exp3A_1514 = math.exp %sub3A_1513 : vector<16xf32>
    %add3A_1515 = arith.constant 1.000000e+00 : f32
    %add3A_1516 = vector.broadcast %add3A_1515 : f32 to vector<16xf32>
    %add3A_1517 = arith.addf %add3A_1516, %exp3A_1514 : vector<16xf32>
    %div3A_1518 = arith.constant 1.000000e+00 : f32
    %div3A_1519 = vector.broadcast %div3A_1518 : f32 to vector<16xf32>
    %div3A_1520 = arith.divf %div3A_1519, %add3A_1517 : vector<16xf32>
    %mul3A_1521 = arith.mulf %exp3A_1514, %div3A_1520 : vector<16xf32>
    %mul3A_1522 = arith.mulf %mul3A_1427, %div3A_1520 : vector<16xf32>
    %mul3A_1523 = arith.mulf %mul3A_1486, %mul3A_1521 : vector<16xf32>
    %add3A_1524 = arith.addf %mul3A_1522, %mul3A_1523 : vector<16xf32>
    %swap3A_1525 = arith.constant 0 : i32
    %swap3A_1526 = arith.index_cast %swap3A_1525 : i32 to index
    %swap3A_1527 = arith.constant 112 : index
    %swap3A_1528 = tpu.vector_load %arg5[%swap3A_1526, %swap3A_1527] {strides = array<i32>} : memref<8x128xf32, #tpu.memory_space<vmem>>, vector<1x16xf32>,
    %swap3A_1529 = vector.shape_cast %swap3A_1528 : vector<1x16xf32> to vector<16xf32>
    %swap3A_1530 = vector.shape_cast %add3A_1524 : vector<16xf32> to vector<1x16xf32>
    tpu.vector_store %arg5[%swap3A_1526, %swap3A_1527], %swap3A_1530 {strides = array<i32>} : memref<8x128xf32, #tpu.memory_space<vmem>>, vector<1x16xf32>,
    %mul3A_1531 = arith.mulf %mul3A_1432, %div3A_1520 : vector<16xf32>
    %mul3A_1532 = arith.mulf %mul3A_1491, %mul3A_1521 : vector<16xf32>
    %add3A_1533 = arith.addf %mul3A_1531, %mul3A_1532 : vector<16xf32>
    %swap3A_1534 = arith.constant 1 : i32
    %swap3A_1535 = arith.index_cast %swap3A_1534 : i32 to index
    %swap3A_1536 = arith.constant 112 : index
    %swap3A_1537 = tpu.vector_load %arg5[%swap3A_1535, %swap3A_1536] {strides = array<i32>} : memref<8x128xf32, #tpu.memory_space<vmem>>, vector<1x16xf32>,
    %swap3A_1538 = vector.shape_cast %swap3A_1537 : vector<1x16xf32> to vector<16xf32>
    %swap3A_1539 = vector.shape_cast %add3A_1533 : vector<16xf32> to vector<1x16xf32>
    tpu.vector_store %arg5[%swap3A_1535, %swap3A_1536], %swap3A_1539 {strides = array<i32>} : memref<8x128xf32, #tpu.memory_space<vmem>>, vector<1x16xf32>,
    %mul3A_1540 = arith.mulf %mul3A_1437, %div3A_1520 : vector<16xf32>
    %mul3A_1541 = arith.mulf %mul3A_1496, %mul3A_1521 : vector<16xf32>
    %add3A_1542 = arith.addf %mul3A_1540, %mul3A_1541 : vector<16xf32>
    %swap3A_1543 = arith.constant 2 : i32
    %swap3A_1544 = arith.index_cast %swap3A_1543 : i32 to index
    %swap3A_1545 = arith.constant 112 : index
    %swap3A_1546 = tpu.vector_load %arg5[%swap3A_1544, %swap3A_1545] {strides = array<i32>} : memref<8x128xf32, #tpu.memory_space<vmem>>, vector<1x16xf32>,
    %swap3A_1547 = vector.shape_cast %swap3A_1546 : vector<1x16xf32> to vector<16xf32>
    %swap3A_1548 = vector.shape_cast %add3A_1542 : vector<16xf32> to vector<1x16xf32>
    tpu.vector_store %arg5[%swap3A_1544, %swap3A_1545], %swap3A_1548 {strides = array<i32>} : memref<8x128xf32, #tpu.memory_space<vmem>>, vector<1x16xf32>,
    %mul3A_1549 = arith.mulf %mul3A_1442, %div3A_1520 : vector<16xf32>
    %mul3A_1550 = arith.mulf %mul3A_1501, %mul3A_1521 : vector<16xf32>
    %add3A_1551 = arith.addf %mul3A_1549, %mul3A_1550 : vector<16xf32>
    %swap3A_1552 = arith.constant 3 : i32
    %swap3A_1553 = arith.index_cast %swap3A_1552 : i32 to index
    %swap3A_1554 = arith.constant 112 : index
    %swap3A_1555 = tpu.vector_load %arg5[%swap3A_1553, %swap3A_1554] {strides = array<i32>} : memref<8x128xf32, #tpu.memory_space<vmem>>, vector<1x16xf32>,
    %swap3A_1556 = vector.shape_cast %swap3A_1555 : vector<1x16xf32> to vector<16xf32>
    %swap3A_1557 = vector.shape_cast %add3A_1551 : vector<16xf32> to vector<1x16xf32>
    tpu.vector_store %arg5[%swap3A_1553, %swap3A_1554], %swap3A_1557 {strides = array<i32>} : memref<8x128xf32, #tpu.memory_space<vmem>>, vector<1x16xf32>,
    %mul3A_1558 = arith.mulf %mul3A_1447, %div3A_1520 : vector<16xf32>
    %mul3A_1559 = arith.mulf %mul3A_1506, %mul3A_1521 : vector<16xf32>
    %add3A_1560 = arith.addf %mul3A_1558, %mul3A_1559 : vector<16xf32>
    %swap3A_1561 = arith.constant 4 : i32
    %swap3A_1562 = arith.index_cast %swap3A_1561 : i32 to index
    %swap3A_1563 = arith.constant 112 : index
    %swap3A_1564 = tpu.vector_load %arg5[%swap3A_1562, %swap3A_1563] {strides = array<i32>} : memref<8x128xf32, #tpu.memory_space<vmem>>, vector<1x16xf32>,
    %swap3A_1565 = vector.shape_cast %swap3A_1564 : vector<1x16xf32> to vector<16xf32>
    %swap3A_1566 = vector.shape_cast %add3A_1560 : vector<16xf32> to vector<1x16xf32>
    tpu.vector_store %arg5[%swap3A_1562, %swap3A_1563], %swap3A_1566 {strides = array<i32>} : memref<8x128xf32, #tpu.memory_space<vmem>>, vector<1x16xf32>,
    %mul3A_1567 = arith.mulf %mul3A_1452, %div3A_1520 : vector<16xf32>
    %mul3A_1568 = arith.mulf %mul3A_1511, %mul3A_1521 : vector<16xf32>
    %add3A_1569 = arith.addf %mul3A_1567, %mul3A_1568 : vector<16xf32>
    %swap3A_1570 = arith.constant 5 : i32
    %swap3A_1571 = arith.index_cast %swap3A_1570 : i32 to index
    %swap3A_1572 = arith.constant 112 : index
    %swap3A_1573 = tpu.vector_load %arg5[%swap3A_1571, %swap3A_1572] {strides = array<i32>} : memref<8x128xf32, #tpu.memory_space<vmem>>, vector<1x16xf32>,
    %swap3A_1574 = vector.shape_cast %swap3A_1573 : vector<1x16xf32> to vector<16xf32>
    %swap3A_1575 = vector.shape_cast %add3A_1569 : vector<16xf32> to vector<1x16xf32>
    tpu.vector_store %arg5[%swap3A_1571, %swap3A_1572], %swap3A_1575 {strides = array<i32>} : memref<8x128xf32, #tpu.memory_space<vmem>>, vector<1x16xf32>,
    %swap3A_1576 = arith.constant 6 : i32
    %swap3A_1577 = arith.index_cast %swap3A_1576 : i32 to index
    %swap3A_1578 = arith.constant 112 : index
    %swap3A_1579 = tpu.vector_load %arg5[%swap3A_1577, %swap3A_1578] {strides = array<i32>} : memref<8x128xf32, #tpu.memory_space<vmem>>, vector<1x16xf32>,
    %swap3A_1580 = vector.shape_cast %swap3A_1579 : vector<1x16xf32> to vector<16xf32>
    %swap3A_1581 = vector.shape_cast %broadcast_in_dim3A_3 : vector<16xf32> to vector<1x16xf32>
    tpu.vector_store %arg5[%swap3A_1577, %swap3A_1578], %swap3A_1581 {strides = array<i32>} : memref<8x128xf32, #tpu.memory_space<vmem>>, vector<1x16xf32>,
    %swap3A_1582 = arith.constant 7 : i32
    %swap3A_1583 = arith.index_cast %swap3A_1582 : i32 to index
    %swap3A_1584 = arith.constant 112 : index
    %swap3A_1585 = tpu.vector_load %arg5[%swap3A_1583, %swap3A_1584] {strides = array<i32>} : memref<8x128xf32, #tpu.memory_space<vmem>>, vector<1x16xf32>,
    %swap3A_1586 = vector.shape_cast %swap3A_1585 : vector<1x16xf32> to vector<16xf32>
    %swap3A_1587 = vector.shape_cast %broadcast_in_dim3A_3 : vector<16xf32> to vector<1x16xf32>
    tpu.vector_store %arg5[%swap3A_1583, %swap3A_1584], %swap3A_1587 {strides = array<i32>} : memref<8x128xf32, #tpu.memory_space<vmem>>, vector<1x16xf32>,
    "tpu.region"() ({
      %run_scoped3A = tpu.sem_alloc : memref<!tpu.dma_semaphore, #tpu.memory_space<semaphore_mem>>
      %dma_start3A = arith.constant 0 : i32
      %dma_start3A_1588 = arith.constant 0 : i32
      %dma_start3A_1589 = tpu.memref_slice %arg3[%add3A, %dma_start3A, %dma_start3A_1588] : memref<32x8x128xf32, #tpu.memory_space<hbm>> -> memref<1x8x128xf32, #tpu.memory_space<hbm>>
      %dma_start3A_1590 = tpu.memref_squeeze %dma_start3A_1589 : memref<1x8x128xf32, #tpu.memory_space<hbm>> -> memref<8x128xf32, #tpu.memory_space<hbm>>
      %dma_start3A_1591 = arith.constant 0 : i32
      %dma_start3A_1592 = arith.constant 0 : i32
      %dma_start3A_1593 = tpu.memref_slice %arg3[%add3A, %dma_start3A_1591, %dma_start3A_1592] : memref<32x8x128xf32, #tpu.memory_space<hbm>> -> memref<1x8x128xf32, #tpu.memory_space<hbm>>
      %dma_start3A_1594 = tpu.memref_squeeze %dma_start3A_1593 : memref<1x8x128xf32, #tpu.memory_space<hbm>> -> memref<8x128xf32, #tpu.memory_space<hbm>>
      tpu.enqueue_dma source(%arg5 : memref<8x128xf32, #tpu.memory_space<vmem>>) target(%dma_start3A_1594 : memref<8x128xf32, #tpu.memory_space<hbm>>) target_semaphore(%run_scoped3A : memref<!tpu.dma_semaphore, #tpu.memory_space<semaphore_mem>>)
      %dma_wait3A = arith.constant 0 : i32
      %dma_wait3A_1595 = arith.constant 0 : i32
      %dma_wait3A_1596 = tpu.memref_slice %arg3[%add3A, %dma_wait3A, %dma_wait3A_1595] : memref<32x8x128xf32, #tpu.memory_space<hbm>> -> memref<1x8x128xf32, #tpu.memory_space<hbm>>
      %dma_wait3A_1597 = tpu.memref_squeeze %dma_wait3A_1596 : memref<1x8x128xf32, #tpu.memory_space<hbm>> -> memref<8x128xf32, #tpu.memory_space<hbm>>
      %dma_wait3A_1598 = arith.constant 0 : i32
      %dma_wait3A_1599 = arith.constant 0 : i32
      %dma_wait3A_1600 = tpu.memref_slice %arg3[%add3A, %dma_wait3A_1598, %dma_wait3A_1599] : memref<32x8x128xf32, #tpu.memory_space<hbm>> -> memref<1x8x128xf32, #tpu.memory_space<hbm>>
      %dma_wait3A_1601 = tpu.memref_squeeze %dma_wait3A_1600 : memref<1x8x128xf32, #tpu.memory_space<hbm>> -> memref<8x128xf32, #tpu.memory_space<hbm>>
      tpu.wait_dma2 semaphore(%run_scoped3A : memref<!tpu.dma_semaphore, #tpu.memory_space<semaphore_mem>>) src(%arg5 : memref<8x128xf32, #tpu.memory_space<vmem>>) dst(%dma_wait3A_1601 : memref<8x128xf32, #tpu.memory_space<hbm>>)
      tpu.yield
    }) : () -> ()
    return
  }
}

module attributes {stable_mosaic.version = 14 : i64} {
  func.func @_moe_pre_kernel(%arg0: i32, %arg1: memref<512x512xf32, #tpu.memory_space<vmem>>, %arg2: memref<512x96xf32, #tpu.memory_space<vmem>>, %arg3: memref<1x96xf32, #tpu.memory_space<vmem>>, %arg4: memref<96x8xf32, #tpu.memory_space<vmem>>, %arg5: memref<96x576xf32, #tpu.memory_space<vmem>>, %arg6: memref<1x576xf32, #tpu.memory_space<vmem>>, %arg7: memref<512x96xf32, #tpu.memory_space<vmem>>, %arg8: memref<512x8xf32, #tpu.memory_space<vmem>>, %arg9: memref<512x576xbf16, #tpu.memory_space<vmem>>) attributes {dimension_semantics = [#tpu.dimension_semantics<arbitrary>], iteration_bounds = array<i64: 8>, scalar_prefetch = 0 : i64, scratch_operands = 0 : i64, tpu.core_type = #tpu.core_type<tc>, window_params = [{transform_indices = @transform_0, window_bounds = array<i64: 512, 512>}, {pipeline_mode = #tpu.pipeline_mode<synchronous>, transform_indices = @transform_1, window_bounds = array<i64: 512, 96>}, {pipeline_mode = #tpu.pipeline_mode<synchronous>, transform_indices = @transform_2, window_bounds = array<i64: 1, 96>}, {pipeline_mode = #tpu.pipeline_mode<synchronous>, transform_indices = @transform_3, window_bounds = array<i64: 96, 8>}, {pipeline_mode = #tpu.pipeline_mode<synchronous>, transform_indices = @transform_4, window_bounds = array<i64: 96, 576>}, {pipeline_mode = #tpu.pipeline_mode<synchronous>, transform_indices = @transform_5, window_bounds = array<i64: 1, 576>}, {transform_indices = @transform_6, window_bounds = array<i64: 512, 96>}, {transform_indices = @transform_7, window_bounds = array<i64: 512, 8>}, {transform_indices = @transform_8, window_bounds = array<i64: 512, 576>}]} {
    %get3A = arith.constant 0 : index
    %get3A_0 = arith.constant 0 : index
    %get3A_1 = vector.load %arg1[%get3A, %get3A_0] : memref<512x512xf32, #tpu.memory_space<vmem>>, vector<512x512xf32>
    %get3A_2 = arith.constant 0 : index
    %get3A_3 = arith.constant 0 : index
    %get3A_4 = vector.load %arg2[%get3A_2, %get3A_3] : memref<512x96xf32, #tpu.memory_space<vmem>>, vector<512x96xf32>
    %dot_general3A = arith.constant dense<0.000000e+00> : vector<512x96xf32>
    %dot_general3A_5 = tpu.matmul %get3A_1, %get3A_4, %dot_general3A {dimension_numbers = #tpu.dot_dimension_numbers<[1], [0], [0], [1], [0, 0, 1, 1], [], []>, transpose_lhs_hint = false} : vector<512x512xf32>, vector<512x96xf32>, vector<512x96xf32> -> vector<512x96xf32>
    %get3A_6 = arith.constant 0 : index
    %get3A_7 = arith.constant 0 : index
    %get3A_8 = vector.load %arg3[%get3A_6, %get3A_7] : memref<1x96xf32, #tpu.memory_space<vmem>>, vector<1x96xf32>
    %add3A = vector.broadcast %get3A_8 : vector<1x96xf32> to vector<512x96xf32>
    %add3A_9 = arith.addf %dot_general3A_5, %add3A : vector<512x96xf32>
    %swap3A = arith.constant 0 : index
    %swap3A_10 = arith.constant 0 : index
    %swap3A_11 = vector.load %arg7[%swap3A, %swap3A_10] : memref<512x96xf32, #tpu.memory_space<vmem>>, vector<512x96xf32>
    tpu.vector_store %arg7[%swap3A, %swap3A_10], %add3A_9 {strides = array<i32>} : memref<512x96xf32, #tpu.memory_space<vmem>>, vector<512x96xf32>,
    %get3A_12 = arith.constant 0 : index
    %get3A_13 = arith.constant 0 : index
    %get3A_14 = vector.load %arg4[%get3A_12, %get3A_13] : memref<96x8xf32, #tpu.memory_space<vmem>>, vector<96x8xf32>
    %dot_general3A_15 = arith.constant dense<0.000000e+00> : vector<512x8xf32>
    %dot_general3A_16 = tpu.matmul %add3A_9, %get3A_14, %dot_general3A_15 {dimension_numbers = #tpu.dot_dimension_numbers<[1], [0], [0], [1], [0, 0, 1, 1], [], []>, transpose_lhs_hint = false} : vector<512x96xf32>, vector<96x8xf32>, vector<512x8xf32> -> vector<512x8xf32>
    %swap3A_17 = arith.constant 0 : index
    %swap3A_18 = arith.constant 0 : index
    %swap3A_19 = vector.load %arg8[%swap3A_17, %swap3A_18] : memref<512x8xf32, #tpu.memory_space<vmem>>, vector<512x8xf32>
    tpu.vector_store %arg8[%swap3A_17, %swap3A_18], %dot_general3A_16 {strides = array<i32>} : memref<512x8xf32, #tpu.memory_space<vmem>>, vector<512x8xf32>,
    %get3A_20 = arith.constant 0 : index
    %get3A_21 = arith.constant 0 : index
    %get3A_22 = vector.load %arg5[%get3A_20, %get3A_21] : memref<96x576xf32, #tpu.memory_space<vmem>>, vector<96x576xf32>
    %convert_element_type3A = arith.truncf %add3A_9 : vector<512x96xf32> to vector<512x96xbf16>
    %convert_element_type3A_23 = arith.truncf %get3A_22 : vector<96x576xf32> to vector<96x576xbf16>
    %dot_general3A_24 = arith.constant dense<0.000000e+00> : vector<512x576xf32>
    %dot_general3A_25 = tpu.matmul %convert_element_type3A, %convert_element_type3A_23, %dot_general3A_24 {dimension_numbers = #tpu.dot_dimension_numbers<[1], [0], [0], [1], [0, 0, 1, 1], [], []>, transpose_lhs_hint = false} : vector<512x96xbf16>, vector<96x576xbf16>, vector<512x576xf32> -> vector<512x576xf32>
    %get3A_26 = arith.constant 0 : index
    %get3A_27 = arith.constant 0 : index
    %get3A_28 = vector.load %arg6[%get3A_26, %get3A_27] : memref<1x576xf32, #tpu.memory_space<vmem>>, vector<1x576xf32>
    %add3A_29 = vector.broadcast %get3A_28 : vector<1x576xf32> to vector<512x576xf32>
    %add3A_30 = arith.addf %dot_general3A_25, %add3A_29 : vector<512x576xf32>
    %max3A = arith.constant 0.000000e+00 : f32
    %max3A_31 = vector.broadcast %max3A : f32 to vector<512x576xf32>
    %max3A_32 = arith.maximumf %add3A_30, %max3A_31 : vector<512x576xf32>
    %convert_element_type3A_33 = arith.truncf %max3A_32 : vector<512x576xf32> to vector<512x576xbf16>
    %swap3A_34 = arith.constant 0 : index
    %swap3A_35 = arith.constant 0 : index
    %swap3A_36 = vector.load %arg9[%swap3A_34, %swap3A_35] : memref<512x576xbf16, #tpu.memory_space<vmem>>, vector<512x576xbf16>
    tpu.vector_store %arg9[%swap3A_34, %swap3A_35], %convert_element_type3A_33 {strides = array<i32>} : memref<512x576xbf16, #tpu.memory_space<vmem>>, vector<512x576xbf16>,
    return
  }
  func.func @transform_0(%arg0: i32) -> (i32, i32) {
    %c0_i32 = arith.constant 0 : i32
    %c0_i32_0 = arith.constant 0 : i32
    return %arg0, %c0_i32 : i32, i32
  }
  func.func @transform_1(%arg0: i32) -> (i32, i32) {
    %c0_i32 = arith.constant 0 : i32
    %c0_i32_0 = arith.constant 0 : i32
    %c0_i32_1 = arith.constant 0 : i32
    return %c0_i32, %c0_i32_0 : i32, i32
  }
  func.func @transform_2(%arg0: i32) -> (i32, i32) {
    %c0_i32 = arith.constant 0 : i32
    %c0_i32_0 = arith.constant 0 : i32
    %c0_i32_1 = arith.constant 0 : i32
    return %c0_i32, %c0_i32_0 : i32, i32
  }
  func.func @transform_3(%arg0: i32) -> (i32, i32) {
    %c0_i32 = arith.constant 0 : i32
    %c0_i32_0 = arith.constant 0 : i32
    %c0_i32_1 = arith.constant 0 : i32
    return %c0_i32, %c0_i32_0 : i32, i32
  }
  func.func @transform_4(%arg0: i32) -> (i32, i32) {
    %c0_i32 = arith.constant 0 : i32
    %c0_i32_0 = arith.constant 0 : i32
    %c0_i32_1 = arith.constant 0 : i32
    return %c0_i32, %c0_i32_0 : i32, i32
  }
  func.func @transform_5(%arg0: i32) -> (i32, i32) {
    %c0_i32 = arith.constant 0 : i32
    %c0_i32_0 = arith.constant 0 : i32
    %c0_i32_1 = arith.constant 0 : i32
    return %c0_i32, %c0_i32_0 : i32, i32
  }
  func.func @transform_6(%arg0: i32) -> (i32, i32) {
    %c0_i32 = arith.constant 0 : i32
    %c0_i32_0 = arith.constant 0 : i32
    return %arg0, %c0_i32 : i32, i32
  }
  func.func @transform_7(%arg0: i32) -> (i32, i32) {
    %c0_i32 = arith.constant 0 : i32
    %c0_i32_0 = arith.constant 0 : i32
    return %arg0, %c0_i32 : i32, i32
  }
  func.func @transform_8(%arg0: i32) -> (i32, i32) {
    %c0_i32 = arith.constant 0 : i32
    %c0_i32_0 = arith.constant 0 : i32
    return %arg0, %c0_i32 : i32, i32
  }
}

module attributes {stable_mosaic.version = 14 : i64} {
  func.func @_combine_qkv_kernel(%arg0: i32, %arg1: memref<512x96xf32, #tpu.memory_space<vmem>>, %arg2: memref<512x576xbf16, #tpu.memory_space<vmem>>, %arg3: memref<512x8xf32, #tpu.memory_space<vmem>>, %arg4: memref<96x96xf32, #tpu.memory_space<vmem>>, %arg5: memref<1x96xf32, #tpu.memory_space<vmem>>, %arg6: memref<96x96xf32, #tpu.memory_space<vmem>>, %arg7: memref<1x96xf32, #tpu.memory_space<vmem>>, %arg8: memref<96x96xf32, #tpu.memory_space<vmem>>, %arg9: memref<1x96xf32, #tpu.memory_space<vmem>>, %arg10: memref<1x96xf32, #tpu.memory_space<vmem>>, %arg11: memref<1x96xf32, #tpu.memory_space<vmem>>, %arg12: memref<512x96xf32, #tpu.memory_space<vmem>>, %arg13: memref<512x96xbf16, #tpu.memory_space<vmem>>, %arg14: memref<512x96xbf16, #tpu.memory_space<vmem>>, %arg15: memref<512x96xbf16, #tpu.memory_space<vmem>>) attributes {dimension_semantics = [#tpu.dimension_semantics<arbitrary>], iteration_bounds = array<i64: 8>, scalar_prefetch = 0 : i64, scratch_operands = 0 : i64, tpu.core_type = #tpu.core_type<tc>, window_params = [{transform_indices = @transform_0, window_bounds = array<i64: 512, 96>}, {transform_indices = @transform_1, window_bounds = array<i64: 512, 576>}, {transform_indices = @transform_2, window_bounds = array<i64: 512, 8>}, {pipeline_mode = #tpu.pipeline_mode<synchronous>, transform_indices = @transform_3, window_bounds = array<i64: 96, 96>}, {pipeline_mode = #tpu.pipeline_mode<synchronous>, transform_indices = @transform_4, window_bounds = array<i64: 1, 96>}, {pipeline_mode = #tpu.pipeline_mode<synchronous>, transform_indices = @transform_5, window_bounds = array<i64: 96, 96>}, {pipeline_mode = #tpu.pipeline_mode<synchronous>, transform_indices = @transform_6, window_bounds = array<i64: 1, 96>}, {pipeline_mode = #tpu.pipeline_mode<synchronous>, transform_indices = @transform_7, window_bounds = array<i64: 96, 96>}, {pipeline_mode = #tpu.pipeline_mode<synchronous>, transform_indices = @transform_8, window_bounds = array<i64: 1, 96>}, {pipeline_mode = #tpu.pipeline_mode<synchronous>, transform_indices = @transform_9, window_bounds = array<i64: 1, 96>}, {pipeline_mode = #tpu.pipeline_mode<synchronous>, transform_indices = @transform_10, window_bounds = array<i64: 1, 96>}, {transform_indices = @transform_11, window_bounds = array<i64: 512, 96>}, {transform_indices = @transform_12, window_bounds = array<i64: 512, 96>}, {transform_indices = @transform_13, window_bounds = array<i64: 512, 96>}, {transform_indices = @transform_14, window_bounds = array<i64: 512, 96>}]} {
    %get3A = arith.constant 0 : index
    %get3A_0 = arith.constant 0 : index
    %get3A_1 = vector.load %arg1[%get3A, %get3A_0] : memref<512x96xf32, #tpu.memory_space<vmem>>, vector<512x96xf32>
    %get3A_2 = arith.constant 0 : index
    %get3A_3 = arith.constant 0 : index
    %get3A_4 = vector.load %arg2[%get3A_2, %get3A_3] : memref<512x576xbf16, #tpu.memory_space<vmem>>, vector<512x576xbf16>
    %convert_element_type3A = arith.extf %get3A_4 : vector<512x576xbf16> to vector<512x576xf32>
    %get3A_5 = arith.constant 0 : index
    %get3A_6 = arith.constant 0 : index
    %get3A_7 = vector.load %arg3[%get3A_5, %get3A_6] : memref<512x8xf32, #tpu.memory_space<vmem>>, vector<512x8xf32>
    %slice3A = vector.extract_strided_slice %get3A_7 {offsets = [0, 0], sizes = [512, 1], strides = [1, 1]} : vector<512x8xf32> to vector<512x1xf32>
    %slice3A_8 = vector.extract_strided_slice %convert_element_type3A {offsets = [0, 0], sizes = [512, 96], strides = [1, 1]} : vector<512x576xf32> to vector<512x96xf32>
    %mul3A = vector.broadcast %slice3A : vector<512x1xf32> to vector<512x96xf32>
    %mul3A_9 = arith.mulf %mul3A, %slice3A_8 : vector<512x96xf32>
    %add3A = arith.addf %get3A_1, %mul3A_9 : vector<512x96xf32>
    %slice3A_10 = vector.extract_strided_slice %get3A_7 {offsets = [0, 1], sizes = [512, 1], strides = [1, 1]} : vector<512x8xf32> to vector<512x1xf32>
    %slice3A_11 = vector.extract_strided_slice %convert_element_type3A {offsets = [0, 96], sizes = [512, 96], strides = [1, 1]} : vector<512x576xf32> to vector<512x96xf32>
    %mul3A_12 = vector.broadcast %slice3A_10 : vector<512x1xf32> to vector<512x96xf32>
    %mul3A_13 = arith.mulf %mul3A_12, %slice3A_11 : vector<512x96xf32>
    %add3A_14 = arith.addf %add3A, %mul3A_13 : vector<512x96xf32>
    %slice3A_15 = vector.extract_strided_slice %get3A_7 {offsets = [0, 2], sizes = [512, 1], strides = [1, 1]} : vector<512x8xf32> to vector<512x1xf32>
    %slice3A_16 = vector.extract_strided_slice %convert_element_type3A {offsets = [0, 192], sizes = [512, 96], strides = [1, 1]} : vector<512x576xf32> to vector<512x96xf32>
    %mul3A_17 = vector.broadcast %slice3A_15 : vector<512x1xf32> to vector<512x96xf32>
    %mul3A_18 = arith.mulf %mul3A_17, %slice3A_16 : vector<512x96xf32>
    %add3A_19 = arith.addf %add3A_14, %mul3A_18 : vector<512x96xf32>
    %slice3A_20 = vector.extract_strided_slice %get3A_7 {offsets = [0, 3], sizes = [512, 1], strides = [1, 1]} : vector<512x8xf32> to vector<512x1xf32>
    %slice3A_21 = vector.extract_strided_slice %convert_element_type3A {offsets = [0, 288], sizes = [512, 96], strides = [1, 1]} : vector<512x576xf32> to vector<512x96xf32>
    %mul3A_22 = vector.broadcast %slice3A_20 : vector<512x1xf32> to vector<512x96xf32>
    %mul3A_23 = arith.mulf %mul3A_22, %slice3A_21 : vector<512x96xf32>
    %add3A_24 = arith.addf %add3A_19, %mul3A_23 : vector<512x96xf32>
    %slice3A_25 = vector.extract_strided_slice %get3A_7 {offsets = [0, 4], sizes = [512, 1], strides = [1, 1]} : vector<512x8xf32> to vector<512x1xf32>
    %slice3A_26 = vector.extract_strided_slice %convert_element_type3A {offsets = [0, 384], sizes = [512, 96], strides = [1, 1]} : vector<512x576xf32> to vector<512x96xf32>
    %mul3A_27 = vector.broadcast %slice3A_25 : vector<512x1xf32> to vector<512x96xf32>
    %mul3A_28 = arith.mulf %mul3A_27, %slice3A_26 : vector<512x96xf32>
    %add3A_29 = arith.addf %add3A_24, %mul3A_28 : vector<512x96xf32>
    %slice3A_30 = vector.extract_strided_slice %get3A_7 {offsets = [0, 5], sizes = [512, 1], strides = [1, 1]} : vector<512x8xf32> to vector<512x1xf32>
    %slice3A_31 = vector.extract_strided_slice %convert_element_type3A {offsets = [0, 480], sizes = [512, 96], strides = [1, 1]} : vector<512x576xf32> to vector<512x96xf32>
    %mul3A_32 = vector.broadcast %slice3A_30 : vector<512x1xf32> to vector<512x96xf32>
    %mul3A_33 = arith.mulf %mul3A_32, %slice3A_31 : vector<512x96xf32>
    %add3A_34 = arith.addf %add3A_29, %mul3A_33 : vector<512x96xf32>
    %swap3A = arith.constant 0 : index
    %swap3A_35 = arith.constant 0 : index
    %swap3A_36 = vector.load %arg12[%swap3A, %swap3A_35] : memref<512x96xf32, #tpu.memory_space<vmem>>, vector<512x96xf32>
    tpu.vector_store %arg12[%swap3A, %swap3A_35], %add3A_34 {strides = array<i32>} : memref<512x96xf32, #tpu.memory_space<vmem>>, vector<512x96xf32>,
    %get3A_37 = arith.constant 0 : index
    %get3A_38 = arith.constant 0 : index
    %get3A_39 = vector.load %arg10[%get3A_37, %get3A_38] : memref<1x96xf32, #tpu.memory_space<vmem>>, vector<1x96xf32>
    %get3A_40 = arith.constant 0 : index
    %get3A_41 = arith.constant 0 : index
    %get3A_42 = vector.load %arg11[%get3A_40, %get3A_41] : memref<1x96xf32, #tpu.memory_space<vmem>>, vector<1x96xf32>
    %reduce_sum3A = arith.constant dense<0.000000e+00> : vector<512xf32>
    %reduce_sum3A_43 = vector.multi_reduction <add>, %add3A_34, %reduce_sum3A [1] : vector<512x96xf32> to vector<512xf32>
    %broadcast_in_dim3A = vector.shape_cast %reduce_sum3A_43 : vector<512xf32> to vector<512x1xf32>
    %div3A = arith.constant 9.600000e+01 : f32
    %div3A_44 = vector.broadcast %div3A : f32 to vector<512x1xf32>
    %div3A_45 = arith.divf %broadcast_in_dim3A, %div3A_44 : vector<512x1xf32>
    %sub3A = vector.broadcast %div3A_45 : vector<512x1xf32> to vector<512x96xf32>
    %sub3A_46 = arith.subf %add3A_34, %sub3A : vector<512x96xf32>
    %integer_pow3A = arith.mulf %sub3A_46, %sub3A_46 : vector<512x96xf32>
    %reduce_sum3A_47 = arith.constant dense<0.000000e+00> : vector<512xf32>
    %reduce_sum3A_48 = vector.multi_reduction <add>, %integer_pow3A, %reduce_sum3A_47 [1] : vector<512x96xf32> to vector<512xf32>
    %broadcast_in_dim3A_49 = vector.shape_cast %reduce_sum3A_48 : vector<512xf32> to vector<512x1xf32>
    %div3A_50 = arith.constant 9.600000e+01 : f32
    %div3A_51 = vector.broadcast %div3A_50 : f32 to vector<512x1xf32>
    %div3A_52 = arith.divf %broadcast_in_dim3A_49, %div3A_51 : vector<512x1xf32>
    %sub3A_53 = vector.broadcast %div3A_45 : vector<512x1xf32> to vector<512x96xf32>
    %sub3A_54 = arith.subf %add3A_34, %sub3A_53 : vector<512x96xf32>
    %add3A_55 = arith.constant 9.99999996E-13 : f32
    %add3A_56 = vector.broadcast %add3A_55 : f32 to vector<512x1xf32>
    %add3A_57 = arith.addf %div3A_52, %add3A_56 : vector<512x1xf32>
    %sqrt3A = math.sqrt %add3A_57 : vector<512x1xf32>
    %div3A_58 = vector.broadcast %sqrt3A : vector<512x1xf32> to vector<512x96xf32>
    %div3A_59 = arith.divf %sub3A_54, %div3A_58 : vector<512x96xf32>
    %mul3A_60 = vector.broadcast %get3A_39 : vector<1x96xf32> to vector<512x96xf32>
    %mul3A_61 = arith.mulf %div3A_59, %mul3A_60 : vector<512x96xf32>
    %add3A_62 = vector.broadcast %get3A_42 : vector<1x96xf32> to vector<512x96xf32>
    %add3A_63 = arith.addf %mul3A_61, %add3A_62 : vector<512x96xf32>
    %get3A_64 = arith.constant 0 : index
    %get3A_65 = arith.constant 0 : index
    %get3A_66 = vector.load %arg4[%get3A_64, %get3A_65] : memref<96x96xf32, #tpu.memory_space<vmem>>, vector<96x96xf32>
    %convert_element_type3A_67 = arith.truncf %add3A_63 : vector<512x96xf32> to vector<512x96xbf16>
    %convert_element_type3A_68 = arith.truncf %get3A_66 : vector<96x96xf32> to vector<96x96xbf16>
    %dot_general3A = arith.constant dense<0.000000e+00> : vector<512x96xf32>
    %dot_general3A_69 = tpu.matmul %convert_element_type3A_67, %convert_element_type3A_68, %dot_general3A {dimension_numbers = #tpu.dot_dimension_numbers<[1], [0], [0], [1], [0, 0, 1, 1], [], []>, transpose_lhs_hint = false} : vector<512x96xbf16>, vector<96x96xbf16>, vector<512x96xf32> -> vector<512x96xf32>
    %get3A_70 = arith.constant 0 : index
    %get3A_71 = arith.constant 0 : index
    %get3A_72 = vector.load %arg5[%get3A_70, %get3A_71] : memref<1x96xf32, #tpu.memory_space<vmem>>, vector<1x96xf32>
    %add3A_73 = vector.broadcast %get3A_72 : vector<1x96xf32> to vector<512x96xf32>
    %add3A_74 = arith.addf %dot_general3A_69, %add3A_73 : vector<512x96xf32>
    %convert_element_type3A_75 = arith.truncf %add3A_74 : vector<512x96xf32> to vector<512x96xbf16>
    %swap3A_76 = arith.constant 0 : index
    %swap3A_77 = arith.constant 0 : index
    %swap3A_78 = vector.load %arg13[%swap3A_76, %swap3A_77] : memref<512x96xbf16, #tpu.memory_space<vmem>>, vector<512x96xbf16>
    tpu.vector_store %arg13[%swap3A_76, %swap3A_77], %convert_element_type3A_75 {strides = array<i32>} : memref<512x96xbf16, #tpu.memory_space<vmem>>, vector<512x96xbf16>,
    %get3A_79 = arith.constant 0 : index
    %get3A_80 = arith.constant 0 : index
    %get3A_81 = vector.load %arg6[%get3A_79, %get3A_80] : memref<96x96xf32, #tpu.memory_space<vmem>>, vector<96x96xf32>
    %convert_element_type3A_82 = arith.truncf %add3A_63 : vector<512x96xf32> to vector<512x96xbf16>
    %convert_element_type3A_83 = arith.truncf %get3A_81 : vector<96x96xf32> to vector<96x96xbf16>
    %dot_general3A_84 = arith.constant dense<0.000000e+00> : vector<512x96xf32>
    %dot_general3A_85 = tpu.matmul %convert_element_type3A_82, %convert_element_type3A_83, %dot_general3A_84 {dimension_numbers = #tpu.dot_dimension_numbers<[1], [0], [0], [1], [0, 0, 1, 1], [], []>, transpose_lhs_hint = false} : vector<512x96xbf16>, vector<96x96xbf16>, vector<512x96xf32> -> vector<512x96xf32>
    %get3A_86 = arith.constant 0 : index
    %get3A_87 = arith.constant 0 : index
    %get3A_88 = vector.load %arg7[%get3A_86, %get3A_87] : memref<1x96xf32, #tpu.memory_space<vmem>>, vector<1x96xf32>
    %add3A_89 = vector.broadcast %get3A_88 : vector<1x96xf32> to vector<512x96xf32>
    %add3A_90 = arith.addf %dot_general3A_85, %add3A_89 : vector<512x96xf32>
    %convert_element_type3A_91 = arith.truncf %add3A_90 : vector<512x96xf32> to vector<512x96xbf16>
    %swap3A_92 = arith.constant 0 : index
    %swap3A_93 = arith.constant 0 : index
    %swap3A_94 = vector.load %arg14[%swap3A_92, %swap3A_93] : memref<512x96xbf16, #tpu.memory_space<vmem>>, vector<512x96xbf16>
    tpu.vector_store %arg14[%swap3A_92, %swap3A_93], %convert_element_type3A_91 {strides = array<i32>} : memref<512x96xbf16, #tpu.memory_space<vmem>>, vector<512x96xbf16>,
    %get3A_95 = arith.constant 0 : index
    %get3A_96 = arith.constant 0 : index
    %get3A_97 = vector.load %arg8[%get3A_95, %get3A_96] : memref<96x96xf32, #tpu.memory_space<vmem>>, vector<96x96xf32>
    %convert_element_type3A_98 = arith.truncf %add3A_63 : vector<512x96xf32> to vector<512x96xbf16>
    %convert_element_type3A_99 = arith.truncf %get3A_97 : vector<96x96xf32> to vector<96x96xbf16>
    %dot_general3A_100 = arith.constant dense<0.000000e+00> : vector<512x96xf32>
    %dot_general3A_101 = tpu.matmul %convert_element_type3A_98, %convert_element_type3A_99, %dot_general3A_100 {dimension_numbers = #tpu.dot_dimension_numbers<[1], [0], [0], [1], [0, 0, 1, 1], [], []>, transpose_lhs_hint = false} : vector<512x96xbf16>, vector<96x96xbf16>, vector<512x96xf32> -> vector<512x96xf32>
    %get3A_102 = arith.constant 0 : index
    %get3A_103 = arith.constant 0 : index
    %get3A_104 = vector.load %arg9[%get3A_102, %get3A_103] : memref<1x96xf32, #tpu.memory_space<vmem>>, vector<1x96xf32>
    %add3A_105 = vector.broadcast %get3A_104 : vector<1x96xf32> to vector<512x96xf32>
    %add3A_106 = arith.addf %dot_general3A_101, %add3A_105 : vector<512x96xf32>
    %convert_element_type3A_107 = arith.truncf %add3A_106 : vector<512x96xf32> to vector<512x96xbf16>
    %swap3A_108 = arith.constant 0 : index
    %swap3A_109 = arith.constant 0 : index
    %swap3A_110 = vector.load %arg15[%swap3A_108, %swap3A_109] : memref<512x96xbf16, #tpu.memory_space<vmem>>, vector<512x96xbf16>
    tpu.vector_store %arg15[%swap3A_108, %swap3A_109], %convert_element_type3A_107 {strides = array<i32>} : memref<512x96xbf16, #tpu.memory_space<vmem>>, vector<512x96xbf16>,
    return
  }
  func.func @transform_0(%arg0: i32) -> (i32, i32) {
    %c0_i32 = arith.constant 0 : i32
    %c0_i32_0 = arith.constant 0 : i32
    return %arg0, %c0_i32 : i32, i32
  }
  func.func @transform_1(%arg0: i32) -> (i32, i32) {
    %c0_i32 = arith.constant 0 : i32
    %c0_i32_0 = arith.constant 0 : i32
    return %arg0, %c0_i32 : i32, i32
  }
  func.func @transform_2(%arg0: i32) -> (i32, i32) {
    %c0_i32 = arith.constant 0 : i32
    %c0_i32_0 = arith.constant 0 : i32
    return %arg0, %c0_i32 : i32, i32
  }
  func.func @transform_3(%arg0: i32) -> (i32, i32) {
    %c0_i32 = arith.constant 0 : i32
    %c0_i32_0 = arith.constant 0 : i32
    %c0_i32_1 = arith.constant 0 : i32
    return %c0_i32, %c0_i32_0 : i32, i32
  }
  func.func @transform_4(%arg0: i32) -> (i32, i32) {
    %c0_i32 = arith.constant 0 : i32
    %c0_i32_0 = arith.constant 0 : i32
    %c0_i32_1 = arith.constant 0 : i32
    return %c0_i32, %c0_i32_0 : i32, i32
  }
  func.func @transform_5(%arg0: i32) -> (i32, i32) {
    %c0_i32 = arith.constant 0 : i32
    %c0_i32_0 = arith.constant 0 : i32
    %c0_i32_1 = arith.constant 0 : i32
    return %c0_i32, %c0_i32_0 : i32, i32
  }
  func.func @transform_6(%arg0: i32) -> (i32, i32) {
    %c0_i32 = arith.constant 0 : i32
    %c0_i32_0 = arith.constant 0 : i32
    %c0_i32_1 = arith.constant 0 : i32
    return %c0_i32, %c0_i32_0 : i32, i32
  }
  func.func @transform_7(%arg0: i32) -> (i32, i32) {
    %c0_i32 = arith.constant 0 : i32
    %c0_i32_0 = arith.constant 0 : i32
    %c0_i32_1 = arith.constant 0 : i32
    return %c0_i32, %c0_i32_0 : i32, i32
  }
  func.func @transform_8(%arg0: i32) -> (i32, i32) {
    %c0_i32 = arith.constant 0 : i32
    %c0_i32_0 = arith.constant 0 : i32
    %c0_i32_1 = arith.constant 0 : i32
    return %c0_i32, %c0_i32_0 : i32, i32
  }
  func.func @transform_9(%arg0: i32) -> (i32, i32) {
    %c0_i32 = arith.constant 0 : i32
    %c0_i32_0 = arith.constant 0 : i32
    %c0_i32_1 = arith.constant 0 : i32
    return %c0_i32, %c0_i32_0 : i32, i32
  }
  func.func @transform_10(%arg0: i32) -> (i32, i32) {
    %c0_i32 = arith.constant 0 : i32
    %c0_i32_0 = arith.constant 0 : i32
    %c0_i32_1 = arith.constant 0 : i32
    return %c0_i32, %c0_i32_0 : i32, i32
  }
  func.func @transform_11(%arg0: i32) -> (i32, i32) {
    %c0_i32 = arith.constant 0 : i32
    %c0_i32_0 = arith.constant 0 : i32
    return %arg0, %c0_i32 : i32, i32
  }
  func.func @transform_12(%arg0: i32) -> (i32, i32) {
    %c0_i32 = arith.constant 0 : i32
    %c0_i32_0 = arith.constant 0 : i32
    return %arg0, %c0_i32 : i32, i32
  }
  func.func @transform_13(%arg0: i32) -> (i32, i32) {
    %c0_i32 = arith.constant 0 : i32
    %c0_i32_0 = arith.constant 0 : i32
    return %arg0, %c0_i32 : i32, i32
  }
  func.func @transform_14(%arg0: i32) -> (i32, i32) {
    %c0_i32 = arith.constant 0 : i32
    %c0_i32_0 = arith.constant 0 : i32
    return %arg0, %c0_i32 : i32, i32
  }
}

module attributes {stable_mosaic.version = 14 : i64} {
  func.func @_pattn_kernel(%arg0: i32, %arg1: i32, %arg2: memref<1x256x96xbf16, #tpu.memory_space<vmem>>, %arg3: memref<1x2048x96xbf16, #tpu.memory_space<vmem>>, %arg4: memref<1x2048x96xbf16, #tpu.memory_space<vmem>>, %arg5: memref<1x256x96xf32, #tpu.memory_space<vmem>>, %arg6: memref<96x96xf32, #tpu.memory_space<vmem>>, %arg7: memref<1x96xf32, #tpu.memory_space<vmem>>, %arg8: memref<96x768xf32, #tpu.memory_space<vmem>>, %arg9: memref<1x768xf32, #tpu.memory_space<vmem>>, %arg10: memref<1x768xf32, #tpu.memory_space<vmem>>, %arg11: memref<1x768xf32, #tpu.memory_space<vmem>>, %arg12: memref<768x768xf32, #tpu.memory_space<vmem>>, %arg13: memref<1x768xf32, #tpu.memory_space<vmem>>, %arg14: memref<768x768xf32, #tpu.memory_space<vmem>>, %arg15: memref<1x768xf32, #tpu.memory_space<vmem>>, %arg16: memref<1x12x256x64xbf16, #tpu.memory_space<vmem>>, %arg17: memref<1x12x256x64xbf16, #tpu.memory_space<vmem>>) attributes {dimension_semantics = [#tpu.dimension_semantics<arbitrary>, #tpu.dimension_semantics<arbitrary>], iteration_bounds = array<i64: 2, 8>, scalar_prefetch = 0 : i64, scratch_operands = 0 : i64, tpu.core_type = #tpu.core_type<tc>, window_params = [{transform_indices = @transform_0, window_bounds = array<i64: 1, 256, 96>}, {transform_indices = @transform_1, window_bounds = array<i64: 1, 2048, 96>}, {transform_indices = @transform_2, window_bounds = array<i64: 1, 2048, 96>}, {transform_indices = @transform_3, window_bounds = array<i64: 1, 256, 96>}, {pipeline_mode = #tpu.pipeline_mode<synchronous>, transform_indices = @transform_4, window_bounds = array<i64: 96, 96>}, {pipeline_mode = #tpu.pipeline_mode<synchronous>, transform_indices = @transform_5, window_bounds = array<i64: 1, 96>}, {pipeline_mode = #tpu.pipeline_mode<synchronous>, transform_indices = @transform_6, window_bounds = array<i64: 96, 768>}, {pipeline_mode = #tpu.pipeline_mode<synchronous>, transform_indices = @transform_7, window_bounds = array<i64: 1, 768>}, {pipeline_mode = #tpu.pipeline_mode<synchronous>, transform_indices = @transform_8, window_bounds = array<i64: 1, 768>}, {pipeline_mode = #tpu.pipeline_mode<synchronous>, transform_indices = @transform_9, window_bounds = array<i64: 1, 768>}, {pipeline_mode = #tpu.pipeline_mode<synchronous>, transform_indices = @transform_10, window_bounds = array<i64: 768, 768>}, {pipeline_mode = #tpu.pipeline_mode<synchronous>, transform_indices = @transform_11, window_bounds = array<i64: 1, 768>}, {pipeline_mode = #tpu.pipeline_mode<synchronous>, transform_indices = @transform_12, window_bounds = array<i64: 768, 768>}, {pipeline_mode = #tpu.pipeline_mode<synchronous>, transform_indices = @transform_13, window_bounds = array<i64: 1, 768>}, {transform_indices = @transform_14, window_bounds = array<i64: 1, 12, 256, 64>}, {transform_indices = @transform_15, window_bounds = array<i64: 1, 12, 256, 64>}]} {
    %get3A = arith.constant 0 : index
    %get3A_0 = arith.constant 0 : index
    %get3A_1 = arith.constant 0 : index
    %get3A_2 = vector.load %arg2[%get3A, %get3A_0, %get3A_1] : memref<1x256x96xbf16, #tpu.memory_space<vmem>>, vector<1x256x96xbf16>
    %get3A_3 = vector.shape_cast %get3A_2 : vector<1x256x96xbf16> to vector<256x96xbf16>
    %mul3A = arith.constant 256 : i32
    %mul3A_4 = arith.muli %arg1, %mul3A : i32
    %iota3A = tpu.iota {dimensions = array<i32: 1>} : vector<1x96xi32>
    %iota3A_5 = tpu.iota {dimensions = array<i32: 0>} : vector<256x256xi32>
    %add3A = vector.broadcast %mul3A_4 : i32 to vector<256x256xi32>
    %add3A_6 = arith.addi %iota3A_5, %add3A : vector<256x256xi32>
    %iota3A_7 = tpu.iota {dimensions = array<i32: 1>} : vector<256x256xi32>
    %mul3A_8 = arith.constant 256 : i32
    %mul3A_9 = arith.muli %arg1, %mul3A_8 : i32
    %jit3A = arith.constant 256 : i32
    %div3A = arith.divsi %mul3A_9, %jit3A : i32
    %sign3A = arith.constant 0 : i32
    %sign3A_10 = arith.cmpi sgt, %mul3A_9, %sign3A : i32
    %sign3A_11 = arith.extui %sign3A_10 : i1 to i32
    %sign3A_12 = arith.constant 0 : i32
    %sign3A_13 = arith.cmpi slt, %mul3A_9, %sign3A_12 : i32
    %sign3A_14 = arith.extui %sign3A_13 : i1 to i32
    %sign3A_15 = arith.subi %sign3A_11, %sign3A_14 : i32
    %sign3A_16 = arith.constant 0 : i32
    %sign3A_17 = arith.cmpi sgt, %jit3A, %sign3A_16 : i32
    %sign3A_18 = arith.extui %sign3A_17 : i1 to i32
    %sign3A_19 = arith.constant 0 : i32
    %sign3A_20 = arith.cmpi slt, %jit3A, %sign3A_19 : i32
    %sign3A_21 = arith.extui %sign3A_20 : i1 to i32
    %sign3A_22 = arith.subi %sign3A_18, %sign3A_21 : i32
    %ne3A = arith.cmpi ne, %sign3A_15, %sign3A_22 : i32
    %rem3A = arith.remsi %mul3A_9, %jit3A : i32
    %ne3A_23 = arith.constant 0 : i32
    %ne3A_24 = arith.cmpi ne, %rem3A, %ne3A_23 : i32
    %and3A = arith.andi %ne3A, %ne3A_24 : i1
    %sub3A = arith.constant 1 : i32
    %sub3A_25 = arith.subi %div3A, %sub3A : i32
    %select_n3A = arith.select %and3A, %sub3A_25, %div3A : i32
    %add3A_26 = arith.constant 1 : i32
    %add3A_27 = arith.addi %select_n3A, %add3A_26 : i32
    %jit3A_28 = arith.constant 256 : i32
    %div3A_29 = arith.divsi %mul3A_4, %jit3A_28 : i32
    %sign3A_30 = arith.constant 0 : i32
    %sign3A_31 = arith.cmpi sgt, %mul3A_4, %sign3A_30 : i32
    %sign3A_32 = arith.extui %sign3A_31 : i1 to i32
    %sign3A_33 = arith.constant 0 : i32
    %sign3A_34 = arith.cmpi slt, %mul3A_4, %sign3A_33 : i32
    %sign3A_35 = arith.extui %sign3A_34 : i1 to i32
    %sign3A_36 = arith.subi %sign3A_32, %sign3A_35 : i32
    %sign3A_37 = arith.constant 0 : i32
    %sign3A_38 = arith.cmpi sgt, %jit3A_28, %sign3A_37 : i32
    %sign3A_39 = arith.extui %sign3A_38 : i1 to i32
    %sign3A_40 = arith.constant 0 : i32
    %sign3A_41 = arith.cmpi slt, %jit3A_28, %sign3A_40 : i32
    %sign3A_42 = arith.extui %sign3A_41 : i1 to i32
    %sign3A_43 = arith.subi %sign3A_39, %sign3A_42 : i32
    %ne3A_44 = arith.cmpi ne, %sign3A_36, %sign3A_43 : i32
    %rem3A_45 = arith.remsi %mul3A_4, %jit3A_28 : i32
    %ne3A_46 = arith.constant 0 : i32
    %ne3A_47 = arith.cmpi ne, %rem3A_45, %ne3A_46 : i32
    %and3A_48 = arith.andi %ne3A_44, %ne3A_47 : i1
    %sub3A_49 = arith.constant 1 : i32
    %sub3A_50 = arith.subi %div3A_29, %sub3A_49 : i32
    %select_n3A_51 = arith.select %and3A_48, %sub3A_50, %div3A_29 : i32
    %broadcast_in_dim3A = arith.constant 0.000000e+00 : f32
    %broadcast_in_dim3A_52 = vector.broadcast %broadcast_in_dim3A : f32 to vector<256x96xf32>
    %scan3A = arith.constant 0 : i32
    %scan3A_53 = arith.constant 12 : i32
    %scan3A_54 = arith.addi %scan3A, %scan3A_53 : i32
    %scan3A_55 = arith.constant 1 : i32
    %scan3A_56 = scf.for %scan3A_354 = %scan3A to %scan3A_54 step %scan3A_55 iter_args(%scan3A_355 = %broadcast_in_dim3A_52) -> (vector<256x96xf32>)  : i32 {
      %jit3A_356 = arith.constant 8 : i32
      %div3A_357 = vector.broadcast %jit3A_356 : i32 to vector<1x96xi32>
      %div3A_358 = arith.divsi %iota3A, %div3A_357 : vector<1x96xi32>
      %sign3A_359 = arith.constant 0 : i32
      %sign3A_360 = vector.broadcast %sign3A_359 : i32 to vector<1x96xi32>
      %sign3A_361 = arith.cmpi sgt, %iota3A, %sign3A_360 : vector<1x96xi32>
      %sign3A_362 = arith.extui %sign3A_361 : vector<1x96xi1> to vector<1x96xi32>
      %sign3A_363 = arith.constant 0 : i32
      %sign3A_364 = vector.broadcast %sign3A_363 : i32 to vector<1x96xi32>
      %sign3A_365 = arith.cmpi slt, %iota3A, %sign3A_364 : vector<1x96xi32>
      %sign3A_366 = arith.extui %sign3A_365 : vector<1x96xi1> to vector<1x96xi32>
      %sign3A_367 = arith.subi %sign3A_362, %sign3A_366 : vector<1x96xi32>
      %sign3A_368 = arith.constant 0 : i32
      %sign3A_369 = arith.cmpi sgt, %jit3A_356, %sign3A_368 : i32
      %sign3A_370 = arith.extui %sign3A_369 : i1 to i32
      %sign3A_371 = arith.constant 0 : i32
      %sign3A_372 = arith.cmpi slt, %jit3A_356, %sign3A_371 : i32
      %sign3A_373 = arith.extui %sign3A_372 : i1 to i32
      %sign3A_374 = arith.subi %sign3A_370, %sign3A_373 : i32
      %ne3A_375 = vector.broadcast %sign3A_374 : i32 to vector<1x96xi32>
      %ne3A_376 = arith.cmpi ne, %sign3A_367, %ne3A_375 : vector<1x96xi32>
      %rem3A_377 = vector.broadcast %jit3A_356 : i32 to vector<1x96xi32>
      %rem3A_378 = arith.remsi %iota3A, %rem3A_377 : vector<1x96xi32>
      %ne3A_379 = arith.constant 0 : i32
      %ne3A_380 = vector.broadcast %ne3A_379 : i32 to vector<1x96xi32>
      %ne3A_381 = arith.cmpi ne, %rem3A_378, %ne3A_380 : vector<1x96xi32>
      %and3A_382 = arith.andi %ne3A_376, %ne3A_381 : vector<1x96xi1>
      %sub3A_383 = arith.constant 1 : i32
      %sub3A_384 = vector.broadcast %sub3A_383 : i32 to vector<1x96xi32>
      %sub3A_385 = arith.subi %div3A_358, %sub3A_384 : vector<1x96xi32>
      %select_n3A_386 = arith.select %and3A_382, %sub3A_385, %div3A_358 : vector<1x96xi1>, vector<1x96xi32>
      %eq3A = vector.broadcast %scan3A_354 : i32 to vector<1x96xi32>
      %eq3A_387 = arith.cmpi eq, %select_n3A_386, %eq3A : vector<1x96xi32>
      %convert_element_type3A_388 = arith.extui %eq3A_387 : vector<1x96xi1> to vector<1x96xi32>
      %convert_element_type3A_389 = arith.sitofp %convert_element_type3A_388 : vector<1x96xi32> to vector<1x96xf32>
      %convert_element_type3A_390 = arith.truncf %convert_element_type3A_389 : vector<1x96xf32> to vector<1x96xbf16>
      %mul3A_391 = vector.broadcast %convert_element_type3A_390 : vector<1x96xbf16> to vector<256x96xbf16>
      %mul3A_392 = arith.mulf %get3A_3, %mul3A_391 : vector<256x96xbf16>
      %broadcast_in_dim3A_393 = arith.constant 0.000000e+00 : f32
      %broadcast_in_dim3A_394 = vector.broadcast %broadcast_in_dim3A_393 : f32 to vector<256x1xf32>
      %broadcast_in_dim3A_395 = arith.constant 0.000000e+00 : f32
      %broadcast_in_dim3A_396 = vector.broadcast %broadcast_in_dim3A_395 : f32 to vector<256x96xf32>
      %while3A = arith.constant 0 : i32
      %while3A_397 = arith.subi %select_n3A_51, %while3A : i32
      %while3A_398 = arith.addi %while3A, %while3A_397 : i32
      %while3A_399 = arith.constant 1 : i32
      %while3A_400 = arith.divsi %while3A_397, %while3A_399 : i32
      %while3A_401 = arith.muli %while3A_400, %while3A_399 : i32
      %while3A_402 = arith.addi %while3A, %while3A_401 : i32
      %while3A_403 = arith.constant 1 : i32
      %while3A_404:2 = scf.for %while3A_425 = %while3A to %while3A_402 step %while3A_403 iter_args(%while3A_426 = %broadcast_in_dim3A_394, %while3A_427 = %broadcast_in_dim3A_396) -> (vector<256x1xf32>, vector<256x96xf32>)  : i32 {
        %mul3A_428 = arith.constant 256 : i32
        %mul3A_429 = arith.muli %while3A_425, %mul3A_428 : i32
        %get3A_430 = arith.constant 0 : index
        %get3A_431 = arith.index_cast %mul3A_429 : i32 to index
        %get3A_432 = arith.constant 0 : index
        %get3A_433 = vector.load %arg3[%get3A_430, %get3A_431, %get3A_432] : memref<1x2048x96xbf16, #tpu.memory_space<vmem>>, vector<1x256x96xbf16>
        %get3A_434 = vector.shape_cast %get3A_433 : vector<1x256x96xbf16> to vector<256x96xbf16>
        %mul3A_435 = arith.constant 256 : i32
        %mul3A_436 = arith.muli %while3A_425, %mul3A_435 : i32
        %get3A_437 = arith.constant 0 : index
        %get3A_438 = arith.index_cast %mul3A_436 : i32 to index
        %get3A_439 = arith.constant 0 : index
        %get3A_440 = vector.load %arg4[%get3A_437, %get3A_438, %get3A_439] : memref<1x2048x96xbf16, #tpu.memory_space<vmem>>, vector<1x256x96xbf16>
        %get3A_441 = vector.shape_cast %get3A_440 : vector<1x256x96xbf16> to vector<256x96xbf16>
        %dot_general3A_442 = arith.constant dense<0.000000e+00> : vector<256x256xf32>
        %dot_general3A_443 = tpu.matmul %mul3A_392, %get3A_434, %dot_general3A_442 {dimension_numbers = #tpu.dot_dimension_numbers<[1], [1], [0], [0], [0, 0, 1, 0], [], []>, transpose_lhs_hint = false} : vector<256x96xbf16>, vector<256x96xbf16>, vector<256x256xf32> -> vector<256x256xf32>
        %mul3A_444 = arith.constant 0.353553385 : f32
        %mul3A_445 = vector.broadcast %mul3A_444 : f32 to vector<256x256xf32>
        %mul3A_446 = arith.mulf %dot_general3A_443, %mul3A_445 : vector<256x256xf32>
        %exp3A = math.exp %mul3A_446 : vector<256x256xf32>
        %reduce_sum3A_447 = arith.constant dense<0.000000e+00> : vector<256xf32>
        %reduce_sum3A_448 = vector.multi_reduction <add>, %exp3A, %reduce_sum3A_447 [1] : vector<256x256xf32> to vector<256xf32>
        %broadcast_in_dim3A_449 = vector.shape_cast %reduce_sum3A_448 : vector<256xf32> to vector<256x1xf32>
        %add3A_450 = arith.addf %while3A_426, %broadcast_in_dim3A_449 : vector<256x1xf32>
        %convert_element_type3A_451 = arith.truncf %exp3A : vector<256x256xf32> to vector<256x256xbf16>
        %dot_general3A_452 = arith.constant dense<0.000000e+00> : vector<256x96xf32>
        %dot_general3A_453 = tpu.matmul %convert_element_type3A_451, %get3A_441, %dot_general3A_452 {dimension_numbers = #tpu.dot_dimension_numbers<[1], [0], [0], [1], [0, 0, 1, 1], [], []>, transpose_lhs_hint = false} : vector<256x256xbf16>, vector<256x96xbf16>, vector<256x96xf32> -> vector<256x96xf32>
        %add3A_454 = arith.addf %while3A_427, %dot_general3A_453 : vector<256x96xf32>
        scf.yield %add3A_450, %add3A_454 : vector<256x1xf32>, vector<256x96xf32>
      }
      %while3A_405 = arith.constant 1 : i32
      %while3A_406:2 = scf.for %while3A_425 = %while3A_402 to %while3A_398 step %while3A_405 iter_args(%while3A_426 = %while3A_404#0, %while3A_427 = %while3A_404#1) -> (vector<256x1xf32>, vector<256x96xf32>)  : i32 {
        %mul3A_428 = arith.constant 256 : i32
        %mul3A_429 = arith.muli %while3A_425, %mul3A_428 : i32
        %get3A_430 = arith.constant 0 : index
        %get3A_431 = arith.index_cast %mul3A_429 : i32 to index
        %get3A_432 = arith.constant 0 : index
        %get3A_433 = vector.load %arg3[%get3A_430, %get3A_431, %get3A_432] : memref<1x2048x96xbf16, #tpu.memory_space<vmem>>, vector<1x256x96xbf16>
        %get3A_434 = vector.shape_cast %get3A_433 : vector<1x256x96xbf16> to vector<256x96xbf16>
        %mul3A_435 = arith.constant 256 : i32
        %mul3A_436 = arith.muli %while3A_425, %mul3A_435 : i32
        %get3A_437 = arith.constant 0 : index
        %get3A_438 = arith.index_cast %mul3A_436 : i32 to index
        %get3A_439 = arith.constant 0 : index
        %get3A_440 = vector.load %arg4[%get3A_437, %get3A_438, %get3A_439] : memref<1x2048x96xbf16, #tpu.memory_space<vmem>>, vector<1x256x96xbf16>
        %get3A_441 = vector.shape_cast %get3A_440 : vector<1x256x96xbf16> to vector<256x96xbf16>
        %dot_general3A_442 = arith.constant dense<0.000000e+00> : vector<256x256xf32>
        %dot_general3A_443 = tpu.matmul %mul3A_392, %get3A_434, %dot_general3A_442 {dimension_numbers = #tpu.dot_dimension_numbers<[1], [1], [0], [0], [0, 0, 1, 0], [], []>, transpose_lhs_hint = false} : vector<256x96xbf16>, vector<256x96xbf16>, vector<256x256xf32> -> vector<256x256xf32>
        %mul3A_444 = arith.constant 0.353553385 : f32
        %mul3A_445 = vector.broadcast %mul3A_444 : f32 to vector<256x256xf32>
        %mul3A_446 = arith.mulf %dot_general3A_443, %mul3A_445 : vector<256x256xf32>
        %exp3A = math.exp %mul3A_446 : vector<256x256xf32>
        %reduce_sum3A_447 = arith.constant dense<0.000000e+00> : vector<256xf32>
        %reduce_sum3A_448 = vector.multi_reduction <add>, %exp3A, %reduce_sum3A_447 [1] : vector<256x256xf32> to vector<256xf32>
        %broadcast_in_dim3A_449 = vector.shape_cast %reduce_sum3A_448 : vector<256xf32> to vector<256x1xf32>
        %add3A_450 = arith.addf %while3A_426, %broadcast_in_dim3A_449 : vector<256x1xf32>
        %convert_element_type3A_451 = arith.truncf %exp3A : vector<256x256xf32> to vector<256x256xbf16>
        %dot_general3A_452 = arith.constant dense<0.000000e+00> : vector<256x96xf32>
        %dot_general3A_453 = tpu.matmul %convert_element_type3A_451, %get3A_441, %dot_general3A_452 {dimension_numbers = #tpu.dot_dimension_numbers<[1], [0], [0], [1], [0, 0, 1, 1], [], []>, transpose_lhs_hint = false} : vector<256x256xbf16>, vector<256x96xbf16>, vector<256x96xf32> -> vector<256x96xf32>
        %add3A_454 = arith.addf %while3A_427, %dot_general3A_453 : vector<256x96xf32>
        scf.yield %add3A_450, %add3A_454 : vector<256x1xf32>, vector<256x96xf32>
      }
      %while3A_407 = arith.subi %add3A_27, %select_n3A_51 : i32
      %while3A_408 = arith.addi %select_n3A_51, %while3A_407 : i32
      %while3A_409 = arith.constant 1 : i32
      %while3A_410 = arith.divsi %while3A_407, %while3A_409 : i32
      %while3A_411 = arith.muli %while3A_410, %while3A_409 : i32
      %while3A_412 = arith.addi %select_n3A_51, %while3A_411 : i32
      %while3A_413 = arith.constant 1 : i32
      %while3A_414:2 = scf.for %while3A_425 = %select_n3A_51 to %while3A_412 step %while3A_413 iter_args(%while3A_426 = %while3A_406#0, %while3A_427 = %while3A_406#1) -> (vector<256x1xf32>, vector<256x96xf32>)  : i32 {
        %mul3A_428 = arith.constant 256 : i32
        %mul3A_429 = arith.muli %while3A_425, %mul3A_428 : i32
        %get3A_430 = arith.constant 0 : index
        %get3A_431 = arith.index_cast %mul3A_429 : i32 to index
        %get3A_432 = arith.constant 0 : index
        %get3A_433 = vector.load %arg3[%get3A_430, %get3A_431, %get3A_432] : memref<1x2048x96xbf16, #tpu.memory_space<vmem>>, vector<1x256x96xbf16>
        %get3A_434 = vector.shape_cast %get3A_433 : vector<1x256x96xbf16> to vector<256x96xbf16>
        %mul3A_435 = arith.constant 256 : i32
        %mul3A_436 = arith.muli %while3A_425, %mul3A_435 : i32
        %get3A_437 = arith.constant 0 : index
        %get3A_438 = arith.index_cast %mul3A_436 : i32 to index
        %get3A_439 = arith.constant 0 : index
        %get3A_440 = vector.load %arg4[%get3A_437, %get3A_438, %get3A_439] : memref<1x2048x96xbf16, #tpu.memory_space<vmem>>, vector<1x256x96xbf16>
        %get3A_441 = vector.shape_cast %get3A_440 : vector<1x256x96xbf16> to vector<256x96xbf16>
        %dot_general3A_442 = arith.constant dense<0.000000e+00> : vector<256x256xf32>
        %dot_general3A_443 = tpu.matmul %mul3A_392, %get3A_434, %dot_general3A_442 {dimension_numbers = #tpu.dot_dimension_numbers<[1], [1], [0], [0], [0, 0, 1, 0], [], []>, transpose_lhs_hint = false} : vector<256x96xbf16>, vector<256x96xbf16>, vector<256x256xf32> -> vector<256x256xf32>
        %mul3A_444 = arith.constant 0.353553385 : f32
        %mul3A_445 = vector.broadcast %mul3A_444 : f32 to vector<256x256xf32>
        %mul3A_446 = arith.mulf %dot_general3A_443, %mul3A_445 : vector<256x256xf32>
        %mul3A_447 = arith.constant 256 : i32
        %mul3A_448 = arith.muli %while3A_425, %mul3A_447 : i32
        %add3A_449 = vector.broadcast %mul3A_448 : i32 to vector<256x256xi32>
        %add3A_450 = arith.addi %iota3A_7, %add3A_449 : vector<256x256xi32>
        %gt3A = arith.cmpi sgt, %add3A_450, %add3A_6 : vector<256x256xi32>
        %jit3A_451 = arith.constant -1.000000e+09 : f32
        %broadcast_in_dim3A_452 = vector.broadcast %jit3A_451 : f32 to vector<256x256xf32>
        %select_n3A_453 = arith.select %gt3A, %broadcast_in_dim3A_452, %mul3A_446 : vector<256x256xi1>, vector<256x256xf32>
        %exp3A = math.exp %select_n3A_453 : vector<256x256xf32>
        %reduce_sum3A_454 = arith.constant dense<0.000000e+00> : vector<256xf32>
        %reduce_sum3A_455 = vector.multi_reduction <add>, %exp3A, %reduce_sum3A_454 [1] : vector<256x256xf32> to vector<256xf32>
        %broadcast_in_dim3A_456 = vector.shape_cast %reduce_sum3A_455 : vector<256xf32> to vector<256x1xf32>
        %add3A_457 = arith.addf %while3A_426, %broadcast_in_dim3A_456 : vector<256x1xf32>
        %convert_element_type3A_458 = arith.truncf %exp3A : vector<256x256xf32> to vector<256x256xbf16>
        %dot_general3A_459 = arith.constant dense<0.000000e+00> : vector<256x96xf32>
        %dot_general3A_460 = tpu.matmul %convert_element_type3A_458, %get3A_441, %dot_general3A_459 {dimension_numbers = #tpu.dot_dimension_numbers<[1], [0], [0], [1], [0, 0, 1, 1], [], []>, transpose_lhs_hint = false} : vector<256x256xbf16>, vector<256x96xbf16>, vector<256x96xf32> -> vector<256x96xf32>
        %add3A_461 = arith.addf %while3A_427, %dot_general3A_460 : vector<256x96xf32>
        scf.yield %add3A_457, %add3A_461 : vector<256x1xf32>, vector<256x96xf32>
      }
      %while3A_415 = arith.constant 1 : i32
      %while3A_416:2 = scf.for %while3A_425 = %while3A_412 to %while3A_408 step %while3A_415 iter_args(%while3A_426 = %while3A_414#0, %while3A_427 = %while3A_414#1) -> (vector<256x1xf32>, vector<256x96xf32>)  : i32 {
        %mul3A_428 = arith.constant 256 : i32
        %mul3A_429 = arith.muli %while3A_425, %mul3A_428 : i32
        %get3A_430 = arith.constant 0 : index
        %get3A_431 = arith.index_cast %mul3A_429 : i32 to index
        %get3A_432 = arith.constant 0 : index
        %get3A_433 = vector.load %arg3[%get3A_430, %get3A_431, %get3A_432] : memref<1x2048x96xbf16, #tpu.memory_space<vmem>>, vector<1x256x96xbf16>
        %get3A_434 = vector.shape_cast %get3A_433 : vector<1x256x96xbf16> to vector<256x96xbf16>
        %mul3A_435 = arith.constant 256 : i32
        %mul3A_436 = arith.muli %while3A_425, %mul3A_435 : i32
        %get3A_437 = arith.constant 0 : index
        %get3A_438 = arith.index_cast %mul3A_436 : i32 to index
        %get3A_439 = arith.constant 0 : index
        %get3A_440 = vector.load %arg4[%get3A_437, %get3A_438, %get3A_439] : memref<1x2048x96xbf16, #tpu.memory_space<vmem>>, vector<1x256x96xbf16>
        %get3A_441 = vector.shape_cast %get3A_440 : vector<1x256x96xbf16> to vector<256x96xbf16>
        %dot_general3A_442 = arith.constant dense<0.000000e+00> : vector<256x256xf32>
        %dot_general3A_443 = tpu.matmul %mul3A_392, %get3A_434, %dot_general3A_442 {dimension_numbers = #tpu.dot_dimension_numbers<[1], [1], [0], [0], [0, 0, 1, 0], [], []>, transpose_lhs_hint = false} : vector<256x96xbf16>, vector<256x96xbf16>, vector<256x256xf32> -> vector<256x256xf32>
        %mul3A_444 = arith.constant 0.353553385 : f32
        %mul3A_445 = vector.broadcast %mul3A_444 : f32 to vector<256x256xf32>
        %mul3A_446 = arith.mulf %dot_general3A_443, %mul3A_445 : vector<256x256xf32>
        %mul3A_447 = arith.constant 256 : i32
        %mul3A_448 = arith.muli %while3A_425, %mul3A_447 : i32
        %add3A_449 = vector.broadcast %mul3A_448 : i32 to vector<256x256xi32>
        %add3A_450 = arith.addi %iota3A_7, %add3A_449 : vector<256x256xi32>
        %gt3A = arith.cmpi sgt, %add3A_450, %add3A_6 : vector<256x256xi32>
        %jit3A_451 = arith.constant -1.000000e+09 : f32
        %broadcast_in_dim3A_452 = vector.broadcast %jit3A_451 : f32 to vector<256x256xf32>
        %select_n3A_453 = arith.select %gt3A, %broadcast_in_dim3A_452, %mul3A_446 : vector<256x256xi1>, vector<256x256xf32>
        %exp3A = math.exp %select_n3A_453 : vector<256x256xf32>
        %reduce_sum3A_454 = arith.constant dense<0.000000e+00> : vector<256xf32>
        %reduce_sum3A_455 = vector.multi_reduction <add>, %exp3A, %reduce_sum3A_454 [1] : vector<256x256xf32> to vector<256xf32>
        %broadcast_in_dim3A_456 = vector.shape_cast %reduce_sum3A_455 : vector<256xf32> to vector<256x1xf32>
        %add3A_457 = arith.addf %while3A_426, %broadcast_in_dim3A_456 : vector<256x1xf32>
        %convert_element_type3A_458 = arith.truncf %exp3A : vector<256x256xf32> to vector<256x256xbf16>
        %dot_general3A_459 = arith.constant dense<0.000000e+00> : vector<256x96xf32>
        %dot_general3A_460 = tpu.matmul %convert_element_type3A_458, %get3A_441, %dot_general3A_459 {dimension_numbers = #tpu.dot_dimension_numbers<[1], [0], [0], [1], [0, 0, 1, 1], [], []>, transpose_lhs_hint = false} : vector<256x256xbf16>, vector<256x96xbf16>, vector<256x96xf32> -> vector<256x96xf32>
        %add3A_461 = arith.addf %while3A_427, %dot_general3A_460 : vector<256x96xf32>
        scf.yield %add3A_457, %add3A_461 : vector<256x1xf32>, vector<256x96xf32>
      }
      %jit3A_417 = arith.constant 0.000000e+00 : f32
      %broadcast_in_dim3A_418 = vector.shape_cast %eq3A_387 : vector<1x96xi1> to vector<1x96xi1>
      %broadcast_in_dim3A_419 = vector.broadcast %broadcast_in_dim3A_418 : vector<1x96xi1> to vector<256x96xi1>
      %broadcast_in_dim3A_420 = vector.broadcast %jit3A_417 : f32 to vector<256x96xf32>
      %select_n3A_421 = arith.select %broadcast_in_dim3A_419, %while3A_416#1, %broadcast_in_dim3A_420 : vector<256x96xi1>, vector<256x96xf32>
      %div3A_422 = vector.broadcast %while3A_416#0 : vector<256x1xf32> to vector<256x96xf32>
      %div3A_423 = arith.divf %select_n3A_421, %div3A_422 : vector<256x96xf32>
      %add3A_424 = arith.addf %scan3A_355, %div3A_423 : vector<256x96xf32>
      scf.yield %add3A_424 : vector<256x96xf32>
    }
    %scan3A_57 = arith.constant 12 : i32
    %get3A_58 = arith.constant 0 : index
    %get3A_59 = arith.constant 0 : index
    %get3A_60 = vector.load %arg6[%get3A_58, %get3A_59] : memref<96x96xf32, #tpu.memory_space<vmem>>, vector<96x96xf32>
    %convert_element_type3A = arith.truncf %scan3A_56 : vector<256x96xf32> to vector<256x96xbf16>
    %convert_element_type3A_61 = arith.truncf %get3A_60 : vector<96x96xf32> to vector<96x96xbf16>
    %dot_general3A = arith.constant dense<0.000000e+00> : vector<256x96xf32>
    %dot_general3A_62 = tpu.matmul %convert_element_type3A, %convert_element_type3A_61, %dot_general3A {dimension_numbers = #tpu.dot_dimension_numbers<[1], [0], [0], [1], [0, 0, 1, 1], [], []>, transpose_lhs_hint = false} : vector<256x96xbf16>, vector<96x96xbf16>, vector<256x96xf32> -> vector<256x96xf32>
    %get3A_63 = arith.constant 0 : index
    %get3A_64 = arith.constant 0 : index
    %get3A_65 = vector.load %arg7[%get3A_63, %get3A_64] : memref<1x96xf32, #tpu.memory_space<vmem>>, vector<1x96xf32>
    %add3A_66 = vector.broadcast %get3A_65 : vector<1x96xf32> to vector<256x96xf32>
    %add3A_67 = arith.addf %dot_general3A_62, %add3A_66 : vector<256x96xf32>
    %get3A_68 = arith.constant 0 : index
    %get3A_69 = arith.constant 0 : index
    %get3A_70 = arith.constant 0 : index
    %get3A_71 = vector.load %arg5[%get3A_68, %get3A_69, %get3A_70] : memref<1x256x96xf32, #tpu.memory_space<vmem>>, vector<1x256x96xf32>
    %get3A_72 = vector.shape_cast %get3A_71 : vector<1x256x96xf32> to vector<256x96xf32>
    %add3A_73 = arith.addf %add3A_67, %get3A_72 : vector<256x96xf32>
    %get3A_74 = arith.constant 0 : index
    %get3A_75 = arith.constant 0 : index
    %get3A_76 = vector.load %arg8[%get3A_74, %get3A_75] : memref<96x768xf32, #tpu.memory_space<vmem>>, vector<96x768xf32>
    %convert_element_type3A_77 = arith.truncf %add3A_73 : vector<256x96xf32> to vector<256x96xbf16>
    %convert_element_type3A_78 = arith.truncf %get3A_76 : vector<96x768xf32> to vector<96x768xbf16>
    %dot_general3A_79 = arith.constant dense<0.000000e+00> : vector<256x768xf32>
    %dot_general3A_80 = tpu.matmul %convert_element_type3A_77, %convert_element_type3A_78, %dot_general3A_79 {dimension_numbers = #tpu.dot_dimension_numbers<[1], [0], [0], [1], [0, 0, 1, 1], [], []>, transpose_lhs_hint = false} : vector<256x96xbf16>, vector<96x768xbf16>, vector<256x768xf32> -> vector<256x768xf32>
    %get3A_81 = arith.constant 0 : index
    %get3A_82 = arith.constant 0 : index
    %get3A_83 = vector.load %arg9[%get3A_81, %get3A_82] : memref<1x768xf32, #tpu.memory_space<vmem>>, vector<1x768xf32>
    %add3A_84 = vector.broadcast %get3A_83 : vector<1x768xf32> to vector<256x768xf32>
    %add3A_85 = arith.addf %dot_general3A_80, %add3A_84 : vector<256x768xf32>
    %get3A_86 = arith.constant 0 : index
    %get3A_87 = arith.constant 0 : index
    %get3A_88 = vector.load %arg10[%get3A_86, %get3A_87] : memref<1x768xf32, #tpu.memory_space<vmem>>, vector<1x768xf32>
    %get3A_89 = arith.constant 0 : index
    %get3A_90 = arith.constant 0 : index
    %get3A_91 = vector.load %arg11[%get3A_89, %get3A_90] : memref<1x768xf32, #tpu.memory_space<vmem>>, vector<1x768xf32>
    %reduce_sum3A = arith.constant dense<0.000000e+00> : vector<256xf32>
    %reduce_sum3A_92 = vector.multi_reduction <add>, %add3A_85, %reduce_sum3A [1] : vector<256x768xf32> to vector<256xf32>
    %broadcast_in_dim3A_93 = vector.shape_cast %reduce_sum3A_92 : vector<256xf32> to vector<256x1xf32>
    %div3A_94 = arith.constant 7.680000e+02 : f32
    %div3A_95 = vector.broadcast %div3A_94 : f32 to vector<256x1xf32>
    %div3A_96 = arith.divf %broadcast_in_dim3A_93, %div3A_95 : vector<256x1xf32>
    %sub3A_97 = vector.broadcast %div3A_96 : vector<256x1xf32> to vector<256x768xf32>
    %sub3A_98 = arith.subf %add3A_85, %sub3A_97 : vector<256x768xf32>
    %integer_pow3A = arith.mulf %sub3A_98, %sub3A_98 : vector<256x768xf32>
    %reduce_sum3A_99 = arith.constant dense<0.000000e+00> : vector<256xf32>
    %reduce_sum3A_100 = vector.multi_reduction <add>, %integer_pow3A, %reduce_sum3A_99 [1] : vector<256x768xf32> to vector<256xf32>
    %broadcast_in_dim3A_101 = vector.shape_cast %reduce_sum3A_100 : vector<256xf32> to vector<256x1xf32>
    %div3A_102 = arith.constant 7.680000e+02 : f32
    %div3A_103 = vector.broadcast %div3A_102 : f32 to vector<256x1xf32>
    %div3A_104 = arith.divf %broadcast_in_dim3A_101, %div3A_103 : vector<256x1xf32>
    %sub3A_105 = vector.broadcast %div3A_96 : vector<256x1xf32> to vector<256x768xf32>
    %sub3A_106 = arith.subf %add3A_85, %sub3A_105 : vector<256x768xf32>
    %add3A_107 = arith.constant 9.99999996E-13 : f32
    %add3A_108 = vector.broadcast %add3A_107 : f32 to vector<256x1xf32>
    %add3A_109 = arith.addf %div3A_104, %add3A_108 : vector<256x1xf32>
    %sqrt3A = math.sqrt %add3A_109 : vector<256x1xf32>
    %div3A_110 = vector.broadcast %sqrt3A : vector<256x1xf32> to vector<256x768xf32>
    %div3A_111 = arith.divf %sub3A_106, %div3A_110 : vector<256x768xf32>
    %mul3A_112 = vector.broadcast %get3A_88 : vector<1x768xf32> to vector<256x768xf32>
    %mul3A_113 = arith.mulf %div3A_111, %mul3A_112 : vector<256x768xf32>
    %add3A_114 = vector.broadcast %get3A_91 : vector<1x768xf32> to vector<256x768xf32>
    %add3A_115 = arith.addf %mul3A_113, %add3A_114 : vector<256x768xf32>
    %get3A_116 = arith.constant 0 : index
    %get3A_117 = arith.constant 0 : index
    %get3A_118 = vector.load %arg12[%get3A_116, %get3A_117] : memref<768x768xf32, #tpu.memory_space<vmem>>, vector<768x768xf32>
    %convert_element_type3A_119 = arith.truncf %add3A_115 : vector<256x768xf32> to vector<256x768xbf16>
    %convert_element_type3A_120 = arith.truncf %get3A_118 : vector<768x768xf32> to vector<768x768xbf16>
    %dot_general3A_121 = arith.constant dense<0.000000e+00> : vector<256x768xf32>
    %dot_general3A_122 = tpu.matmul %convert_element_type3A_119, %convert_element_type3A_120, %dot_general3A_121 {dimension_numbers = #tpu.dot_dimension_numbers<[1], [0], [0], [1], [0, 0, 1, 1], [], []>, transpose_lhs_hint = false} : vector<256x768xbf16>, vector<768x768xbf16>, vector<256x768xf32> -> vector<256x768xf32>
    %get3A_123 = arith.constant 0 : index
    %get3A_124 = arith.constant 0 : index
    %get3A_125 = vector.load %arg13[%get3A_123, %get3A_124] : memref<1x768xf32, #tpu.memory_space<vmem>>, vector<1x768xf32>
    %add3A_126 = vector.broadcast %get3A_125 : vector<1x768xf32> to vector<256x768xf32>
    %add3A_127 = arith.addf %dot_general3A_122, %add3A_126 : vector<256x768xf32>
    %get3A_128 = arith.constant 0 : index
    %get3A_129 = arith.constant 0 : index
    %get3A_130 = vector.load %arg14[%get3A_128, %get3A_129] : memref<768x768xf32, #tpu.memory_space<vmem>>, vector<768x768xf32>
    %convert_element_type3A_131 = arith.truncf %add3A_115 : vector<256x768xf32> to vector<256x768xbf16>
    %convert_element_type3A_132 = arith.truncf %get3A_130 : vector<768x768xf32> to vector<768x768xbf16>
    %dot_general3A_133 = arith.constant dense<0.000000e+00> : vector<256x768xf32>
    %dot_general3A_134 = tpu.matmul %convert_element_type3A_131, %convert_element_type3A_132, %dot_general3A_133 {dimension_numbers = #tpu.dot_dimension_numbers<[1], [0], [0], [1], [0, 0, 1, 1], [], []>, transpose_lhs_hint = false} : vector<256x768xbf16>, vector<768x768xbf16>, vector<256x768xf32> -> vector<256x768xf32>
    %get3A_135 = arith.constant 0 : index
    %get3A_136 = arith.constant 0 : index
    %get3A_137 = vector.load %arg15[%get3A_135, %get3A_136] : memref<1x768xf32, #tpu.memory_space<vmem>>, vector<1x768xf32>
    %add3A_138 = vector.broadcast %get3A_137 : vector<1x768xf32> to vector<256x768xf32>
    %add3A_139 = arith.addf %dot_general3A_134, %add3A_138 : vector<256x768xf32>
    %slice3A = vector.extract_strided_slice %add3A_127 {offsets = [0, 0], sizes = [256, 64], strides = [1, 1]} : vector<256x768xf32> to vector<256x64xf32>
    %convert_element_type3A_140 = arith.truncf %slice3A : vector<256x64xf32> to vector<256x64xbf16>
    %swap3A = arith.constant 0 : index
    %swap3A_141 = arith.constant 0 : index
    %swap3A_142 = arith.constant 0 : index
    %swap3A_143 = arith.constant 0 : index
    %swap3A_144 = vector.load %arg16[%swap3A, %swap3A_141, %swap3A_142, %swap3A_143] : memref<1x12x256x64xbf16, #tpu.memory_space<vmem>>, vector<1x1x256x64xbf16>
    %swap3A_145 = vector.shape_cast %swap3A_144 : vector<1x1x256x64xbf16> to vector<256x64xbf16>
    %swap3A_146 = vector.shape_cast %convert_element_type3A_140 : vector<256x64xbf16> to vector<1x1x256x64xbf16>
    tpu.vector_store %arg16[%swap3A, %swap3A_141, %swap3A_142, %swap3A_143], %swap3A_146 {strides = array<i32>} : memref<1x12x256x64xbf16, #tpu.memory_space<vmem>>, vector<1x1x256x64xbf16>,
    %slice3A_147 = vector.extract_strided_slice %add3A_139 {offsets = [0, 0], sizes = [256, 64], strides = [1, 1]} : vector<256x768xf32> to vector<256x64xf32>
    %convert_element_type3A_148 = arith.truncf %slice3A_147 : vector<256x64xf32> to vector<256x64xbf16>
    %swap3A_149 = arith.constant 0 : index
    %swap3A_150 = arith.constant 0 : index
    %swap3A_151 = arith.constant 0 : index
    %swap3A_152 = arith.constant 0 : index
    %swap3A_153 = vector.load %arg17[%swap3A_149, %swap3A_150, %swap3A_151, %swap3A_152] : memref<1x12x256x64xbf16, #tpu.memory_space<vmem>>, vector<1x1x256x64xbf16>
    %swap3A_154 = vector.shape_cast %swap3A_153 : vector<1x1x256x64xbf16> to vector<256x64xbf16>
    %swap3A_155 = vector.shape_cast %convert_element_type3A_148 : vector<256x64xbf16> to vector<1x1x256x64xbf16>
    tpu.vector_store %arg17[%swap3A_149, %swap3A_150, %swap3A_151, %swap3A_152], %swap3A_155 {strides = array<i32>} : memref<1x12x256x64xbf16, #tpu.memory_space<vmem>>, vector<1x1x256x64xbf16>,
    %slice3A_156 = vector.extract_strided_slice %add3A_127 {offsets = [0, 64], sizes = [256, 64], strides = [1, 1]} : vector<256x768xf32> to vector<256x64xf32>
    %convert_element_type3A_157 = arith.truncf %slice3A_156 : vector<256x64xf32> to vector<256x64xbf16>
    %swap3A_158 = arith.constant 0 : index
    %swap3A_159 = arith.constant 1 : index
    %swap3A_160 = arith.constant 0 : index
    %swap3A_161 = arith.constant 0 : index
    %swap3A_162 = vector.load %arg16[%swap3A_158, %swap3A_159, %swap3A_160, %swap3A_161] : memref<1x12x256x64xbf16, #tpu.memory_space<vmem>>, vector<1x1x256x64xbf16>
    %swap3A_163 = vector.shape_cast %swap3A_162 : vector<1x1x256x64xbf16> to vector<256x64xbf16>
    %swap3A_164 = vector.shape_cast %convert_element_type3A_157 : vector<256x64xbf16> to vector<1x1x256x64xbf16>
    tpu.vector_store %arg16[%swap3A_158, %swap3A_159, %swap3A_160, %swap3A_161], %swap3A_164 {strides = array<i32>} : memref<1x12x256x64xbf16, #tpu.memory_space<vmem>>, vector<1x1x256x64xbf16>,
    %slice3A_165 = vector.extract_strided_slice %add3A_139 {offsets = [0, 64], sizes = [256, 64], strides = [1, 1]} : vector<256x768xf32> to vector<256x64xf32>
    %convert_element_type3A_166 = arith.truncf %slice3A_165 : vector<256x64xf32> to vector<256x64xbf16>
    %swap3A_167 = arith.constant 0 : index
    %swap3A_168 = arith.constant 1 : index
    %swap3A_169 = arith.constant 0 : index
    %swap3A_170 = arith.constant 0 : index
    %swap3A_171 = vector.load %arg17[%swap3A_167, %swap3A_168, %swap3A_169, %swap3A_170] : memref<1x12x256x64xbf16, #tpu.memory_space<vmem>>, vector<1x1x256x64xbf16>
    %swap3A_172 = vector.shape_cast %swap3A_171 : vector<1x1x256x64xbf16> to vector<256x64xbf16>
    %swap3A_173 = vector.shape_cast %convert_element_type3A_166 : vector<256x64xbf16> to vector<1x1x256x64xbf16>
    tpu.vector_store %arg17[%swap3A_167, %swap3A_168, %swap3A_169, %swap3A_170], %swap3A_173 {strides = array<i32>} : memref<1x12x256x64xbf16, #tpu.memory_space<vmem>>, vector<1x1x256x64xbf16>,
    %slice3A_174 = vector.extract_strided_slice %add3A_127 {offsets = [0, 128], sizes = [256, 64], strides = [1, 1]} : vector<256x768xf32> to vector<256x64xf32>
    %convert_element_type3A_175 = arith.truncf %slice3A_174 : vector<256x64xf32> to vector<256x64xbf16>
    %swap3A_176 = arith.constant 0 : index
    %swap3A_177 = arith.constant 2 : index
    %swap3A_178 = arith.constant 0 : index
    %swap3A_179 = arith.constant 0 : index
    %swap3A_180 = vector.load %arg16[%swap3A_176, %swap3A_177, %swap3A_178, %swap3A_179] : memref<1x12x256x64xbf16, #tpu.memory_space<vmem>>, vector<1x1x256x64xbf16>
    %swap3A_181 = vector.shape_cast %swap3A_180 : vector<1x1x256x64xbf16> to vector<256x64xbf16>
    %swap3A_182 = vector.shape_cast %convert_element_type3A_175 : vector<256x64xbf16> to vector<1x1x256x64xbf16>
    tpu.vector_store %arg16[%swap3A_176, %swap3A_177, %swap3A_178, %swap3A_179], %swap3A_182 {strides = array<i32>} : memref<1x12x256x64xbf16, #tpu.memory_space<vmem>>, vector<1x1x256x64xbf16>,
    %slice3A_183 = vector.extract_strided_slice %add3A_139 {offsets = [0, 128], sizes = [256, 64], strides = [1, 1]} : vector<256x768xf32> to vector<256x64xf32>
    %convert_element_type3A_184 = arith.truncf %slice3A_183 : vector<256x64xf32> to vector<256x64xbf16>
    %swap3A_185 = arith.constant 0 : index
    %swap3A_186 = arith.constant 2 : index
    %swap3A_187 = arith.constant 0 : index
    %swap3A_188 = arith.constant 0 : index
    %swap3A_189 = vector.load %arg17[%swap3A_185, %swap3A_186, %swap3A_187, %swap3A_188] : memref<1x12x256x64xbf16, #tpu.memory_space<vmem>>, vector<1x1x256x64xbf16>
    %swap3A_190 = vector.shape_cast %swap3A_189 : vector<1x1x256x64xbf16> to vector<256x64xbf16>
    %swap3A_191 = vector.shape_cast %convert_element_type3A_184 : vector<256x64xbf16> to vector<1x1x256x64xbf16>
    tpu.vector_store %arg17[%swap3A_185, %swap3A_186, %swap3A_187, %swap3A_188], %swap3A_191 {strides = array<i32>} : memref<1x12x256x64xbf16, #tpu.memory_space<vmem>>, vector<1x1x256x64xbf16>,
    %slice3A_192 = vector.extract_strided_slice %add3A_127 {offsets = [0, 192], sizes = [256, 64], strides = [1, 1]} : vector<256x768xf32> to vector<256x64xf32>
    %convert_element_type3A_193 = arith.truncf %slice3A_192 : vector<256x64xf32> to vector<256x64xbf16>
    %swap3A_194 = arith.constant 0 : index
    %swap3A_195 = arith.constant 3 : index
    %swap3A_196 = arith.constant 0 : index
    %swap3A_197 = arith.constant 0 : index
    %swap3A_198 = vector.load %arg16[%swap3A_194, %swap3A_195, %swap3A_196, %swap3A_197] : memref<1x12x256x64xbf16, #tpu.memory_space<vmem>>, vector<1x1x256x64xbf16>
    %swap3A_199 = vector.shape_cast %swap3A_198 : vector<1x1x256x64xbf16> to vector<256x64xbf16>
    %swap3A_200 = vector.shape_cast %convert_element_type3A_193 : vector<256x64xbf16> to vector<1x1x256x64xbf16>
    tpu.vector_store %arg16[%swap3A_194, %swap3A_195, %swap3A_196, %swap3A_197], %swap3A_200 {strides = array<i32>} : memref<1x12x256x64xbf16, #tpu.memory_space<vmem>>, vector<1x1x256x64xbf16>,
    %slice3A_201 = vector.extract_strided_slice %add3A_139 {offsets = [0, 192], sizes = [256, 64], strides = [1, 1]} : vector<256x768xf32> to vector<256x64xf32>
    %convert_element_type3A_202 = arith.truncf %slice3A_201 : vector<256x64xf32> to vector<256x64xbf16>
    %swap3A_203 = arith.constant 0 : index
    %swap3A_204 = arith.constant 3 : index
    %swap3A_205 = arith.constant 0 : index
    %swap3A_206 = arith.constant 0 : index
    %swap3A_207 = vector.load %arg17[%swap3A_203, %swap3A_204, %swap3A_205, %swap3A_206] : memref<1x12x256x64xbf16, #tpu.memory_space<vmem>>, vector<1x1x256x64xbf16>
    %swap3A_208 = vector.shape_cast %swap3A_207 : vector<1x1x256x64xbf16> to vector<256x64xbf16>
    %swap3A_209 = vector.shape_cast %convert_element_type3A_202 : vector<256x64xbf16> to vector<1x1x256x64xbf16>
    tpu.vector_store %arg17[%swap3A_203, %swap3A_204, %swap3A_205, %swap3A_206], %swap3A_209 {strides = array<i32>} : memref<1x12x256x64xbf16, #tpu.memory_space<vmem>>, vector<1x1x256x64xbf16>,
    %slice3A_210 = vector.extract_strided_slice %add3A_127 {offsets = [0, 256], sizes = [256, 64], strides = [1, 1]} : vector<256x768xf32> to vector<256x64xf32>
    %convert_element_type3A_211 = arith.truncf %slice3A_210 : vector<256x64xf32> to vector<256x64xbf16>
    %swap3A_212 = arith.constant 0 : index
    %swap3A_213 = arith.constant 4 : index
    %swap3A_214 = arith.constant 0 : index
    %swap3A_215 = arith.constant 0 : index
    %swap3A_216 = vector.load %arg16[%swap3A_212, %swap3A_213, %swap3A_214, %swap3A_215] : memref<1x12x256x64xbf16, #tpu.memory_space<vmem>>, vector<1x1x256x64xbf16>
    %swap3A_217 = vector.shape_cast %swap3A_216 : vector<1x1x256x64xbf16> to vector<256x64xbf16>
    %swap3A_218 = vector.shape_cast %convert_element_type3A_211 : vector<256x64xbf16> to vector<1x1x256x64xbf16>
    tpu.vector_store %arg16[%swap3A_212, %swap3A_213, %swap3A_214, %swap3A_215], %swap3A_218 {strides = array<i32>} : memref<1x12x256x64xbf16, #tpu.memory_space<vmem>>, vector<1x1x256x64xbf16>,
    %slice3A_219 = vector.extract_strided_slice %add3A_139 {offsets = [0, 256], sizes = [256, 64], strides = [1, 1]} : vector<256x768xf32> to vector<256x64xf32>
    %convert_element_type3A_220 = arith.truncf %slice3A_219 : vector<256x64xf32> to vector<256x64xbf16>
    %swap3A_221 = arith.constant 0 : index
    %swap3A_222 = arith.constant 4 : index
    %swap3A_223 = arith.constant 0 : index
    %swap3A_224 = arith.constant 0 : index
    %swap3A_225 = vector.load %arg17[%swap3A_221, %swap3A_222, %swap3A_223, %swap3A_224] : memref<1x12x256x64xbf16, #tpu.memory_space<vmem>>, vector<1x1x256x64xbf16>
    %swap3A_226 = vector.shape_cast %swap3A_225 : vector<1x1x256x64xbf16> to vector<256x64xbf16>
    %swap3A_227 = vector.shape_cast %convert_element_type3A_220 : vector<256x64xbf16> to vector<1x1x256x64xbf16>
    tpu.vector_store %arg17[%swap3A_221, %swap3A_222, %swap3A_223, %swap3A_224], %swap3A_227 {strides = array<i32>} : memref<1x12x256x64xbf16, #tpu.memory_space<vmem>>, vector<1x1x256x64xbf16>,
    %slice3A_228 = vector.extract_strided_slice %add3A_127 {offsets = [0, 320], sizes = [256, 64], strides = [1, 1]} : vector<256x768xf32> to vector<256x64xf32>
    %convert_element_type3A_229 = arith.truncf %slice3A_228 : vector<256x64xf32> to vector<256x64xbf16>
    %swap3A_230 = arith.constant 0 : index
    %swap3A_231 = arith.constant 5 : index
    %swap3A_232 = arith.constant 0 : index
    %swap3A_233 = arith.constant 0 : index
    %swap3A_234 = vector.load %arg16[%swap3A_230, %swap3A_231, %swap3A_232, %swap3A_233] : memref<1x12x256x64xbf16, #tpu.memory_space<vmem>>, vector<1x1x256x64xbf16>
    %swap3A_235 = vector.shape_cast %swap3A_234 : vector<1x1x256x64xbf16> to vector<256x64xbf16>
    %swap3A_236 = vector.shape_cast %convert_element_type3A_229 : vector<256x64xbf16> to vector<1x1x256x64xbf16>
    tpu.vector_store %arg16[%swap3A_230, %swap3A_231, %swap3A_232, %swap3A_233], %swap3A_236 {strides = array<i32>} : memref<1x12x256x64xbf16, #tpu.memory_space<vmem>>, vector<1x1x256x64xbf16>,
    %slice3A_237 = vector.extract_strided_slice %add3A_139 {offsets = [0, 320], sizes = [256, 64], strides = [1, 1]} : vector<256x768xf32> to vector<256x64xf32>
    %convert_element_type3A_238 = arith.truncf %slice3A_237 : vector<256x64xf32> to vector<256x64xbf16>
    %swap3A_239 = arith.constant 0 : index
    %swap3A_240 = arith.constant 5 : index
    %swap3A_241 = arith.constant 0 : index
    %swap3A_242 = arith.constant 0 : index
    %swap3A_243 = vector.load %arg17[%swap3A_239, %swap3A_240, %swap3A_241, %swap3A_242] : memref<1x12x256x64xbf16, #tpu.memory_space<vmem>>, vector<1x1x256x64xbf16>
    %swap3A_244 = vector.shape_cast %swap3A_243 : vector<1x1x256x64xbf16> to vector<256x64xbf16>
    %swap3A_245 = vector.shape_cast %convert_element_type3A_238 : vector<256x64xbf16> to vector<1x1x256x64xbf16>
    tpu.vector_store %arg17[%swap3A_239, %swap3A_240, %swap3A_241, %swap3A_242], %swap3A_245 {strides = array<i32>} : memref<1x12x256x64xbf16, #tpu.memory_space<vmem>>, vector<1x1x256x64xbf16>,
    %slice3A_246 = vector.extract_strided_slice %add3A_127 {offsets = [0, 384], sizes = [256, 64], strides = [1, 1]} : vector<256x768xf32> to vector<256x64xf32>
    %convert_element_type3A_247 = arith.truncf %slice3A_246 : vector<256x64xf32> to vector<256x64xbf16>
    %swap3A_248 = arith.constant 0 : index
    %swap3A_249 = arith.constant 6 : index
    %swap3A_250 = arith.constant 0 : index
    %swap3A_251 = arith.constant 0 : index
    %swap3A_252 = vector.load %arg16[%swap3A_248, %swap3A_249, %swap3A_250, %swap3A_251] : memref<1x12x256x64xbf16, #tpu.memory_space<vmem>>, vector<1x1x256x64xbf16>
    %swap3A_253 = vector.shape_cast %swap3A_252 : vector<1x1x256x64xbf16> to vector<256x64xbf16>
    %swap3A_254 = vector.shape_cast %convert_element_type3A_247 : vector<256x64xbf16> to vector<1x1x256x64xbf16>
    tpu.vector_store %arg16[%swap3A_248, %swap3A_249, %swap3A_250, %swap3A_251], %swap3A_254 {strides = array<i32>} : memref<1x12x256x64xbf16, #tpu.memory_space<vmem>>, vector<1x1x256x64xbf16>,
    %slice3A_255 = vector.extract_strided_slice %add3A_139 {offsets = [0, 384], sizes = [256, 64], strides = [1, 1]} : vector<256x768xf32> to vector<256x64xf32>
    %convert_element_type3A_256 = arith.truncf %slice3A_255 : vector<256x64xf32> to vector<256x64xbf16>
    %swap3A_257 = arith.constant 0 : index
    %swap3A_258 = arith.constant 6 : index
    %swap3A_259 = arith.constant 0 : index
    %swap3A_260 = arith.constant 0 : index
    %swap3A_261 = vector.load %arg17[%swap3A_257, %swap3A_258, %swap3A_259, %swap3A_260] : memref<1x12x256x64xbf16, #tpu.memory_space<vmem>>, vector<1x1x256x64xbf16>
    %swap3A_262 = vector.shape_cast %swap3A_261 : vector<1x1x256x64xbf16> to vector<256x64xbf16>
    %swap3A_263 = vector.shape_cast %convert_element_type3A_256 : vector<256x64xbf16> to vector<1x1x256x64xbf16>
    tpu.vector_store %arg17[%swap3A_257, %swap3A_258, %swap3A_259, %swap3A_260], %swap3A_263 {strides = array<i32>} : memref<1x12x256x64xbf16, #tpu.memory_space<vmem>>, vector<1x1x256x64xbf16>,
    %slice3A_264 = vector.extract_strided_slice %add3A_127 {offsets = [0, 448], sizes = [256, 64], strides = [1, 1]} : vector<256x768xf32> to vector<256x64xf32>
    %convert_element_type3A_265 = arith.truncf %slice3A_264 : vector<256x64xf32> to vector<256x64xbf16>
    %swap3A_266 = arith.constant 0 : index
    %swap3A_267 = arith.constant 7 : index
    %swap3A_268 = arith.constant 0 : index
    %swap3A_269 = arith.constant 0 : index
    %swap3A_270 = vector.load %arg16[%swap3A_266, %swap3A_267, %swap3A_268, %swap3A_269] : memref<1x12x256x64xbf16, #tpu.memory_space<vmem>>, vector<1x1x256x64xbf16>
    %swap3A_271 = vector.shape_cast %swap3A_270 : vector<1x1x256x64xbf16> to vector<256x64xbf16>
    %swap3A_272 = vector.shape_cast %convert_element_type3A_265 : vector<256x64xbf16> to vector<1x1x256x64xbf16>
    tpu.vector_store %arg16[%swap3A_266, %swap3A_267, %swap3A_268, %swap3A_269], %swap3A_272 {strides = array<i32>} : memref<1x12x256x64xbf16, #tpu.memory_space<vmem>>, vector<1x1x256x64xbf16>,
    %slice3A_273 = vector.extract_strided_slice %add3A_139 {offsets = [0, 448], sizes = [256, 64], strides = [1, 1]} : vector<256x768xf32> to vector<256x64xf32>
    %convert_element_type3A_274 = arith.truncf %slice3A_273 : vector<256x64xf32> to vector<256x64xbf16>
    %swap3A_275 = arith.constant 0 : index
    %swap3A_276 = arith.constant 7 : index
    %swap3A_277 = arith.constant 0 : index
    %swap3A_278 = arith.constant 0 : index
    %swap3A_279 = vector.load %arg17[%swap3A_275, %swap3A_276, %swap3A_277, %swap3A_278] : memref<1x12x256x64xbf16, #tpu.memory_space<vmem>>, vector<1x1x256x64xbf16>
    %swap3A_280 = vector.shape_cast %swap3A_279 : vector<1x1x256x64xbf16> to vector<256x64xbf16>
    %swap3A_281 = vector.shape_cast %convert_element_type3A_274 : vector<256x64xbf16> to vector<1x1x256x64xbf16>
    tpu.vector_store %arg17[%swap3A_275, %swap3A_276, %swap3A_277, %swap3A_278], %swap3A_281 {strides = array<i32>} : memref<1x12x256x64xbf16, #tpu.memory_space<vmem>>, vector<1x1x256x64xbf16>,
    %slice3A_282 = vector.extract_strided_slice %add3A_127 {offsets = [0, 512], sizes = [256, 64], strides = [1, 1]} : vector<256x768xf32> to vector<256x64xf32>
    %convert_element_type3A_283 = arith.truncf %slice3A_282 : vector<256x64xf32> to vector<256x64xbf16>
    %swap3A_284 = arith.constant 0 : index
    %swap3A_285 = arith.constant 8 : index
    %swap3A_286 = arith.constant 0 : index
    %swap3A_287 = arith.constant 0 : index
    %swap3A_288 = vector.load %arg16[%swap3A_284, %swap3A_285, %swap3A_286, %swap3A_287] : memref<1x12x256x64xbf16, #tpu.memory_space<vmem>>, vector<1x1x256x64xbf16>
    %swap3A_289 = vector.shape_cast %swap3A_288 : vector<1x1x256x64xbf16> to vector<256x64xbf16>
    %swap3A_290 = vector.shape_cast %convert_element_type3A_283 : vector<256x64xbf16> to vector<1x1x256x64xbf16>
    tpu.vector_store %arg16[%swap3A_284, %swap3A_285, %swap3A_286, %swap3A_287], %swap3A_290 {strides = array<i32>} : memref<1x12x256x64xbf16, #tpu.memory_space<vmem>>, vector<1x1x256x64xbf16>,
    %slice3A_291 = vector.extract_strided_slice %add3A_139 {offsets = [0, 512], sizes = [256, 64], strides = [1, 1]} : vector<256x768xf32> to vector<256x64xf32>
    %convert_element_type3A_292 = arith.truncf %slice3A_291 : vector<256x64xf32> to vector<256x64xbf16>
    %swap3A_293 = arith.constant 0 : index
    %swap3A_294 = arith.constant 8 : index
    %swap3A_295 = arith.constant 0 : index
    %swap3A_296 = arith.constant 0 : index
    %swap3A_297 = vector.load %arg17[%swap3A_293, %swap3A_294, %swap3A_295, %swap3A_296] : memref<1x12x256x64xbf16, #tpu.memory_space<vmem>>, vector<1x1x256x64xbf16>
    %swap3A_298 = vector.shape_cast %swap3A_297 : vector<1x1x256x64xbf16> to vector<256x64xbf16>
    %swap3A_299 = vector.shape_cast %convert_element_type3A_292 : vector<256x64xbf16> to vector<1x1x256x64xbf16>
    tpu.vector_store %arg17[%swap3A_293, %swap3A_294, %swap3A_295, %swap3A_296], %swap3A_299 {strides = array<i32>} : memref<1x12x256x64xbf16, #tpu.memory_space<vmem>>, vector<1x1x256x64xbf16>,
    %slice3A_300 = vector.extract_strided_slice %add3A_127 {offsets = [0, 576], sizes = [256, 64], strides = [1, 1]} : vector<256x768xf32> to vector<256x64xf32>
    %convert_element_type3A_301 = arith.truncf %slice3A_300 : vector<256x64xf32> to vector<256x64xbf16>
    %swap3A_302 = arith.constant 0 : index
    %swap3A_303 = arith.constant 9 : index
    %swap3A_304 = arith.constant 0 : index
    %swap3A_305 = arith.constant 0 : index
    %swap3A_306 = vector.load %arg16[%swap3A_302, %swap3A_303, %swap3A_304, %swap3A_305] : memref<1x12x256x64xbf16, #tpu.memory_space<vmem>>, vector<1x1x256x64xbf16>
    %swap3A_307 = vector.shape_cast %swap3A_306 : vector<1x1x256x64xbf16> to vector<256x64xbf16>
    %swap3A_308 = vector.shape_cast %convert_element_type3A_301 : vector<256x64xbf16> to vector<1x1x256x64xbf16>
    tpu.vector_store %arg16[%swap3A_302, %swap3A_303, %swap3A_304, %swap3A_305], %swap3A_308 {strides = array<i32>} : memref<1x12x256x64xbf16, #tpu.memory_space<vmem>>, vector<1x1x256x64xbf16>,
    %slice3A_309 = vector.extract_strided_slice %add3A_139 {offsets = [0, 576], sizes = [256, 64], strides = [1, 1]} : vector<256x768xf32> to vector<256x64xf32>
    %convert_element_type3A_310 = arith.truncf %slice3A_309 : vector<256x64xf32> to vector<256x64xbf16>
    %swap3A_311 = arith.constant 0 : index
    %swap3A_312 = arith.constant 9 : index
    %swap3A_313 = arith.constant 0 : index
    %swap3A_314 = arith.constant 0 : index
    %swap3A_315 = vector.load %arg17[%swap3A_311, %swap3A_312, %swap3A_313, %swap3A_314] : memref<1x12x256x64xbf16, #tpu.memory_space<vmem>>, vector<1x1x256x64xbf16>
    %swap3A_316 = vector.shape_cast %swap3A_315 : vector<1x1x256x64xbf16> to vector<256x64xbf16>
    %swap3A_317 = vector.shape_cast %convert_element_type3A_310 : vector<256x64xbf16> to vector<1x1x256x64xbf16>
    tpu.vector_store %arg17[%swap3A_311, %swap3A_312, %swap3A_313, %swap3A_314], %swap3A_317 {strides = array<i32>} : memref<1x12x256x64xbf16, #tpu.memory_space<vmem>>, vector<1x1x256x64xbf16>,
    %slice3A_318 = vector.extract_strided_slice %add3A_127 {offsets = [0, 640], sizes = [256, 64], strides = [1, 1]} : vector<256x768xf32> to vector<256x64xf32>
    %convert_element_type3A_319 = arith.truncf %slice3A_318 : vector<256x64xf32> to vector<256x64xbf16>
    %swap3A_320 = arith.constant 0 : index
    %swap3A_321 = arith.constant 10 : index
    %swap3A_322 = arith.constant 0 : index
    %swap3A_323 = arith.constant 0 : index
    %swap3A_324 = vector.load %arg16[%swap3A_320, %swap3A_321, %swap3A_322, %swap3A_323] : memref<1x12x256x64xbf16, #tpu.memory_space<vmem>>, vector<1x1x256x64xbf16>
    %swap3A_325 = vector.shape_cast %swap3A_324 : vector<1x1x256x64xbf16> to vector<256x64xbf16>
    %swap3A_326 = vector.shape_cast %convert_element_type3A_319 : vector<256x64xbf16> to vector<1x1x256x64xbf16>
    tpu.vector_store %arg16[%swap3A_320, %swap3A_321, %swap3A_322, %swap3A_323], %swap3A_326 {strides = array<i32>} : memref<1x12x256x64xbf16, #tpu.memory_space<vmem>>, vector<1x1x256x64xbf16>,
    %slice3A_327 = vector.extract_strided_slice %add3A_139 {offsets = [0, 640], sizes = [256, 64], strides = [1, 1]} : vector<256x768xf32> to vector<256x64xf32>
    %convert_element_type3A_328 = arith.truncf %slice3A_327 : vector<256x64xf32> to vector<256x64xbf16>
    %swap3A_329 = arith.constant 0 : index
    %swap3A_330 = arith.constant 10 : index
    %swap3A_331 = arith.constant 0 : index
    %swap3A_332 = arith.constant 0 : index
    %swap3A_333 = vector.load %arg17[%swap3A_329, %swap3A_330, %swap3A_331, %swap3A_332] : memref<1x12x256x64xbf16, #tpu.memory_space<vmem>>, vector<1x1x256x64xbf16>
    %swap3A_334 = vector.shape_cast %swap3A_333 : vector<1x1x256x64xbf16> to vector<256x64xbf16>
    %swap3A_335 = vector.shape_cast %convert_element_type3A_328 : vector<256x64xbf16> to vector<1x1x256x64xbf16>
    tpu.vector_store %arg17[%swap3A_329, %swap3A_330, %swap3A_331, %swap3A_332], %swap3A_335 {strides = array<i32>} : memref<1x12x256x64xbf16, #tpu.memory_space<vmem>>, vector<1x1x256x64xbf16>,
    %slice3A_336 = vector.extract_strided_slice %add3A_127 {offsets = [0, 704], sizes = [256, 64], strides = [1, 1]} : vector<256x768xf32> to vector<256x64xf32>
    %convert_element_type3A_337 = arith.truncf %slice3A_336 : vector<256x64xf32> to vector<256x64xbf16>
    %swap3A_338 = arith.constant 0 : index
    %swap3A_339 = arith.constant 11 : index
    %swap3A_340 = arith.constant 0 : index
    %swap3A_341 = arith.constant 0 : index
    %swap3A_342 = vector.load %arg16[%swap3A_338, %swap3A_339, %swap3A_340, %swap3A_341] : memref<1x12x256x64xbf16, #tpu.memory_space<vmem>>, vector<1x1x256x64xbf16>
    %swap3A_343 = vector.shape_cast %swap3A_342 : vector<1x1x256x64xbf16> to vector<256x64xbf16>
    %swap3A_344 = vector.shape_cast %convert_element_type3A_337 : vector<256x64xbf16> to vector<1x1x256x64xbf16>
    tpu.vector_store %arg16[%swap3A_338, %swap3A_339, %swap3A_340, %swap3A_341], %swap3A_344 {strides = array<i32>} : memref<1x12x256x64xbf16, #tpu.memory_space<vmem>>, vector<1x1x256x64xbf16>,
    %slice3A_345 = vector.extract_strided_slice %add3A_139 {offsets = [0, 704], sizes = [256, 64], strides = [1, 1]} : vector<256x768xf32> to vector<256x64xf32>
    %convert_element_type3A_346 = arith.truncf %slice3A_345 : vector<256x64xf32> to vector<256x64xbf16>
    %swap3A_347 = arith.constant 0 : index
    %swap3A_348 = arith.constant 11 : index
    %swap3A_349 = arith.constant 0 : index
    %swap3A_350 = arith.constant 0 : index
    %swap3A_351 = vector.load %arg17[%swap3A_347, %swap3A_348, %swap3A_349, %swap3A_350] : memref<1x12x256x64xbf16, #tpu.memory_space<vmem>>, vector<1x1x256x64xbf16>
    %swap3A_352 = vector.shape_cast %swap3A_351 : vector<1x1x256x64xbf16> to vector<256x64xbf16>
    %swap3A_353 = vector.shape_cast %convert_element_type3A_346 : vector<256x64xbf16> to vector<1x1x256x64xbf16>
    tpu.vector_store %arg17[%swap3A_347, %swap3A_348, %swap3A_349, %swap3A_350], %swap3A_353 {strides = array<i32>} : memref<1x12x256x64xbf16, #tpu.memory_space<vmem>>, vector<1x1x256x64xbf16>,
    return
  }
  func.func @transform_0(%arg0: i32, %arg1: i32) -> (i32, i32, i32) {
    %c0_i32 = arith.constant 0 : i32
    %c0_i32_0 = arith.constant 0 : i32
    return %arg0, %arg1, %c0_i32 : i32, i32, i32
  }
  func.func @transform_1(%arg0: i32, %arg1: i32) -> (i32, i32, i32) {
    %c0_i32 = arith.constant 0 : i32
    %c0_i32_0 = arith.constant 0 : i32
    %c0_i32_1 = arith.constant 0 : i32
    return %arg0, %c0_i32, %c0_i32_0 : i32, i32, i32
  }
  func.func @transform_2(%arg0: i32, %arg1: i32) -> (i32, i32, i32) {
    %c0_i32 = arith.constant 0 : i32
    %c0_i32_0 = arith.constant 0 : i32
    %c0_i32_1 = arith.constant 0 : i32
    return %arg0, %c0_i32, %c0_i32_0 : i32, i32, i32
  }
  func.func @transform_3(%arg0: i32, %arg1: i32) -> (i32, i32, i32) {
    %c0_i32 = arith.constant 0 : i32
    %c0_i32_0 = arith.constant 0 : i32
    return %arg0, %arg1, %c0_i32 : i32, i32, i32
  }
  func.func @transform_4(%arg0: i32, %arg1: i32) -> (i32, i32) {
    %c0_i32 = arith.constant 0 : i32
    %c0_i32_0 = arith.constant 0 : i32
    %c0_i32_1 = arith.constant 0 : i32
    return %c0_i32, %c0_i32_0 : i32, i32
  }
  func.func @transform_5(%arg0: i32, %arg1: i32) -> (i32, i32) {
    %c0_i32 = arith.constant 0 : i32
    %c0_i32_0 = arith.constant 0 : i32
    %c0_i32_1 = arith.constant 0 : i32
    return %c0_i32, %c0_i32_0 : i32, i32
  }
  func.func @transform_6(%arg0: i32, %arg1: i32) -> (i32, i32) {
    %c0_i32 = arith.constant 0 : i32
    %c0_i32_0 = arith.constant 0 : i32
    %c0_i32_1 = arith.constant 0 : i32
    return %c0_i32, %c0_i32_0 : i32, i32
  }
  func.func @transform_7(%arg0: i32, %arg1: i32) -> (i32, i32) {
    %c0_i32 = arith.constant 0 : i32
    %c0_i32_0 = arith.constant 0 : i32
    %c0_i32_1 = arith.constant 0 : i32
    return %c0_i32, %c0_i32_0 : i32, i32
  }
  func.func @transform_8(%arg0: i32, %arg1: i32) -> (i32, i32) {
    %c0_i32 = arith.constant 0 : i32
    %c0_i32_0 = arith.constant 0 : i32
    %c0_i32_1 = arith.constant 0 : i32
    return %c0_i32, %c0_i32_0 : i32, i32
  }
  func.func @transform_9(%arg0: i32, %arg1: i32) -> (i32, i32) {
    %c0_i32 = arith.constant 0 : i32
    %c0_i32_0 = arith.constant 0 : i32
    %c0_i32_1 = arith.constant 0 : i32
    return %c0_i32, %c0_i32_0 : i32, i32
  }
  func.func @transform_10(%arg0: i32, %arg1: i32) -> (i32, i32) {
    %c0_i32 = arith.constant 0 : i32
    %c0_i32_0 = arith.constant 0 : i32
    %c0_i32_1 = arith.constant 0 : i32
    return %c0_i32, %c0_i32_0 : i32, i32
  }
  func.func @transform_11(%arg0: i32, %arg1: i32) -> (i32, i32) {
    %c0_i32 = arith.constant 0 : i32
    %c0_i32_0 = arith.constant 0 : i32
    %c0_i32_1 = arith.constant 0 : i32
    return %c0_i32, %c0_i32_0 : i32, i32
  }
  func.func @transform_12(%arg0: i32, %arg1: i32) -> (i32, i32) {
    %c0_i32 = arith.constant 0 : i32
    %c0_i32_0 = arith.constant 0 : i32
    %c0_i32_1 = arith.constant 0 : i32
    return %c0_i32, %c0_i32_0 : i32, i32
  }
  func.func @transform_13(%arg0: i32, %arg1: i32) -> (i32, i32) {
    %c0_i32 = arith.constant 0 : i32
    %c0_i32_0 = arith.constant 0 : i32
    %c0_i32_1 = arith.constant 0 : i32
    return %c0_i32, %c0_i32_0 : i32, i32
  }
  func.func @transform_14(%arg0: i32, %arg1: i32) -> (i32, i32, i32, i32) {
    %c0_i32 = arith.constant 0 : i32
    %c0_i32_0 = arith.constant 0 : i32
    %c0_i32_1 = arith.constant 0 : i32
    return %arg0, %c0_i32, %arg1, %c0_i32_0 : i32, i32, i32, i32
  }
  func.func @transform_15(%arg0: i32, %arg1: i32) -> (i32, i32, i32, i32) {
    %c0_i32 = arith.constant 0 : i32
    %c0_i32_0 = arith.constant 0 : i32
    %c0_i32_1 = arith.constant 0 : i32
    return %arg0, %c0_i32, %arg1, %c0_i32_0 : i32, i32, i32, i32
  }
}

module attributes {stable_mosaic.version = 14 : i64} {
  func.func @_fattn_kernel(%arg0: i32, %arg1: i32, %arg2: memref<1x256x768xf32, #tpu.memory_space<vmem>>, %arg3: memref<1x12x2048x64xbf16, #tpu.memory_space<vmem>>, %arg4: memref<1x12x2048x64xbf16, #tpu.memory_space<vmem>>, %arg5: memref<768x768xf32, #tpu.memory_space<vmem>>, %arg6: memref<1x768xf32, #tpu.memory_space<vmem>>, %arg7: memref<768x768xf32, #tpu.memory_space<vmem>>, %arg8: memref<1x768xf32, #tpu.memory_space<vmem>>, %arg9: memref<1x768xf32, #tpu.memory_space<vmem>>, %arg10: memref<1x768xf32, #tpu.memory_space<vmem>>, %arg11: memref<1x84x768xf32, #tpu.memory_space<vmem>>, %arg12: memref<768x768xf32, #tpu.memory_space<vmem>>, %arg13: memref<1x768xf32, #tpu.memory_space<vmem>>, %arg14: memref<768x768xf32, #tpu.memory_space<vmem>>, %arg15: memref<1x768xf32, #tpu.memory_space<vmem>>, %arg16: memref<768x768xf32, #tpu.memory_space<vmem>>, %arg17: memref<1x768xf32, #tpu.memory_space<vmem>>, %arg18: memref<768x768xf32, #tpu.memory_space<vmem>>, %arg19: memref<1x768xf32, #tpu.memory_space<vmem>>, %arg20: memref<1x768xf32, #tpu.memory_space<vmem>>, %arg21: memref<1x768xf32, #tpu.memory_space<vmem>>, %arg22: memref<1x256x768xf32, #tpu.memory_space<vmem>>) attributes {dimension_semantics = [#tpu.dimension_semantics<parallel>, #tpu.dimension_semantics<arbitrary>], iteration_bounds = array<i64: 2, 8>, scalar_prefetch = 0 : i64, scratch_operands = 0 : i64, tpu.core_type = #tpu.core_type<tc>, window_params = [{transform_indices = @transform_0, window_bounds = array<i64: 1, 256, 768>}, {transform_indices = @transform_1, window_bounds = array<i64: 1, 12, 2048, 64>}, {transform_indices = @transform_2, window_bounds = array<i64: 1, 12, 2048, 64>}, {pipeline_mode = #tpu.pipeline_mode<synchronous>, transform_indices = @transform_3, window_bounds = array<i64: 768, 768>}, {pipeline_mode = #tpu.pipeline_mode<synchronous>, transform_indices = @transform_4, window_bounds = array<i64: 1, 768>}, {pipeline_mode = #tpu.pipeline_mode<synchronous>, transform_indices = @transform_5, window_bounds = array<i64: 768, 768>}, {pipeline_mode = #tpu.pipeline_mode<synchronous>, transform_indices = @transform_6, window_bounds = array<i64: 1, 768>}, {pipeline_mode = #tpu.pipeline_mode<synchronous>, transform_indices = @transform_7, window_bounds = array<i64: 1, 768>}, {pipeline_mode = #tpu.pipeline_mode<synchronous>, transform_indices = @transform_8, window_bounds = array<i64: 1, 768>}, {transform_indices = @transform_9, window_bounds = array<i64: 1, 84, 768>}, {pipeline_mode = #tpu.pipeline_mode<synchronous>, transform_indices = @transform_10, window_bounds = array<i64: 768, 768>}, {pipeline_mode = #tpu.pipeline_mode<synchronous>, transform_indices = @transform_11, window_bounds = array<i64: 1, 768>}, {pipeline_mode = #tpu.pipeline_mode<synchronous>, transform_indices = @transform_12, window_bounds = array<i64: 768, 768>}, {pipeline_mode = #tpu.pipeline_mode<synchronous>, transform_indices = @transform_13, window_bounds = array<i64: 1, 768>}, {pipeline_mode = #tpu.pipeline_mode<synchronous>, transform_indices = @transform_14, window_bounds = array<i64: 768, 768>}, {pipeline_mode = #tpu.pipeline_mode<synchronous>, transform_indices = @transform_15, window_bounds = array<i64: 1, 768>}, {pipeline_mode = #tpu.pipeline_mode<synchronous>, transform_indices = @transform_16, window_bounds = array<i64: 768, 768>}, {pipeline_mode = #tpu.pipeline_mode<synchronous>, transform_indices = @transform_17, window_bounds = array<i64: 1, 768>}, {pipeline_mode = #tpu.pipeline_mode<synchronous>, transform_indices = @transform_18, window_bounds = array<i64: 1, 768>}, {pipeline_mode = #tpu.pipeline_mode<synchronous>, transform_indices = @transform_19, window_bounds = array<i64: 1, 768>}, {transform_indices = @transform_20, window_bounds = array<i64: 1, 256, 768>}]} {
    %get3A = arith.constant 0 : index
    %get3A_0 = arith.constant 0 : index
    %get3A_1 = arith.constant 0 : index
    %get3A_2 = vector.load %arg2[%get3A, %get3A_0, %get3A_1] : memref<1x256x768xf32, #tpu.memory_space<vmem>>, vector<1x256x768xf32>
    %get3A_3 = vector.shape_cast %get3A_2 : vector<1x256x768xf32> to vector<256x768xf32>
    %get3A_4 = arith.constant 0 : index
    %get3A_5 = arith.constant 0 : index
    %get3A_6 = vector.load %arg5[%get3A_4, %get3A_5] : memref<768x768xf32, #tpu.memory_space<vmem>>, vector<768x768xf32>
    %convert_element_type3A = arith.truncf %get3A_3 : vector<256x768xf32> to vector<256x768xbf16>
    %convert_element_type3A_7 = arith.truncf %get3A_6 : vector<768x768xf32> to vector<768x768xbf16>
    %dot_general3A = arith.constant dense<0.000000e+00> : vector<256x768xf32>
    %dot_general3A_8 = tpu.matmul %convert_element_type3A, %convert_element_type3A_7, %dot_general3A {dimension_numbers = #tpu.dot_dimension_numbers<[1], [0], [0], [1], [0, 0, 1, 1], [], []>, transpose_lhs_hint = false} : vector<256x768xbf16>, vector<768x768xbf16>, vector<256x768xf32> -> vector<256x768xf32>
    %get3A_9 = arith.constant 0 : index
    %get3A_10 = arith.constant 0 : index
    %get3A_11 = vector.load %arg6[%get3A_9, %get3A_10] : memref<1x768xf32, #tpu.memory_space<vmem>>, vector<1x768xf32>
    %add3A = vector.broadcast %get3A_11 : vector<1x768xf32> to vector<256x768xf32>
    %add3A_12 = arith.addf %dot_general3A_8, %add3A : vector<256x768xf32>
    %convert_element_type3A_13 = arith.truncf %add3A_12 : vector<256x768xf32> to vector<256x768xbf16>
    %iota3A = tpu.iota {dimensions = array<i32: 0>} : vector<256x512xi32>
    %mul3A = arith.constant 256 : i32
    %mul3A_14 = arith.muli %arg1, %mul3A : i32
    %add3A_15 = vector.broadcast %mul3A_14 : i32 to vector<256x512xi32>
    %add3A_16 = arith.addi %iota3A, %add3A_15 : vector<256x512xi32>
    %iota3A_17 = tpu.iota {dimensions = array<i32: 1>} : vector<256x512xi32>
    %mul3A_18 = arith.constant 256 : i32
    %mul3A_19 = arith.muli %arg1, %mul3A_18 : i32
    %jit3A = arith.constant 512 : i32
    %div3A = arith.divsi %mul3A_19, %jit3A : i32
    %sign3A = arith.constant 0 : i32
    %sign3A_20 = arith.cmpi sgt, %mul3A_19, %sign3A : i32
    %sign3A_21 = arith.extui %sign3A_20 : i1 to i32
    %sign3A_22 = arith.constant 0 : i32
    %sign3A_23 = arith.cmpi slt, %mul3A_19, %sign3A_22 : i32
    %sign3A_24 = arith.extui %sign3A_23 : i1 to i32
    %sign3A_25 = arith.subi %sign3A_21, %sign3A_24 : i32
    %sign3A_26 = arith.constant 0 : i32
    %sign3A_27 = arith.cmpi sgt, %jit3A, %sign3A_26 : i32
    %sign3A_28 = arith.extui %sign3A_27 : i1 to i32
    %sign3A_29 = arith.constant 0 : i32
    %sign3A_30 = arith.cmpi slt, %jit3A, %sign3A_29 : i32
    %sign3A_31 = arith.extui %sign3A_30 : i1 to i32
    %sign3A_32 = arith.subi %sign3A_28, %sign3A_31 : i32
    %ne3A = arith.cmpi ne, %sign3A_25, %sign3A_32 : i32
    %rem3A = arith.remsi %mul3A_19, %jit3A : i32
    %ne3A_33 = arith.constant 0 : i32
    %ne3A_34 = arith.cmpi ne, %rem3A, %ne3A_33 : i32
    %and3A = arith.andi %ne3A, %ne3A_34 : i1
    %sub3A = arith.constant 1 : i32
    %sub3A_35 = arith.subi %div3A, %sub3A : i32
    %select_n3A = arith.select %and3A, %sub3A_35, %div3A : i32
    %add3A_36 = arith.constant 1 : i32
    %add3A_37 = arith.addi %select_n3A, %add3A_36 : i32
    %mul3A_38 = arith.constant 256 : i32
    %mul3A_39 = arith.muli %arg1, %mul3A_38 : i32
    %jit3A_40 = arith.constant 512 : i32
    %div3A_41 = arith.divsi %mul3A_39, %jit3A_40 : i32
    %sign3A_42 = arith.constant 0 : i32
    %sign3A_43 = arith.cmpi sgt, %mul3A_39, %sign3A_42 : i32
    %sign3A_44 = arith.extui %sign3A_43 : i1 to i32
    %sign3A_45 = arith.constant 0 : i32
    %sign3A_46 = arith.cmpi slt, %mul3A_39, %sign3A_45 : i32
    %sign3A_47 = arith.extui %sign3A_46 : i1 to i32
    %sign3A_48 = arith.subi %sign3A_44, %sign3A_47 : i32
    %sign3A_49 = arith.constant 0 : i32
    %sign3A_50 = arith.cmpi sgt, %jit3A_40, %sign3A_49 : i32
    %sign3A_51 = arith.extui %sign3A_50 : i1 to i32
    %sign3A_52 = arith.constant 0 : i32
    %sign3A_53 = arith.cmpi slt, %jit3A_40, %sign3A_52 : i32
    %sign3A_54 = arith.extui %sign3A_53 : i1 to i32
    %sign3A_55 = arith.subi %sign3A_51, %sign3A_54 : i32
    %ne3A_56 = arith.cmpi ne, %sign3A_48, %sign3A_55 : i32
    %rem3A_57 = arith.remsi %mul3A_39, %jit3A_40 : i32
    %ne3A_58 = arith.constant 0 : i32
    %ne3A_59 = arith.cmpi ne, %rem3A_57, %ne3A_58 : i32
    %and3A_60 = arith.andi %ne3A_56, %ne3A_59 : i1
    %sub3A_61 = arith.constant 1 : i32
    %sub3A_62 = arith.subi %div3A_41, %sub3A_61 : i32
    %select_n3A_63 = arith.select %and3A_60, %sub3A_62, %div3A_41 : i32
    %slice3A = vector.extract_strided_slice %convert_element_type3A_13 {offsets = [0, 0], sizes = [256, 64], strides = [1, 1]} : vector<256x768xbf16> to vector<256x64xbf16>
    %broadcast_in_dim3A = arith.constant 0.000000e+00 : f32
    %broadcast_in_dim3A_64 = vector.broadcast %broadcast_in_dim3A : f32 to vector<256x1xf32>
    %broadcast_in_dim3A_65 = arith.constant 0.000000e+00 : f32
    %broadcast_in_dim3A_66 = vector.broadcast %broadcast_in_dim3A_65 : f32 to vector<256x64xf32>
    %while3A = arith.constant 0 : i32
    %while3A_67 = arith.subi %select_n3A_63, %while3A : i32
    %while3A_68 = arith.addi %while3A, %while3A_67 : i32
    %while3A_69 = arith.constant 1 : i32
    %while3A_70 = arith.divsi %while3A_67, %while3A_69 : i32
    %while3A_71 = arith.muli %while3A_70, %while3A_69 : i32
    %while3A_72 = arith.addi %while3A, %while3A_71 : i32
    %while3A_73 = arith.constant 1 : i32
    %while3A_74:2 = scf.for %while3A_739 = %while3A to %while3A_72 step %while3A_73 iter_args(%while3A_740 = %broadcast_in_dim3A_64, %while3A_741 = %broadcast_in_dim3A_66) -> (vector<256x1xf32>, vector<256x64xf32>)  : i32 {
      %mul3A_742 = arith.constant 512 : i32
      %mul3A_743 = arith.muli %while3A_739, %mul3A_742 : i32
      %get3A_744 = arith.constant 0 : index
      %get3A_745 = arith.constant 0 : index
      %get3A_746 = arith.index_cast %mul3A_743 : i32 to index
      %get3A_747 = arith.constant 0 : index
      %get3A_748 = vector.load %arg3[%get3A_744, %get3A_745, %get3A_746, %get3A_747] : memref<1x12x2048x64xbf16, #tpu.memory_space<vmem>>, vector<1x1x512x64xbf16>
      %get3A_749 = vector.shape_cast %get3A_748 : vector<1x1x512x64xbf16> to vector<512x64xbf16>
      %mul3A_750 = arith.constant 512 : i32
      %mul3A_751 = arith.muli %while3A_739, %mul3A_750 : i32
      %get3A_752 = arith.constant 0 : index
      %get3A_753 = arith.constant 0 : index
      %get3A_754 = arith.index_cast %mul3A_751 : i32 to index
      %get3A_755 = arith.constant 0 : index
      %get3A_756 = vector.load %arg4[%get3A_752, %get3A_753, %get3A_754, %get3A_755] : memref<1x12x2048x64xbf16, #tpu.memory_space<vmem>>, vector<1x1x512x64xbf16>
      %get3A_757 = vector.shape_cast %get3A_756 : vector<1x1x512x64xbf16> to vector<512x64xbf16>
      %dot_general3A_758 = arith.constant dense<0.000000e+00> : vector<256x512xf32>
      %dot_general3A_759 = tpu.matmul %slice3A, %get3A_749, %dot_general3A_758 {dimension_numbers = #tpu.dot_dimension_numbers<[1], [1], [0], [0], [0, 0, 1, 0], [], []>, transpose_lhs_hint = false} : vector<256x64xbf16>, vector<512x64xbf16>, vector<256x512xf32> -> vector<256x512xf32>
      %mul3A_760 = arith.constant 1.250000e-01 : f32
      %mul3A_761 = vector.broadcast %mul3A_760 : f32 to vector<256x512xf32>
      %mul3A_762 = arith.mulf %dot_general3A_759, %mul3A_761 : vector<256x512xf32>
      %exp3A_763 = math.exp %mul3A_762 : vector<256x512xf32>
      %reduce_sum3A_764 = arith.constant dense<0.000000e+00> : vector<256xf32>
      %reduce_sum3A_765 = vector.multi_reduction <add>, %exp3A_763, %reduce_sum3A_764 [1] : vector<256x512xf32> to vector<256xf32>
      %broadcast_in_dim3A_766 = vector.shape_cast %reduce_sum3A_765 : vector<256xf32> to vector<256x1xf32>
      %add3A_767 = arith.addf %while3A_740, %broadcast_in_dim3A_766 : vector<256x1xf32>
      %convert_element_type3A_768 = arith.truncf %exp3A_763 : vector<256x512xf32> to vector<256x512xbf16>
      %dot_general3A_769 = arith.constant dense<0.000000e+00> : vector<256x64xf32>
      %dot_general3A_770 = tpu.matmul %convert_element_type3A_768, %get3A_757, %dot_general3A_769 {dimension_numbers = #tpu.dot_dimension_numbers<[1], [0], [0], [1], [0, 0, 1, 1], [], []>, transpose_lhs_hint = false} : vector<256x512xbf16>, vector<512x64xbf16>, vector<256x64xf32> -> vector<256x64xf32>
      %add3A_771 = arith.addf %while3A_741, %dot_general3A_770 : vector<256x64xf32>
      scf.yield %add3A_767, %add3A_771 : vector<256x1xf32>, vector<256x64xf32>
    }
    %while3A_75 = arith.constant 1 : i32
    %while3A_76:2 = scf.for %while3A_739 = %while3A_72 to %while3A_68 step %while3A_75 iter_args(%while3A_740 = %while3A_74#0, %while3A_741 = %while3A_74#1) -> (vector<256x1xf32>, vector<256x64xf32>)  : i32 {
      %mul3A_742 = arith.constant 512 : i32
      %mul3A_743 = arith.muli %while3A_739, %mul3A_742 : i32
      %get3A_744 = arith.constant 0 : index
      %get3A_745 = arith.constant 0 : index
      %get3A_746 = arith.index_cast %mul3A_743 : i32 to index
      %get3A_747 = arith.constant 0 : index
      %get3A_748 = vector.load %arg3[%get3A_744, %get3A_745, %get3A_746, %get3A_747] : memref<1x12x2048x64xbf16, #tpu.memory_space<vmem>>, vector<1x1x512x64xbf16>
      %get3A_749 = vector.shape_cast %get3A_748 : vector<1x1x512x64xbf16> to vector<512x64xbf16>
      %mul3A_750 = arith.constant 512 : i32
      %mul3A_751 = arith.muli %while3A_739, %mul3A_750 : i32
      %get3A_752 = arith.constant 0 : index
      %get3A_753 = arith.constant 0 : index
      %get3A_754 = arith.index_cast %mul3A_751 : i32 to index
      %get3A_755 = arith.constant 0 : index
      %get3A_756 = vector.load %arg4[%get3A_752, %get3A_753, %get3A_754, %get3A_755] : memref<1x12x2048x64xbf16, #tpu.memory_space<vmem>>, vector<1x1x512x64xbf16>
      %get3A_757 = vector.shape_cast %get3A_756 : vector<1x1x512x64xbf16> to vector<512x64xbf16>
      %dot_general3A_758 = arith.constant dense<0.000000e+00> : vector<256x512xf32>
      %dot_general3A_759 = tpu.matmul %slice3A, %get3A_749, %dot_general3A_758 {dimension_numbers = #tpu.dot_dimension_numbers<[1], [1], [0], [0], [0, 0, 1, 0], [], []>, transpose_lhs_hint = false} : vector<256x64xbf16>, vector<512x64xbf16>, vector<256x512xf32> -> vector<256x512xf32>
      %mul3A_760 = arith.constant 1.250000e-01 : f32
      %mul3A_761 = vector.broadcast %mul3A_760 : f32 to vector<256x512xf32>
      %mul3A_762 = arith.mulf %dot_general3A_759, %mul3A_761 : vector<256x512xf32>
      %exp3A_763 = math.exp %mul3A_762 : vector<256x512xf32>
      %reduce_sum3A_764 = arith.constant dense<0.000000e+00> : vector<256xf32>
      %reduce_sum3A_765 = vector.multi_reduction <add>, %exp3A_763, %reduce_sum3A_764 [1] : vector<256x512xf32> to vector<256xf32>
      %broadcast_in_dim3A_766 = vector.shape_cast %reduce_sum3A_765 : vector<256xf32> to vector<256x1xf32>
      %add3A_767 = arith.addf %while3A_740, %broadcast_in_dim3A_766 : vector<256x1xf32>
      %convert_element_type3A_768 = arith.truncf %exp3A_763 : vector<256x512xf32> to vector<256x512xbf16>
      %dot_general3A_769 = arith.constant dense<0.000000e+00> : vector<256x64xf32>
      %dot_general3A_770 = tpu.matmul %convert_element_type3A_768, %get3A_757, %dot_general3A_769 {dimension_numbers = #tpu.dot_dimension_numbers<[1], [0], [0], [1], [0, 0, 1, 1], [], []>, transpose_lhs_hint = false} : vector<256x512xbf16>, vector<512x64xbf16>, vector<256x64xf32> -> vector<256x64xf32>
      %add3A_771 = arith.addf %while3A_741, %dot_general3A_770 : vector<256x64xf32>
      scf.yield %add3A_767, %add3A_771 : vector<256x1xf32>, vector<256x64xf32>
    }
    %while3A_77 = arith.subi %add3A_37, %select_n3A_63 : i32
    %while3A_78 = arith.addi %select_n3A_63, %while3A_77 : i32
    %while3A_79 = arith.constant 1 : i32
    %while3A_80 = arith.divsi %while3A_77, %while3A_79 : i32
    %while3A_81 = arith.muli %while3A_80, %while3A_79 : i32
    %while3A_82 = arith.addi %select_n3A_63, %while3A_81 : i32
    %while3A_83 = arith.constant 1 : i32
    %while3A_84:2 = scf.for %while3A_739 = %select_n3A_63 to %while3A_82 step %while3A_83 iter_args(%while3A_740 = %while3A_76#0, %while3A_741 = %while3A_76#1) -> (vector<256x1xf32>, vector<256x64xf32>)  : i32 {
      %mul3A_742 = arith.constant 512 : i32
      %mul3A_743 = arith.muli %while3A_739, %mul3A_742 : i32
      %get3A_744 = arith.constant 0 : index
      %get3A_745 = arith.constant 0 : index
      %get3A_746 = arith.index_cast %mul3A_743 : i32 to index
      %get3A_747 = arith.constant 0 : index
      %get3A_748 = vector.load %arg3[%get3A_744, %get3A_745, %get3A_746, %get3A_747] : memref<1x12x2048x64xbf16, #tpu.memory_space<vmem>>, vector<1x1x512x64xbf16>
      %get3A_749 = vector.shape_cast %get3A_748 : vector<1x1x512x64xbf16> to vector<512x64xbf16>
      %mul3A_750 = arith.constant 512 : i32
      %mul3A_751 = arith.muli %while3A_739, %mul3A_750 : i32
      %get3A_752 = arith.constant 0 : index
      %get3A_753 = arith.constant 0 : index
      %get3A_754 = arith.index_cast %mul3A_751 : i32 to index
      %get3A_755 = arith.constant 0 : index
      %get3A_756 = vector.load %arg4[%get3A_752, %get3A_753, %get3A_754, %get3A_755] : memref<1x12x2048x64xbf16, #tpu.memory_space<vmem>>, vector<1x1x512x64xbf16>
      %get3A_757 = vector.shape_cast %get3A_756 : vector<1x1x512x64xbf16> to vector<512x64xbf16>
      %dot_general3A_758 = arith.constant dense<0.000000e+00> : vector<256x512xf32>
      %dot_general3A_759 = tpu.matmul %slice3A, %get3A_749, %dot_general3A_758 {dimension_numbers = #tpu.dot_dimension_numbers<[1], [1], [0], [0], [0, 0, 1, 0], [], []>, transpose_lhs_hint = false} : vector<256x64xbf16>, vector<512x64xbf16>, vector<256x512xf32> -> vector<256x512xf32>
      %mul3A_760 = arith.constant 1.250000e-01 : f32
      %mul3A_761 = vector.broadcast %mul3A_760 : f32 to vector<256x512xf32>
      %mul3A_762 = arith.mulf %dot_general3A_759, %mul3A_761 : vector<256x512xf32>
      %mul3A_763 = arith.constant 512 : i32
      %mul3A_764 = arith.muli %while3A_739, %mul3A_763 : i32
      %add3A_765 = vector.broadcast %mul3A_764 : i32 to vector<256x512xi32>
      %add3A_766 = arith.addi %iota3A_17, %add3A_765 : vector<256x512xi32>
      %gt3A = arith.cmpi sgt, %add3A_766, %add3A_16 : vector<256x512xi32>
      %jit3A_767 = arith.constant -1.000000e+09 : f32
      %broadcast_in_dim3A_768 = vector.broadcast %jit3A_767 : f32 to vector<256x512xf32>
      %select_n3A_769 = arith.select %gt3A, %broadcast_in_dim3A_768, %mul3A_762 : vector<256x512xi1>, vector<256x512xf32>
      %exp3A_770 = math.exp %select_n3A_769 : vector<256x512xf32>
      %reduce_sum3A_771 = arith.constant dense<0.000000e+00> : vector<256xf32>
      %reduce_sum3A_772 = vector.multi_reduction <add>, %exp3A_770, %reduce_sum3A_771 [1] : vector<256x512xf32> to vector<256xf32>
      %broadcast_in_dim3A_773 = vector.shape_cast %reduce_sum3A_772 : vector<256xf32> to vector<256x1xf32>
      %add3A_774 = arith.addf %while3A_740, %broadcast_in_dim3A_773 : vector<256x1xf32>
      %convert_element_type3A_775 = arith.truncf %exp3A_770 : vector<256x512xf32> to vector<256x512xbf16>
      %dot_general3A_776 = arith.constant dense<0.000000e+00> : vector<256x64xf32>
      %dot_general3A_777 = tpu.matmul %convert_element_type3A_775, %get3A_757, %dot_general3A_776 {dimension_numbers = #tpu.dot_dimension_numbers<[1], [0], [0], [1], [0, 0, 1, 1], [], []>, transpose_lhs_hint = false} : vector<256x512xbf16>, vector<512x64xbf16>, vector<256x64xf32> -> vector<256x64xf32>
      %add3A_778 = arith.addf %while3A_741, %dot_general3A_777 : vector<256x64xf32>
      scf.yield %add3A_774, %add3A_778 : vector<256x1xf32>, vector<256x64xf32>
    }
    %while3A_85 = arith.constant 1 : i32
    %while3A_86:2 = scf.for %while3A_739 = %while3A_82 to %while3A_78 step %while3A_85 iter_args(%while3A_740 = %while3A_84#0, %while3A_741 = %while3A_84#1) -> (vector<256x1xf32>, vector<256x64xf32>)  : i32 {
      %mul3A_742 = arith.constant 512 : i32
      %mul3A_743 = arith.muli %while3A_739, %mul3A_742 : i32
      %get3A_744 = arith.constant 0 : index
      %get3A_745 = arith.constant 0 : index
      %get3A_746 = arith.index_cast %mul3A_743 : i32 to index
      %get3A_747 = arith.constant 0 : index
      %get3A_748 = vector.load %arg3[%get3A_744, %get3A_745, %get3A_746, %get3A_747] : memref<1x12x2048x64xbf16, #tpu.memory_space<vmem>>, vector<1x1x512x64xbf16>
      %get3A_749 = vector.shape_cast %get3A_748 : vector<1x1x512x64xbf16> to vector<512x64xbf16>
      %mul3A_750 = arith.constant 512 : i32
      %mul3A_751 = arith.muli %while3A_739, %mul3A_750 : i32
      %get3A_752 = arith.constant 0 : index
      %get3A_753 = arith.constant 0 : index
      %get3A_754 = arith.index_cast %mul3A_751 : i32 to index
      %get3A_755 = arith.constant 0 : index
      %get3A_756 = vector.load %arg4[%get3A_752, %get3A_753, %get3A_754, %get3A_755] : memref<1x12x2048x64xbf16, #tpu.memory_space<vmem>>, vector<1x1x512x64xbf16>
      %get3A_757 = vector.shape_cast %get3A_756 : vector<1x1x512x64xbf16> to vector<512x64xbf16>
      %dot_general3A_758 = arith.constant dense<0.000000e+00> : vector<256x512xf32>
      %dot_general3A_759 = tpu.matmul %slice3A, %get3A_749, %dot_general3A_758 {dimension_numbers = #tpu.dot_dimension_numbers<[1], [1], [0], [0], [0, 0, 1, 0], [], []>, transpose_lhs_hint = false} : vector<256x64xbf16>, vector<512x64xbf16>, vector<256x512xf32> -> vector<256x512xf32>
      %mul3A_760 = arith.constant 1.250000e-01 : f32
      %mul3A_761 = vector.broadcast %mul3A_760 : f32 to vector<256x512xf32>
      %mul3A_762 = arith.mulf %dot_general3A_759, %mul3A_761 : vector<256x512xf32>
      %mul3A_763 = arith.constant 512 : i32
      %mul3A_764 = arith.muli %while3A_739, %mul3A_763 : i32
      %add3A_765 = vector.broadcast %mul3A_764 : i32 to vector<256x512xi32>
      %add3A_766 = arith.addi %iota3A_17, %add3A_765 : vector<256x512xi32>
      %gt3A = arith.cmpi sgt, %add3A_766, %add3A_16 : vector<256x512xi32>
      %jit3A_767 = arith.constant -1.000000e+09 : f32
      %broadcast_in_dim3A_768 = vector.broadcast %jit3A_767 : f32 to vector<256x512xf32>
      %select_n3A_769 = arith.select %gt3A, %broadcast_in_dim3A_768, %mul3A_762 : vector<256x512xi1>, vector<256x512xf32>
      %exp3A_770 = math.exp %select_n3A_769 : vector<256x512xf32>
      %reduce_sum3A_771 = arith.constant dense<0.000000e+00> : vector<256xf32>
      %reduce_sum3A_772 = vector.multi_reduction <add>, %exp3A_770, %reduce_sum3A_771 [1] : vector<256x512xf32> to vector<256xf32>
      %broadcast_in_dim3A_773 = vector.shape_cast %reduce_sum3A_772 : vector<256xf32> to vector<256x1xf32>
      %add3A_774 = arith.addf %while3A_740, %broadcast_in_dim3A_773 : vector<256x1xf32>
      %convert_element_type3A_775 = arith.truncf %exp3A_770 : vector<256x512xf32> to vector<256x512xbf16>
      %dot_general3A_776 = arith.constant dense<0.000000e+00> : vector<256x64xf32>
      %dot_general3A_777 = tpu.matmul %convert_element_type3A_775, %get3A_757, %dot_general3A_776 {dimension_numbers = #tpu.dot_dimension_numbers<[1], [0], [0], [1], [0, 0, 1, 1], [], []>, transpose_lhs_hint = false} : vector<256x512xbf16>, vector<512x64xbf16>, vector<256x64xf32> -> vector<256x64xf32>
      %add3A_778 = arith.addf %while3A_741, %dot_general3A_777 : vector<256x64xf32>
      scf.yield %add3A_774, %add3A_778 : vector<256x1xf32>, vector<256x64xf32>
    }
    %div3A_87 = vector.broadcast %while3A_86#0 : vector<256x1xf32> to vector<256x64xf32>
    %div3A_88 = arith.divf %while3A_86#1, %div3A_87 : vector<256x64xf32>
    %slice3A_89 = vector.extract_strided_slice %convert_element_type3A_13 {offsets = [0, 64], sizes = [256, 64], strides = [1, 1]} : vector<256x768xbf16> to vector<256x64xbf16>
    %broadcast_in_dim3A_90 = arith.constant 0.000000e+00 : f32
    %broadcast_in_dim3A_91 = vector.broadcast %broadcast_in_dim3A_90 : f32 to vector<256x1xf32>
    %broadcast_in_dim3A_92 = arith.constant 0.000000e+00 : f32
    %broadcast_in_dim3A_93 = vector.broadcast %broadcast_in_dim3A_92 : f32 to vector<256x64xf32>
    %while3A_94 = arith.constant 0 : i32
    %while3A_95 = arith.subi %select_n3A_63, %while3A_94 : i32
    %while3A_96 = arith.addi %while3A_94, %while3A_95 : i32
    %while3A_97 = arith.constant 1 : i32
    %while3A_98 = arith.divsi %while3A_95, %while3A_97 : i32
    %while3A_99 = arith.muli %while3A_98, %while3A_97 : i32
    %while3A_100 = arith.addi %while3A_94, %while3A_99 : i32
    %while3A_101 = arith.constant 1 : i32
    %while3A_102:2 = scf.for %while3A_739 = %while3A_94 to %while3A_100 step %while3A_101 iter_args(%while3A_740 = %broadcast_in_dim3A_91, %while3A_741 = %broadcast_in_dim3A_93) -> (vector<256x1xf32>, vector<256x64xf32>)  : i32 {
      %mul3A_742 = arith.constant 512 : i32
      %mul3A_743 = arith.muli %while3A_739, %mul3A_742 : i32
      %get3A_744 = arith.constant 0 : index
      %get3A_745 = arith.constant 1 : index
      %get3A_746 = arith.index_cast %mul3A_743 : i32 to index
      %get3A_747 = arith.constant 0 : index
      %get3A_748 = vector.load %arg3[%get3A_744, %get3A_745, %get3A_746, %get3A_747] : memref<1x12x2048x64xbf16, #tpu.memory_space<vmem>>, vector<1x1x512x64xbf16>
      %get3A_749 = vector.shape_cast %get3A_748 : vector<1x1x512x64xbf16> to vector<512x64xbf16>
      %mul3A_750 = arith.constant 512 : i32
      %mul3A_751 = arith.muli %while3A_739, %mul3A_750 : i32
      %get3A_752 = arith.constant 0 : index
      %get3A_753 = arith.constant 1 : index
      %get3A_754 = arith.index_cast %mul3A_751 : i32 to index
      %get3A_755 = arith.constant 0 : index
      %get3A_756 = vector.load %arg4[%get3A_752, %get3A_753, %get3A_754, %get3A_755] : memref<1x12x2048x64xbf16, #tpu.memory_space<vmem>>, vector<1x1x512x64xbf16>
      %get3A_757 = vector.shape_cast %get3A_756 : vector<1x1x512x64xbf16> to vector<512x64xbf16>
      %dot_general3A_758 = arith.constant dense<0.000000e+00> : vector<256x512xf32>
      %dot_general3A_759 = tpu.matmul %slice3A_89, %get3A_749, %dot_general3A_758 {dimension_numbers = #tpu.dot_dimension_numbers<[1], [1], [0], [0], [0, 0, 1, 0], [], []>, transpose_lhs_hint = false} : vector<256x64xbf16>, vector<512x64xbf16>, vector<256x512xf32> -> vector<256x512xf32>
      %mul3A_760 = arith.constant 1.250000e-01 : f32
      %mul3A_761 = vector.broadcast %mul3A_760 : f32 to vector<256x512xf32>
      %mul3A_762 = arith.mulf %dot_general3A_759, %mul3A_761 : vector<256x512xf32>
      %exp3A_763 = math.exp %mul3A_762 : vector<256x512xf32>
      %reduce_sum3A_764 = arith.constant dense<0.000000e+00> : vector<256xf32>
      %reduce_sum3A_765 = vector.multi_reduction <add>, %exp3A_763, %reduce_sum3A_764 [1] : vector<256x512xf32> to vector<256xf32>
      %broadcast_in_dim3A_766 = vector.shape_cast %reduce_sum3A_765 : vector<256xf32> to vector<256x1xf32>
      %add3A_767 = arith.addf %while3A_740, %broadcast_in_dim3A_766 : vector<256x1xf32>
      %convert_element_type3A_768 = arith.truncf %exp3A_763 : vector<256x512xf32> to vector<256x512xbf16>
      %dot_general3A_769 = arith.constant dense<0.000000e+00> : vector<256x64xf32>
      %dot_general3A_770 = tpu.matmul %convert_element_type3A_768, %get3A_757, %dot_general3A_769 {dimension_numbers = #tpu.dot_dimension_numbers<[1], [0], [0], [1], [0, 0, 1, 1], [], []>, transpose_lhs_hint = false} : vector<256x512xbf16>, vector<512x64xbf16>, vector<256x64xf32> -> vector<256x64xf32>
      %add3A_771 = arith.addf %while3A_741, %dot_general3A_770 : vector<256x64xf32>
      scf.yield %add3A_767, %add3A_771 : vector<256x1xf32>, vector<256x64xf32>
    }
    %while3A_103 = arith.constant 1 : i32
    %while3A_104:2 = scf.for %while3A_739 = %while3A_100 to %while3A_96 step %while3A_103 iter_args(%while3A_740 = %while3A_102#0, %while3A_741 = %while3A_102#1) -> (vector<256x1xf32>, vector<256x64xf32>)  : i32 {
      %mul3A_742 = arith.constant 512 : i32
      %mul3A_743 = arith.muli %while3A_739, %mul3A_742 : i32
      %get3A_744 = arith.constant 0 : index
      %get3A_745 = arith.constant 1 : index
      %get3A_746 = arith.index_cast %mul3A_743 : i32 to index
      %get3A_747 = arith.constant 0 : index
      %get3A_748 = vector.load %arg3[%get3A_744, %get3A_745, %get3A_746, %get3A_747] : memref<1x12x2048x64xbf16, #tpu.memory_space<vmem>>, vector<1x1x512x64xbf16>
      %get3A_749 = vector.shape_cast %get3A_748 : vector<1x1x512x64xbf16> to vector<512x64xbf16>
      %mul3A_750 = arith.constant 512 : i32
      %mul3A_751 = arith.muli %while3A_739, %mul3A_750 : i32
      %get3A_752 = arith.constant 0 : index
      %get3A_753 = arith.constant 1 : index
      %get3A_754 = arith.index_cast %mul3A_751 : i32 to index
      %get3A_755 = arith.constant 0 : index
      %get3A_756 = vector.load %arg4[%get3A_752, %get3A_753, %get3A_754, %get3A_755] : memref<1x12x2048x64xbf16, #tpu.memory_space<vmem>>, vector<1x1x512x64xbf16>
      %get3A_757 = vector.shape_cast %get3A_756 : vector<1x1x512x64xbf16> to vector<512x64xbf16>
      %dot_general3A_758 = arith.constant dense<0.000000e+00> : vector<256x512xf32>
      %dot_general3A_759 = tpu.matmul %slice3A_89, %get3A_749, %dot_general3A_758 {dimension_numbers = #tpu.dot_dimension_numbers<[1], [1], [0], [0], [0, 0, 1, 0], [], []>, transpose_lhs_hint = false} : vector<256x64xbf16>, vector<512x64xbf16>, vector<256x512xf32> -> vector<256x512xf32>
      %mul3A_760 = arith.constant 1.250000e-01 : f32
      %mul3A_761 = vector.broadcast %mul3A_760 : f32 to vector<256x512xf32>
      %mul3A_762 = arith.mulf %dot_general3A_759, %mul3A_761 : vector<256x512xf32>
      %exp3A_763 = math.exp %mul3A_762 : vector<256x512xf32>
      %reduce_sum3A_764 = arith.constant dense<0.000000e+00> : vector<256xf32>
      %reduce_sum3A_765 = vector.multi_reduction <add>, %exp3A_763, %reduce_sum3A_764 [1] : vector<256x512xf32> to vector<256xf32>
      %broadcast_in_dim3A_766 = vector.shape_cast %reduce_sum3A_765 : vector<256xf32> to vector<256x1xf32>
      %add3A_767 = arith.addf %while3A_740, %broadcast_in_dim3A_766 : vector<256x1xf32>
      %convert_element_type3A_768 = arith.truncf %exp3A_763 : vector<256x512xf32> to vector<256x512xbf16>
      %dot_general3A_769 = arith.constant dense<0.000000e+00> : vector<256x64xf32>
      %dot_general3A_770 = tpu.matmul %convert_element_type3A_768, %get3A_757, %dot_general3A_769 {dimension_numbers = #tpu.dot_dimension_numbers<[1], [0], [0], [1], [0, 0, 1, 1], [], []>, transpose_lhs_hint = false} : vector<256x512xbf16>, vector<512x64xbf16>, vector<256x64xf32> -> vector<256x64xf32>
      %add3A_771 = arith.addf %while3A_741, %dot_general3A_770 : vector<256x64xf32>
      scf.yield %add3A_767, %add3A_771 : vector<256x1xf32>, vector<256x64xf32>
    }
    %while3A_105 = arith.subi %add3A_37, %select_n3A_63 : i32
    %while3A_106 = arith.addi %select_n3A_63, %while3A_105 : i32
    %while3A_107 = arith.constant 1 : i32
    %while3A_108 = arith.divsi %while3A_105, %while3A_107 : i32
    %while3A_109 = arith.muli %while3A_108, %while3A_107 : i32
    %while3A_110 = arith.addi %select_n3A_63, %while3A_109 : i32
    %while3A_111 = arith.constant 1 : i32
    %while3A_112:2 = scf.for %while3A_739 = %select_n3A_63 to %while3A_110 step %while3A_111 iter_args(%while3A_740 = %while3A_104#0, %while3A_741 = %while3A_104#1) -> (vector<256x1xf32>, vector<256x64xf32>)  : i32 {
      %mul3A_742 = arith.constant 512 : i32
      %mul3A_743 = arith.muli %while3A_739, %mul3A_742 : i32
      %get3A_744 = arith.constant 0 : index
      %get3A_745 = arith.constant 1 : index
      %get3A_746 = arith.index_cast %mul3A_743 : i32 to index
      %get3A_747 = arith.constant 0 : index
      %get3A_748 = vector.load %arg3[%get3A_744, %get3A_745, %get3A_746, %get3A_747] : memref<1x12x2048x64xbf16, #tpu.memory_space<vmem>>, vector<1x1x512x64xbf16>
      %get3A_749 = vector.shape_cast %get3A_748 : vector<1x1x512x64xbf16> to vector<512x64xbf16>
      %mul3A_750 = arith.constant 512 : i32
      %mul3A_751 = arith.muli %while3A_739, %mul3A_750 : i32
      %get3A_752 = arith.constant 0 : index
      %get3A_753 = arith.constant 1 : index
      %get3A_754 = arith.index_cast %mul3A_751 : i32 to index
      %get3A_755 = arith.constant 0 : index
      %get3A_756 = vector.load %arg4[%get3A_752, %get3A_753, %get3A_754, %get3A_755] : memref<1x12x2048x64xbf16, #tpu.memory_space<vmem>>, vector<1x1x512x64xbf16>
      %get3A_757 = vector.shape_cast %get3A_756 : vector<1x1x512x64xbf16> to vector<512x64xbf16>
      %dot_general3A_758 = arith.constant dense<0.000000e+00> : vector<256x512xf32>
      %dot_general3A_759 = tpu.matmul %slice3A_89, %get3A_749, %dot_general3A_758 {dimension_numbers = #tpu.dot_dimension_numbers<[1], [1], [0], [0], [0, 0, 1, 0], [], []>, transpose_lhs_hint = false} : vector<256x64xbf16>, vector<512x64xbf16>, vector<256x512xf32> -> vector<256x512xf32>
      %mul3A_760 = arith.constant 1.250000e-01 : f32
      %mul3A_761 = vector.broadcast %mul3A_760 : f32 to vector<256x512xf32>
      %mul3A_762 = arith.mulf %dot_general3A_759, %mul3A_761 : vector<256x512xf32>
      %mul3A_763 = arith.constant 512 : i32
      %mul3A_764 = arith.muli %while3A_739, %mul3A_763 : i32
      %add3A_765 = vector.broadcast %mul3A_764 : i32 to vector<256x512xi32>
      %add3A_766 = arith.addi %iota3A_17, %add3A_765 : vector<256x512xi32>
      %gt3A = arith.cmpi sgt, %add3A_766, %add3A_16 : vector<256x512xi32>
      %jit3A_767 = arith.constant -1.000000e+09 : f32
      %broadcast_in_dim3A_768 = vector.broadcast %jit3A_767 : f32 to vector<256x512xf32>
      %select_n3A_769 = arith.select %gt3A, %broadcast_in_dim3A_768, %mul3A_762 : vector<256x512xi1>, vector<256x512xf32>
      %exp3A_770 = math.exp %select_n3A_769 : vector<256x512xf32>
      %reduce_sum3A_771 = arith.constant dense<0.000000e+00> : vector<256xf32>
      %reduce_sum3A_772 = vector.multi_reduction <add>, %exp3A_770, %reduce_sum3A_771 [1] : vector<256x512xf32> to vector<256xf32>
      %broadcast_in_dim3A_773 = vector.shape_cast %reduce_sum3A_772 : vector<256xf32> to vector<256x1xf32>
      %add3A_774 = arith.addf %while3A_740, %broadcast_in_dim3A_773 : vector<256x1xf32>
      %convert_element_type3A_775 = arith.truncf %exp3A_770 : vector<256x512xf32> to vector<256x512xbf16>
      %dot_general3A_776 = arith.constant dense<0.000000e+00> : vector<256x64xf32>
      %dot_general3A_777 = tpu.matmul %convert_element_type3A_775, %get3A_757, %dot_general3A_776 {dimension_numbers = #tpu.dot_dimension_numbers<[1], [0], [0], [1], [0, 0, 1, 1], [], []>, transpose_lhs_hint = false} : vector<256x512xbf16>, vector<512x64xbf16>, vector<256x64xf32> -> vector<256x64xf32>
      %add3A_778 = arith.addf %while3A_741, %dot_general3A_777 : vector<256x64xf32>
      scf.yield %add3A_774, %add3A_778 : vector<256x1xf32>, vector<256x64xf32>
    }
    %while3A_113 = arith.constant 1 : i32
    %while3A_114:2 = scf.for %while3A_739 = %while3A_110 to %while3A_106 step %while3A_113 iter_args(%while3A_740 = %while3A_112#0, %while3A_741 = %while3A_112#1) -> (vector<256x1xf32>, vector<256x64xf32>)  : i32 {
      %mul3A_742 = arith.constant 512 : i32
      %mul3A_743 = arith.muli %while3A_739, %mul3A_742 : i32
      %get3A_744 = arith.constant 0 : index
      %get3A_745 = arith.constant 1 : index
      %get3A_746 = arith.index_cast %mul3A_743 : i32 to index
      %get3A_747 = arith.constant 0 : index
      %get3A_748 = vector.load %arg3[%get3A_744, %get3A_745, %get3A_746, %get3A_747] : memref<1x12x2048x64xbf16, #tpu.memory_space<vmem>>, vector<1x1x512x64xbf16>
      %get3A_749 = vector.shape_cast %get3A_748 : vector<1x1x512x64xbf16> to vector<512x64xbf16>
      %mul3A_750 = arith.constant 512 : i32
      %mul3A_751 = arith.muli %while3A_739, %mul3A_750 : i32
      %get3A_752 = arith.constant 0 : index
      %get3A_753 = arith.constant 1 : index
      %get3A_754 = arith.index_cast %mul3A_751 : i32 to index
      %get3A_755 = arith.constant 0 : index
      %get3A_756 = vector.load %arg4[%get3A_752, %get3A_753, %get3A_754, %get3A_755] : memref<1x12x2048x64xbf16, #tpu.memory_space<vmem>>, vector<1x1x512x64xbf16>
      %get3A_757 = vector.shape_cast %get3A_756 : vector<1x1x512x64xbf16> to vector<512x64xbf16>
      %dot_general3A_758 = arith.constant dense<0.000000e+00> : vector<256x512xf32>
      %dot_general3A_759 = tpu.matmul %slice3A_89, %get3A_749, %dot_general3A_758 {dimension_numbers = #tpu.dot_dimension_numbers<[1], [1], [0], [0], [0, 0, 1, 0], [], []>, transpose_lhs_hint = false} : vector<256x64xbf16>, vector<512x64xbf16>, vector<256x512xf32> -> vector<256x512xf32>
      %mul3A_760 = arith.constant 1.250000e-01 : f32
      %mul3A_761 = vector.broadcast %mul3A_760 : f32 to vector<256x512xf32>
      %mul3A_762 = arith.mulf %dot_general3A_759, %mul3A_761 : vector<256x512xf32>
      %mul3A_763 = arith.constant 512 : i32
      %mul3A_764 = arith.muli %while3A_739, %mul3A_763 : i32
      %add3A_765 = vector.broadcast %mul3A_764 : i32 to vector<256x512xi32>
      %add3A_766 = arith.addi %iota3A_17, %add3A_765 : vector<256x512xi32>
      %gt3A = arith.cmpi sgt, %add3A_766, %add3A_16 : vector<256x512xi32>
      %jit3A_767 = arith.constant -1.000000e+09 : f32
      %broadcast_in_dim3A_768 = vector.broadcast %jit3A_767 : f32 to vector<256x512xf32>
      %select_n3A_769 = arith.select %gt3A, %broadcast_in_dim3A_768, %mul3A_762 : vector<256x512xi1>, vector<256x512xf32>
      %exp3A_770 = math.exp %select_n3A_769 : vector<256x512xf32>
      %reduce_sum3A_771 = arith.constant dense<0.000000e+00> : vector<256xf32>
      %reduce_sum3A_772 = vector.multi_reduction <add>, %exp3A_770, %reduce_sum3A_771 [1] : vector<256x512xf32> to vector<256xf32>
      %broadcast_in_dim3A_773 = vector.shape_cast %reduce_sum3A_772 : vector<256xf32> to vector<256x1xf32>
      %add3A_774 = arith.addf %while3A_740, %broadcast_in_dim3A_773 : vector<256x1xf32>
      %convert_element_type3A_775 = arith.truncf %exp3A_770 : vector<256x512xf32> to vector<256x512xbf16>
      %dot_general3A_776 = arith.constant dense<0.000000e+00> : vector<256x64xf32>
      %dot_general3A_777 = tpu.matmul %convert_element_type3A_775, %get3A_757, %dot_general3A_776 {dimension_numbers = #tpu.dot_dimension_numbers<[1], [0], [0], [1], [0, 0, 1, 1], [], []>, transpose_lhs_hint = false} : vector<256x512xbf16>, vector<512x64xbf16>, vector<256x64xf32> -> vector<256x64xf32>
      %add3A_778 = arith.addf %while3A_741, %dot_general3A_777 : vector<256x64xf32>
      scf.yield %add3A_774, %add3A_778 : vector<256x1xf32>, vector<256x64xf32>
    }
    %div3A_115 = vector.broadcast %while3A_114#0 : vector<256x1xf32> to vector<256x64xf32>
    %div3A_116 = arith.divf %while3A_114#1, %div3A_115 : vector<256x64xf32>
    %slice3A_117 = vector.extract_strided_slice %convert_element_type3A_13 {offsets = [0, 128], sizes = [256, 64], strides = [1, 1]} : vector<256x768xbf16> to vector<256x64xbf16>
    %broadcast_in_dim3A_118 = arith.constant 0.000000e+00 : f32
    %broadcast_in_dim3A_119 = vector.broadcast %broadcast_in_dim3A_118 : f32 to vector<256x1xf32>
    %broadcast_in_dim3A_120 = arith.constant 0.000000e+00 : f32
    %broadcast_in_dim3A_121 = vector.broadcast %broadcast_in_dim3A_120 : f32 to vector<256x64xf32>
    %while3A_122 = arith.constant 0 : i32
    %while3A_123 = arith.subi %select_n3A_63, %while3A_122 : i32
    %while3A_124 = arith.addi %while3A_122, %while3A_123 : i32
    %while3A_125 = arith.constant 1 : i32
    %while3A_126 = arith.divsi %while3A_123, %while3A_125 : i32
    %while3A_127 = arith.muli %while3A_126, %while3A_125 : i32
    %while3A_128 = arith.addi %while3A_122, %while3A_127 : i32
    %while3A_129 = arith.constant 1 : i32
    %while3A_130:2 = scf.for %while3A_739 = %while3A_122 to %while3A_128 step %while3A_129 iter_args(%while3A_740 = %broadcast_in_dim3A_119, %while3A_741 = %broadcast_in_dim3A_121) -> (vector<256x1xf32>, vector<256x64xf32>)  : i32 {
      %mul3A_742 = arith.constant 512 : i32
      %mul3A_743 = arith.muli %while3A_739, %mul3A_742 : i32
      %get3A_744 = arith.constant 0 : index
      %get3A_745 = arith.constant 2 : index
      %get3A_746 = arith.index_cast %mul3A_743 : i32 to index
      %get3A_747 = arith.constant 0 : index
      %get3A_748 = vector.load %arg3[%get3A_744, %get3A_745, %get3A_746, %get3A_747] : memref<1x12x2048x64xbf16, #tpu.memory_space<vmem>>, vector<1x1x512x64xbf16>
      %get3A_749 = vector.shape_cast %get3A_748 : vector<1x1x512x64xbf16> to vector<512x64xbf16>
      %mul3A_750 = arith.constant 512 : i32
      %mul3A_751 = arith.muli %while3A_739, %mul3A_750 : i32
      %get3A_752 = arith.constant 0 : index
      %get3A_753 = arith.constant 2 : index
      %get3A_754 = arith.index_cast %mul3A_751 : i32 to index
      %get3A_755 = arith.constant 0 : index
      %get3A_756 = vector.load %arg4[%get3A_752, %get3A_753, %get3A_754, %get3A_755] : memref<1x12x2048x64xbf16, #tpu.memory_space<vmem>>, vector<1x1x512x64xbf16>
      %get3A_757 = vector.shape_cast %get3A_756 : vector<1x1x512x64xbf16> to vector<512x64xbf16>
      %dot_general3A_758 = arith.constant dense<0.000000e+00> : vector<256x512xf32>
      %dot_general3A_759 = tpu.matmul %slice3A_117, %get3A_749, %dot_general3A_758 {dimension_numbers = #tpu.dot_dimension_numbers<[1], [1], [0], [0], [0, 0, 1, 0], [], []>, transpose_lhs_hint = false} : vector<256x64xbf16>, vector<512x64xbf16>, vector<256x512xf32> -> vector<256x512xf32>
      %mul3A_760 = arith.constant 1.250000e-01 : f32
      %mul3A_761 = vector.broadcast %mul3A_760 : f32 to vector<256x512xf32>
      %mul3A_762 = arith.mulf %dot_general3A_759, %mul3A_761 : vector<256x512xf32>
      %exp3A_763 = math.exp %mul3A_762 : vector<256x512xf32>
      %reduce_sum3A_764 = arith.constant dense<0.000000e+00> : vector<256xf32>
      %reduce_sum3A_765 = vector.multi_reduction <add>, %exp3A_763, %reduce_sum3A_764 [1] : vector<256x512xf32> to vector<256xf32>
      %broadcast_in_dim3A_766 = vector.shape_cast %reduce_sum3A_765 : vector<256xf32> to vector<256x1xf32>
      %add3A_767 = arith.addf %while3A_740, %broadcast_in_dim3A_766 : vector<256x1xf32>
      %convert_element_type3A_768 = arith.truncf %exp3A_763 : vector<256x512xf32> to vector<256x512xbf16>
      %dot_general3A_769 = arith.constant dense<0.000000e+00> : vector<256x64xf32>
      %dot_general3A_770 = tpu.matmul %convert_element_type3A_768, %get3A_757, %dot_general3A_769 {dimension_numbers = #tpu.dot_dimension_numbers<[1], [0], [0], [1], [0, 0, 1, 1], [], []>, transpose_lhs_hint = false} : vector<256x512xbf16>, vector<512x64xbf16>, vector<256x64xf32> -> vector<256x64xf32>
      %add3A_771 = arith.addf %while3A_741, %dot_general3A_770 : vector<256x64xf32>
      scf.yield %add3A_767, %add3A_771 : vector<256x1xf32>, vector<256x64xf32>
    }
    %while3A_131 = arith.constant 1 : i32
    %while3A_132:2 = scf.for %while3A_739 = %while3A_128 to %while3A_124 step %while3A_131 iter_args(%while3A_740 = %while3A_130#0, %while3A_741 = %while3A_130#1) -> (vector<256x1xf32>, vector<256x64xf32>)  : i32 {
      %mul3A_742 = arith.constant 512 : i32
      %mul3A_743 = arith.muli %while3A_739, %mul3A_742 : i32
      %get3A_744 = arith.constant 0 : index
      %get3A_745 = arith.constant 2 : index
      %get3A_746 = arith.index_cast %mul3A_743 : i32 to index
      %get3A_747 = arith.constant 0 : index
      %get3A_748 = vector.load %arg3[%get3A_744, %get3A_745, %get3A_746, %get3A_747] : memref<1x12x2048x64xbf16, #tpu.memory_space<vmem>>, vector<1x1x512x64xbf16>
      %get3A_749 = vector.shape_cast %get3A_748 : vector<1x1x512x64xbf16> to vector<512x64xbf16>
      %mul3A_750 = arith.constant 512 : i32
      %mul3A_751 = arith.muli %while3A_739, %mul3A_750 : i32
      %get3A_752 = arith.constant 0 : index
      %get3A_753 = arith.constant 2 : index
      %get3A_754 = arith.index_cast %mul3A_751 : i32 to index
      %get3A_755 = arith.constant 0 : index
      %get3A_756 = vector.load %arg4[%get3A_752, %get3A_753, %get3A_754, %get3A_755] : memref<1x12x2048x64xbf16, #tpu.memory_space<vmem>>, vector<1x1x512x64xbf16>
      %get3A_757 = vector.shape_cast %get3A_756 : vector<1x1x512x64xbf16> to vector<512x64xbf16>
      %dot_general3A_758 = arith.constant dense<0.000000e+00> : vector<256x512xf32>
      %dot_general3A_759 = tpu.matmul %slice3A_117, %get3A_749, %dot_general3A_758 {dimension_numbers = #tpu.dot_dimension_numbers<[1], [1], [0], [0], [0, 0, 1, 0], [], []>, transpose_lhs_hint = false} : vector<256x64xbf16>, vector<512x64xbf16>, vector<256x512xf32> -> vector<256x512xf32>
      %mul3A_760 = arith.constant 1.250000e-01 : f32
      %mul3A_761 = vector.broadcast %mul3A_760 : f32 to vector<256x512xf32>
      %mul3A_762 = arith.mulf %dot_general3A_759, %mul3A_761 : vector<256x512xf32>
      %exp3A_763 = math.exp %mul3A_762 : vector<256x512xf32>
      %reduce_sum3A_764 = arith.constant dense<0.000000e+00> : vector<256xf32>
      %reduce_sum3A_765 = vector.multi_reduction <add>, %exp3A_763, %reduce_sum3A_764 [1] : vector<256x512xf32> to vector<256xf32>
      %broadcast_in_dim3A_766 = vector.shape_cast %reduce_sum3A_765 : vector<256xf32> to vector<256x1xf32>
      %add3A_767 = arith.addf %while3A_740, %broadcast_in_dim3A_766 : vector<256x1xf32>
      %convert_element_type3A_768 = arith.truncf %exp3A_763 : vector<256x512xf32> to vector<256x512xbf16>
      %dot_general3A_769 = arith.constant dense<0.000000e+00> : vector<256x64xf32>
      %dot_general3A_770 = tpu.matmul %convert_element_type3A_768, %get3A_757, %dot_general3A_769 {dimension_numbers = #tpu.dot_dimension_numbers<[1], [0], [0], [1], [0, 0, 1, 1], [], []>, transpose_lhs_hint = false} : vector<256x512xbf16>, vector<512x64xbf16>, vector<256x64xf32> -> vector<256x64xf32>
      %add3A_771 = arith.addf %while3A_741, %dot_general3A_770 : vector<256x64xf32>
      scf.yield %add3A_767, %add3A_771 : vector<256x1xf32>, vector<256x64xf32>
    }
    %while3A_133 = arith.subi %add3A_37, %select_n3A_63 : i32
    %while3A_134 = arith.addi %select_n3A_63, %while3A_133 : i32
    %while3A_135 = arith.constant 1 : i32
    %while3A_136 = arith.divsi %while3A_133, %while3A_135 : i32
    %while3A_137 = arith.muli %while3A_136, %while3A_135 : i32
    %while3A_138 = arith.addi %select_n3A_63, %while3A_137 : i32
    %while3A_139 = arith.constant 1 : i32
    %while3A_140:2 = scf.for %while3A_739 = %select_n3A_63 to %while3A_138 step %while3A_139 iter_args(%while3A_740 = %while3A_132#0, %while3A_741 = %while3A_132#1) -> (vector<256x1xf32>, vector<256x64xf32>)  : i32 {
      %mul3A_742 = arith.constant 512 : i32
      %mul3A_743 = arith.muli %while3A_739, %mul3A_742 : i32
      %get3A_744 = arith.constant 0 : index
      %get3A_745 = arith.constant 2 : index
      %get3A_746 = arith.index_cast %mul3A_743 : i32 to index
      %get3A_747 = arith.constant 0 : index
      %get3A_748 = vector.load %arg3[%get3A_744, %get3A_745, %get3A_746, %get3A_747] : memref<1x12x2048x64xbf16, #tpu.memory_space<vmem>>, vector<1x1x512x64xbf16>
      %get3A_749 = vector.shape_cast %get3A_748 : vector<1x1x512x64xbf16> to vector<512x64xbf16>
      %mul3A_750 = arith.constant 512 : i32
      %mul3A_751 = arith.muli %while3A_739, %mul3A_750 : i32
      %get3A_752 = arith.constant 0 : index
      %get3A_753 = arith.constant 2 : index
      %get3A_754 = arith.index_cast %mul3A_751 : i32 to index
      %get3A_755 = arith.constant 0 : index
      %get3A_756 = vector.load %arg4[%get3A_752, %get3A_753, %get3A_754, %get3A_755] : memref<1x12x2048x64xbf16, #tpu.memory_space<vmem>>, vector<1x1x512x64xbf16>
      %get3A_757 = vector.shape_cast %get3A_756 : vector<1x1x512x64xbf16> to vector<512x64xbf16>
      %dot_general3A_758 = arith.constant dense<0.000000e+00> : vector<256x512xf32>
      %dot_general3A_759 = tpu.matmul %slice3A_117, %get3A_749, %dot_general3A_758 {dimension_numbers = #tpu.dot_dimension_numbers<[1], [1], [0], [0], [0, 0, 1, 0], [], []>, transpose_lhs_hint = false} : vector<256x64xbf16>, vector<512x64xbf16>, vector<256x512xf32> -> vector<256x512xf32>
      %mul3A_760 = arith.constant 1.250000e-01 : f32
      %mul3A_761 = vector.broadcast %mul3A_760 : f32 to vector<256x512xf32>
      %mul3A_762 = arith.mulf %dot_general3A_759, %mul3A_761 : vector<256x512xf32>
      %mul3A_763 = arith.constant 512 : i32
      %mul3A_764 = arith.muli %while3A_739, %mul3A_763 : i32
      %add3A_765 = vector.broadcast %mul3A_764 : i32 to vector<256x512xi32>
      %add3A_766 = arith.addi %iota3A_17, %add3A_765 : vector<256x512xi32>
      %gt3A = arith.cmpi sgt, %add3A_766, %add3A_16 : vector<256x512xi32>
      %jit3A_767 = arith.constant -1.000000e+09 : f32
      %broadcast_in_dim3A_768 = vector.broadcast %jit3A_767 : f32 to vector<256x512xf32>
      %select_n3A_769 = arith.select %gt3A, %broadcast_in_dim3A_768, %mul3A_762 : vector<256x512xi1>, vector<256x512xf32>
      %exp3A_770 = math.exp %select_n3A_769 : vector<256x512xf32>
      %reduce_sum3A_771 = arith.constant dense<0.000000e+00> : vector<256xf32>
      %reduce_sum3A_772 = vector.multi_reduction <add>, %exp3A_770, %reduce_sum3A_771 [1] : vector<256x512xf32> to vector<256xf32>
      %broadcast_in_dim3A_773 = vector.shape_cast %reduce_sum3A_772 : vector<256xf32> to vector<256x1xf32>
      %add3A_774 = arith.addf %while3A_740, %broadcast_in_dim3A_773 : vector<256x1xf32>
      %convert_element_type3A_775 = arith.truncf %exp3A_770 : vector<256x512xf32> to vector<256x512xbf16>
      %dot_general3A_776 = arith.constant dense<0.000000e+00> : vector<256x64xf32>
      %dot_general3A_777 = tpu.matmul %convert_element_type3A_775, %get3A_757, %dot_general3A_776 {dimension_numbers = #tpu.dot_dimension_numbers<[1], [0], [0], [1], [0, 0, 1, 1], [], []>, transpose_lhs_hint = false} : vector<256x512xbf16>, vector<512x64xbf16>, vector<256x64xf32> -> vector<256x64xf32>
      %add3A_778 = arith.addf %while3A_741, %dot_general3A_777 : vector<256x64xf32>
      scf.yield %add3A_774, %add3A_778 : vector<256x1xf32>, vector<256x64xf32>
    }
    %while3A_141 = arith.constant 1 : i32
    %while3A_142:2 = scf.for %while3A_739 = %while3A_138 to %while3A_134 step %while3A_141 iter_args(%while3A_740 = %while3A_140#0, %while3A_741 = %while3A_140#1) -> (vector<256x1xf32>, vector<256x64xf32>)  : i32 {
      %mul3A_742 = arith.constant 512 : i32
      %mul3A_743 = arith.muli %while3A_739, %mul3A_742 : i32
      %get3A_744 = arith.constant 0 : index
      %get3A_745 = arith.constant 2 : index
      %get3A_746 = arith.index_cast %mul3A_743 : i32 to index
      %get3A_747 = arith.constant 0 : index
      %get3A_748 = vector.load %arg3[%get3A_744, %get3A_745, %get3A_746, %get3A_747] : memref<1x12x2048x64xbf16, #tpu.memory_space<vmem>>, vector<1x1x512x64xbf16>
      %get3A_749 = vector.shape_cast %get3A_748 : vector<1x1x512x64xbf16> to vector<512x64xbf16>
      %mul3A_750 = arith.constant 512 : i32
      %mul3A_751 = arith.muli %while3A_739, %mul3A_750 : i32
      %get3A_752 = arith.constant 0 : index
      %get3A_753 = arith.constant 2 : index
      %get3A_754 = arith.index_cast %mul3A_751 : i32 to index
      %get3A_755 = arith.constant 0 : index
      %get3A_756 = vector.load %arg4[%get3A_752, %get3A_753, %get3A_754, %get3A_755] : memref<1x12x2048x64xbf16, #tpu.memory_space<vmem>>, vector<1x1x512x64xbf16>
      %get3A_757 = vector.shape_cast %get3A_756 : vector<1x1x512x64xbf16> to vector<512x64xbf16>
      %dot_general3A_758 = arith.constant dense<0.000000e+00> : vector<256x512xf32>
      %dot_general3A_759 = tpu.matmul %slice3A_117, %get3A_749, %dot_general3A_758 {dimension_numbers = #tpu.dot_dimension_numbers<[1], [1], [0], [0], [0, 0, 1, 0], [], []>, transpose_lhs_hint = false} : vector<256x64xbf16>, vector<512x64xbf16>, vector<256x512xf32> -> vector<256x512xf32>
      %mul3A_760 = arith.constant 1.250000e-01 : f32
      %mul3A_761 = vector.broadcast %mul3A_760 : f32 to vector<256x512xf32>
      %mul3A_762 = arith.mulf %dot_general3A_759, %mul3A_761 : vector<256x512xf32>
      %mul3A_763 = arith.constant 512 : i32
      %mul3A_764 = arith.muli %while3A_739, %mul3A_763 : i32
      %add3A_765 = vector.broadcast %mul3A_764 : i32 to vector<256x512xi32>
      %add3A_766 = arith.addi %iota3A_17, %add3A_765 : vector<256x512xi32>
      %gt3A = arith.cmpi sgt, %add3A_766, %add3A_16 : vector<256x512xi32>
      %jit3A_767 = arith.constant -1.000000e+09 : f32
      %broadcast_in_dim3A_768 = vector.broadcast %jit3A_767 : f32 to vector<256x512xf32>
      %select_n3A_769 = arith.select %gt3A, %broadcast_in_dim3A_768, %mul3A_762 : vector<256x512xi1>, vector<256x512xf32>
      %exp3A_770 = math.exp %select_n3A_769 : vector<256x512xf32>
      %reduce_sum3A_771 = arith.constant dense<0.000000e+00> : vector<256xf32>
      %reduce_sum3A_772 = vector.multi_reduction <add>, %exp3A_770, %reduce_sum3A_771 [1] : vector<256x512xf32> to vector<256xf32>
      %broadcast_in_dim3A_773 = vector.shape_cast %reduce_sum3A_772 : vector<256xf32> to vector<256x1xf32>
      %add3A_774 = arith.addf %while3A_740, %broadcast_in_dim3A_773 : vector<256x1xf32>
      %convert_element_type3A_775 = arith.truncf %exp3A_770 : vector<256x512xf32> to vector<256x512xbf16>
      %dot_general3A_776 = arith.constant dense<0.000000e+00> : vector<256x64xf32>
      %dot_general3A_777 = tpu.matmul %convert_element_type3A_775, %get3A_757, %dot_general3A_776 {dimension_numbers = #tpu.dot_dimension_numbers<[1], [0], [0], [1], [0, 0, 1, 1], [], []>, transpose_lhs_hint = false} : vector<256x512xbf16>, vector<512x64xbf16>, vector<256x64xf32> -> vector<256x64xf32>
      %add3A_778 = arith.addf %while3A_741, %dot_general3A_777 : vector<256x64xf32>
      scf.yield %add3A_774, %add3A_778 : vector<256x1xf32>, vector<256x64xf32>
    }
    %div3A_143 = vector.broadcast %while3A_142#0 : vector<256x1xf32> to vector<256x64xf32>
    %div3A_144 = arith.divf %while3A_142#1, %div3A_143 : vector<256x64xf32>
    %slice3A_145 = vector.extract_strided_slice %convert_element_type3A_13 {offsets = [0, 192], sizes = [256, 64], strides = [1, 1]} : vector<256x768xbf16> to vector<256x64xbf16>
    %broadcast_in_dim3A_146 = arith.constant 0.000000e+00 : f32
    %broadcast_in_dim3A_147 = vector.broadcast %broadcast_in_dim3A_146 : f32 to vector<256x1xf32>
    %broadcast_in_dim3A_148 = arith.constant 0.000000e+00 : f32
    %broadcast_in_dim3A_149 = vector.broadcast %broadcast_in_dim3A_148 : f32 to vector<256x64xf32>
    %while3A_150 = arith.constant 0 : i32
    %while3A_151 = arith.subi %select_n3A_63, %while3A_150 : i32
    %while3A_152 = arith.addi %while3A_150, %while3A_151 : i32
    %while3A_153 = arith.constant 1 : i32
    %while3A_154 = arith.divsi %while3A_151, %while3A_153 : i32
    %while3A_155 = arith.muli %while3A_154, %while3A_153 : i32
    %while3A_156 = arith.addi %while3A_150, %while3A_155 : i32
    %while3A_157 = arith.constant 1 : i32
    %while3A_158:2 = scf.for %while3A_739 = %while3A_150 to %while3A_156 step %while3A_157 iter_args(%while3A_740 = %broadcast_in_dim3A_147, %while3A_741 = %broadcast_in_dim3A_149) -> (vector<256x1xf32>, vector<256x64xf32>)  : i32 {
      %mul3A_742 = arith.constant 512 : i32
      %mul3A_743 = arith.muli %while3A_739, %mul3A_742 : i32
      %get3A_744 = arith.constant 0 : index
      %get3A_745 = arith.constant 3 : index
      %get3A_746 = arith.index_cast %mul3A_743 : i32 to index
      %get3A_747 = arith.constant 0 : index
      %get3A_748 = vector.load %arg3[%get3A_744, %get3A_745, %get3A_746, %get3A_747] : memref<1x12x2048x64xbf16, #tpu.memory_space<vmem>>, vector<1x1x512x64xbf16>
      %get3A_749 = vector.shape_cast %get3A_748 : vector<1x1x512x64xbf16> to vector<512x64xbf16>
      %mul3A_750 = arith.constant 512 : i32
      %mul3A_751 = arith.muli %while3A_739, %mul3A_750 : i32
      %get3A_752 = arith.constant 0 : index
      %get3A_753 = arith.constant 3 : index
      %get3A_754 = arith.index_cast %mul3A_751 : i32 to index
      %get3A_755 = arith.constant 0 : index
      %get3A_756 = vector.load %arg4[%get3A_752, %get3A_753, %get3A_754, %get3A_755] : memref<1x12x2048x64xbf16, #tpu.memory_space<vmem>>, vector<1x1x512x64xbf16>
      %get3A_757 = vector.shape_cast %get3A_756 : vector<1x1x512x64xbf16> to vector<512x64xbf16>
      %dot_general3A_758 = arith.constant dense<0.000000e+00> : vector<256x512xf32>
      %dot_general3A_759 = tpu.matmul %slice3A_145, %get3A_749, %dot_general3A_758 {dimension_numbers = #tpu.dot_dimension_numbers<[1], [1], [0], [0], [0, 0, 1, 0], [], []>, transpose_lhs_hint = false} : vector<256x64xbf16>, vector<512x64xbf16>, vector<256x512xf32> -> vector<256x512xf32>
      %mul3A_760 = arith.constant 1.250000e-01 : f32
      %mul3A_761 = vector.broadcast %mul3A_760 : f32 to vector<256x512xf32>
      %mul3A_762 = arith.mulf %dot_general3A_759, %mul3A_761 : vector<256x512xf32>
      %exp3A_763 = math.exp %mul3A_762 : vector<256x512xf32>
      %reduce_sum3A_764 = arith.constant dense<0.000000e+00> : vector<256xf32>
      %reduce_sum3A_765 = vector.multi_reduction <add>, %exp3A_763, %reduce_sum3A_764 [1] : vector<256x512xf32> to vector<256xf32>
      %broadcast_in_dim3A_766 = vector.shape_cast %reduce_sum3A_765 : vector<256xf32> to vector<256x1xf32>
      %add3A_767 = arith.addf %while3A_740, %broadcast_in_dim3A_766 : vector<256x1xf32>
      %convert_element_type3A_768 = arith.truncf %exp3A_763 : vector<256x512xf32> to vector<256x512xbf16>
      %dot_general3A_769 = arith.constant dense<0.000000e+00> : vector<256x64xf32>
      %dot_general3A_770 = tpu.matmul %convert_element_type3A_768, %get3A_757, %dot_general3A_769 {dimension_numbers = #tpu.dot_dimension_numbers<[1], [0], [0], [1], [0, 0, 1, 1], [], []>, transpose_lhs_hint = false} : vector<256x512xbf16>, vector<512x64xbf16>, vector<256x64xf32> -> vector<256x64xf32>
      %add3A_771 = arith.addf %while3A_741, %dot_general3A_770 : vector<256x64xf32>
      scf.yield %add3A_767, %add3A_771 : vector<256x1xf32>, vector<256x64xf32>
    }
    %while3A_159 = arith.constant 1 : i32
    %while3A_160:2 = scf.for %while3A_739 = %while3A_156 to %while3A_152 step %while3A_159 iter_args(%while3A_740 = %while3A_158#0, %while3A_741 = %while3A_158#1) -> (vector<256x1xf32>, vector<256x64xf32>)  : i32 {
      %mul3A_742 = arith.constant 512 : i32
      %mul3A_743 = arith.muli %while3A_739, %mul3A_742 : i32
      %get3A_744 = arith.constant 0 : index
      %get3A_745 = arith.constant 3 : index
      %get3A_746 = arith.index_cast %mul3A_743 : i32 to index
      %get3A_747 = arith.constant 0 : index
      %get3A_748 = vector.load %arg3[%get3A_744, %get3A_745, %get3A_746, %get3A_747] : memref<1x12x2048x64xbf16, #tpu.memory_space<vmem>>, vector<1x1x512x64xbf16>
      %get3A_749 = vector.shape_cast %get3A_748 : vector<1x1x512x64xbf16> to vector<512x64xbf16>
      %mul3A_750 = arith.constant 512 : i32
      %mul3A_751 = arith.muli %while3A_739, %mul3A_750 : i32
      %get3A_752 = arith.constant 0 : index
      %get3A_753 = arith.constant 3 : index
      %get3A_754 = arith.index_cast %mul3A_751 : i32 to index
      %get3A_755 = arith.constant 0 : index
      %get3A_756 = vector.load %arg4[%get3A_752, %get3A_753, %get3A_754, %get3A_755] : memref<1x12x2048x64xbf16, #tpu.memory_space<vmem>>, vector<1x1x512x64xbf16>
      %get3A_757 = vector.shape_cast %get3A_756 : vector<1x1x512x64xbf16> to vector<512x64xbf16>
      %dot_general3A_758 = arith.constant dense<0.000000e+00> : vector<256x512xf32>
      %dot_general3A_759 = tpu.matmul %slice3A_145, %get3A_749, %dot_general3A_758 {dimension_numbers = #tpu.dot_dimension_numbers<[1], [1], [0], [0], [0, 0, 1, 0], [], []>, transpose_lhs_hint = false} : vector<256x64xbf16>, vector<512x64xbf16>, vector<256x512xf32> -> vector<256x512xf32>
      %mul3A_760 = arith.constant 1.250000e-01 : f32
      %mul3A_761 = vector.broadcast %mul3A_760 : f32 to vector<256x512xf32>
      %mul3A_762 = arith.mulf %dot_general3A_759, %mul3A_761 : vector<256x512xf32>
      %exp3A_763 = math.exp %mul3A_762 : vector<256x512xf32>
      %reduce_sum3A_764 = arith.constant dense<0.000000e+00> : vector<256xf32>
      %reduce_sum3A_765 = vector.multi_reduction <add>, %exp3A_763, %reduce_sum3A_764 [1] : vector<256x512xf32> to vector<256xf32>
      %broadcast_in_dim3A_766 = vector.shape_cast %reduce_sum3A_765 : vector<256xf32> to vector<256x1xf32>
      %add3A_767 = arith.addf %while3A_740, %broadcast_in_dim3A_766 : vector<256x1xf32>
      %convert_element_type3A_768 = arith.truncf %exp3A_763 : vector<256x512xf32> to vector<256x512xbf16>
      %dot_general3A_769 = arith.constant dense<0.000000e+00> : vector<256x64xf32>
      %dot_general3A_770 = tpu.matmul %convert_element_type3A_768, %get3A_757, %dot_general3A_769 {dimension_numbers = #tpu.dot_dimension_numbers<[1], [0], [0], [1], [0, 0, 1, 1], [], []>, transpose_lhs_hint = false} : vector<256x512xbf16>, vector<512x64xbf16>, vector<256x64xf32> -> vector<256x64xf32>
      %add3A_771 = arith.addf %while3A_741, %dot_general3A_770 : vector<256x64xf32>
      scf.yield %add3A_767, %add3A_771 : vector<256x1xf32>, vector<256x64xf32>
    }
    %while3A_161 = arith.subi %add3A_37, %select_n3A_63 : i32
    %while3A_162 = arith.addi %select_n3A_63, %while3A_161 : i32
    %while3A_163 = arith.constant 1 : i32
    %while3A_164 = arith.divsi %while3A_161, %while3A_163 : i32
    %while3A_165 = arith.muli %while3A_164, %while3A_163 : i32
    %while3A_166 = arith.addi %select_n3A_63, %while3A_165 : i32
    %while3A_167 = arith.constant 1 : i32
    %while3A_168:2 = scf.for %while3A_739 = %select_n3A_63 to %while3A_166 step %while3A_167 iter_args(%while3A_740 = %while3A_160#0, %while3A_741 = %while3A_160#1) -> (vector<256x1xf32>, vector<256x64xf32>)  : i32 {
      %mul3A_742 = arith.constant 512 : i32
      %mul3A_743 = arith.muli %while3A_739, %mul3A_742 : i32
      %get3A_744 = arith.constant 0 : index
      %get3A_745 = arith.constant 3 : index
      %get3A_746 = arith.index_cast %mul3A_743 : i32 to index
      %get3A_747 = arith.constant 0 : index
      %get3A_748 = vector.load %arg3[%get3A_744, %get3A_745, %get3A_746, %get3A_747] : memref<1x12x2048x64xbf16, #tpu.memory_space<vmem>>, vector<1x1x512x64xbf16>
      %get3A_749 = vector.shape_cast %get3A_748 : vector<1x1x512x64xbf16> to vector<512x64xbf16>
      %mul3A_750 = arith.constant 512 : i32
      %mul3A_751 = arith.muli %while3A_739, %mul3A_750 : i32
      %get3A_752 = arith.constant 0 : index
      %get3A_753 = arith.constant 3 : index
      %get3A_754 = arith.index_cast %mul3A_751 : i32 to index
      %get3A_755 = arith.constant 0 : index
      %get3A_756 = vector.load %arg4[%get3A_752, %get3A_753, %get3A_754, %get3A_755] : memref<1x12x2048x64xbf16, #tpu.memory_space<vmem>>, vector<1x1x512x64xbf16>
      %get3A_757 = vector.shape_cast %get3A_756 : vector<1x1x512x64xbf16> to vector<512x64xbf16>
      %dot_general3A_758 = arith.constant dense<0.000000e+00> : vector<256x512xf32>
      %dot_general3A_759 = tpu.matmul %slice3A_145, %get3A_749, %dot_general3A_758 {dimension_numbers = #tpu.dot_dimension_numbers<[1], [1], [0], [0], [0, 0, 1, 0], [], []>, transpose_lhs_hint = false} : vector<256x64xbf16>, vector<512x64xbf16>, vector<256x512xf32> -> vector<256x512xf32>
      %mul3A_760 = arith.constant 1.250000e-01 : f32
      %mul3A_761 = vector.broadcast %mul3A_760 : f32 to vector<256x512xf32>
      %mul3A_762 = arith.mulf %dot_general3A_759, %mul3A_761 : vector<256x512xf32>
      %mul3A_763 = arith.constant 512 : i32
      %mul3A_764 = arith.muli %while3A_739, %mul3A_763 : i32
      %add3A_765 = vector.broadcast %mul3A_764 : i32 to vector<256x512xi32>
      %add3A_766 = arith.addi %iota3A_17, %add3A_765 : vector<256x512xi32>
      %gt3A = arith.cmpi sgt, %add3A_766, %add3A_16 : vector<256x512xi32>
      %jit3A_767 = arith.constant -1.000000e+09 : f32
      %broadcast_in_dim3A_768 = vector.broadcast %jit3A_767 : f32 to vector<256x512xf32>
      %select_n3A_769 = arith.select %gt3A, %broadcast_in_dim3A_768, %mul3A_762 : vector<256x512xi1>, vector<256x512xf32>
      %exp3A_770 = math.exp %select_n3A_769 : vector<256x512xf32>
      %reduce_sum3A_771 = arith.constant dense<0.000000e+00> : vector<256xf32>
      %reduce_sum3A_772 = vector.multi_reduction <add>, %exp3A_770, %reduce_sum3A_771 [1] : vector<256x512xf32> to vector<256xf32>
      %broadcast_in_dim3A_773 = vector.shape_cast %reduce_sum3A_772 : vector<256xf32> to vector<256x1xf32>
      %add3A_774 = arith.addf %while3A_740, %broadcast_in_dim3A_773 : vector<256x1xf32>
      %convert_element_type3A_775 = arith.truncf %exp3A_770 : vector<256x512xf32> to vector<256x512xbf16>
      %dot_general3A_776 = arith.constant dense<0.000000e+00> : vector<256x64xf32>
      %dot_general3A_777 = tpu.matmul %convert_element_type3A_775, %get3A_757, %dot_general3A_776 {dimension_numbers = #tpu.dot_dimension_numbers<[1], [0], [0], [1], [0, 0, 1, 1], [], []>, transpose_lhs_hint = false} : vector<256x512xbf16>, vector<512x64xbf16>, vector<256x64xf32> -> vector<256x64xf32>
      %add3A_778 = arith.addf %while3A_741, %dot_general3A_777 : vector<256x64xf32>
      scf.yield %add3A_774, %add3A_778 : vector<256x1xf32>, vector<256x64xf32>
    }
    %while3A_169 = arith.constant 1 : i32
    %while3A_170:2 = scf.for %while3A_739 = %while3A_166 to %while3A_162 step %while3A_169 iter_args(%while3A_740 = %while3A_168#0, %while3A_741 = %while3A_168#1) -> (vector<256x1xf32>, vector<256x64xf32>)  : i32 {
      %mul3A_742 = arith.constant 512 : i32
      %mul3A_743 = arith.muli %while3A_739, %mul3A_742 : i32
      %get3A_744 = arith.constant 0 : index
      %get3A_745 = arith.constant 3 : index
      %get3A_746 = arith.index_cast %mul3A_743 : i32 to index
      %get3A_747 = arith.constant 0 : index
      %get3A_748 = vector.load %arg3[%get3A_744, %get3A_745, %get3A_746, %get3A_747] : memref<1x12x2048x64xbf16, #tpu.memory_space<vmem>>, vector<1x1x512x64xbf16>
      %get3A_749 = vector.shape_cast %get3A_748 : vector<1x1x512x64xbf16> to vector<512x64xbf16>
      %mul3A_750 = arith.constant 512 : i32
      %mul3A_751 = arith.muli %while3A_739, %mul3A_750 : i32
      %get3A_752 = arith.constant 0 : index
      %get3A_753 = arith.constant 3 : index
      %get3A_754 = arith.index_cast %mul3A_751 : i32 to index
      %get3A_755 = arith.constant 0 : index
      %get3A_756 = vector.load %arg4[%get3A_752, %get3A_753, %get3A_754, %get3A_755] : memref<1x12x2048x64xbf16, #tpu.memory_space<vmem>>, vector<1x1x512x64xbf16>
      %get3A_757 = vector.shape_cast %get3A_756 : vector<1x1x512x64xbf16> to vector<512x64xbf16>
      %dot_general3A_758 = arith.constant dense<0.000000e+00> : vector<256x512xf32>
      %dot_general3A_759 = tpu.matmul %slice3A_145, %get3A_749, %dot_general3A_758 {dimension_numbers = #tpu.dot_dimension_numbers<[1], [1], [0], [0], [0, 0, 1, 0], [], []>, transpose_lhs_hint = false} : vector<256x64xbf16>, vector<512x64xbf16>, vector<256x512xf32> -> vector<256x512xf32>
      %mul3A_760 = arith.constant 1.250000e-01 : f32
      %mul3A_761 = vector.broadcast %mul3A_760 : f32 to vector<256x512xf32>
      %mul3A_762 = arith.mulf %dot_general3A_759, %mul3A_761 : vector<256x512xf32>
      %mul3A_763 = arith.constant 512 : i32
      %mul3A_764 = arith.muli %while3A_739, %mul3A_763 : i32
      %add3A_765 = vector.broadcast %mul3A_764 : i32 to vector<256x512xi32>
      %add3A_766 = arith.addi %iota3A_17, %add3A_765 : vector<256x512xi32>
      %gt3A = arith.cmpi sgt, %add3A_766, %add3A_16 : vector<256x512xi32>
      %jit3A_767 = arith.constant -1.000000e+09 : f32
      %broadcast_in_dim3A_768 = vector.broadcast %jit3A_767 : f32 to vector<256x512xf32>
      %select_n3A_769 = arith.select %gt3A, %broadcast_in_dim3A_768, %mul3A_762 : vector<256x512xi1>, vector<256x512xf32>
      %exp3A_770 = math.exp %select_n3A_769 : vector<256x512xf32>
      %reduce_sum3A_771 = arith.constant dense<0.000000e+00> : vector<256xf32>
      %reduce_sum3A_772 = vector.multi_reduction <add>, %exp3A_770, %reduce_sum3A_771 [1] : vector<256x512xf32> to vector<256xf32>
      %broadcast_in_dim3A_773 = vector.shape_cast %reduce_sum3A_772 : vector<256xf32> to vector<256x1xf32>
      %add3A_774 = arith.addf %while3A_740, %broadcast_in_dim3A_773 : vector<256x1xf32>
      %convert_element_type3A_775 = arith.truncf %exp3A_770 : vector<256x512xf32> to vector<256x512xbf16>
      %dot_general3A_776 = arith.constant dense<0.000000e+00> : vector<256x64xf32>
      %dot_general3A_777 = tpu.matmul %convert_element_type3A_775, %get3A_757, %dot_general3A_776 {dimension_numbers = #tpu.dot_dimension_numbers<[1], [0], [0], [1], [0, 0, 1, 1], [], []>, transpose_lhs_hint = false} : vector<256x512xbf16>, vector<512x64xbf16>, vector<256x64xf32> -> vector<256x64xf32>
      %add3A_778 = arith.addf %while3A_741, %dot_general3A_777 : vector<256x64xf32>
      scf.yield %add3A_774, %add3A_778 : vector<256x1xf32>, vector<256x64xf32>
    }
    %div3A_171 = vector.broadcast %while3A_170#0 : vector<256x1xf32> to vector<256x64xf32>
    %div3A_172 = arith.divf %while3A_170#1, %div3A_171 : vector<256x64xf32>
    %slice3A_173 = vector.extract_strided_slice %convert_element_type3A_13 {offsets = [0, 256], sizes = [256, 64], strides = [1, 1]} : vector<256x768xbf16> to vector<256x64xbf16>
    %broadcast_in_dim3A_174 = arith.constant 0.000000e+00 : f32
    %broadcast_in_dim3A_175 = vector.broadcast %broadcast_in_dim3A_174 : f32 to vector<256x1xf32>
    %broadcast_in_dim3A_176 = arith.constant 0.000000e+00 : f32
    %broadcast_in_dim3A_177 = vector.broadcast %broadcast_in_dim3A_176 : f32 to vector<256x64xf32>
    %while3A_178 = arith.constant 0 : i32
    %while3A_179 = arith.subi %select_n3A_63, %while3A_178 : i32
    %while3A_180 = arith.addi %while3A_178, %while3A_179 : i32
    %while3A_181 = arith.constant 1 : i32
    %while3A_182 = arith.divsi %while3A_179, %while3A_181 : i32
    %while3A_183 = arith.muli %while3A_182, %while3A_181 : i32
    %while3A_184 = arith.addi %while3A_178, %while3A_183 : i32
    %while3A_185 = arith.constant 1 : i32
    %while3A_186:2 = scf.for %while3A_739 = %while3A_178 to %while3A_184 step %while3A_185 iter_args(%while3A_740 = %broadcast_in_dim3A_175, %while3A_741 = %broadcast_in_dim3A_177) -> (vector<256x1xf32>, vector<256x64xf32>)  : i32 {
      %mul3A_742 = arith.constant 512 : i32
      %mul3A_743 = arith.muli %while3A_739, %mul3A_742 : i32
      %get3A_744 = arith.constant 0 : index
      %get3A_745 = arith.constant 4 : index
      %get3A_746 = arith.index_cast %mul3A_743 : i32 to index
      %get3A_747 = arith.constant 0 : index
      %get3A_748 = vector.load %arg3[%get3A_744, %get3A_745, %get3A_746, %get3A_747] : memref<1x12x2048x64xbf16, #tpu.memory_space<vmem>>, vector<1x1x512x64xbf16>
      %get3A_749 = vector.shape_cast %get3A_748 : vector<1x1x512x64xbf16> to vector<512x64xbf16>
      %mul3A_750 = arith.constant 512 : i32
      %mul3A_751 = arith.muli %while3A_739, %mul3A_750 : i32
      %get3A_752 = arith.constant 0 : index
      %get3A_753 = arith.constant 4 : index
      %get3A_754 = arith.index_cast %mul3A_751 : i32 to index
      %get3A_755 = arith.constant 0 : index
      %get3A_756 = vector.load %arg4[%get3A_752, %get3A_753, %get3A_754, %get3A_755] : memref<1x12x2048x64xbf16, #tpu.memory_space<vmem>>, vector<1x1x512x64xbf16>
      %get3A_757 = vector.shape_cast %get3A_756 : vector<1x1x512x64xbf16> to vector<512x64xbf16>
      %dot_general3A_758 = arith.constant dense<0.000000e+00> : vector<256x512xf32>
      %dot_general3A_759 = tpu.matmul %slice3A_173, %get3A_749, %dot_general3A_758 {dimension_numbers = #tpu.dot_dimension_numbers<[1], [1], [0], [0], [0, 0, 1, 0], [], []>, transpose_lhs_hint = false} : vector<256x64xbf16>, vector<512x64xbf16>, vector<256x512xf32> -> vector<256x512xf32>
      %mul3A_760 = arith.constant 1.250000e-01 : f32
      %mul3A_761 = vector.broadcast %mul3A_760 : f32 to vector<256x512xf32>
      %mul3A_762 = arith.mulf %dot_general3A_759, %mul3A_761 : vector<256x512xf32>
      %exp3A_763 = math.exp %mul3A_762 : vector<256x512xf32>
      %reduce_sum3A_764 = arith.constant dense<0.000000e+00> : vector<256xf32>
      %reduce_sum3A_765 = vector.multi_reduction <add>, %exp3A_763, %reduce_sum3A_764 [1] : vector<256x512xf32> to vector<256xf32>
      %broadcast_in_dim3A_766 = vector.shape_cast %reduce_sum3A_765 : vector<256xf32> to vector<256x1xf32>
      %add3A_767 = arith.addf %while3A_740, %broadcast_in_dim3A_766 : vector<256x1xf32>
      %convert_element_type3A_768 = arith.truncf %exp3A_763 : vector<256x512xf32> to vector<256x512xbf16>
      %dot_general3A_769 = arith.constant dense<0.000000e+00> : vector<256x64xf32>
      %dot_general3A_770 = tpu.matmul %convert_element_type3A_768, %get3A_757, %dot_general3A_769 {dimension_numbers = #tpu.dot_dimension_numbers<[1], [0], [0], [1], [0, 0, 1, 1], [], []>, transpose_lhs_hint = false} : vector<256x512xbf16>, vector<512x64xbf16>, vector<256x64xf32> -> vector<256x64xf32>
      %add3A_771 = arith.addf %while3A_741, %dot_general3A_770 : vector<256x64xf32>
      scf.yield %add3A_767, %add3A_771 : vector<256x1xf32>, vector<256x64xf32>
    }
    %while3A_187 = arith.constant 1 : i32
    %while3A_188:2 = scf.for %while3A_739 = %while3A_184 to %while3A_180 step %while3A_187 iter_args(%while3A_740 = %while3A_186#0, %while3A_741 = %while3A_186#1) -> (vector<256x1xf32>, vector<256x64xf32>)  : i32 {
      %mul3A_742 = arith.constant 512 : i32
      %mul3A_743 = arith.muli %while3A_739, %mul3A_742 : i32
      %get3A_744 = arith.constant 0 : index
      %get3A_745 = arith.constant 4 : index
      %get3A_746 = arith.index_cast %mul3A_743 : i32 to index
      %get3A_747 = arith.constant 0 : index
      %get3A_748 = vector.load %arg3[%get3A_744, %get3A_745, %get3A_746, %get3A_747] : memref<1x12x2048x64xbf16, #tpu.memory_space<vmem>>, vector<1x1x512x64xbf16>
      %get3A_749 = vector.shape_cast %get3A_748 : vector<1x1x512x64xbf16> to vector<512x64xbf16>
      %mul3A_750 = arith.constant 512 : i32
      %mul3A_751 = arith.muli %while3A_739, %mul3A_750 : i32
      %get3A_752 = arith.constant 0 : index
      %get3A_753 = arith.constant 4 : index
      %get3A_754 = arith.index_cast %mul3A_751 : i32 to index
      %get3A_755 = arith.constant 0 : index
      %get3A_756 = vector.load %arg4[%get3A_752, %get3A_753, %get3A_754, %get3A_755] : memref<1x12x2048x64xbf16, #tpu.memory_space<vmem>>, vector<1x1x512x64xbf16>
      %get3A_757 = vector.shape_cast %get3A_756 : vector<1x1x512x64xbf16> to vector<512x64xbf16>
      %dot_general3A_758 = arith.constant dense<0.000000e+00> : vector<256x512xf32>
      %dot_general3A_759 = tpu.matmul %slice3A_173, %get3A_749, %dot_general3A_758 {dimension_numbers = #tpu.dot_dimension_numbers<[1], [1], [0], [0], [0, 0, 1, 0], [], []>, transpose_lhs_hint = false} : vector<256x64xbf16>, vector<512x64xbf16>, vector<256x512xf32> -> vector<256x512xf32>
      %mul3A_760 = arith.constant 1.250000e-01 : f32
      %mul3A_761 = vector.broadcast %mul3A_760 : f32 to vector<256x512xf32>
      %mul3A_762 = arith.mulf %dot_general3A_759, %mul3A_761 : vector<256x512xf32>
      %exp3A_763 = math.exp %mul3A_762 : vector<256x512xf32>
      %reduce_sum3A_764 = arith.constant dense<0.000000e+00> : vector<256xf32>
      %reduce_sum3A_765 = vector.multi_reduction <add>, %exp3A_763, %reduce_sum3A_764 [1] : vector<256x512xf32> to vector<256xf32>
      %broadcast_in_dim3A_766 = vector.shape_cast %reduce_sum3A_765 : vector<256xf32> to vector<256x1xf32>
      %add3A_767 = arith.addf %while3A_740, %broadcast_in_dim3A_766 : vector<256x1xf32>
      %convert_element_type3A_768 = arith.truncf %exp3A_763 : vector<256x512xf32> to vector<256x512xbf16>
      %dot_general3A_769 = arith.constant dense<0.000000e+00> : vector<256x64xf32>
      %dot_general3A_770 = tpu.matmul %convert_element_type3A_768, %get3A_757, %dot_general3A_769 {dimension_numbers = #tpu.dot_dimension_numbers<[1], [0], [0], [1], [0, 0, 1, 1], [], []>, transpose_lhs_hint = false} : vector<256x512xbf16>, vector<512x64xbf16>, vector<256x64xf32> -> vector<256x64xf32>
      %add3A_771 = arith.addf %while3A_741, %dot_general3A_770 : vector<256x64xf32>
      scf.yield %add3A_767, %add3A_771 : vector<256x1xf32>, vector<256x64xf32>
    }
    %while3A_189 = arith.subi %add3A_37, %select_n3A_63 : i32
    %while3A_190 = arith.addi %select_n3A_63, %while3A_189 : i32
    %while3A_191 = arith.constant 1 : i32
    %while3A_192 = arith.divsi %while3A_189, %while3A_191 : i32
    %while3A_193 = arith.muli %while3A_192, %while3A_191 : i32
    %while3A_194 = arith.addi %select_n3A_63, %while3A_193 : i32
    %while3A_195 = arith.constant 1 : i32
    %while3A_196:2 = scf.for %while3A_739 = %select_n3A_63 to %while3A_194 step %while3A_195 iter_args(%while3A_740 = %while3A_188#0, %while3A_741 = %while3A_188#1) -> (vector<256x1xf32>, vector<256x64xf32>)  : i32 {
      %mul3A_742 = arith.constant 512 : i32
      %mul3A_743 = arith.muli %while3A_739, %mul3A_742 : i32
      %get3A_744 = arith.constant 0 : index
      %get3A_745 = arith.constant 4 : index
      %get3A_746 = arith.index_cast %mul3A_743 : i32 to index
      %get3A_747 = arith.constant 0 : index
      %get3A_748 = vector.load %arg3[%get3A_744, %get3A_745, %get3A_746, %get3A_747] : memref<1x12x2048x64xbf16, #tpu.memory_space<vmem>>, vector<1x1x512x64xbf16>
      %get3A_749 = vector.shape_cast %get3A_748 : vector<1x1x512x64xbf16> to vector<512x64xbf16>
      %mul3A_750 = arith.constant 512 : i32
      %mul3A_751 = arith.muli %while3A_739, %mul3A_750 : i32
      %get3A_752 = arith.constant 0 : index
      %get3A_753 = arith.constant 4 : index
      %get3A_754 = arith.index_cast %mul3A_751 : i32 to index
      %get3A_755 = arith.constant 0 : index
      %get3A_756 = vector.load %arg4[%get3A_752, %get3A_753, %get3A_754, %get3A_755] : memref<1x12x2048x64xbf16, #tpu.memory_space<vmem>>, vector<1x1x512x64xbf16>
      %get3A_757 = vector.shape_cast %get3A_756 : vector<1x1x512x64xbf16> to vector<512x64xbf16>
      %dot_general3A_758 = arith.constant dense<0.000000e+00> : vector<256x512xf32>
      %dot_general3A_759 = tpu.matmul %slice3A_173, %get3A_749, %dot_general3A_758 {dimension_numbers = #tpu.dot_dimension_numbers<[1], [1], [0], [0], [0, 0, 1, 0], [], []>, transpose_lhs_hint = false} : vector<256x64xbf16>, vector<512x64xbf16>, vector<256x512xf32> -> vector<256x512xf32>
      %mul3A_760 = arith.constant 1.250000e-01 : f32
      %mul3A_761 = vector.broadcast %mul3A_760 : f32 to vector<256x512xf32>
      %mul3A_762 = arith.mulf %dot_general3A_759, %mul3A_761 : vector<256x512xf32>
      %mul3A_763 = arith.constant 512 : i32
      %mul3A_764 = arith.muli %while3A_739, %mul3A_763 : i32
      %add3A_765 = vector.broadcast %mul3A_764 : i32 to vector<256x512xi32>
      %add3A_766 = arith.addi %iota3A_17, %add3A_765 : vector<256x512xi32>
      %gt3A = arith.cmpi sgt, %add3A_766, %add3A_16 : vector<256x512xi32>
      %jit3A_767 = arith.constant -1.000000e+09 : f32
      %broadcast_in_dim3A_768 = vector.broadcast %jit3A_767 : f32 to vector<256x512xf32>
      %select_n3A_769 = arith.select %gt3A, %broadcast_in_dim3A_768, %mul3A_762 : vector<256x512xi1>, vector<256x512xf32>
      %exp3A_770 = math.exp %select_n3A_769 : vector<256x512xf32>
      %reduce_sum3A_771 = arith.constant dense<0.000000e+00> : vector<256xf32>
      %reduce_sum3A_772 = vector.multi_reduction <add>, %exp3A_770, %reduce_sum3A_771 [1] : vector<256x512xf32> to vector<256xf32>
      %broadcast_in_dim3A_773 = vector.shape_cast %reduce_sum3A_772 : vector<256xf32> to vector<256x1xf32>
      %add3A_774 = arith.addf %while3A_740, %broadcast_in_dim3A_773 : vector<256x1xf32>
      %convert_element_type3A_775 = arith.truncf %exp3A_770 : vector<256x512xf32> to vector<256x512xbf16>
      %dot_general3A_776 = arith.constant dense<0.000000e+00> : vector<256x64xf32>
      %dot_general3A_777 = tpu.matmul %convert_element_type3A_775, %get3A_757, %dot_general3A_776 {dimension_numbers = #tpu.dot_dimension_numbers<[1], [0], [0], [1], [0, 0, 1, 1], [], []>, transpose_lhs_hint = false} : vector<256x512xbf16>, vector<512x64xbf16>, vector<256x64xf32> -> vector<256x64xf32>
      %add3A_778 = arith.addf %while3A_741, %dot_general3A_777 : vector<256x64xf32>
      scf.yield %add3A_774, %add3A_778 : vector<256x1xf32>, vector<256x64xf32>
    }
    %while3A_197 = arith.constant 1 : i32
    %while3A_198:2 = scf.for %while3A_739 = %while3A_194 to %while3A_190 step %while3A_197 iter_args(%while3A_740 = %while3A_196#0, %while3A_741 = %while3A_196#1) -> (vector<256x1xf32>, vector<256x64xf32>)  : i32 {
      %mul3A_742 = arith.constant 512 : i32
      %mul3A_743 = arith.muli %while3A_739, %mul3A_742 : i32
      %get3A_744 = arith.constant 0 : index
      %get3A_745 = arith.constant 4 : index
      %get3A_746 = arith.index_cast %mul3A_743 : i32 to index
      %get3A_747 = arith.constant 0 : index
      %get3A_748 = vector.load %arg3[%get3A_744, %get3A_745, %get3A_746, %get3A_747] : memref<1x12x2048x64xbf16, #tpu.memory_space<vmem>>, vector<1x1x512x64xbf16>
      %get3A_749 = vector.shape_cast %get3A_748 : vector<1x1x512x64xbf16> to vector<512x64xbf16>
      %mul3A_750 = arith.constant 512 : i32
      %mul3A_751 = arith.muli %while3A_739, %mul3A_750 : i32
      %get3A_752 = arith.constant 0 : index
      %get3A_753 = arith.constant 4 : index
      %get3A_754 = arith.index_cast %mul3A_751 : i32 to index
      %get3A_755 = arith.constant 0 : index
      %get3A_756 = vector.load %arg4[%get3A_752, %get3A_753, %get3A_754, %get3A_755] : memref<1x12x2048x64xbf16, #tpu.memory_space<vmem>>, vector<1x1x512x64xbf16>
      %get3A_757 = vector.shape_cast %get3A_756 : vector<1x1x512x64xbf16> to vector<512x64xbf16>
      %dot_general3A_758 = arith.constant dense<0.000000e+00> : vector<256x512xf32>
      %dot_general3A_759 = tpu.matmul %slice3A_173, %get3A_749, %dot_general3A_758 {dimension_numbers = #tpu.dot_dimension_numbers<[1], [1], [0], [0], [0, 0, 1, 0], [], []>, transpose_lhs_hint = false} : vector<256x64xbf16>, vector<512x64xbf16>, vector<256x512xf32> -> vector<256x512xf32>
      %mul3A_760 = arith.constant 1.250000e-01 : f32
      %mul3A_761 = vector.broadcast %mul3A_760 : f32 to vector<256x512xf32>
      %mul3A_762 = arith.mulf %dot_general3A_759, %mul3A_761 : vector<256x512xf32>
      %mul3A_763 = arith.constant 512 : i32
      %mul3A_764 = arith.muli %while3A_739, %mul3A_763 : i32
      %add3A_765 = vector.broadcast %mul3A_764 : i32 to vector<256x512xi32>
      %add3A_766 = arith.addi %iota3A_17, %add3A_765 : vector<256x512xi32>
      %gt3A = arith.cmpi sgt, %add3A_766, %add3A_16 : vector<256x512xi32>
      %jit3A_767 = arith.constant -1.000000e+09 : f32
      %broadcast_in_dim3A_768 = vector.broadcast %jit3A_767 : f32 to vector<256x512xf32>
      %select_n3A_769 = arith.select %gt3A, %broadcast_in_dim3A_768, %mul3A_762 : vector<256x512xi1>, vector<256x512xf32>
      %exp3A_770 = math.exp %select_n3A_769 : vector<256x512xf32>
      %reduce_sum3A_771 = arith.constant dense<0.000000e+00> : vector<256xf32>
      %reduce_sum3A_772 = vector.multi_reduction <add>, %exp3A_770, %reduce_sum3A_771 [1] : vector<256x512xf32> to vector<256xf32>
      %broadcast_in_dim3A_773 = vector.shape_cast %reduce_sum3A_772 : vector<256xf32> to vector<256x1xf32>
      %add3A_774 = arith.addf %while3A_740, %broadcast_in_dim3A_773 : vector<256x1xf32>
      %convert_element_type3A_775 = arith.truncf %exp3A_770 : vector<256x512xf32> to vector<256x512xbf16>
      %dot_general3A_776 = arith.constant dense<0.000000e+00> : vector<256x64xf32>
      %dot_general3A_777 = tpu.matmul %convert_element_type3A_775, %get3A_757, %dot_general3A_776 {dimension_numbers = #tpu.dot_dimension_numbers<[1], [0], [0], [1], [0, 0, 1, 1], [], []>, transpose_lhs_hint = false} : vector<256x512xbf16>, vector<512x64xbf16>, vector<256x64xf32> -> vector<256x64xf32>
      %add3A_778 = arith.addf %while3A_741, %dot_general3A_777 : vector<256x64xf32>
      scf.yield %add3A_774, %add3A_778 : vector<256x1xf32>, vector<256x64xf32>
    }
    %div3A_199 = vector.broadcast %while3A_198#0 : vector<256x1xf32> to vector<256x64xf32>
    %div3A_200 = arith.divf %while3A_198#1, %div3A_199 : vector<256x64xf32>
    %slice3A_201 = vector.extract_strided_slice %convert_element_type3A_13 {offsets = [0, 320], sizes = [256, 64], strides = [1, 1]} : vector<256x768xbf16> to vector<256x64xbf16>
    %broadcast_in_dim3A_202 = arith.constant 0.000000e+00 : f32
    %broadcast_in_dim3A_203 = vector.broadcast %broadcast_in_dim3A_202 : f32 to vector<256x1xf32>
    %broadcast_in_dim3A_204 = arith.constant 0.000000e+00 : f32
    %broadcast_in_dim3A_205 = vector.broadcast %broadcast_in_dim3A_204 : f32 to vector<256x64xf32>
    %while3A_206 = arith.constant 0 : i32
    %while3A_207 = arith.subi %select_n3A_63, %while3A_206 : i32
    %while3A_208 = arith.addi %while3A_206, %while3A_207 : i32
    %while3A_209 = arith.constant 1 : i32
    %while3A_210 = arith.divsi %while3A_207, %while3A_209 : i32
    %while3A_211 = arith.muli %while3A_210, %while3A_209 : i32
    %while3A_212 = arith.addi %while3A_206, %while3A_211 : i32
    %while3A_213 = arith.constant 1 : i32
    %while3A_214:2 = scf.for %while3A_739 = %while3A_206 to %while3A_212 step %while3A_213 iter_args(%while3A_740 = %broadcast_in_dim3A_203, %while3A_741 = %broadcast_in_dim3A_205) -> (vector<256x1xf32>, vector<256x64xf32>)  : i32 {
      %mul3A_742 = arith.constant 512 : i32
      %mul3A_743 = arith.muli %while3A_739, %mul3A_742 : i32
      %get3A_744 = arith.constant 0 : index
      %get3A_745 = arith.constant 5 : index
      %get3A_746 = arith.index_cast %mul3A_743 : i32 to index
      %get3A_747 = arith.constant 0 : index
      %get3A_748 = vector.load %arg3[%get3A_744, %get3A_745, %get3A_746, %get3A_747] : memref<1x12x2048x64xbf16, #tpu.memory_space<vmem>>, vector<1x1x512x64xbf16>
      %get3A_749 = vector.shape_cast %get3A_748 : vector<1x1x512x64xbf16> to vector<512x64xbf16>
      %mul3A_750 = arith.constant 512 : i32
      %mul3A_751 = arith.muli %while3A_739, %mul3A_750 : i32
      %get3A_752 = arith.constant 0 : index
      %get3A_753 = arith.constant 5 : index
      %get3A_754 = arith.index_cast %mul3A_751 : i32 to index
      %get3A_755 = arith.constant 0 : index
      %get3A_756 = vector.load %arg4[%get3A_752, %get3A_753, %get3A_754, %get3A_755] : memref<1x12x2048x64xbf16, #tpu.memory_space<vmem>>, vector<1x1x512x64xbf16>
      %get3A_757 = vector.shape_cast %get3A_756 : vector<1x1x512x64xbf16> to vector<512x64xbf16>
      %dot_general3A_758 = arith.constant dense<0.000000e+00> : vector<256x512xf32>
      %dot_general3A_759 = tpu.matmul %slice3A_201, %get3A_749, %dot_general3A_758 {dimension_numbers = #tpu.dot_dimension_numbers<[1], [1], [0], [0], [0, 0, 1, 0], [], []>, transpose_lhs_hint = false} : vector<256x64xbf16>, vector<512x64xbf16>, vector<256x512xf32> -> vector<256x512xf32>
      %mul3A_760 = arith.constant 1.250000e-01 : f32
      %mul3A_761 = vector.broadcast %mul3A_760 : f32 to vector<256x512xf32>
      %mul3A_762 = arith.mulf %dot_general3A_759, %mul3A_761 : vector<256x512xf32>
      %exp3A_763 = math.exp %mul3A_762 : vector<256x512xf32>
      %reduce_sum3A_764 = arith.constant dense<0.000000e+00> : vector<256xf32>
      %reduce_sum3A_765 = vector.multi_reduction <add>, %exp3A_763, %reduce_sum3A_764 [1] : vector<256x512xf32> to vector<256xf32>
      %broadcast_in_dim3A_766 = vector.shape_cast %reduce_sum3A_765 : vector<256xf32> to vector<256x1xf32>
      %add3A_767 = arith.addf %while3A_740, %broadcast_in_dim3A_766 : vector<256x1xf32>
      %convert_element_type3A_768 = arith.truncf %exp3A_763 : vector<256x512xf32> to vector<256x512xbf16>
      %dot_general3A_769 = arith.constant dense<0.000000e+00> : vector<256x64xf32>
      %dot_general3A_770 = tpu.matmul %convert_element_type3A_768, %get3A_757, %dot_general3A_769 {dimension_numbers = #tpu.dot_dimension_numbers<[1], [0], [0], [1], [0, 0, 1, 1], [], []>, transpose_lhs_hint = false} : vector<256x512xbf16>, vector<512x64xbf16>, vector<256x64xf32> -> vector<256x64xf32>
      %add3A_771 = arith.addf %while3A_741, %dot_general3A_770 : vector<256x64xf32>
      scf.yield %add3A_767, %add3A_771 : vector<256x1xf32>, vector<256x64xf32>
    }
    %while3A_215 = arith.constant 1 : i32
    %while3A_216:2 = scf.for %while3A_739 = %while3A_212 to %while3A_208 step %while3A_215 iter_args(%while3A_740 = %while3A_214#0, %while3A_741 = %while3A_214#1) -> (vector<256x1xf32>, vector<256x64xf32>)  : i32 {
      %mul3A_742 = arith.constant 512 : i32
      %mul3A_743 = arith.muli %while3A_739, %mul3A_742 : i32
      %get3A_744 = arith.constant 0 : index
      %get3A_745 = arith.constant 5 : index
      %get3A_746 = arith.index_cast %mul3A_743 : i32 to index
      %get3A_747 = arith.constant 0 : index
      %get3A_748 = vector.load %arg3[%get3A_744, %get3A_745, %get3A_746, %get3A_747] : memref<1x12x2048x64xbf16, #tpu.memory_space<vmem>>, vector<1x1x512x64xbf16>
      %get3A_749 = vector.shape_cast %get3A_748 : vector<1x1x512x64xbf16> to vector<512x64xbf16>
      %mul3A_750 = arith.constant 512 : i32
      %mul3A_751 = arith.muli %while3A_739, %mul3A_750 : i32
      %get3A_752 = arith.constant 0 : index
      %get3A_753 = arith.constant 5 : index
      %get3A_754 = arith.index_cast %mul3A_751 : i32 to index
      %get3A_755 = arith.constant 0 : index
      %get3A_756 = vector.load %arg4[%get3A_752, %get3A_753, %get3A_754, %get3A_755] : memref<1x12x2048x64xbf16, #tpu.memory_space<vmem>>, vector<1x1x512x64xbf16>
      %get3A_757 = vector.shape_cast %get3A_756 : vector<1x1x512x64xbf16> to vector<512x64xbf16>
      %dot_general3A_758 = arith.constant dense<0.000000e+00> : vector<256x512xf32>
      %dot_general3A_759 = tpu.matmul %slice3A_201, %get3A_749, %dot_general3A_758 {dimension_numbers = #tpu.dot_dimension_numbers<[1], [1], [0], [0], [0, 0, 1, 0], [], []>, transpose_lhs_hint = false} : vector<256x64xbf16>, vector<512x64xbf16>, vector<256x512xf32> -> vector<256x512xf32>
      %mul3A_760 = arith.constant 1.250000e-01 : f32
      %mul3A_761 = vector.broadcast %mul3A_760 : f32 to vector<256x512xf32>
      %mul3A_762 = arith.mulf %dot_general3A_759, %mul3A_761 : vector<256x512xf32>
      %exp3A_763 = math.exp %mul3A_762 : vector<256x512xf32>
      %reduce_sum3A_764 = arith.constant dense<0.000000e+00> : vector<256xf32>
      %reduce_sum3A_765 = vector.multi_reduction <add>, %exp3A_763, %reduce_sum3A_764 [1] : vector<256x512xf32> to vector<256xf32>
      %broadcast_in_dim3A_766 = vector.shape_cast %reduce_sum3A_765 : vector<256xf32> to vector<256x1xf32>
      %add3A_767 = arith.addf %while3A_740, %broadcast_in_dim3A_766 : vector<256x1xf32>
      %convert_element_type3A_768 = arith.truncf %exp3A_763 : vector<256x512xf32> to vector<256x512xbf16>
      %dot_general3A_769 = arith.constant dense<0.000000e+00> : vector<256x64xf32>
      %dot_general3A_770 = tpu.matmul %convert_element_type3A_768, %get3A_757, %dot_general3A_769 {dimension_numbers = #tpu.dot_dimension_numbers<[1], [0], [0], [1], [0, 0, 1, 1], [], []>, transpose_lhs_hint = false} : vector<256x512xbf16>, vector<512x64xbf16>, vector<256x64xf32> -> vector<256x64xf32>
      %add3A_771 = arith.addf %while3A_741, %dot_general3A_770 : vector<256x64xf32>
      scf.yield %add3A_767, %add3A_771 : vector<256x1xf32>, vector<256x64xf32>
    }
    %while3A_217 = arith.subi %add3A_37, %select_n3A_63 : i32
    %while3A_218 = arith.addi %select_n3A_63, %while3A_217 : i32
    %while3A_219 = arith.constant 1 : i32
    %while3A_220 = arith.divsi %while3A_217, %while3A_219 : i32
    %while3A_221 = arith.muli %while3A_220, %while3A_219 : i32
    %while3A_222 = arith.addi %select_n3A_63, %while3A_221 : i32
    %while3A_223 = arith.constant 1 : i32
    %while3A_224:2 = scf.for %while3A_739 = %select_n3A_63 to %while3A_222 step %while3A_223 iter_args(%while3A_740 = %while3A_216#0, %while3A_741 = %while3A_216#1) -> (vector<256x1xf32>, vector<256x64xf32>)  : i32 {
      %mul3A_742 = arith.constant 512 : i32
      %mul3A_743 = arith.muli %while3A_739, %mul3A_742 : i32
      %get3A_744 = arith.constant 0 : index
      %get3A_745 = arith.constant 5 : index
      %get3A_746 = arith.index_cast %mul3A_743 : i32 to index
      %get3A_747 = arith.constant 0 : index
      %get3A_748 = vector.load %arg3[%get3A_744, %get3A_745, %get3A_746, %get3A_747] : memref<1x12x2048x64xbf16, #tpu.memory_space<vmem>>, vector<1x1x512x64xbf16>
      %get3A_749 = vector.shape_cast %get3A_748 : vector<1x1x512x64xbf16> to vector<512x64xbf16>
      %mul3A_750 = arith.constant 512 : i32
      %mul3A_751 = arith.muli %while3A_739, %mul3A_750 : i32
      %get3A_752 = arith.constant 0 : index
      %get3A_753 = arith.constant 5 : index
      %get3A_754 = arith.index_cast %mul3A_751 : i32 to index
      %get3A_755 = arith.constant 0 : index
      %get3A_756 = vector.load %arg4[%get3A_752, %get3A_753, %get3A_754, %get3A_755] : memref<1x12x2048x64xbf16, #tpu.memory_space<vmem>>, vector<1x1x512x64xbf16>
      %get3A_757 = vector.shape_cast %get3A_756 : vector<1x1x512x64xbf16> to vector<512x64xbf16>
      %dot_general3A_758 = arith.constant dense<0.000000e+00> : vector<256x512xf32>
      %dot_general3A_759 = tpu.matmul %slice3A_201, %get3A_749, %dot_general3A_758 {dimension_numbers = #tpu.dot_dimension_numbers<[1], [1], [0], [0], [0, 0, 1, 0], [], []>, transpose_lhs_hint = false} : vector<256x64xbf16>, vector<512x64xbf16>, vector<256x512xf32> -> vector<256x512xf32>
      %mul3A_760 = arith.constant 1.250000e-01 : f32
      %mul3A_761 = vector.broadcast %mul3A_760 : f32 to vector<256x512xf32>
      %mul3A_762 = arith.mulf %dot_general3A_759, %mul3A_761 : vector<256x512xf32>
      %mul3A_763 = arith.constant 512 : i32
      %mul3A_764 = arith.muli %while3A_739, %mul3A_763 : i32
      %add3A_765 = vector.broadcast %mul3A_764 : i32 to vector<256x512xi32>
      %add3A_766 = arith.addi %iota3A_17, %add3A_765 : vector<256x512xi32>
      %gt3A = arith.cmpi sgt, %add3A_766, %add3A_16 : vector<256x512xi32>
      %jit3A_767 = arith.constant -1.000000e+09 : f32
      %broadcast_in_dim3A_768 = vector.broadcast %jit3A_767 : f32 to vector<256x512xf32>
      %select_n3A_769 = arith.select %gt3A, %broadcast_in_dim3A_768, %mul3A_762 : vector<256x512xi1>, vector<256x512xf32>
      %exp3A_770 = math.exp %select_n3A_769 : vector<256x512xf32>
      %reduce_sum3A_771 = arith.constant dense<0.000000e+00> : vector<256xf32>
      %reduce_sum3A_772 = vector.multi_reduction <add>, %exp3A_770, %reduce_sum3A_771 [1] : vector<256x512xf32> to vector<256xf32>
      %broadcast_in_dim3A_773 = vector.shape_cast %reduce_sum3A_772 : vector<256xf32> to vector<256x1xf32>
      %add3A_774 = arith.addf %while3A_740, %broadcast_in_dim3A_773 : vector<256x1xf32>
      %convert_element_type3A_775 = arith.truncf %exp3A_770 : vector<256x512xf32> to vector<256x512xbf16>
      %dot_general3A_776 = arith.constant dense<0.000000e+00> : vector<256x64xf32>
      %dot_general3A_777 = tpu.matmul %convert_element_type3A_775, %get3A_757, %dot_general3A_776 {dimension_numbers = #tpu.dot_dimension_numbers<[1], [0], [0], [1], [0, 0, 1, 1], [], []>, transpose_lhs_hint = false} : vector<256x512xbf16>, vector<512x64xbf16>, vector<256x64xf32> -> vector<256x64xf32>
      %add3A_778 = arith.addf %while3A_741, %dot_general3A_777 : vector<256x64xf32>
      scf.yield %add3A_774, %add3A_778 : vector<256x1xf32>, vector<256x64xf32>
    }
    %while3A_225 = arith.constant 1 : i32
    %while3A_226:2 = scf.for %while3A_739 = %while3A_222 to %while3A_218 step %while3A_225 iter_args(%while3A_740 = %while3A_224#0, %while3A_741 = %while3A_224#1) -> (vector<256x1xf32>, vector<256x64xf32>)  : i32 {
      %mul3A_742 = arith.constant 512 : i32
      %mul3A_743 = arith.muli %while3A_739, %mul3A_742 : i32
      %get3A_744 = arith.constant 0 : index
      %get3A_745 = arith.constant 5 : index
      %get3A_746 = arith.index_cast %mul3A_743 : i32 to index
      %get3A_747 = arith.constant 0 : index
      %get3A_748 = vector.load %arg3[%get3A_744, %get3A_745, %get3A_746, %get3A_747] : memref<1x12x2048x64xbf16, #tpu.memory_space<vmem>>, vector<1x1x512x64xbf16>
      %get3A_749 = vector.shape_cast %get3A_748 : vector<1x1x512x64xbf16> to vector<512x64xbf16>
      %mul3A_750 = arith.constant 512 : i32
      %mul3A_751 = arith.muli %while3A_739, %mul3A_750 : i32
      %get3A_752 = arith.constant 0 : index
      %get3A_753 = arith.constant 5 : index
      %get3A_754 = arith.index_cast %mul3A_751 : i32 to index
      %get3A_755 = arith.constant 0 : index
      %get3A_756 = vector.load %arg4[%get3A_752, %get3A_753, %get3A_754, %get3A_755] : memref<1x12x2048x64xbf16, #tpu.memory_space<vmem>>, vector<1x1x512x64xbf16>
      %get3A_757 = vector.shape_cast %get3A_756 : vector<1x1x512x64xbf16> to vector<512x64xbf16>
      %dot_general3A_758 = arith.constant dense<0.000000e+00> : vector<256x512xf32>
      %dot_general3A_759 = tpu.matmul %slice3A_201, %get3A_749, %dot_general3A_758 {dimension_numbers = #tpu.dot_dimension_numbers<[1], [1], [0], [0], [0, 0, 1, 0], [], []>, transpose_lhs_hint = false} : vector<256x64xbf16>, vector<512x64xbf16>, vector<256x512xf32> -> vector<256x512xf32>
      %mul3A_760 = arith.constant 1.250000e-01 : f32
      %mul3A_761 = vector.broadcast %mul3A_760 : f32 to vector<256x512xf32>
      %mul3A_762 = arith.mulf %dot_general3A_759, %mul3A_761 : vector<256x512xf32>
      %mul3A_763 = arith.constant 512 : i32
      %mul3A_764 = arith.muli %while3A_739, %mul3A_763 : i32
      %add3A_765 = vector.broadcast %mul3A_764 : i32 to vector<256x512xi32>
      %add3A_766 = arith.addi %iota3A_17, %add3A_765 : vector<256x512xi32>
      %gt3A = arith.cmpi sgt, %add3A_766, %add3A_16 : vector<256x512xi32>
      %jit3A_767 = arith.constant -1.000000e+09 : f32
      %broadcast_in_dim3A_768 = vector.broadcast %jit3A_767 : f32 to vector<256x512xf32>
      %select_n3A_769 = arith.select %gt3A, %broadcast_in_dim3A_768, %mul3A_762 : vector<256x512xi1>, vector<256x512xf32>
      %exp3A_770 = math.exp %select_n3A_769 : vector<256x512xf32>
      %reduce_sum3A_771 = arith.constant dense<0.000000e+00> : vector<256xf32>
      %reduce_sum3A_772 = vector.multi_reduction <add>, %exp3A_770, %reduce_sum3A_771 [1] : vector<256x512xf32> to vector<256xf32>
      %broadcast_in_dim3A_773 = vector.shape_cast %reduce_sum3A_772 : vector<256xf32> to vector<256x1xf32>
      %add3A_774 = arith.addf %while3A_740, %broadcast_in_dim3A_773 : vector<256x1xf32>
      %convert_element_type3A_775 = arith.truncf %exp3A_770 : vector<256x512xf32> to vector<256x512xbf16>
      %dot_general3A_776 = arith.constant dense<0.000000e+00> : vector<256x64xf32>
      %dot_general3A_777 = tpu.matmul %convert_element_type3A_775, %get3A_757, %dot_general3A_776 {dimension_numbers = #tpu.dot_dimension_numbers<[1], [0], [0], [1], [0, 0, 1, 1], [], []>, transpose_lhs_hint = false} : vector<256x512xbf16>, vector<512x64xbf16>, vector<256x64xf32> -> vector<256x64xf32>
      %add3A_778 = arith.addf %while3A_741, %dot_general3A_777 : vector<256x64xf32>
      scf.yield %add3A_774, %add3A_778 : vector<256x1xf32>, vector<256x64xf32>
    }
    %div3A_227 = vector.broadcast %while3A_226#0 : vector<256x1xf32> to vector<256x64xf32>
    %div3A_228 = arith.divf %while3A_226#1, %div3A_227 : vector<256x64xf32>
    %slice3A_229 = vector.extract_strided_slice %convert_element_type3A_13 {offsets = [0, 384], sizes = [256, 64], strides = [1, 1]} : vector<256x768xbf16> to vector<256x64xbf16>
    %broadcast_in_dim3A_230 = arith.constant 0.000000e+00 : f32
    %broadcast_in_dim3A_231 = vector.broadcast %broadcast_in_dim3A_230 : f32 to vector<256x1xf32>
    %broadcast_in_dim3A_232 = arith.constant 0.000000e+00 : f32
    %broadcast_in_dim3A_233 = vector.broadcast %broadcast_in_dim3A_232 : f32 to vector<256x64xf32>
    %while3A_234 = arith.constant 0 : i32
    %while3A_235 = arith.subi %select_n3A_63, %while3A_234 : i32
    %while3A_236 = arith.addi %while3A_234, %while3A_235 : i32
    %while3A_237 = arith.constant 1 : i32
    %while3A_238 = arith.divsi %while3A_235, %while3A_237 : i32
    %while3A_239 = arith.muli %while3A_238, %while3A_237 : i32
    %while3A_240 = arith.addi %while3A_234, %while3A_239 : i32
    %while3A_241 = arith.constant 1 : i32
    %while3A_242:2 = scf.for %while3A_739 = %while3A_234 to %while3A_240 step %while3A_241 iter_args(%while3A_740 = %broadcast_in_dim3A_231, %while3A_741 = %broadcast_in_dim3A_233) -> (vector<256x1xf32>, vector<256x64xf32>)  : i32 {
      %mul3A_742 = arith.constant 512 : i32
      %mul3A_743 = arith.muli %while3A_739, %mul3A_742 : i32
      %get3A_744 = arith.constant 0 : index
      %get3A_745 = arith.constant 6 : index
      %get3A_746 = arith.index_cast %mul3A_743 : i32 to index
      %get3A_747 = arith.constant 0 : index
      %get3A_748 = vector.load %arg3[%get3A_744, %get3A_745, %get3A_746, %get3A_747] : memref<1x12x2048x64xbf16, #tpu.memory_space<vmem>>, vector<1x1x512x64xbf16>
      %get3A_749 = vector.shape_cast %get3A_748 : vector<1x1x512x64xbf16> to vector<512x64xbf16>
      %mul3A_750 = arith.constant 512 : i32
      %mul3A_751 = arith.muli %while3A_739, %mul3A_750 : i32
      %get3A_752 = arith.constant 0 : index
      %get3A_753 = arith.constant 6 : index
      %get3A_754 = arith.index_cast %mul3A_751 : i32 to index
      %get3A_755 = arith.constant 0 : index
      %get3A_756 = vector.load %arg4[%get3A_752, %get3A_753, %get3A_754, %get3A_755] : memref<1x12x2048x64xbf16, #tpu.memory_space<vmem>>, vector<1x1x512x64xbf16>
      %get3A_757 = vector.shape_cast %get3A_756 : vector<1x1x512x64xbf16> to vector<512x64xbf16>
      %dot_general3A_758 = arith.constant dense<0.000000e+00> : vector<256x512xf32>
      %dot_general3A_759 = tpu.matmul %slice3A_229, %get3A_749, %dot_general3A_758 {dimension_numbers = #tpu.dot_dimension_numbers<[1], [1], [0], [0], [0, 0, 1, 0], [], []>, transpose_lhs_hint = false} : vector<256x64xbf16>, vector<512x64xbf16>, vector<256x512xf32> -> vector<256x512xf32>
      %mul3A_760 = arith.constant 1.250000e-01 : f32
      %mul3A_761 = vector.broadcast %mul3A_760 : f32 to vector<256x512xf32>
      %mul3A_762 = arith.mulf %dot_general3A_759, %mul3A_761 : vector<256x512xf32>
      %exp3A_763 = math.exp %mul3A_762 : vector<256x512xf32>
      %reduce_sum3A_764 = arith.constant dense<0.000000e+00> : vector<256xf32>
      %reduce_sum3A_765 = vector.multi_reduction <add>, %exp3A_763, %reduce_sum3A_764 [1] : vector<256x512xf32> to vector<256xf32>
      %broadcast_in_dim3A_766 = vector.shape_cast %reduce_sum3A_765 : vector<256xf32> to vector<256x1xf32>
      %add3A_767 = arith.addf %while3A_740, %broadcast_in_dim3A_766 : vector<256x1xf32>
      %convert_element_type3A_768 = arith.truncf %exp3A_763 : vector<256x512xf32> to vector<256x512xbf16>
      %dot_general3A_769 = arith.constant dense<0.000000e+00> : vector<256x64xf32>
      %dot_general3A_770 = tpu.matmul %convert_element_type3A_768, %get3A_757, %dot_general3A_769 {dimension_numbers = #tpu.dot_dimension_numbers<[1], [0], [0], [1], [0, 0, 1, 1], [], []>, transpose_lhs_hint = false} : vector<256x512xbf16>, vector<512x64xbf16>, vector<256x64xf32> -> vector<256x64xf32>
      %add3A_771 = arith.addf %while3A_741, %dot_general3A_770 : vector<256x64xf32>
      scf.yield %add3A_767, %add3A_771 : vector<256x1xf32>, vector<256x64xf32>
    }
    %while3A_243 = arith.constant 1 : i32
    %while3A_244:2 = scf.for %while3A_739 = %while3A_240 to %while3A_236 step %while3A_243 iter_args(%while3A_740 = %while3A_242#0, %while3A_741 = %while3A_242#1) -> (vector<256x1xf32>, vector<256x64xf32>)  : i32 {
      %mul3A_742 = arith.constant 512 : i32
      %mul3A_743 = arith.muli %while3A_739, %mul3A_742 : i32
      %get3A_744 = arith.constant 0 : index
      %get3A_745 = arith.constant 6 : index
      %get3A_746 = arith.index_cast %mul3A_743 : i32 to index
      %get3A_747 = arith.constant 0 : index
      %get3A_748 = vector.load %arg3[%get3A_744, %get3A_745, %get3A_746, %get3A_747] : memref<1x12x2048x64xbf16, #tpu.memory_space<vmem>>, vector<1x1x512x64xbf16>
      %get3A_749 = vector.shape_cast %get3A_748 : vector<1x1x512x64xbf16> to vector<512x64xbf16>
      %mul3A_750 = arith.constant 512 : i32
      %mul3A_751 = arith.muli %while3A_739, %mul3A_750 : i32
      %get3A_752 = arith.constant 0 : index
      %get3A_753 = arith.constant 6 : index
      %get3A_754 = arith.index_cast %mul3A_751 : i32 to index
      %get3A_755 = arith.constant 0 : index
      %get3A_756 = vector.load %arg4[%get3A_752, %get3A_753, %get3A_754, %get3A_755] : memref<1x12x2048x64xbf16, #tpu.memory_space<vmem>>, vector<1x1x512x64xbf16>
      %get3A_757 = vector.shape_cast %get3A_756 : vector<1x1x512x64xbf16> to vector<512x64xbf16>
      %dot_general3A_758 = arith.constant dense<0.000000e+00> : vector<256x512xf32>
      %dot_general3A_759 = tpu.matmul %slice3A_229, %get3A_749, %dot_general3A_758 {dimension_numbers = #tpu.dot_dimension_numbers<[1], [1], [0], [0], [0, 0, 1, 0], [], []>, transpose_lhs_hint = false} : vector<256x64xbf16>, vector<512x64xbf16>, vector<256x512xf32> -> vector<256x512xf32>
      %mul3A_760 = arith.constant 1.250000e-01 : f32
      %mul3A_761 = vector.broadcast %mul3A_760 : f32 to vector<256x512xf32>
      %mul3A_762 = arith.mulf %dot_general3A_759, %mul3A_761 : vector<256x512xf32>
      %exp3A_763 = math.exp %mul3A_762 : vector<256x512xf32>
      %reduce_sum3A_764 = arith.constant dense<0.000000e+00> : vector<256xf32>
      %reduce_sum3A_765 = vector.multi_reduction <add>, %exp3A_763, %reduce_sum3A_764 [1] : vector<256x512xf32> to vector<256xf32>
      %broadcast_in_dim3A_766 = vector.shape_cast %reduce_sum3A_765 : vector<256xf32> to vector<256x1xf32>
      %add3A_767 = arith.addf %while3A_740, %broadcast_in_dim3A_766 : vector<256x1xf32>
      %convert_element_type3A_768 = arith.truncf %exp3A_763 : vector<256x512xf32> to vector<256x512xbf16>
      %dot_general3A_769 = arith.constant dense<0.000000e+00> : vector<256x64xf32>
      %dot_general3A_770 = tpu.matmul %convert_element_type3A_768, %get3A_757, %dot_general3A_769 {dimension_numbers = #tpu.dot_dimension_numbers<[1], [0], [0], [1], [0, 0, 1, 1], [], []>, transpose_lhs_hint = false} : vector<256x512xbf16>, vector<512x64xbf16>, vector<256x64xf32> -> vector<256x64xf32>
      %add3A_771 = arith.addf %while3A_741, %dot_general3A_770 : vector<256x64xf32>
      scf.yield %add3A_767, %add3A_771 : vector<256x1xf32>, vector<256x64xf32>
    }
    %while3A_245 = arith.subi %add3A_37, %select_n3A_63 : i32
    %while3A_246 = arith.addi %select_n3A_63, %while3A_245 : i32
    %while3A_247 = arith.constant 1 : i32
    %while3A_248 = arith.divsi %while3A_245, %while3A_247 : i32
    %while3A_249 = arith.muli %while3A_248, %while3A_247 : i32
    %while3A_250 = arith.addi %select_n3A_63, %while3A_249 : i32
    %while3A_251 = arith.constant 1 : i32
    %while3A_252:2 = scf.for %while3A_739 = %select_n3A_63 to %while3A_250 step %while3A_251 iter_args(%while3A_740 = %while3A_244#0, %while3A_741 = %while3A_244#1) -> (vector<256x1xf32>, vector<256x64xf32>)  : i32 {
      %mul3A_742 = arith.constant 512 : i32
      %mul3A_743 = arith.muli %while3A_739, %mul3A_742 : i32
      %get3A_744 = arith.constant 0 : index
      %get3A_745 = arith.constant 6 : index
      %get3A_746 = arith.index_cast %mul3A_743 : i32 to index
      %get3A_747 = arith.constant 0 : index
      %get3A_748 = vector.load %arg3[%get3A_744, %get3A_745, %get3A_746, %get3A_747] : memref<1x12x2048x64xbf16, #tpu.memory_space<vmem>>, vector<1x1x512x64xbf16>
      %get3A_749 = vector.shape_cast %get3A_748 : vector<1x1x512x64xbf16> to vector<512x64xbf16>
      %mul3A_750 = arith.constant 512 : i32
      %mul3A_751 = arith.muli %while3A_739, %mul3A_750 : i32
      %get3A_752 = arith.constant 0 : index
      %get3A_753 = arith.constant 6 : index
      %get3A_754 = arith.index_cast %mul3A_751 : i32 to index
      %get3A_755 = arith.constant 0 : index
      %get3A_756 = vector.load %arg4[%get3A_752, %get3A_753, %get3A_754, %get3A_755] : memref<1x12x2048x64xbf16, #tpu.memory_space<vmem>>, vector<1x1x512x64xbf16>
      %get3A_757 = vector.shape_cast %get3A_756 : vector<1x1x512x64xbf16> to vector<512x64xbf16>
      %dot_general3A_758 = arith.constant dense<0.000000e+00> : vector<256x512xf32>
      %dot_general3A_759 = tpu.matmul %slice3A_229, %get3A_749, %dot_general3A_758 {dimension_numbers = #tpu.dot_dimension_numbers<[1], [1], [0], [0], [0, 0, 1, 0], [], []>, transpose_lhs_hint = false} : vector<256x64xbf16>, vector<512x64xbf16>, vector<256x512xf32> -> vector<256x512xf32>
      %mul3A_760 = arith.constant 1.250000e-01 : f32
      %mul3A_761 = vector.broadcast %mul3A_760 : f32 to vector<256x512xf32>
      %mul3A_762 = arith.mulf %dot_general3A_759, %mul3A_761 : vector<256x512xf32>
      %mul3A_763 = arith.constant 512 : i32
      %mul3A_764 = arith.muli %while3A_739, %mul3A_763 : i32
      %add3A_765 = vector.broadcast %mul3A_764 : i32 to vector<256x512xi32>
      %add3A_766 = arith.addi %iota3A_17, %add3A_765 : vector<256x512xi32>
      %gt3A = arith.cmpi sgt, %add3A_766, %add3A_16 : vector<256x512xi32>
      %jit3A_767 = arith.constant -1.000000e+09 : f32
      %broadcast_in_dim3A_768 = vector.broadcast %jit3A_767 : f32 to vector<256x512xf32>
      %select_n3A_769 = arith.select %gt3A, %broadcast_in_dim3A_768, %mul3A_762 : vector<256x512xi1>, vector<256x512xf32>
      %exp3A_770 = math.exp %select_n3A_769 : vector<256x512xf32>
      %reduce_sum3A_771 = arith.constant dense<0.000000e+00> : vector<256xf32>
      %reduce_sum3A_772 = vector.multi_reduction <add>, %exp3A_770, %reduce_sum3A_771 [1] : vector<256x512xf32> to vector<256xf32>
      %broadcast_in_dim3A_773 = vector.shape_cast %reduce_sum3A_772 : vector<256xf32> to vector<256x1xf32>
      %add3A_774 = arith.addf %while3A_740, %broadcast_in_dim3A_773 : vector<256x1xf32>
      %convert_element_type3A_775 = arith.truncf %exp3A_770 : vector<256x512xf32> to vector<256x512xbf16>
      %dot_general3A_776 = arith.constant dense<0.000000e+00> : vector<256x64xf32>
      %dot_general3A_777 = tpu.matmul %convert_element_type3A_775, %get3A_757, %dot_general3A_776 {dimension_numbers = #tpu.dot_dimension_numbers<[1], [0], [0], [1], [0, 0, 1, 1], [], []>, transpose_lhs_hint = false} : vector<256x512xbf16>, vector<512x64xbf16>, vector<256x64xf32> -> vector<256x64xf32>
      %add3A_778 = arith.addf %while3A_741, %dot_general3A_777 : vector<256x64xf32>
      scf.yield %add3A_774, %add3A_778 : vector<256x1xf32>, vector<256x64xf32>
    }
    %while3A_253 = arith.constant 1 : i32
    %while3A_254:2 = scf.for %while3A_739 = %while3A_250 to %while3A_246 step %while3A_253 iter_args(%while3A_740 = %while3A_252#0, %while3A_741 = %while3A_252#1) -> (vector<256x1xf32>, vector<256x64xf32>)  : i32 {
      %mul3A_742 = arith.constant 512 : i32
      %mul3A_743 = arith.muli %while3A_739, %mul3A_742 : i32
      %get3A_744 = arith.constant 0 : index
      %get3A_745 = arith.constant 6 : index
      %get3A_746 = arith.index_cast %mul3A_743 : i32 to index
      %get3A_747 = arith.constant 0 : index
      %get3A_748 = vector.load %arg3[%get3A_744, %get3A_745, %get3A_746, %get3A_747] : memref<1x12x2048x64xbf16, #tpu.memory_space<vmem>>, vector<1x1x512x64xbf16>
      %get3A_749 = vector.shape_cast %get3A_748 : vector<1x1x512x64xbf16> to vector<512x64xbf16>
      %mul3A_750 = arith.constant 512 : i32
      %mul3A_751 = arith.muli %while3A_739, %mul3A_750 : i32
      %get3A_752 = arith.constant 0 : index
      %get3A_753 = arith.constant 6 : index
      %get3A_754 = arith.index_cast %mul3A_751 : i32 to index
      %get3A_755 = arith.constant 0 : index
      %get3A_756 = vector.load %arg4[%get3A_752, %get3A_753, %get3A_754, %get3A_755] : memref<1x12x2048x64xbf16, #tpu.memory_space<vmem>>, vector<1x1x512x64xbf16>
      %get3A_757 = vector.shape_cast %get3A_756 : vector<1x1x512x64xbf16> to vector<512x64xbf16>
      %dot_general3A_758 = arith.constant dense<0.000000e+00> : vector<256x512xf32>
      %dot_general3A_759 = tpu.matmul %slice3A_229, %get3A_749, %dot_general3A_758 {dimension_numbers = #tpu.dot_dimension_numbers<[1], [1], [0], [0], [0, 0, 1, 0], [], []>, transpose_lhs_hint = false} : vector<256x64xbf16>, vector<512x64xbf16>, vector<256x512xf32> -> vector<256x512xf32>
      %mul3A_760 = arith.constant 1.250000e-01 : f32
      %mul3A_761 = vector.broadcast %mul3A_760 : f32 to vector<256x512xf32>
      %mul3A_762 = arith.mulf %dot_general3A_759, %mul3A_761 : vector<256x512xf32>
      %mul3A_763 = arith.constant 512 : i32
      %mul3A_764 = arith.muli %while3A_739, %mul3A_763 : i32
      %add3A_765 = vector.broadcast %mul3A_764 : i32 to vector<256x512xi32>
      %add3A_766 = arith.addi %iota3A_17, %add3A_765 : vector<256x512xi32>
      %gt3A = arith.cmpi sgt, %add3A_766, %add3A_16 : vector<256x512xi32>
      %jit3A_767 = arith.constant -1.000000e+09 : f32
      %broadcast_in_dim3A_768 = vector.broadcast %jit3A_767 : f32 to vector<256x512xf32>
      %select_n3A_769 = arith.select %gt3A, %broadcast_in_dim3A_768, %mul3A_762 : vector<256x512xi1>, vector<256x512xf32>
      %exp3A_770 = math.exp %select_n3A_769 : vector<256x512xf32>
      %reduce_sum3A_771 = arith.constant dense<0.000000e+00> : vector<256xf32>
      %reduce_sum3A_772 = vector.multi_reduction <add>, %exp3A_770, %reduce_sum3A_771 [1] : vector<256x512xf32> to vector<256xf32>
      %broadcast_in_dim3A_773 = vector.shape_cast %reduce_sum3A_772 : vector<256xf32> to vector<256x1xf32>
      %add3A_774 = arith.addf %while3A_740, %broadcast_in_dim3A_773 : vector<256x1xf32>
      %convert_element_type3A_775 = arith.truncf %exp3A_770 : vector<256x512xf32> to vector<256x512xbf16>
      %dot_general3A_776 = arith.constant dense<0.000000e+00> : vector<256x64xf32>
      %dot_general3A_777 = tpu.matmul %convert_element_type3A_775, %get3A_757, %dot_general3A_776 {dimension_numbers = #tpu.dot_dimension_numbers<[1], [0], [0], [1], [0, 0, 1, 1], [], []>, transpose_lhs_hint = false} : vector<256x512xbf16>, vector<512x64xbf16>, vector<256x64xf32> -> vector<256x64xf32>
      %add3A_778 = arith.addf %while3A_741, %dot_general3A_777 : vector<256x64xf32>
      scf.yield %add3A_774, %add3A_778 : vector<256x1xf32>, vector<256x64xf32>
    }
    %div3A_255 = vector.broadcast %while3A_254#0 : vector<256x1xf32> to vector<256x64xf32>
    %div3A_256 = arith.divf %while3A_254#1, %div3A_255 : vector<256x64xf32>
    %slice3A_257 = vector.extract_strided_slice %convert_element_type3A_13 {offsets = [0, 448], sizes = [256, 64], strides = [1, 1]} : vector<256x768xbf16> to vector<256x64xbf16>
    %broadcast_in_dim3A_258 = arith.constant 0.000000e+00 : f32
    %broadcast_in_dim3A_259 = vector.broadcast %broadcast_in_dim3A_258 : f32 to vector<256x1xf32>
    %broadcast_in_dim3A_260 = arith.constant 0.000000e+00 : f32
    %broadcast_in_dim3A_261 = vector.broadcast %broadcast_in_dim3A_260 : f32 to vector<256x64xf32>
    %while3A_262 = arith.constant 0 : i32
    %while3A_263 = arith.subi %select_n3A_63, %while3A_262 : i32
    %while3A_264 = arith.addi %while3A_262, %while3A_263 : i32
    %while3A_265 = arith.constant 1 : i32
    %while3A_266 = arith.divsi %while3A_263, %while3A_265 : i32
    %while3A_267 = arith.muli %while3A_266, %while3A_265 : i32
    %while3A_268 = arith.addi %while3A_262, %while3A_267 : i32
    %while3A_269 = arith.constant 1 : i32
    %while3A_270:2 = scf.for %while3A_739 = %while3A_262 to %while3A_268 step %while3A_269 iter_args(%while3A_740 = %broadcast_in_dim3A_259, %while3A_741 = %broadcast_in_dim3A_261) -> (vector<256x1xf32>, vector<256x64xf32>)  : i32 {
      %mul3A_742 = arith.constant 512 : i32
      %mul3A_743 = arith.muli %while3A_739, %mul3A_742 : i32
      %get3A_744 = arith.constant 0 : index
      %get3A_745 = arith.constant 7 : index
      %get3A_746 = arith.index_cast %mul3A_743 : i32 to index
      %get3A_747 = arith.constant 0 : index
      %get3A_748 = vector.load %arg3[%get3A_744, %get3A_745, %get3A_746, %get3A_747] : memref<1x12x2048x64xbf16, #tpu.memory_space<vmem>>, vector<1x1x512x64xbf16>
      %get3A_749 = vector.shape_cast %get3A_748 : vector<1x1x512x64xbf16> to vector<512x64xbf16>
      %mul3A_750 = arith.constant 512 : i32
      %mul3A_751 = arith.muli %while3A_739, %mul3A_750 : i32
      %get3A_752 = arith.constant 0 : index
      %get3A_753 = arith.constant 7 : index
      %get3A_754 = arith.index_cast %mul3A_751 : i32 to index
      %get3A_755 = arith.constant 0 : index
      %get3A_756 = vector.load %arg4[%get3A_752, %get3A_753, %get3A_754, %get3A_755] : memref<1x12x2048x64xbf16, #tpu.memory_space<vmem>>, vector<1x1x512x64xbf16>
      %get3A_757 = vector.shape_cast %get3A_756 : vector<1x1x512x64xbf16> to vector<512x64xbf16>
      %dot_general3A_758 = arith.constant dense<0.000000e+00> : vector<256x512xf32>
      %dot_general3A_759 = tpu.matmul %slice3A_257, %get3A_749, %dot_general3A_758 {dimension_numbers = #tpu.dot_dimension_numbers<[1], [1], [0], [0], [0, 0, 1, 0], [], []>, transpose_lhs_hint = false} : vector<256x64xbf16>, vector<512x64xbf16>, vector<256x512xf32> -> vector<256x512xf32>
      %mul3A_760 = arith.constant 1.250000e-01 : f32
      %mul3A_761 = vector.broadcast %mul3A_760 : f32 to vector<256x512xf32>
      %mul3A_762 = arith.mulf %dot_general3A_759, %mul3A_761 : vector<256x512xf32>
      %exp3A_763 = math.exp %mul3A_762 : vector<256x512xf32>
      %reduce_sum3A_764 = arith.constant dense<0.000000e+00> : vector<256xf32>
      %reduce_sum3A_765 = vector.multi_reduction <add>, %exp3A_763, %reduce_sum3A_764 [1] : vector<256x512xf32> to vector<256xf32>
      %broadcast_in_dim3A_766 = vector.shape_cast %reduce_sum3A_765 : vector<256xf32> to vector<256x1xf32>
      %add3A_767 = arith.addf %while3A_740, %broadcast_in_dim3A_766 : vector<256x1xf32>
      %convert_element_type3A_768 = arith.truncf %exp3A_763 : vector<256x512xf32> to vector<256x512xbf16>
      %dot_general3A_769 = arith.constant dense<0.000000e+00> : vector<256x64xf32>
      %dot_general3A_770 = tpu.matmul %convert_element_type3A_768, %get3A_757, %dot_general3A_769 {dimension_numbers = #tpu.dot_dimension_numbers<[1], [0], [0], [1], [0, 0, 1, 1], [], []>, transpose_lhs_hint = false} : vector<256x512xbf16>, vector<512x64xbf16>, vector<256x64xf32> -> vector<256x64xf32>
      %add3A_771 = arith.addf %while3A_741, %dot_general3A_770 : vector<256x64xf32>
      scf.yield %add3A_767, %add3A_771 : vector<256x1xf32>, vector<256x64xf32>
    }
    %while3A_271 = arith.constant 1 : i32
    %while3A_272:2 = scf.for %while3A_739 = %while3A_268 to %while3A_264 step %while3A_271 iter_args(%while3A_740 = %while3A_270#0, %while3A_741 = %while3A_270#1) -> (vector<256x1xf32>, vector<256x64xf32>)  : i32 {
      %mul3A_742 = arith.constant 512 : i32
      %mul3A_743 = arith.muli %while3A_739, %mul3A_742 : i32
      %get3A_744 = arith.constant 0 : index
      %get3A_745 = arith.constant 7 : index
      %get3A_746 = arith.index_cast %mul3A_743 : i32 to index
      %get3A_747 = arith.constant 0 : index
      %get3A_748 = vector.load %arg3[%get3A_744, %get3A_745, %get3A_746, %get3A_747] : memref<1x12x2048x64xbf16, #tpu.memory_space<vmem>>, vector<1x1x512x64xbf16>
      %get3A_749 = vector.shape_cast %get3A_748 : vector<1x1x512x64xbf16> to vector<512x64xbf16>
      %mul3A_750 = arith.constant 512 : i32
      %mul3A_751 = arith.muli %while3A_739, %mul3A_750 : i32
      %get3A_752 = arith.constant 0 : index
      %get3A_753 = arith.constant 7 : index
      %get3A_754 = arith.index_cast %mul3A_751 : i32 to index
      %get3A_755 = arith.constant 0 : index
      %get3A_756 = vector.load %arg4[%get3A_752, %get3A_753, %get3A_754, %get3A_755] : memref<1x12x2048x64xbf16, #tpu.memory_space<vmem>>, vector<1x1x512x64xbf16>
      %get3A_757 = vector.shape_cast %get3A_756 : vector<1x1x512x64xbf16> to vector<512x64xbf16>
      %dot_general3A_758 = arith.constant dense<0.000000e+00> : vector<256x512xf32>
      %dot_general3A_759 = tpu.matmul %slice3A_257, %get3A_749, %dot_general3A_758 {dimension_numbers = #tpu.dot_dimension_numbers<[1], [1], [0], [0], [0, 0, 1, 0], [], []>, transpose_lhs_hint = false} : vector<256x64xbf16>, vector<512x64xbf16>, vector<256x512xf32> -> vector<256x512xf32>
      %mul3A_760 = arith.constant 1.250000e-01 : f32
      %mul3A_761 = vector.broadcast %mul3A_760 : f32 to vector<256x512xf32>
      %mul3A_762 = arith.mulf %dot_general3A_759, %mul3A_761 : vector<256x512xf32>
      %exp3A_763 = math.exp %mul3A_762 : vector<256x512xf32>
      %reduce_sum3A_764 = arith.constant dense<0.000000e+00> : vector<256xf32>
      %reduce_sum3A_765 = vector.multi_reduction <add>, %exp3A_763, %reduce_sum3A_764 [1] : vector<256x512xf32> to vector<256xf32>
      %broadcast_in_dim3A_766 = vector.shape_cast %reduce_sum3A_765 : vector<256xf32> to vector<256x1xf32>
      %add3A_767 = arith.addf %while3A_740, %broadcast_in_dim3A_766 : vector<256x1xf32>
      %convert_element_type3A_768 = arith.truncf %exp3A_763 : vector<256x512xf32> to vector<256x512xbf16>
      %dot_general3A_769 = arith.constant dense<0.000000e+00> : vector<256x64xf32>
      %dot_general3A_770 = tpu.matmul %convert_element_type3A_768, %get3A_757, %dot_general3A_769 {dimension_numbers = #tpu.dot_dimension_numbers<[1], [0], [0], [1], [0, 0, 1, 1], [], []>, transpose_lhs_hint = false} : vector<256x512xbf16>, vector<512x64xbf16>, vector<256x64xf32> -> vector<256x64xf32>
      %add3A_771 = arith.addf %while3A_741, %dot_general3A_770 : vector<256x64xf32>
      scf.yield %add3A_767, %add3A_771 : vector<256x1xf32>, vector<256x64xf32>
    }
    %while3A_273 = arith.subi %add3A_37, %select_n3A_63 : i32
    %while3A_274 = arith.addi %select_n3A_63, %while3A_273 : i32
    %while3A_275 = arith.constant 1 : i32
    %while3A_276 = arith.divsi %while3A_273, %while3A_275 : i32
    %while3A_277 = arith.muli %while3A_276, %while3A_275 : i32
    %while3A_278 = arith.addi %select_n3A_63, %while3A_277 : i32
    %while3A_279 = arith.constant 1 : i32
    %while3A_280:2 = scf.for %while3A_739 = %select_n3A_63 to %while3A_278 step %while3A_279 iter_args(%while3A_740 = %while3A_272#0, %while3A_741 = %while3A_272#1) -> (vector<256x1xf32>, vector<256x64xf32>)  : i32 {
      %mul3A_742 = arith.constant 512 : i32
      %mul3A_743 = arith.muli %while3A_739, %mul3A_742 : i32
      %get3A_744 = arith.constant 0 : index
      %get3A_745 = arith.constant 7 : index
      %get3A_746 = arith.index_cast %mul3A_743 : i32 to index
      %get3A_747 = arith.constant 0 : index
      %get3A_748 = vector.load %arg3[%get3A_744, %get3A_745, %get3A_746, %get3A_747] : memref<1x12x2048x64xbf16, #tpu.memory_space<vmem>>, vector<1x1x512x64xbf16>
      %get3A_749 = vector.shape_cast %get3A_748 : vector<1x1x512x64xbf16> to vector<512x64xbf16>
      %mul3A_750 = arith.constant 512 : i32
      %mul3A_751 = arith.muli %while3A_739, %mul3A_750 : i32
      %get3A_752 = arith.constant 0 : index
      %get3A_753 = arith.constant 7 : index
      %get3A_754 = arith.index_cast %mul3A_751 : i32 to index
      %get3A_755 = arith.constant 0 : index
      %get3A_756 = vector.load %arg4[%get3A_752, %get3A_753, %get3A_754, %get3A_755] : memref<1x12x2048x64xbf16, #tpu.memory_space<vmem>>, vector<1x1x512x64xbf16>
      %get3A_757 = vector.shape_cast %get3A_756 : vector<1x1x512x64xbf16> to vector<512x64xbf16>
      %dot_general3A_758 = arith.constant dense<0.000000e+00> : vector<256x512xf32>
      %dot_general3A_759 = tpu.matmul %slice3A_257, %get3A_749, %dot_general3A_758 {dimension_numbers = #tpu.dot_dimension_numbers<[1], [1], [0], [0], [0, 0, 1, 0], [], []>, transpose_lhs_hint = false} : vector<256x64xbf16>, vector<512x64xbf16>, vector<256x512xf32> -> vector<256x512xf32>
      %mul3A_760 = arith.constant 1.250000e-01 : f32
      %mul3A_761 = vector.broadcast %mul3A_760 : f32 to vector<256x512xf32>
      %mul3A_762 = arith.mulf %dot_general3A_759, %mul3A_761 : vector<256x512xf32>
      %mul3A_763 = arith.constant 512 : i32
      %mul3A_764 = arith.muli %while3A_739, %mul3A_763 : i32
      %add3A_765 = vector.broadcast %mul3A_764 : i32 to vector<256x512xi32>
      %add3A_766 = arith.addi %iota3A_17, %add3A_765 : vector<256x512xi32>
      %gt3A = arith.cmpi sgt, %add3A_766, %add3A_16 : vector<256x512xi32>
      %jit3A_767 = arith.constant -1.000000e+09 : f32
      %broadcast_in_dim3A_768 = vector.broadcast %jit3A_767 : f32 to vector<256x512xf32>
      %select_n3A_769 = arith.select %gt3A, %broadcast_in_dim3A_768, %mul3A_762 : vector<256x512xi1>, vector<256x512xf32>
      %exp3A_770 = math.exp %select_n3A_769 : vector<256x512xf32>
      %reduce_sum3A_771 = arith.constant dense<0.000000e+00> : vector<256xf32>
      %reduce_sum3A_772 = vector.multi_reduction <add>, %exp3A_770, %reduce_sum3A_771 [1] : vector<256x512xf32> to vector<256xf32>
      %broadcast_in_dim3A_773 = vector.shape_cast %reduce_sum3A_772 : vector<256xf32> to vector<256x1xf32>
      %add3A_774 = arith.addf %while3A_740, %broadcast_in_dim3A_773 : vector<256x1xf32>
      %convert_element_type3A_775 = arith.truncf %exp3A_770 : vector<256x512xf32> to vector<256x512xbf16>
      %dot_general3A_776 = arith.constant dense<0.000000e+00> : vector<256x64xf32>
      %dot_general3A_777 = tpu.matmul %convert_element_type3A_775, %get3A_757, %dot_general3A_776 {dimension_numbers = #tpu.dot_dimension_numbers<[1], [0], [0], [1], [0, 0, 1, 1], [], []>, transpose_lhs_hint = false} : vector<256x512xbf16>, vector<512x64xbf16>, vector<256x64xf32> -> vector<256x64xf32>
      %add3A_778 = arith.addf %while3A_741, %dot_general3A_777 : vector<256x64xf32>
      scf.yield %add3A_774, %add3A_778 : vector<256x1xf32>, vector<256x64xf32>
    }
    %while3A_281 = arith.constant 1 : i32
    %while3A_282:2 = scf.for %while3A_739 = %while3A_278 to %while3A_274 step %while3A_281 iter_args(%while3A_740 = %while3A_280#0, %while3A_741 = %while3A_280#1) -> (vector<256x1xf32>, vector<256x64xf32>)  : i32 {
      %mul3A_742 = arith.constant 512 : i32
      %mul3A_743 = arith.muli %while3A_739, %mul3A_742 : i32
      %get3A_744 = arith.constant 0 : index
      %get3A_745 = arith.constant 7 : index
      %get3A_746 = arith.index_cast %mul3A_743 : i32 to index
      %get3A_747 = arith.constant 0 : index
      %get3A_748 = vector.load %arg3[%get3A_744, %get3A_745, %get3A_746, %get3A_747] : memref<1x12x2048x64xbf16, #tpu.memory_space<vmem>>, vector<1x1x512x64xbf16>
      %get3A_749 = vector.shape_cast %get3A_748 : vector<1x1x512x64xbf16> to vector<512x64xbf16>
      %mul3A_750 = arith.constant 512 : i32
      %mul3A_751 = arith.muli %while3A_739, %mul3A_750 : i32
      %get3A_752 = arith.constant 0 : index
      %get3A_753 = arith.constant 7 : index
      %get3A_754 = arith.index_cast %mul3A_751 : i32 to index
      %get3A_755 = arith.constant 0 : index
      %get3A_756 = vector.load %arg4[%get3A_752, %get3A_753, %get3A_754, %get3A_755] : memref<1x12x2048x64xbf16, #tpu.memory_space<vmem>>, vector<1x1x512x64xbf16>
      %get3A_757 = vector.shape_cast %get3A_756 : vector<1x1x512x64xbf16> to vector<512x64xbf16>
      %dot_general3A_758 = arith.constant dense<0.000000e+00> : vector<256x512xf32>
      %dot_general3A_759 = tpu.matmul %slice3A_257, %get3A_749, %dot_general3A_758 {dimension_numbers = #tpu.dot_dimension_numbers<[1], [1], [0], [0], [0, 0, 1, 0], [], []>, transpose_lhs_hint = false} : vector<256x64xbf16>, vector<512x64xbf16>, vector<256x512xf32> -> vector<256x512xf32>
      %mul3A_760 = arith.constant 1.250000e-01 : f32
      %mul3A_761 = vector.broadcast %mul3A_760 : f32 to vector<256x512xf32>
      %mul3A_762 = arith.mulf %dot_general3A_759, %mul3A_761 : vector<256x512xf32>
      %mul3A_763 = arith.constant 512 : i32
      %mul3A_764 = arith.muli %while3A_739, %mul3A_763 : i32
      %add3A_765 = vector.broadcast %mul3A_764 : i32 to vector<256x512xi32>
      %add3A_766 = arith.addi %iota3A_17, %add3A_765 : vector<256x512xi32>
      %gt3A = arith.cmpi sgt, %add3A_766, %add3A_16 : vector<256x512xi32>
      %jit3A_767 = arith.constant -1.000000e+09 : f32
      %broadcast_in_dim3A_768 = vector.broadcast %jit3A_767 : f32 to vector<256x512xf32>
      %select_n3A_769 = arith.select %gt3A, %broadcast_in_dim3A_768, %mul3A_762 : vector<256x512xi1>, vector<256x512xf32>
      %exp3A_770 = math.exp %select_n3A_769 : vector<256x512xf32>
      %reduce_sum3A_771 = arith.constant dense<0.000000e+00> : vector<256xf32>
      %reduce_sum3A_772 = vector.multi_reduction <add>, %exp3A_770, %reduce_sum3A_771 [1] : vector<256x512xf32> to vector<256xf32>
      %broadcast_in_dim3A_773 = vector.shape_cast %reduce_sum3A_772 : vector<256xf32> to vector<256x1xf32>
      %add3A_774 = arith.addf %while3A_740, %broadcast_in_dim3A_773 : vector<256x1xf32>
      %convert_element_type3A_775 = arith.truncf %exp3A_770 : vector<256x512xf32> to vector<256x512xbf16>
      %dot_general3A_776 = arith.constant dense<0.000000e+00> : vector<256x64xf32>
      %dot_general3A_777 = tpu.matmul %convert_element_type3A_775, %get3A_757, %dot_general3A_776 {dimension_numbers = #tpu.dot_dimension_numbers<[1], [0], [0], [1], [0, 0, 1, 1], [], []>, transpose_lhs_hint = false} : vector<256x512xbf16>, vector<512x64xbf16>, vector<256x64xf32> -> vector<256x64xf32>
      %add3A_778 = arith.addf %while3A_741, %dot_general3A_777 : vector<256x64xf32>
      scf.yield %add3A_774, %add3A_778 : vector<256x1xf32>, vector<256x64xf32>
    }
    %div3A_283 = vector.broadcast %while3A_282#0 : vector<256x1xf32> to vector<256x64xf32>
    %div3A_284 = arith.divf %while3A_282#1, %div3A_283 : vector<256x64xf32>
    %slice3A_285 = vector.extract_strided_slice %convert_element_type3A_13 {offsets = [0, 512], sizes = [256, 64], strides = [1, 1]} : vector<256x768xbf16> to vector<256x64xbf16>
    %broadcast_in_dim3A_286 = arith.constant 0.000000e+00 : f32
    %broadcast_in_dim3A_287 = vector.broadcast %broadcast_in_dim3A_286 : f32 to vector<256x1xf32>
    %broadcast_in_dim3A_288 = arith.constant 0.000000e+00 : f32
    %broadcast_in_dim3A_289 = vector.broadcast %broadcast_in_dim3A_288 : f32 to vector<256x64xf32>
    %while3A_290 = arith.constant 0 : i32
    %while3A_291 = arith.subi %select_n3A_63, %while3A_290 : i32
    %while3A_292 = arith.addi %while3A_290, %while3A_291 : i32
    %while3A_293 = arith.constant 1 : i32
    %while3A_294 = arith.divsi %while3A_291, %while3A_293 : i32
    %while3A_295 = arith.muli %while3A_294, %while3A_293 : i32
    %while3A_296 = arith.addi %while3A_290, %while3A_295 : i32
    %while3A_297 = arith.constant 1 : i32
    %while3A_298:2 = scf.for %while3A_739 = %while3A_290 to %while3A_296 step %while3A_297 iter_args(%while3A_740 = %broadcast_in_dim3A_287, %while3A_741 = %broadcast_in_dim3A_289) -> (vector<256x1xf32>, vector<256x64xf32>)  : i32 {
      %mul3A_742 = arith.constant 512 : i32
      %mul3A_743 = arith.muli %while3A_739, %mul3A_742 : i32
      %get3A_744 = arith.constant 0 : index
      %get3A_745 = arith.constant 8 : index
      %get3A_746 = arith.index_cast %mul3A_743 : i32 to index
      %get3A_747 = arith.constant 0 : index
      %get3A_748 = vector.load %arg3[%get3A_744, %get3A_745, %get3A_746, %get3A_747] : memref<1x12x2048x64xbf16, #tpu.memory_space<vmem>>, vector<1x1x512x64xbf16>
      %get3A_749 = vector.shape_cast %get3A_748 : vector<1x1x512x64xbf16> to vector<512x64xbf16>
      %mul3A_750 = arith.constant 512 : i32
      %mul3A_751 = arith.muli %while3A_739, %mul3A_750 : i32
      %get3A_752 = arith.constant 0 : index
      %get3A_753 = arith.constant 8 : index
      %get3A_754 = arith.index_cast %mul3A_751 : i32 to index
      %get3A_755 = arith.constant 0 : index
      %get3A_756 = vector.load %arg4[%get3A_752, %get3A_753, %get3A_754, %get3A_755] : memref<1x12x2048x64xbf16, #tpu.memory_space<vmem>>, vector<1x1x512x64xbf16>
      %get3A_757 = vector.shape_cast %get3A_756 : vector<1x1x512x64xbf16> to vector<512x64xbf16>
      %dot_general3A_758 = arith.constant dense<0.000000e+00> : vector<256x512xf32>
      %dot_general3A_759 = tpu.matmul %slice3A_285, %get3A_749, %dot_general3A_758 {dimension_numbers = #tpu.dot_dimension_numbers<[1], [1], [0], [0], [0, 0, 1, 0], [], []>, transpose_lhs_hint = false} : vector<256x64xbf16>, vector<512x64xbf16>, vector<256x512xf32> -> vector<256x512xf32>
      %mul3A_760 = arith.constant 1.250000e-01 : f32
      %mul3A_761 = vector.broadcast %mul3A_760 : f32 to vector<256x512xf32>
      %mul3A_762 = arith.mulf %dot_general3A_759, %mul3A_761 : vector<256x512xf32>
      %exp3A_763 = math.exp %mul3A_762 : vector<256x512xf32>
      %reduce_sum3A_764 = arith.constant dense<0.000000e+00> : vector<256xf32>
      %reduce_sum3A_765 = vector.multi_reduction <add>, %exp3A_763, %reduce_sum3A_764 [1] : vector<256x512xf32> to vector<256xf32>
      %broadcast_in_dim3A_766 = vector.shape_cast %reduce_sum3A_765 : vector<256xf32> to vector<256x1xf32>
      %add3A_767 = arith.addf %while3A_740, %broadcast_in_dim3A_766 : vector<256x1xf32>
      %convert_element_type3A_768 = arith.truncf %exp3A_763 : vector<256x512xf32> to vector<256x512xbf16>
      %dot_general3A_769 = arith.constant dense<0.000000e+00> : vector<256x64xf32>
      %dot_general3A_770 = tpu.matmul %convert_element_type3A_768, %get3A_757, %dot_general3A_769 {dimension_numbers = #tpu.dot_dimension_numbers<[1], [0], [0], [1], [0, 0, 1, 1], [], []>, transpose_lhs_hint = false} : vector<256x512xbf16>, vector<512x64xbf16>, vector<256x64xf32> -> vector<256x64xf32>
      %add3A_771 = arith.addf %while3A_741, %dot_general3A_770 : vector<256x64xf32>
      scf.yield %add3A_767, %add3A_771 : vector<256x1xf32>, vector<256x64xf32>
    }
    %while3A_299 = arith.constant 1 : i32
    %while3A_300:2 = scf.for %while3A_739 = %while3A_296 to %while3A_292 step %while3A_299 iter_args(%while3A_740 = %while3A_298#0, %while3A_741 = %while3A_298#1) -> (vector<256x1xf32>, vector<256x64xf32>)  : i32 {
      %mul3A_742 = arith.constant 512 : i32
      %mul3A_743 = arith.muli %while3A_739, %mul3A_742 : i32
      %get3A_744 = arith.constant 0 : index
      %get3A_745 = arith.constant 8 : index
      %get3A_746 = arith.index_cast %mul3A_743 : i32 to index
      %get3A_747 = arith.constant 0 : index
      %get3A_748 = vector.load %arg3[%get3A_744, %get3A_745, %get3A_746, %get3A_747] : memref<1x12x2048x64xbf16, #tpu.memory_space<vmem>>, vector<1x1x512x64xbf16>
      %get3A_749 = vector.shape_cast %get3A_748 : vector<1x1x512x64xbf16> to vector<512x64xbf16>
      %mul3A_750 = arith.constant 512 : i32
      %mul3A_751 = arith.muli %while3A_739, %mul3A_750 : i32
      %get3A_752 = arith.constant 0 : index
      %get3A_753 = arith.constant 8 : index
      %get3A_754 = arith.index_cast %mul3A_751 : i32 to index
      %get3A_755 = arith.constant 0 : index
      %get3A_756 = vector.load %arg4[%get3A_752, %get3A_753, %get3A_754, %get3A_755] : memref<1x12x2048x64xbf16, #tpu.memory_space<vmem>>, vector<1x1x512x64xbf16>
      %get3A_757 = vector.shape_cast %get3A_756 : vector<1x1x512x64xbf16> to vector<512x64xbf16>
      %dot_general3A_758 = arith.constant dense<0.000000e+00> : vector<256x512xf32>
      %dot_general3A_759 = tpu.matmul %slice3A_285, %get3A_749, %dot_general3A_758 {dimension_numbers = #tpu.dot_dimension_numbers<[1], [1], [0], [0], [0, 0, 1, 0], [], []>, transpose_lhs_hint = false} : vector<256x64xbf16>, vector<512x64xbf16>, vector<256x512xf32> -> vector<256x512xf32>
      %mul3A_760 = arith.constant 1.250000e-01 : f32
      %mul3A_761 = vector.broadcast %mul3A_760 : f32 to vector<256x512xf32>
      %mul3A_762 = arith.mulf %dot_general3A_759, %mul3A_761 : vector<256x512xf32>
      %exp3A_763 = math.exp %mul3A_762 : vector<256x512xf32>
      %reduce_sum3A_764 = arith.constant dense<0.000000e+00> : vector<256xf32>
      %reduce_sum3A_765 = vector.multi_reduction <add>, %exp3A_763, %reduce_sum3A_764 [1] : vector<256x512xf32> to vector<256xf32>
      %broadcast_in_dim3A_766 = vector.shape_cast %reduce_sum3A_765 : vector<256xf32> to vector<256x1xf32>
      %add3A_767 = arith.addf %while3A_740, %broadcast_in_dim3A_766 : vector<256x1xf32>
      %convert_element_type3A_768 = arith.truncf %exp3A_763 : vector<256x512xf32> to vector<256x512xbf16>
      %dot_general3A_769 = arith.constant dense<0.000000e+00> : vector<256x64xf32>
      %dot_general3A_770 = tpu.matmul %convert_element_type3A_768, %get3A_757, %dot_general3A_769 {dimension_numbers = #tpu.dot_dimension_numbers<[1], [0], [0], [1], [0, 0, 1, 1], [], []>, transpose_lhs_hint = false} : vector<256x512xbf16>, vector<512x64xbf16>, vector<256x64xf32> -> vector<256x64xf32>
      %add3A_771 = arith.addf %while3A_741, %dot_general3A_770 : vector<256x64xf32>
      scf.yield %add3A_767, %add3A_771 : vector<256x1xf32>, vector<256x64xf32>
    }
    %while3A_301 = arith.subi %add3A_37, %select_n3A_63 : i32
    %while3A_302 = arith.addi %select_n3A_63, %while3A_301 : i32
    %while3A_303 = arith.constant 1 : i32
    %while3A_304 = arith.divsi %while3A_301, %while3A_303 : i32
    %while3A_305 = arith.muli %while3A_304, %while3A_303 : i32
    %while3A_306 = arith.addi %select_n3A_63, %while3A_305 : i32
    %while3A_307 = arith.constant 1 : i32
    %while3A_308:2 = scf.for %while3A_739 = %select_n3A_63 to %while3A_306 step %while3A_307 iter_args(%while3A_740 = %while3A_300#0, %while3A_741 = %while3A_300#1) -> (vector<256x1xf32>, vector<256x64xf32>)  : i32 {
      %mul3A_742 = arith.constant 512 : i32
      %mul3A_743 = arith.muli %while3A_739, %mul3A_742 : i32
      %get3A_744 = arith.constant 0 : index
      %get3A_745 = arith.constant 8 : index
      %get3A_746 = arith.index_cast %mul3A_743 : i32 to index
      %get3A_747 = arith.constant 0 : index
      %get3A_748 = vector.load %arg3[%get3A_744, %get3A_745, %get3A_746, %get3A_747] : memref<1x12x2048x64xbf16, #tpu.memory_space<vmem>>, vector<1x1x512x64xbf16>
      %get3A_749 = vector.shape_cast %get3A_748 : vector<1x1x512x64xbf16> to vector<512x64xbf16>
      %mul3A_750 = arith.constant 512 : i32
      %mul3A_751 = arith.muli %while3A_739, %mul3A_750 : i32
      %get3A_752 = arith.constant 0 : index
      %get3A_753 = arith.constant 8 : index
      %get3A_754 = arith.index_cast %mul3A_751 : i32 to index
      %get3A_755 = arith.constant 0 : index
      %get3A_756 = vector.load %arg4[%get3A_752, %get3A_753, %get3A_754, %get3A_755] : memref<1x12x2048x64xbf16, #tpu.memory_space<vmem>>, vector<1x1x512x64xbf16>
      %get3A_757 = vector.shape_cast %get3A_756 : vector<1x1x512x64xbf16> to vector<512x64xbf16>
      %dot_general3A_758 = arith.constant dense<0.000000e+00> : vector<256x512xf32>
      %dot_general3A_759 = tpu.matmul %slice3A_285, %get3A_749, %dot_general3A_758 {dimension_numbers = #tpu.dot_dimension_numbers<[1], [1], [0], [0], [0, 0, 1, 0], [], []>, transpose_lhs_hint = false} : vector<256x64xbf16>, vector<512x64xbf16>, vector<256x512xf32> -> vector<256x512xf32>
      %mul3A_760 = arith.constant 1.250000e-01 : f32
      %mul3A_761 = vector.broadcast %mul3A_760 : f32 to vector<256x512xf32>
      %mul3A_762 = arith.mulf %dot_general3A_759, %mul3A_761 : vector<256x512xf32>
      %mul3A_763 = arith.constant 512 : i32
      %mul3A_764 = arith.muli %while3A_739, %mul3A_763 : i32
      %add3A_765 = vector.broadcast %mul3A_764 : i32 to vector<256x512xi32>
      %add3A_766 = arith.addi %iota3A_17, %add3A_765 : vector<256x512xi32>
      %gt3A = arith.cmpi sgt, %add3A_766, %add3A_16 : vector<256x512xi32>
      %jit3A_767 = arith.constant -1.000000e+09 : f32
      %broadcast_in_dim3A_768 = vector.broadcast %jit3A_767 : f32 to vector<256x512xf32>
      %select_n3A_769 = arith.select %gt3A, %broadcast_in_dim3A_768, %mul3A_762 : vector<256x512xi1>, vector<256x512xf32>
      %exp3A_770 = math.exp %select_n3A_769 : vector<256x512xf32>
      %reduce_sum3A_771 = arith.constant dense<0.000000e+00> : vector<256xf32>
      %reduce_sum3A_772 = vector.multi_reduction <add>, %exp3A_770, %reduce_sum3A_771 [1] : vector<256x512xf32> to vector<256xf32>
      %broadcast_in_dim3A_773 = vector.shape_cast %reduce_sum3A_772 : vector<256xf32> to vector<256x1xf32>
      %add3A_774 = arith.addf %while3A_740, %broadcast_in_dim3A_773 : vector<256x1xf32>
      %convert_element_type3A_775 = arith.truncf %exp3A_770 : vector<256x512xf32> to vector<256x512xbf16>
      %dot_general3A_776 = arith.constant dense<0.000000e+00> : vector<256x64xf32>
      %dot_general3A_777 = tpu.matmul %convert_element_type3A_775, %get3A_757, %dot_general3A_776 {dimension_numbers = #tpu.dot_dimension_numbers<[1], [0], [0], [1], [0, 0, 1, 1], [], []>, transpose_lhs_hint = false} : vector<256x512xbf16>, vector<512x64xbf16>, vector<256x64xf32> -> vector<256x64xf32>
      %add3A_778 = arith.addf %while3A_741, %dot_general3A_777 : vector<256x64xf32>
      scf.yield %add3A_774, %add3A_778 : vector<256x1xf32>, vector<256x64xf32>
    }
    %while3A_309 = arith.constant 1 : i32
    %while3A_310:2 = scf.for %while3A_739 = %while3A_306 to %while3A_302 step %while3A_309 iter_args(%while3A_740 = %while3A_308#0, %while3A_741 = %while3A_308#1) -> (vector<256x1xf32>, vector<256x64xf32>)  : i32 {
      %mul3A_742 = arith.constant 512 : i32
      %mul3A_743 = arith.muli %while3A_739, %mul3A_742 : i32
      %get3A_744 = arith.constant 0 : index
      %get3A_745 = arith.constant 8 : index
      %get3A_746 = arith.index_cast %mul3A_743 : i32 to index
      %get3A_747 = arith.constant 0 : index
      %get3A_748 = vector.load %arg3[%get3A_744, %get3A_745, %get3A_746, %get3A_747] : memref<1x12x2048x64xbf16, #tpu.memory_space<vmem>>, vector<1x1x512x64xbf16>
      %get3A_749 = vector.shape_cast %get3A_748 : vector<1x1x512x64xbf16> to vector<512x64xbf16>
      %mul3A_750 = arith.constant 512 : i32
      %mul3A_751 = arith.muli %while3A_739, %mul3A_750 : i32
      %get3A_752 = arith.constant 0 : index
      %get3A_753 = arith.constant 8 : index
      %get3A_754 = arith.index_cast %mul3A_751 : i32 to index
      %get3A_755 = arith.constant 0 : index
      %get3A_756 = vector.load %arg4[%get3A_752, %get3A_753, %get3A_754, %get3A_755] : memref<1x12x2048x64xbf16, #tpu.memory_space<vmem>>, vector<1x1x512x64xbf16>
      %get3A_757 = vector.shape_cast %get3A_756 : vector<1x1x512x64xbf16> to vector<512x64xbf16>
      %dot_general3A_758 = arith.constant dense<0.000000e+00> : vector<256x512xf32>
      %dot_general3A_759 = tpu.matmul %slice3A_285, %get3A_749, %dot_general3A_758 {dimension_numbers = #tpu.dot_dimension_numbers<[1], [1], [0], [0], [0, 0, 1, 0], [], []>, transpose_lhs_hint = false} : vector<256x64xbf16>, vector<512x64xbf16>, vector<256x512xf32> -> vector<256x512xf32>
      %mul3A_760 = arith.constant 1.250000e-01 : f32
      %mul3A_761 = vector.broadcast %mul3A_760 : f32 to vector<256x512xf32>
      %mul3A_762 = arith.mulf %dot_general3A_759, %mul3A_761 : vector<256x512xf32>
      %mul3A_763 = arith.constant 512 : i32
      %mul3A_764 = arith.muli %while3A_739, %mul3A_763 : i32
      %add3A_765 = vector.broadcast %mul3A_764 : i32 to vector<256x512xi32>
      %add3A_766 = arith.addi %iota3A_17, %add3A_765 : vector<256x512xi32>
      %gt3A = arith.cmpi sgt, %add3A_766, %add3A_16 : vector<256x512xi32>
      %jit3A_767 = arith.constant -1.000000e+09 : f32
      %broadcast_in_dim3A_768 = vector.broadcast %jit3A_767 : f32 to vector<256x512xf32>
      %select_n3A_769 = arith.select %gt3A, %broadcast_in_dim3A_768, %mul3A_762 : vector<256x512xi1>, vector<256x512xf32>
      %exp3A_770 = math.exp %select_n3A_769 : vector<256x512xf32>
      %reduce_sum3A_771 = arith.constant dense<0.000000e+00> : vector<256xf32>
      %reduce_sum3A_772 = vector.multi_reduction <add>, %exp3A_770, %reduce_sum3A_771 [1] : vector<256x512xf32> to vector<256xf32>
      %broadcast_in_dim3A_773 = vector.shape_cast %reduce_sum3A_772 : vector<256xf32> to vector<256x1xf32>
      %add3A_774 = arith.addf %while3A_740, %broadcast_in_dim3A_773 : vector<256x1xf32>
      %convert_element_type3A_775 = arith.truncf %exp3A_770 : vector<256x512xf32> to vector<256x512xbf16>
      %dot_general3A_776 = arith.constant dense<0.000000e+00> : vector<256x64xf32>
      %dot_general3A_777 = tpu.matmul %convert_element_type3A_775, %get3A_757, %dot_general3A_776 {dimension_numbers = #tpu.dot_dimension_numbers<[1], [0], [0], [1], [0, 0, 1, 1], [], []>, transpose_lhs_hint = false} : vector<256x512xbf16>, vector<512x64xbf16>, vector<256x64xf32> -> vector<256x64xf32>
      %add3A_778 = arith.addf %while3A_741, %dot_general3A_777 : vector<256x64xf32>
      scf.yield %add3A_774, %add3A_778 : vector<256x1xf32>, vector<256x64xf32>
    }
    %div3A_311 = vector.broadcast %while3A_310#0 : vector<256x1xf32> to vector<256x64xf32>
    %div3A_312 = arith.divf %while3A_310#1, %div3A_311 : vector<256x64xf32>
    %slice3A_313 = vector.extract_strided_slice %convert_element_type3A_13 {offsets = [0, 576], sizes = [256, 64], strides = [1, 1]} : vector<256x768xbf16> to vector<256x64xbf16>
    %broadcast_in_dim3A_314 = arith.constant 0.000000e+00 : f32
    %broadcast_in_dim3A_315 = vector.broadcast %broadcast_in_dim3A_314 : f32 to vector<256x1xf32>
    %broadcast_in_dim3A_316 = arith.constant 0.000000e+00 : f32
    %broadcast_in_dim3A_317 = vector.broadcast %broadcast_in_dim3A_316 : f32 to vector<256x64xf32>
    %while3A_318 = arith.constant 0 : i32
    %while3A_319 = arith.subi %select_n3A_63, %while3A_318 : i32
    %while3A_320 = arith.addi %while3A_318, %while3A_319 : i32
    %while3A_321 = arith.constant 1 : i32
    %while3A_322 = arith.divsi %while3A_319, %while3A_321 : i32
    %while3A_323 = arith.muli %while3A_322, %while3A_321 : i32
    %while3A_324 = arith.addi %while3A_318, %while3A_323 : i32
    %while3A_325 = arith.constant 1 : i32
    %while3A_326:2 = scf.for %while3A_739 = %while3A_318 to %while3A_324 step %while3A_325 iter_args(%while3A_740 = %broadcast_in_dim3A_315, %while3A_741 = %broadcast_in_dim3A_317) -> (vector<256x1xf32>, vector<256x64xf32>)  : i32 {
      %mul3A_742 = arith.constant 512 : i32
      %mul3A_743 = arith.muli %while3A_739, %mul3A_742 : i32
      %get3A_744 = arith.constant 0 : index
      %get3A_745 = arith.constant 9 : index
      %get3A_746 = arith.index_cast %mul3A_743 : i32 to index
      %get3A_747 = arith.constant 0 : index
      %get3A_748 = vector.load %arg3[%get3A_744, %get3A_745, %get3A_746, %get3A_747] : memref<1x12x2048x64xbf16, #tpu.memory_space<vmem>>, vector<1x1x512x64xbf16>
      %get3A_749 = vector.shape_cast %get3A_748 : vector<1x1x512x64xbf16> to vector<512x64xbf16>
      %mul3A_750 = arith.constant 512 : i32
      %mul3A_751 = arith.muli %while3A_739, %mul3A_750 : i32
      %get3A_752 = arith.constant 0 : index
      %get3A_753 = arith.constant 9 : index
      %get3A_754 = arith.index_cast %mul3A_751 : i32 to index
      %get3A_755 = arith.constant 0 : index
      %get3A_756 = vector.load %arg4[%get3A_752, %get3A_753, %get3A_754, %get3A_755] : memref<1x12x2048x64xbf16, #tpu.memory_space<vmem>>, vector<1x1x512x64xbf16>
      %get3A_757 = vector.shape_cast %get3A_756 : vector<1x1x512x64xbf16> to vector<512x64xbf16>
      %dot_general3A_758 = arith.constant dense<0.000000e+00> : vector<256x512xf32>
      %dot_general3A_759 = tpu.matmul %slice3A_313, %get3A_749, %dot_general3A_758 {dimension_numbers = #tpu.dot_dimension_numbers<[1], [1], [0], [0], [0, 0, 1, 0], [], []>, transpose_lhs_hint = false} : vector<256x64xbf16>, vector<512x64xbf16>, vector<256x512xf32> -> vector<256x512xf32>
      %mul3A_760 = arith.constant 1.250000e-01 : f32
      %mul3A_761 = vector.broadcast %mul3A_760 : f32 to vector<256x512xf32>
      %mul3A_762 = arith.mulf %dot_general3A_759, %mul3A_761 : vector<256x512xf32>
      %exp3A_763 = math.exp %mul3A_762 : vector<256x512xf32>
      %reduce_sum3A_764 = arith.constant dense<0.000000e+00> : vector<256xf32>
      %reduce_sum3A_765 = vector.multi_reduction <add>, %exp3A_763, %reduce_sum3A_764 [1] : vector<256x512xf32> to vector<256xf32>
      %broadcast_in_dim3A_766 = vector.shape_cast %reduce_sum3A_765 : vector<256xf32> to vector<256x1xf32>
      %add3A_767 = arith.addf %while3A_740, %broadcast_in_dim3A_766 : vector<256x1xf32>
      %convert_element_type3A_768 = arith.truncf %exp3A_763 : vector<256x512xf32> to vector<256x512xbf16>
      %dot_general3A_769 = arith.constant dense<0.000000e+00> : vector<256x64xf32>
      %dot_general3A_770 = tpu.matmul %convert_element_type3A_768, %get3A_757, %dot_general3A_769 {dimension_numbers = #tpu.dot_dimension_numbers<[1], [0], [0], [1], [0, 0, 1, 1], [], []>, transpose_lhs_hint = false} : vector<256x512xbf16>, vector<512x64xbf16>, vector<256x64xf32> -> vector<256x64xf32>
      %add3A_771 = arith.addf %while3A_741, %dot_general3A_770 : vector<256x64xf32>
      scf.yield %add3A_767, %add3A_771 : vector<256x1xf32>, vector<256x64xf32>
    }
    %while3A_327 = arith.constant 1 : i32
    %while3A_328:2 = scf.for %while3A_739 = %while3A_324 to %while3A_320 step %while3A_327 iter_args(%while3A_740 = %while3A_326#0, %while3A_741 = %while3A_326#1) -> (vector<256x1xf32>, vector<256x64xf32>)  : i32 {
      %mul3A_742 = arith.constant 512 : i32
      %mul3A_743 = arith.muli %while3A_739, %mul3A_742 : i32
      %get3A_744 = arith.constant 0 : index
      %get3A_745 = arith.constant 9 : index
      %get3A_746 = arith.index_cast %mul3A_743 : i32 to index
      %get3A_747 = arith.constant 0 : index
      %get3A_748 = vector.load %arg3[%get3A_744, %get3A_745, %get3A_746, %get3A_747] : memref<1x12x2048x64xbf16, #tpu.memory_space<vmem>>, vector<1x1x512x64xbf16>
      %get3A_749 = vector.shape_cast %get3A_748 : vector<1x1x512x64xbf16> to vector<512x64xbf16>
      %mul3A_750 = arith.constant 512 : i32
      %mul3A_751 = arith.muli %while3A_739, %mul3A_750 : i32
      %get3A_752 = arith.constant 0 : index
      %get3A_753 = arith.constant 9 : index
      %get3A_754 = arith.index_cast %mul3A_751 : i32 to index
      %get3A_755 = arith.constant 0 : index
      %get3A_756 = vector.load %arg4[%get3A_752, %get3A_753, %get3A_754, %get3A_755] : memref<1x12x2048x64xbf16, #tpu.memory_space<vmem>>, vector<1x1x512x64xbf16>
      %get3A_757 = vector.shape_cast %get3A_756 : vector<1x1x512x64xbf16> to vector<512x64xbf16>
      %dot_general3A_758 = arith.constant dense<0.000000e+00> : vector<256x512xf32>
      %dot_general3A_759 = tpu.matmul %slice3A_313, %get3A_749, %dot_general3A_758 {dimension_numbers = #tpu.dot_dimension_numbers<[1], [1], [0], [0], [0, 0, 1, 0], [], []>, transpose_lhs_hint = false} : vector<256x64xbf16>, vector<512x64xbf16>, vector<256x512xf32> -> vector<256x512xf32>
      %mul3A_760 = arith.constant 1.250000e-01 : f32
      %mul3A_761 = vector.broadcast %mul3A_760 : f32 to vector<256x512xf32>
      %mul3A_762 = arith.mulf %dot_general3A_759, %mul3A_761 : vector<256x512xf32>
      %exp3A_763 = math.exp %mul3A_762 : vector<256x512xf32>
      %reduce_sum3A_764 = arith.constant dense<0.000000e+00> : vector<256xf32>
      %reduce_sum3A_765 = vector.multi_reduction <add>, %exp3A_763, %reduce_sum3A_764 [1] : vector<256x512xf32> to vector<256xf32>
      %broadcast_in_dim3A_766 = vector.shape_cast %reduce_sum3A_765 : vector<256xf32> to vector<256x1xf32>
      %add3A_767 = arith.addf %while3A_740, %broadcast_in_dim3A_766 : vector<256x1xf32>
      %convert_element_type3A_768 = arith.truncf %exp3A_763 : vector<256x512xf32> to vector<256x512xbf16>
      %dot_general3A_769 = arith.constant dense<0.000000e+00> : vector<256x64xf32>
      %dot_general3A_770 = tpu.matmul %convert_element_type3A_768, %get3A_757, %dot_general3A_769 {dimension_numbers = #tpu.dot_dimension_numbers<[1], [0], [0], [1], [0, 0, 1, 1], [], []>, transpose_lhs_hint = false} : vector<256x512xbf16>, vector<512x64xbf16>, vector<256x64xf32> -> vector<256x64xf32>
      %add3A_771 = arith.addf %while3A_741, %dot_general3A_770 : vector<256x64xf32>
      scf.yield %add3A_767, %add3A_771 : vector<256x1xf32>, vector<256x64xf32>
    }
    %while3A_329 = arith.subi %add3A_37, %select_n3A_63 : i32
    %while3A_330 = arith.addi %select_n3A_63, %while3A_329 : i32
    %while3A_331 = arith.constant 1 : i32
    %while3A_332 = arith.divsi %while3A_329, %while3A_331 : i32
    %while3A_333 = arith.muli %while3A_332, %while3A_331 : i32
    %while3A_334 = arith.addi %select_n3A_63, %while3A_333 : i32
    %while3A_335 = arith.constant 1 : i32
    %while3A_336:2 = scf.for %while3A_739 = %select_n3A_63 to %while3A_334 step %while3A_335 iter_args(%while3A_740 = %while3A_328#0, %while3A_741 = %while3A_328#1) -> (vector<256x1xf32>, vector<256x64xf32>)  : i32 {
      %mul3A_742 = arith.constant 512 : i32
      %mul3A_743 = arith.muli %while3A_739, %mul3A_742 : i32
      %get3A_744 = arith.constant 0 : index
      %get3A_745 = arith.constant 9 : index
      %get3A_746 = arith.index_cast %mul3A_743 : i32 to index
      %get3A_747 = arith.constant 0 : index
      %get3A_748 = vector.load %arg3[%get3A_744, %get3A_745, %get3A_746, %get3A_747] : memref<1x12x2048x64xbf16, #tpu.memory_space<vmem>>, vector<1x1x512x64xbf16>
      %get3A_749 = vector.shape_cast %get3A_748 : vector<1x1x512x64xbf16> to vector<512x64xbf16>
      %mul3A_750 = arith.constant 512 : i32
      %mul3A_751 = arith.muli %while3A_739, %mul3A_750 : i32
      %get3A_752 = arith.constant 0 : index
      %get3A_753 = arith.constant 9 : index
      %get3A_754 = arith.index_cast %mul3A_751 : i32 to index
      %get3A_755 = arith.constant 0 : index
      %get3A_756 = vector.load %arg4[%get3A_752, %get3A_753, %get3A_754, %get3A_755] : memref<1x12x2048x64xbf16, #tpu.memory_space<vmem>>, vector<1x1x512x64xbf16>
      %get3A_757 = vector.shape_cast %get3A_756 : vector<1x1x512x64xbf16> to vector<512x64xbf16>
      %dot_general3A_758 = arith.constant dense<0.000000e+00> : vector<256x512xf32>
      %dot_general3A_759 = tpu.matmul %slice3A_313, %get3A_749, %dot_general3A_758 {dimension_numbers = #tpu.dot_dimension_numbers<[1], [1], [0], [0], [0, 0, 1, 0], [], []>, transpose_lhs_hint = false} : vector<256x64xbf16>, vector<512x64xbf16>, vector<256x512xf32> -> vector<256x512xf32>
      %mul3A_760 = arith.constant 1.250000e-01 : f32
      %mul3A_761 = vector.broadcast %mul3A_760 : f32 to vector<256x512xf32>
      %mul3A_762 = arith.mulf %dot_general3A_759, %mul3A_761 : vector<256x512xf32>
      %mul3A_763 = arith.constant 512 : i32
      %mul3A_764 = arith.muli %while3A_739, %mul3A_763 : i32
      %add3A_765 = vector.broadcast %mul3A_764 : i32 to vector<256x512xi32>
      %add3A_766 = arith.addi %iota3A_17, %add3A_765 : vector<256x512xi32>
      %gt3A = arith.cmpi sgt, %add3A_766, %add3A_16 : vector<256x512xi32>
      %jit3A_767 = arith.constant -1.000000e+09 : f32
      %broadcast_in_dim3A_768 = vector.broadcast %jit3A_767 : f32 to vector<256x512xf32>
      %select_n3A_769 = arith.select %gt3A, %broadcast_in_dim3A_768, %mul3A_762 : vector<256x512xi1>, vector<256x512xf32>
      %exp3A_770 = math.exp %select_n3A_769 : vector<256x512xf32>
      %reduce_sum3A_771 = arith.constant dense<0.000000e+00> : vector<256xf32>
      %reduce_sum3A_772 = vector.multi_reduction <add>, %exp3A_770, %reduce_sum3A_771 [1] : vector<256x512xf32> to vector<256xf32>
      %broadcast_in_dim3A_773 = vector.shape_cast %reduce_sum3A_772 : vector<256xf32> to vector<256x1xf32>
      %add3A_774 = arith.addf %while3A_740, %broadcast_in_dim3A_773 : vector<256x1xf32>
      %convert_element_type3A_775 = arith.truncf %exp3A_770 : vector<256x512xf32> to vector<256x512xbf16>
      %dot_general3A_776 = arith.constant dense<0.000000e+00> : vector<256x64xf32>
      %dot_general3A_777 = tpu.matmul %convert_element_type3A_775, %get3A_757, %dot_general3A_776 {dimension_numbers = #tpu.dot_dimension_numbers<[1], [0], [0], [1], [0, 0, 1, 1], [], []>, transpose_lhs_hint = false} : vector<256x512xbf16>, vector<512x64xbf16>, vector<256x64xf32> -> vector<256x64xf32>
      %add3A_778 = arith.addf %while3A_741, %dot_general3A_777 : vector<256x64xf32>
      scf.yield %add3A_774, %add3A_778 : vector<256x1xf32>, vector<256x64xf32>
    }
    %while3A_337 = arith.constant 1 : i32
    %while3A_338:2 = scf.for %while3A_739 = %while3A_334 to %while3A_330 step %while3A_337 iter_args(%while3A_740 = %while3A_336#0, %while3A_741 = %while3A_336#1) -> (vector<256x1xf32>, vector<256x64xf32>)  : i32 {
      %mul3A_742 = arith.constant 512 : i32
      %mul3A_743 = arith.muli %while3A_739, %mul3A_742 : i32
      %get3A_744 = arith.constant 0 : index
      %get3A_745 = arith.constant 9 : index
      %get3A_746 = arith.index_cast %mul3A_743 : i32 to index
      %get3A_747 = arith.constant 0 : index
      %get3A_748 = vector.load %arg3[%get3A_744, %get3A_745, %get3A_746, %get3A_747] : memref<1x12x2048x64xbf16, #tpu.memory_space<vmem>>, vector<1x1x512x64xbf16>
      %get3A_749 = vector.shape_cast %get3A_748 : vector<1x1x512x64xbf16> to vector<512x64xbf16>
      %mul3A_750 = arith.constant 512 : i32
      %mul3A_751 = arith.muli %while3A_739, %mul3A_750 : i32
      %get3A_752 = arith.constant 0 : index
      %get3A_753 = arith.constant 9 : index
      %get3A_754 = arith.index_cast %mul3A_751 : i32 to index
      %get3A_755 = arith.constant 0 : index
      %get3A_756 = vector.load %arg4[%get3A_752, %get3A_753, %get3A_754, %get3A_755] : memref<1x12x2048x64xbf16, #tpu.memory_space<vmem>>, vector<1x1x512x64xbf16>
      %get3A_757 = vector.shape_cast %get3A_756 : vector<1x1x512x64xbf16> to vector<512x64xbf16>
      %dot_general3A_758 = arith.constant dense<0.000000e+00> : vector<256x512xf32>
      %dot_general3A_759 = tpu.matmul %slice3A_313, %get3A_749, %dot_general3A_758 {dimension_numbers = #tpu.dot_dimension_numbers<[1], [1], [0], [0], [0, 0, 1, 0], [], []>, transpose_lhs_hint = false} : vector<256x64xbf16>, vector<512x64xbf16>, vector<256x512xf32> -> vector<256x512xf32>
      %mul3A_760 = arith.constant 1.250000e-01 : f32
      %mul3A_761 = vector.broadcast %mul3A_760 : f32 to vector<256x512xf32>
      %mul3A_762 = arith.mulf %dot_general3A_759, %mul3A_761 : vector<256x512xf32>
      %mul3A_763 = arith.constant 512 : i32
      %mul3A_764 = arith.muli %while3A_739, %mul3A_763 : i32
      %add3A_765 = vector.broadcast %mul3A_764 : i32 to vector<256x512xi32>
      %add3A_766 = arith.addi %iota3A_17, %add3A_765 : vector<256x512xi32>
      %gt3A = arith.cmpi sgt, %add3A_766, %add3A_16 : vector<256x512xi32>
      %jit3A_767 = arith.constant -1.000000e+09 : f32
      %broadcast_in_dim3A_768 = vector.broadcast %jit3A_767 : f32 to vector<256x512xf32>
      %select_n3A_769 = arith.select %gt3A, %broadcast_in_dim3A_768, %mul3A_762 : vector<256x512xi1>, vector<256x512xf32>
      %exp3A_770 = math.exp %select_n3A_769 : vector<256x512xf32>
      %reduce_sum3A_771 = arith.constant dense<0.000000e+00> : vector<256xf32>
      %reduce_sum3A_772 = vector.multi_reduction <add>, %exp3A_770, %reduce_sum3A_771 [1] : vector<256x512xf32> to vector<256xf32>
      %broadcast_in_dim3A_773 = vector.shape_cast %reduce_sum3A_772 : vector<256xf32> to vector<256x1xf32>
      %add3A_774 = arith.addf %while3A_740, %broadcast_in_dim3A_773 : vector<256x1xf32>
      %convert_element_type3A_775 = arith.truncf %exp3A_770 : vector<256x512xf32> to vector<256x512xbf16>
      %dot_general3A_776 = arith.constant dense<0.000000e+00> : vector<256x64xf32>
      %dot_general3A_777 = tpu.matmul %convert_element_type3A_775, %get3A_757, %dot_general3A_776 {dimension_numbers = #tpu.dot_dimension_numbers<[1], [0], [0], [1], [0, 0, 1, 1], [], []>, transpose_lhs_hint = false} : vector<256x512xbf16>, vector<512x64xbf16>, vector<256x64xf32> -> vector<256x64xf32>
      %add3A_778 = arith.addf %while3A_741, %dot_general3A_777 : vector<256x64xf32>
      scf.yield %add3A_774, %add3A_778 : vector<256x1xf32>, vector<256x64xf32>
    }
    %div3A_339 = vector.broadcast %while3A_338#0 : vector<256x1xf32> to vector<256x64xf32>
    %div3A_340 = arith.divf %while3A_338#1, %div3A_339 : vector<256x64xf32>
    %slice3A_341 = vector.extract_strided_slice %convert_element_type3A_13 {offsets = [0, 640], sizes = [256, 64], strides = [1, 1]} : vector<256x768xbf16> to vector<256x64xbf16>
    %broadcast_in_dim3A_342 = arith.constant 0.000000e+00 : f32
    %broadcast_in_dim3A_343 = vector.broadcast %broadcast_in_dim3A_342 : f32 to vector<256x1xf32>
    %broadcast_in_dim3A_344 = arith.constant 0.000000e+00 : f32
    %broadcast_in_dim3A_345 = vector.broadcast %broadcast_in_dim3A_344 : f32 to vector<256x64xf32>
    %while3A_346 = arith.constant 0 : i32
    %while3A_347 = arith.subi %select_n3A_63, %while3A_346 : i32
    %while3A_348 = arith.addi %while3A_346, %while3A_347 : i32
    %while3A_349 = arith.constant 1 : i32
    %while3A_350 = arith.divsi %while3A_347, %while3A_349 : i32
    %while3A_351 = arith.muli %while3A_350, %while3A_349 : i32
    %while3A_352 = arith.addi %while3A_346, %while3A_351 : i32
    %while3A_353 = arith.constant 1 : i32
    %while3A_354:2 = scf.for %while3A_739 = %while3A_346 to %while3A_352 step %while3A_353 iter_args(%while3A_740 = %broadcast_in_dim3A_343, %while3A_741 = %broadcast_in_dim3A_345) -> (vector<256x1xf32>, vector<256x64xf32>)  : i32 {
      %mul3A_742 = arith.constant 512 : i32
      %mul3A_743 = arith.muli %while3A_739, %mul3A_742 : i32
      %get3A_744 = arith.constant 0 : index
      %get3A_745 = arith.constant 10 : index
      %get3A_746 = arith.index_cast %mul3A_743 : i32 to index
      %get3A_747 = arith.constant 0 : index
      %get3A_748 = vector.load %arg3[%get3A_744, %get3A_745, %get3A_746, %get3A_747] : memref<1x12x2048x64xbf16, #tpu.memory_space<vmem>>, vector<1x1x512x64xbf16>
      %get3A_749 = vector.shape_cast %get3A_748 : vector<1x1x512x64xbf16> to vector<512x64xbf16>
      %mul3A_750 = arith.constant 512 : i32
      %mul3A_751 = arith.muli %while3A_739, %mul3A_750 : i32
      %get3A_752 = arith.constant 0 : index
      %get3A_753 = arith.constant 10 : index
      %get3A_754 = arith.index_cast %mul3A_751 : i32 to index
      %get3A_755 = arith.constant 0 : index
      %get3A_756 = vector.load %arg4[%get3A_752, %get3A_753, %get3A_754, %get3A_755] : memref<1x12x2048x64xbf16, #tpu.memory_space<vmem>>, vector<1x1x512x64xbf16>
      %get3A_757 = vector.shape_cast %get3A_756 : vector<1x1x512x64xbf16> to vector<512x64xbf16>
      %dot_general3A_758 = arith.constant dense<0.000000e+00> : vector<256x512xf32>
      %dot_general3A_759 = tpu.matmul %slice3A_341, %get3A_749, %dot_general3A_758 {dimension_numbers = #tpu.dot_dimension_numbers<[1], [1], [0], [0], [0, 0, 1, 0], [], []>, transpose_lhs_hint = false} : vector<256x64xbf16>, vector<512x64xbf16>, vector<256x512xf32> -> vector<256x512xf32>
      %mul3A_760 = arith.constant 1.250000e-01 : f32
      %mul3A_761 = vector.broadcast %mul3A_760 : f32 to vector<256x512xf32>
      %mul3A_762 = arith.mulf %dot_general3A_759, %mul3A_761 : vector<256x512xf32>
      %exp3A_763 = math.exp %mul3A_762 : vector<256x512xf32>
      %reduce_sum3A_764 = arith.constant dense<0.000000e+00> : vector<256xf32>
      %reduce_sum3A_765 = vector.multi_reduction <add>, %exp3A_763, %reduce_sum3A_764 [1] : vector<256x512xf32> to vector<256xf32>
      %broadcast_in_dim3A_766 = vector.shape_cast %reduce_sum3A_765 : vector<256xf32> to vector<256x1xf32>
      %add3A_767 = arith.addf %while3A_740, %broadcast_in_dim3A_766 : vector<256x1xf32>
      %convert_element_type3A_768 = arith.truncf %exp3A_763 : vector<256x512xf32> to vector<256x512xbf16>
      %dot_general3A_769 = arith.constant dense<0.000000e+00> : vector<256x64xf32>
      %dot_general3A_770 = tpu.matmul %convert_element_type3A_768, %get3A_757, %dot_general3A_769 {dimension_numbers = #tpu.dot_dimension_numbers<[1], [0], [0], [1], [0, 0, 1, 1], [], []>, transpose_lhs_hint = false} : vector<256x512xbf16>, vector<512x64xbf16>, vector<256x64xf32> -> vector<256x64xf32>
      %add3A_771 = arith.addf %while3A_741, %dot_general3A_770 : vector<256x64xf32>
      scf.yield %add3A_767, %add3A_771 : vector<256x1xf32>, vector<256x64xf32>
    }
    %while3A_355 = arith.constant 1 : i32
    %while3A_356:2 = scf.for %while3A_739 = %while3A_352 to %while3A_348 step %while3A_355 iter_args(%while3A_740 = %while3A_354#0, %while3A_741 = %while3A_354#1) -> (vector<256x1xf32>, vector<256x64xf32>)  : i32 {
      %mul3A_742 = arith.constant 512 : i32
      %mul3A_743 = arith.muli %while3A_739, %mul3A_742 : i32
      %get3A_744 = arith.constant 0 : index
      %get3A_745 = arith.constant 10 : index
      %get3A_746 = arith.index_cast %mul3A_743 : i32 to index
      %get3A_747 = arith.constant 0 : index
      %get3A_748 = vector.load %arg3[%get3A_744, %get3A_745, %get3A_746, %get3A_747] : memref<1x12x2048x64xbf16, #tpu.memory_space<vmem>>, vector<1x1x512x64xbf16>
      %get3A_749 = vector.shape_cast %get3A_748 : vector<1x1x512x64xbf16> to vector<512x64xbf16>
      %mul3A_750 = arith.constant 512 : i32
      %mul3A_751 = arith.muli %while3A_739, %mul3A_750 : i32
      %get3A_752 = arith.constant 0 : index
      %get3A_753 = arith.constant 10 : index
      %get3A_754 = arith.index_cast %mul3A_751 : i32 to index
      %get3A_755 = arith.constant 0 : index
      %get3A_756 = vector.load %arg4[%get3A_752, %get3A_753, %get3A_754, %get3A_755] : memref<1x12x2048x64xbf16, #tpu.memory_space<vmem>>, vector<1x1x512x64xbf16>
      %get3A_757 = vector.shape_cast %get3A_756 : vector<1x1x512x64xbf16> to vector<512x64xbf16>
      %dot_general3A_758 = arith.constant dense<0.000000e+00> : vector<256x512xf32>
      %dot_general3A_759 = tpu.matmul %slice3A_341, %get3A_749, %dot_general3A_758 {dimension_numbers = #tpu.dot_dimension_numbers<[1], [1], [0], [0], [0, 0, 1, 0], [], []>, transpose_lhs_hint = false} : vector<256x64xbf16>, vector<512x64xbf16>, vector<256x512xf32> -> vector<256x512xf32>
      %mul3A_760 = arith.constant 1.250000e-01 : f32
      %mul3A_761 = vector.broadcast %mul3A_760 : f32 to vector<256x512xf32>
      %mul3A_762 = arith.mulf %dot_general3A_759, %mul3A_761 : vector<256x512xf32>
      %exp3A_763 = math.exp %mul3A_762 : vector<256x512xf32>
      %reduce_sum3A_764 = arith.constant dense<0.000000e+00> : vector<256xf32>
      %reduce_sum3A_765 = vector.multi_reduction <add>, %exp3A_763, %reduce_sum3A_764 [1] : vector<256x512xf32> to vector<256xf32>
      %broadcast_in_dim3A_766 = vector.shape_cast %reduce_sum3A_765 : vector<256xf32> to vector<256x1xf32>
      %add3A_767 = arith.addf %while3A_740, %broadcast_in_dim3A_766 : vector<256x1xf32>
      %convert_element_type3A_768 = arith.truncf %exp3A_763 : vector<256x512xf32> to vector<256x512xbf16>
      %dot_general3A_769 = arith.constant dense<0.000000e+00> : vector<256x64xf32>
      %dot_general3A_770 = tpu.matmul %convert_element_type3A_768, %get3A_757, %dot_general3A_769 {dimension_numbers = #tpu.dot_dimension_numbers<[1], [0], [0], [1], [0, 0, 1, 1], [], []>, transpose_lhs_hint = false} : vector<256x512xbf16>, vector<512x64xbf16>, vector<256x64xf32> -> vector<256x64xf32>
      %add3A_771 = arith.addf %while3A_741, %dot_general3A_770 : vector<256x64xf32>
      scf.yield %add3A_767, %add3A_771 : vector<256x1xf32>, vector<256x64xf32>
    }
    %while3A_357 = arith.subi %add3A_37, %select_n3A_63 : i32
    %while3A_358 = arith.addi %select_n3A_63, %while3A_357 : i32
    %while3A_359 = arith.constant 1 : i32
    %while3A_360 = arith.divsi %while3A_357, %while3A_359 : i32
    %while3A_361 = arith.muli %while3A_360, %while3A_359 : i32
    %while3A_362 = arith.addi %select_n3A_63, %while3A_361 : i32
    %while3A_363 = arith.constant 1 : i32
    %while3A_364:2 = scf.for %while3A_739 = %select_n3A_63 to %while3A_362 step %while3A_363 iter_args(%while3A_740 = %while3A_356#0, %while3A_741 = %while3A_356#1) -> (vector<256x1xf32>, vector<256x64xf32>)  : i32 {
      %mul3A_742 = arith.constant 512 : i32
      %mul3A_743 = arith.muli %while3A_739, %mul3A_742 : i32
      %get3A_744 = arith.constant 0 : index
      %get3A_745 = arith.constant 10 : index
      %get3A_746 = arith.index_cast %mul3A_743 : i32 to index
      %get3A_747 = arith.constant 0 : index
      %get3A_748 = vector.load %arg3[%get3A_744, %get3A_745, %get3A_746, %get3A_747] : memref<1x12x2048x64xbf16, #tpu.memory_space<vmem>>, vector<1x1x512x64xbf16>
      %get3A_749 = vector.shape_cast %get3A_748 : vector<1x1x512x64xbf16> to vector<512x64xbf16>
      %mul3A_750 = arith.constant 512 : i32
      %mul3A_751 = arith.muli %while3A_739, %mul3A_750 : i32
      %get3A_752 = arith.constant 0 : index
      %get3A_753 = arith.constant 10 : index
      %get3A_754 = arith.index_cast %mul3A_751 : i32 to index
      %get3A_755 = arith.constant 0 : index
      %get3A_756 = vector.load %arg4[%get3A_752, %get3A_753, %get3A_754, %get3A_755] : memref<1x12x2048x64xbf16, #tpu.memory_space<vmem>>, vector<1x1x512x64xbf16>
      %get3A_757 = vector.shape_cast %get3A_756 : vector<1x1x512x64xbf16> to vector<512x64xbf16>
      %dot_general3A_758 = arith.constant dense<0.000000e+00> : vector<256x512xf32>
      %dot_general3A_759 = tpu.matmul %slice3A_341, %get3A_749, %dot_general3A_758 {dimension_numbers = #tpu.dot_dimension_numbers<[1], [1], [0], [0], [0, 0, 1, 0], [], []>, transpose_lhs_hint = false} : vector<256x64xbf16>, vector<512x64xbf16>, vector<256x512xf32> -> vector<256x512xf32>
      %mul3A_760 = arith.constant 1.250000e-01 : f32
      %mul3A_761 = vector.broadcast %mul3A_760 : f32 to vector<256x512xf32>
      %mul3A_762 = arith.mulf %dot_general3A_759, %mul3A_761 : vector<256x512xf32>
      %mul3A_763 = arith.constant 512 : i32
      %mul3A_764 = arith.muli %while3A_739, %mul3A_763 : i32
      %add3A_765 = vector.broadcast %mul3A_764 : i32 to vector<256x512xi32>
      %add3A_766 = arith.addi %iota3A_17, %add3A_765 : vector<256x512xi32>
      %gt3A = arith.cmpi sgt, %add3A_766, %add3A_16 : vector<256x512xi32>
      %jit3A_767 = arith.constant -1.000000e+09 : f32
      %broadcast_in_dim3A_768 = vector.broadcast %jit3A_767 : f32 to vector<256x512xf32>
      %select_n3A_769 = arith.select %gt3A, %broadcast_in_dim3A_768, %mul3A_762 : vector<256x512xi1>, vector<256x512xf32>
      %exp3A_770 = math.exp %select_n3A_769 : vector<256x512xf32>
      %reduce_sum3A_771 = arith.constant dense<0.000000e+00> : vector<256xf32>
      %reduce_sum3A_772 = vector.multi_reduction <add>, %exp3A_770, %reduce_sum3A_771 [1] : vector<256x512xf32> to vector<256xf32>
      %broadcast_in_dim3A_773 = vector.shape_cast %reduce_sum3A_772 : vector<256xf32> to vector<256x1xf32>
      %add3A_774 = arith.addf %while3A_740, %broadcast_in_dim3A_773 : vector<256x1xf32>
      %convert_element_type3A_775 = arith.truncf %exp3A_770 : vector<256x512xf32> to vector<256x512xbf16>
      %dot_general3A_776 = arith.constant dense<0.000000e+00> : vector<256x64xf32>
      %dot_general3A_777 = tpu.matmul %convert_element_type3A_775, %get3A_757, %dot_general3A_776 {dimension_numbers = #tpu.dot_dimension_numbers<[1], [0], [0], [1], [0, 0, 1, 1], [], []>, transpose_lhs_hint = false} : vector<256x512xbf16>, vector<512x64xbf16>, vector<256x64xf32> -> vector<256x64xf32>
      %add3A_778 = arith.addf %while3A_741, %dot_general3A_777 : vector<256x64xf32>
      scf.yield %add3A_774, %add3A_778 : vector<256x1xf32>, vector<256x64xf32>
    }
    %while3A_365 = arith.constant 1 : i32
    %while3A_366:2 = scf.for %while3A_739 = %while3A_362 to %while3A_358 step %while3A_365 iter_args(%while3A_740 = %while3A_364#0, %while3A_741 = %while3A_364#1) -> (vector<256x1xf32>, vector<256x64xf32>)  : i32 {
      %mul3A_742 = arith.constant 512 : i32
      %mul3A_743 = arith.muli %while3A_739, %mul3A_742 : i32
      %get3A_744 = arith.constant 0 : index
      %get3A_745 = arith.constant 10 : index
      %get3A_746 = arith.index_cast %mul3A_743 : i32 to index
      %get3A_747 = arith.constant 0 : index
      %get3A_748 = vector.load %arg3[%get3A_744, %get3A_745, %get3A_746, %get3A_747] : memref<1x12x2048x64xbf16, #tpu.memory_space<vmem>>, vector<1x1x512x64xbf16>
      %get3A_749 = vector.shape_cast %get3A_748 : vector<1x1x512x64xbf16> to vector<512x64xbf16>
      %mul3A_750 = arith.constant 512 : i32
      %mul3A_751 = arith.muli %while3A_739, %mul3A_750 : i32
      %get3A_752 = arith.constant 0 : index
      %get3A_753 = arith.constant 10 : index
      %get3A_754 = arith.index_cast %mul3A_751 : i32 to index
      %get3A_755 = arith.constant 0 : index
      %get3A_756 = vector.load %arg4[%get3A_752, %get3A_753, %get3A_754, %get3A_755] : memref<1x12x2048x64xbf16, #tpu.memory_space<vmem>>, vector<1x1x512x64xbf16>
      %get3A_757 = vector.shape_cast %get3A_756 : vector<1x1x512x64xbf16> to vector<512x64xbf16>
      %dot_general3A_758 = arith.constant dense<0.000000e+00> : vector<256x512xf32>
      %dot_general3A_759 = tpu.matmul %slice3A_341, %get3A_749, %dot_general3A_758 {dimension_numbers = #tpu.dot_dimension_numbers<[1], [1], [0], [0], [0, 0, 1, 0], [], []>, transpose_lhs_hint = false} : vector<256x64xbf16>, vector<512x64xbf16>, vector<256x512xf32> -> vector<256x512xf32>
      %mul3A_760 = arith.constant 1.250000e-01 : f32
      %mul3A_761 = vector.broadcast %mul3A_760 : f32 to vector<256x512xf32>
      %mul3A_762 = arith.mulf %dot_general3A_759, %mul3A_761 : vector<256x512xf32>
      %mul3A_763 = arith.constant 512 : i32
      %mul3A_764 = arith.muli %while3A_739, %mul3A_763 : i32
      %add3A_765 = vector.broadcast %mul3A_764 : i32 to vector<256x512xi32>
      %add3A_766 = arith.addi %iota3A_17, %add3A_765 : vector<256x512xi32>
      %gt3A = arith.cmpi sgt, %add3A_766, %add3A_16 : vector<256x512xi32>
      %jit3A_767 = arith.constant -1.000000e+09 : f32
      %broadcast_in_dim3A_768 = vector.broadcast %jit3A_767 : f32 to vector<256x512xf32>
      %select_n3A_769 = arith.select %gt3A, %broadcast_in_dim3A_768, %mul3A_762 : vector<256x512xi1>, vector<256x512xf32>
      %exp3A_770 = math.exp %select_n3A_769 : vector<256x512xf32>
      %reduce_sum3A_771 = arith.constant dense<0.000000e+00> : vector<256xf32>
      %reduce_sum3A_772 = vector.multi_reduction <add>, %exp3A_770, %reduce_sum3A_771 [1] : vector<256x512xf32> to vector<256xf32>
      %broadcast_in_dim3A_773 = vector.shape_cast %reduce_sum3A_772 : vector<256xf32> to vector<256x1xf32>
      %add3A_774 = arith.addf %while3A_740, %broadcast_in_dim3A_773 : vector<256x1xf32>
      %convert_element_type3A_775 = arith.truncf %exp3A_770 : vector<256x512xf32> to vector<256x512xbf16>
      %dot_general3A_776 = arith.constant dense<0.000000e+00> : vector<256x64xf32>
      %dot_general3A_777 = tpu.matmul %convert_element_type3A_775, %get3A_757, %dot_general3A_776 {dimension_numbers = #tpu.dot_dimension_numbers<[1], [0], [0], [1], [0, 0, 1, 1], [], []>, transpose_lhs_hint = false} : vector<256x512xbf16>, vector<512x64xbf16>, vector<256x64xf32> -> vector<256x64xf32>
      %add3A_778 = arith.addf %while3A_741, %dot_general3A_777 : vector<256x64xf32>
      scf.yield %add3A_774, %add3A_778 : vector<256x1xf32>, vector<256x64xf32>
    }
    %div3A_367 = vector.broadcast %while3A_366#0 : vector<256x1xf32> to vector<256x64xf32>
    %div3A_368 = arith.divf %while3A_366#1, %div3A_367 : vector<256x64xf32>
    %slice3A_369 = vector.extract_strided_slice %convert_element_type3A_13 {offsets = [0, 704], sizes = [256, 64], strides = [1, 1]} : vector<256x768xbf16> to vector<256x64xbf16>
    %broadcast_in_dim3A_370 = arith.constant 0.000000e+00 : f32
    %broadcast_in_dim3A_371 = vector.broadcast %broadcast_in_dim3A_370 : f32 to vector<256x1xf32>
    %broadcast_in_dim3A_372 = arith.constant 0.000000e+00 : f32
    %broadcast_in_dim3A_373 = vector.broadcast %broadcast_in_dim3A_372 : f32 to vector<256x64xf32>
    %while3A_374 = arith.constant 0 : i32
    %while3A_375 = arith.subi %select_n3A_63, %while3A_374 : i32
    %while3A_376 = arith.addi %while3A_374, %while3A_375 : i32
    %while3A_377 = arith.constant 1 : i32
    %while3A_378 = arith.divsi %while3A_375, %while3A_377 : i32
    %while3A_379 = arith.muli %while3A_378, %while3A_377 : i32
    %while3A_380 = arith.addi %while3A_374, %while3A_379 : i32
    %while3A_381 = arith.constant 1 : i32
    %while3A_382:2 = scf.for %while3A_739 = %while3A_374 to %while3A_380 step %while3A_381 iter_args(%while3A_740 = %broadcast_in_dim3A_371, %while3A_741 = %broadcast_in_dim3A_373) -> (vector<256x1xf32>, vector<256x64xf32>)  : i32 {
      %mul3A_742 = arith.constant 512 : i32
      %mul3A_743 = arith.muli %while3A_739, %mul3A_742 : i32
      %get3A_744 = arith.constant 0 : index
      %get3A_745 = arith.constant 11 : index
      %get3A_746 = arith.index_cast %mul3A_743 : i32 to index
      %get3A_747 = arith.constant 0 : index
      %get3A_748 = vector.load %arg3[%get3A_744, %get3A_745, %get3A_746, %get3A_747] : memref<1x12x2048x64xbf16, #tpu.memory_space<vmem>>, vector<1x1x512x64xbf16>
      %get3A_749 = vector.shape_cast %get3A_748 : vector<1x1x512x64xbf16> to vector<512x64xbf16>
      %mul3A_750 = arith.constant 512 : i32
      %mul3A_751 = arith.muli %while3A_739, %mul3A_750 : i32
      %get3A_752 = arith.constant 0 : index
      %get3A_753 = arith.constant 11 : index
      %get3A_754 = arith.index_cast %mul3A_751 : i32 to index
      %get3A_755 = arith.constant 0 : index
      %get3A_756 = vector.load %arg4[%get3A_752, %get3A_753, %get3A_754, %get3A_755] : memref<1x12x2048x64xbf16, #tpu.memory_space<vmem>>, vector<1x1x512x64xbf16>
      %get3A_757 = vector.shape_cast %get3A_756 : vector<1x1x512x64xbf16> to vector<512x64xbf16>
      %dot_general3A_758 = arith.constant dense<0.000000e+00> : vector<256x512xf32>
      %dot_general3A_759 = tpu.matmul %slice3A_369, %get3A_749, %dot_general3A_758 {dimension_numbers = #tpu.dot_dimension_numbers<[1], [1], [0], [0], [0, 0, 1, 0], [], []>, transpose_lhs_hint = false} : vector<256x64xbf16>, vector<512x64xbf16>, vector<256x512xf32> -> vector<256x512xf32>
      %mul3A_760 = arith.constant 1.250000e-01 : f32
      %mul3A_761 = vector.broadcast %mul3A_760 : f32 to vector<256x512xf32>
      %mul3A_762 = arith.mulf %dot_general3A_759, %mul3A_761 : vector<256x512xf32>
      %exp3A_763 = math.exp %mul3A_762 : vector<256x512xf32>
      %reduce_sum3A_764 = arith.constant dense<0.000000e+00> : vector<256xf32>
      %reduce_sum3A_765 = vector.multi_reduction <add>, %exp3A_763, %reduce_sum3A_764 [1] : vector<256x512xf32> to vector<256xf32>
      %broadcast_in_dim3A_766 = vector.shape_cast %reduce_sum3A_765 : vector<256xf32> to vector<256x1xf32>
      %add3A_767 = arith.addf %while3A_740, %broadcast_in_dim3A_766 : vector<256x1xf32>
      %convert_element_type3A_768 = arith.truncf %exp3A_763 : vector<256x512xf32> to vector<256x512xbf16>
      %dot_general3A_769 = arith.constant dense<0.000000e+00> : vector<256x64xf32>
      %dot_general3A_770 = tpu.matmul %convert_element_type3A_768, %get3A_757, %dot_general3A_769 {dimension_numbers = #tpu.dot_dimension_numbers<[1], [0], [0], [1], [0, 0, 1, 1], [], []>, transpose_lhs_hint = false} : vector<256x512xbf16>, vector<512x64xbf16>, vector<256x64xf32> -> vector<256x64xf32>
      %add3A_771 = arith.addf %while3A_741, %dot_general3A_770 : vector<256x64xf32>
      scf.yield %add3A_767, %add3A_771 : vector<256x1xf32>, vector<256x64xf32>
    }
    %while3A_383 = arith.constant 1 : i32
    %while3A_384:2 = scf.for %while3A_739 = %while3A_380 to %while3A_376 step %while3A_383 iter_args(%while3A_740 = %while3A_382#0, %while3A_741 = %while3A_382#1) -> (vector<256x1xf32>, vector<256x64xf32>)  : i32 {
      %mul3A_742 = arith.constant 512 : i32
      %mul3A_743 = arith.muli %while3A_739, %mul3A_742 : i32
      %get3A_744 = arith.constant 0 : index
      %get3A_745 = arith.constant 11 : index
      %get3A_746 = arith.index_cast %mul3A_743 : i32 to index
      %get3A_747 = arith.constant 0 : index
      %get3A_748 = vector.load %arg3[%get3A_744, %get3A_745, %get3A_746, %get3A_747] : memref<1x12x2048x64xbf16, #tpu.memory_space<vmem>>, vector<1x1x512x64xbf16>
      %get3A_749 = vector.shape_cast %get3A_748 : vector<1x1x512x64xbf16> to vector<512x64xbf16>
      %mul3A_750 = arith.constant 512 : i32
      %mul3A_751 = arith.muli %while3A_739, %mul3A_750 : i32
      %get3A_752 = arith.constant 0 : index
      %get3A_753 = arith.constant 11 : index
      %get3A_754 = arith.index_cast %mul3A_751 : i32 to index
      %get3A_755 = arith.constant 0 : index
      %get3A_756 = vector.load %arg4[%get3A_752, %get3A_753, %get3A_754, %get3A_755] : memref<1x12x2048x64xbf16, #tpu.memory_space<vmem>>, vector<1x1x512x64xbf16>
      %get3A_757 = vector.shape_cast %get3A_756 : vector<1x1x512x64xbf16> to vector<512x64xbf16>
      %dot_general3A_758 = arith.constant dense<0.000000e+00> : vector<256x512xf32>
      %dot_general3A_759 = tpu.matmul %slice3A_369, %get3A_749, %dot_general3A_758 {dimension_numbers = #tpu.dot_dimension_numbers<[1], [1], [0], [0], [0, 0, 1, 0], [], []>, transpose_lhs_hint = false} : vector<256x64xbf16>, vector<512x64xbf16>, vector<256x512xf32> -> vector<256x512xf32>
      %mul3A_760 = arith.constant 1.250000e-01 : f32
      %mul3A_761 = vector.broadcast %mul3A_760 : f32 to vector<256x512xf32>
      %mul3A_762 = arith.mulf %dot_general3A_759, %mul3A_761 : vector<256x512xf32>
      %exp3A_763 = math.exp %mul3A_762 : vector<256x512xf32>
      %reduce_sum3A_764 = arith.constant dense<0.000000e+00> : vector<256xf32>
      %reduce_sum3A_765 = vector.multi_reduction <add>, %exp3A_763, %reduce_sum3A_764 [1] : vector<256x512xf32> to vector<256xf32>
      %broadcast_in_dim3A_766 = vector.shape_cast %reduce_sum3A_765 : vector<256xf32> to vector<256x1xf32>
      %add3A_767 = arith.addf %while3A_740, %broadcast_in_dim3A_766 : vector<256x1xf32>
      %convert_element_type3A_768 = arith.truncf %exp3A_763 : vector<256x512xf32> to vector<256x512xbf16>
      %dot_general3A_769 = arith.constant dense<0.000000e+00> : vector<256x64xf32>
      %dot_general3A_770 = tpu.matmul %convert_element_type3A_768, %get3A_757, %dot_general3A_769 {dimension_numbers = #tpu.dot_dimension_numbers<[1], [0], [0], [1], [0, 0, 1, 1], [], []>, transpose_lhs_hint = false} : vector<256x512xbf16>, vector<512x64xbf16>, vector<256x64xf32> -> vector<256x64xf32>
      %add3A_771 = arith.addf %while3A_741, %dot_general3A_770 : vector<256x64xf32>
      scf.yield %add3A_767, %add3A_771 : vector<256x1xf32>, vector<256x64xf32>
    }
    %while3A_385 = arith.subi %add3A_37, %select_n3A_63 : i32
    %while3A_386 = arith.addi %select_n3A_63, %while3A_385 : i32
    %while3A_387 = arith.constant 1 : i32
    %while3A_388 = arith.divsi %while3A_385, %while3A_387 : i32
    %while3A_389 = arith.muli %while3A_388, %while3A_387 : i32
    %while3A_390 = arith.addi %select_n3A_63, %while3A_389 : i32
    %while3A_391 = arith.constant 1 : i32
    %while3A_392:2 = scf.for %while3A_739 = %select_n3A_63 to %while3A_390 step %while3A_391 iter_args(%while3A_740 = %while3A_384#0, %while3A_741 = %while3A_384#1) -> (vector<256x1xf32>, vector<256x64xf32>)  : i32 {
      %mul3A_742 = arith.constant 512 : i32
      %mul3A_743 = arith.muli %while3A_739, %mul3A_742 : i32
      %get3A_744 = arith.constant 0 : index
      %get3A_745 = arith.constant 11 : index
      %get3A_746 = arith.index_cast %mul3A_743 : i32 to index
      %get3A_747 = arith.constant 0 : index
      %get3A_748 = vector.load %arg3[%get3A_744, %get3A_745, %get3A_746, %get3A_747] : memref<1x12x2048x64xbf16, #tpu.memory_space<vmem>>, vector<1x1x512x64xbf16>
      %get3A_749 = vector.shape_cast %get3A_748 : vector<1x1x512x64xbf16> to vector<512x64xbf16>
      %mul3A_750 = arith.constant 512 : i32
      %mul3A_751 = arith.muli %while3A_739, %mul3A_750 : i32
      %get3A_752 = arith.constant 0 : index
      %get3A_753 = arith.constant 11 : index
      %get3A_754 = arith.index_cast %mul3A_751 : i32 to index
      %get3A_755 = arith.constant 0 : index
      %get3A_756 = vector.load %arg4[%get3A_752, %get3A_753, %get3A_754, %get3A_755] : memref<1x12x2048x64xbf16, #tpu.memory_space<vmem>>, vector<1x1x512x64xbf16>
      %get3A_757 = vector.shape_cast %get3A_756 : vector<1x1x512x64xbf16> to vector<512x64xbf16>
      %dot_general3A_758 = arith.constant dense<0.000000e+00> : vector<256x512xf32>
      %dot_general3A_759 = tpu.matmul %slice3A_369, %get3A_749, %dot_general3A_758 {dimension_numbers = #tpu.dot_dimension_numbers<[1], [1], [0], [0], [0, 0, 1, 0], [], []>, transpose_lhs_hint = false} : vector<256x64xbf16>, vector<512x64xbf16>, vector<256x512xf32> -> vector<256x512xf32>
      %mul3A_760 = arith.constant 1.250000e-01 : f32
      %mul3A_761 = vector.broadcast %mul3A_760 : f32 to vector<256x512xf32>
      %mul3A_762 = arith.mulf %dot_general3A_759, %mul3A_761 : vector<256x512xf32>
      %mul3A_763 = arith.constant 512 : i32
      %mul3A_764 = arith.muli %while3A_739, %mul3A_763 : i32
      %add3A_765 = vector.broadcast %mul3A_764 : i32 to vector<256x512xi32>
      %add3A_766 = arith.addi %iota3A_17, %add3A_765 : vector<256x512xi32>
      %gt3A = arith.cmpi sgt, %add3A_766, %add3A_16 : vector<256x512xi32>
      %jit3A_767 = arith.constant -1.000000e+09 : f32
      %broadcast_in_dim3A_768 = vector.broadcast %jit3A_767 : f32 to vector<256x512xf32>
      %select_n3A_769 = arith.select %gt3A, %broadcast_in_dim3A_768, %mul3A_762 : vector<256x512xi1>, vector<256x512xf32>
      %exp3A_770 = math.exp %select_n3A_769 : vector<256x512xf32>
      %reduce_sum3A_771 = arith.constant dense<0.000000e+00> : vector<256xf32>
      %reduce_sum3A_772 = vector.multi_reduction <add>, %exp3A_770, %reduce_sum3A_771 [1] : vector<256x512xf32> to vector<256xf32>
      %broadcast_in_dim3A_773 = vector.shape_cast %reduce_sum3A_772 : vector<256xf32> to vector<256x1xf32>
      %add3A_774 = arith.addf %while3A_740, %broadcast_in_dim3A_773 : vector<256x1xf32>
      %convert_element_type3A_775 = arith.truncf %exp3A_770 : vector<256x512xf32> to vector<256x512xbf16>
      %dot_general3A_776 = arith.constant dense<0.000000e+00> : vector<256x64xf32>
      %dot_general3A_777 = tpu.matmul %convert_element_type3A_775, %get3A_757, %dot_general3A_776 {dimension_numbers = #tpu.dot_dimension_numbers<[1], [0], [0], [1], [0, 0, 1, 1], [], []>, transpose_lhs_hint = false} : vector<256x512xbf16>, vector<512x64xbf16>, vector<256x64xf32> -> vector<256x64xf32>
      %add3A_778 = arith.addf %while3A_741, %dot_general3A_777 : vector<256x64xf32>
      scf.yield %add3A_774, %add3A_778 : vector<256x1xf32>, vector<256x64xf32>
    }
    %while3A_393 = arith.constant 1 : i32
    %while3A_394:2 = scf.for %while3A_739 = %while3A_390 to %while3A_386 step %while3A_393 iter_args(%while3A_740 = %while3A_392#0, %while3A_741 = %while3A_392#1) -> (vector<256x1xf32>, vector<256x64xf32>)  : i32 {
      %mul3A_742 = arith.constant 512 : i32
      %mul3A_743 = arith.muli %while3A_739, %mul3A_742 : i32
      %get3A_744 = arith.constant 0 : index
      %get3A_745 = arith.constant 11 : index
      %get3A_746 = arith.index_cast %mul3A_743 : i32 to index
      %get3A_747 = arith.constant 0 : index
      %get3A_748 = vector.load %arg3[%get3A_744, %get3A_745, %get3A_746, %get3A_747] : memref<1x12x2048x64xbf16, #tpu.memory_space<vmem>>, vector<1x1x512x64xbf16>
      %get3A_749 = vector.shape_cast %get3A_748 : vector<1x1x512x64xbf16> to vector<512x64xbf16>
      %mul3A_750 = arith.constant 512 : i32
      %mul3A_751 = arith.muli %while3A_739, %mul3A_750 : i32
      %get3A_752 = arith.constant 0 : index
      %get3A_753 = arith.constant 11 : index
      %get3A_754 = arith.index_cast %mul3A_751 : i32 to index
      %get3A_755 = arith.constant 0 : index
      %get3A_756 = vector.load %arg4[%get3A_752, %get3A_753, %get3A_754, %get3A_755] : memref<1x12x2048x64xbf16, #tpu.memory_space<vmem>>, vector<1x1x512x64xbf16>
      %get3A_757 = vector.shape_cast %get3A_756 : vector<1x1x512x64xbf16> to vector<512x64xbf16>
      %dot_general3A_758 = arith.constant dense<0.000000e+00> : vector<256x512xf32>
      %dot_general3A_759 = tpu.matmul %slice3A_369, %get3A_749, %dot_general3A_758 {dimension_numbers = #tpu.dot_dimension_numbers<[1], [1], [0], [0], [0, 0, 1, 0], [], []>, transpose_lhs_hint = false} : vector<256x64xbf16>, vector<512x64xbf16>, vector<256x512xf32> -> vector<256x512xf32>
      %mul3A_760 = arith.constant 1.250000e-01 : f32
      %mul3A_761 = vector.broadcast %mul3A_760 : f32 to vector<256x512xf32>
      %mul3A_762 = arith.mulf %dot_general3A_759, %mul3A_761 : vector<256x512xf32>
      %mul3A_763 = arith.constant 512 : i32
      %mul3A_764 = arith.muli %while3A_739, %mul3A_763 : i32
      %add3A_765 = vector.broadcast %mul3A_764 : i32 to vector<256x512xi32>
      %add3A_766 = arith.addi %iota3A_17, %add3A_765 : vector<256x512xi32>
      %gt3A = arith.cmpi sgt, %add3A_766, %add3A_16 : vector<256x512xi32>
      %jit3A_767 = arith.constant -1.000000e+09 : f32
      %broadcast_in_dim3A_768 = vector.broadcast %jit3A_767 : f32 to vector<256x512xf32>
      %select_n3A_769 = arith.select %gt3A, %broadcast_in_dim3A_768, %mul3A_762 : vector<256x512xi1>, vector<256x512xf32>
      %exp3A_770 = math.exp %select_n3A_769 : vector<256x512xf32>
      %reduce_sum3A_771 = arith.constant dense<0.000000e+00> : vector<256xf32>
      %reduce_sum3A_772 = vector.multi_reduction <add>, %exp3A_770, %reduce_sum3A_771 [1] : vector<256x512xf32> to vector<256xf32>
      %broadcast_in_dim3A_773 = vector.shape_cast %reduce_sum3A_772 : vector<256xf32> to vector<256x1xf32>
      %add3A_774 = arith.addf %while3A_740, %broadcast_in_dim3A_773 : vector<256x1xf32>
      %convert_element_type3A_775 = arith.truncf %exp3A_770 : vector<256x512xf32> to vector<256x512xbf16>
      %dot_general3A_776 = arith.constant dense<0.000000e+00> : vector<256x64xf32>
      %dot_general3A_777 = tpu.matmul %convert_element_type3A_775, %get3A_757, %dot_general3A_776 {dimension_numbers = #tpu.dot_dimension_numbers<[1], [0], [0], [1], [0, 0, 1, 1], [], []>, transpose_lhs_hint = false} : vector<256x512xbf16>, vector<512x64xbf16>, vector<256x64xf32> -> vector<256x64xf32>
      %add3A_778 = arith.addf %while3A_741, %dot_general3A_777 : vector<256x64xf32>
      scf.yield %add3A_774, %add3A_778 : vector<256x1xf32>, vector<256x64xf32>
    }
    %div3A_395 = vector.broadcast %while3A_394#0 : vector<256x1xf32> to vector<256x64xf32>
    %div3A_396 = arith.divf %while3A_394#1, %div3A_395 : vector<256x64xf32>
    %concatenate3A = tpu.concatenate %div3A_88, %div3A_116, %div3A_144, %div3A_172, %div3A_200, %div3A_228, %div3A_256, %div3A_284, %div3A_312, %div3A_340, %div3A_368, %div3A_396 in 1 : vector<256x64xf32>, vector<256x64xf32>, vector<256x64xf32>, vector<256x64xf32>, vector<256x64xf32>, vector<256x64xf32>, vector<256x64xf32>, vector<256x64xf32>, vector<256x64xf32>, vector<256x64xf32>, vector<256x64xf32>, vector<256x64xf32> -> vector<256x768xf32>
    %get3A_397 = arith.constant 0 : index
    %get3A_398 = arith.constant 0 : index
    %get3A_399 = vector.load %arg7[%get3A_397, %get3A_398] : memref<768x768xf32, #tpu.memory_space<vmem>>, vector<768x768xf32>
    %convert_element_type3A_400 = arith.truncf %concatenate3A : vector<256x768xf32> to vector<256x768xbf16>
    %convert_element_type3A_401 = arith.truncf %get3A_399 : vector<768x768xf32> to vector<768x768xbf16>
    %dot_general3A_402 = arith.constant dense<0.000000e+00> : vector<256x768xf32>
    %dot_general3A_403 = tpu.matmul %convert_element_type3A_400, %convert_element_type3A_401, %dot_general3A_402 {dimension_numbers = #tpu.dot_dimension_numbers<[1], [0], [0], [1], [0, 0, 1, 1], [], []>, transpose_lhs_hint = false} : vector<256x768xbf16>, vector<768x768xbf16>, vector<256x768xf32> -> vector<256x768xf32>
    %get3A_404 = arith.constant 0 : index
    %get3A_405 = arith.constant 0 : index
    %get3A_406 = vector.load %arg8[%get3A_404, %get3A_405] : memref<1x768xf32, #tpu.memory_space<vmem>>, vector<1x768xf32>
    %add3A_407 = vector.broadcast %get3A_406 : vector<1x768xf32> to vector<256x768xf32>
    %add3A_408 = arith.addf %dot_general3A_403, %add3A_407 : vector<256x768xf32>
    %add3A_409 = arith.addf %add3A_408, %get3A_3 : vector<256x768xf32>
    %get3A_410 = arith.constant 0 : index
    %get3A_411 = arith.constant 0 : index
    %get3A_412 = vector.load %arg9[%get3A_410, %get3A_411] : memref<1x768xf32, #tpu.memory_space<vmem>>, vector<1x768xf32>
    %get3A_413 = arith.constant 0 : index
    %get3A_414 = arith.constant 0 : index
    %get3A_415 = vector.load %arg10[%get3A_413, %get3A_414] : memref<1x768xf32, #tpu.memory_space<vmem>>, vector<1x768xf32>
    %reduce_sum3A = arith.constant dense<0.000000e+00> : vector<256xf32>
    %reduce_sum3A_416 = vector.multi_reduction <add>, %add3A_409, %reduce_sum3A [1] : vector<256x768xf32> to vector<256xf32>
    %broadcast_in_dim3A_417 = vector.shape_cast %reduce_sum3A_416 : vector<256xf32> to vector<256x1xf32>
    %div3A_418 = arith.constant 7.680000e+02 : f32
    %div3A_419 = vector.broadcast %div3A_418 : f32 to vector<256x1xf32>
    %div3A_420 = arith.divf %broadcast_in_dim3A_417, %div3A_419 : vector<256x1xf32>
    %sub3A_421 = vector.broadcast %div3A_420 : vector<256x1xf32> to vector<256x768xf32>
    %sub3A_422 = arith.subf %add3A_409, %sub3A_421 : vector<256x768xf32>
    %integer_pow3A = arith.mulf %sub3A_422, %sub3A_422 : vector<256x768xf32>
    %reduce_sum3A_423 = arith.constant dense<0.000000e+00> : vector<256xf32>
    %reduce_sum3A_424 = vector.multi_reduction <add>, %integer_pow3A, %reduce_sum3A_423 [1] : vector<256x768xf32> to vector<256xf32>
    %broadcast_in_dim3A_425 = vector.shape_cast %reduce_sum3A_424 : vector<256xf32> to vector<256x1xf32>
    %div3A_426 = arith.constant 7.680000e+02 : f32
    %div3A_427 = vector.broadcast %div3A_426 : f32 to vector<256x1xf32>
    %div3A_428 = arith.divf %broadcast_in_dim3A_425, %div3A_427 : vector<256x1xf32>
    %sub3A_429 = vector.broadcast %div3A_420 : vector<256x1xf32> to vector<256x768xf32>
    %sub3A_430 = arith.subf %add3A_409, %sub3A_429 : vector<256x768xf32>
    %add3A_431 = arith.constant 9.99999996E-13 : f32
    %add3A_432 = vector.broadcast %add3A_431 : f32 to vector<256x1xf32>
    %add3A_433 = arith.addf %div3A_428, %add3A_432 : vector<256x1xf32>
    %sqrt3A = math.sqrt %add3A_433 : vector<256x1xf32>
    %div3A_434 = vector.broadcast %sqrt3A : vector<256x1xf32> to vector<256x768xf32>
    %div3A_435 = arith.divf %sub3A_430, %div3A_434 : vector<256x768xf32>
    %mul3A_436 = vector.broadcast %get3A_412 : vector<1x768xf32> to vector<256x768xf32>
    %mul3A_437 = arith.mulf %div3A_435, %mul3A_436 : vector<256x768xf32>
    %add3A_438 = vector.broadcast %get3A_415 : vector<1x768xf32> to vector<256x768xf32>
    %add3A_439 = arith.addf %mul3A_437, %add3A_438 : vector<256x768xf32>
    %get3A_440 = arith.constant 0 : index
    %get3A_441 = arith.constant 0 : index
    %get3A_442 = arith.constant 0 : index
    %get3A_443 = vector.load %arg11[%get3A_440, %get3A_441, %get3A_442] : memref<1x84x768xf32, #tpu.memory_space<vmem>>, vector<1x84x768xf32>
    %get3A_444 = vector.shape_cast %get3A_443 : vector<1x84x768xf32> to vector<84x768xf32>
    %get3A_445 = arith.constant 0 : index
    %get3A_446 = arith.constant 0 : index
    %get3A_447 = vector.load %arg12[%get3A_445, %get3A_446] : memref<768x768xf32, #tpu.memory_space<vmem>>, vector<768x768xf32>
    %convert_element_type3A_448 = arith.truncf %add3A_439 : vector<256x768xf32> to vector<256x768xbf16>
    %convert_element_type3A_449 = arith.truncf %get3A_447 : vector<768x768xf32> to vector<768x768xbf16>
    %dot_general3A_450 = arith.constant dense<0.000000e+00> : vector<256x768xf32>
    %dot_general3A_451 = tpu.matmul %convert_element_type3A_448, %convert_element_type3A_449, %dot_general3A_450 {dimension_numbers = #tpu.dot_dimension_numbers<[1], [0], [0], [1], [0, 0, 1, 1], [], []>, transpose_lhs_hint = false} : vector<256x768xbf16>, vector<768x768xbf16>, vector<256x768xf32> -> vector<256x768xf32>
    %get3A_452 = arith.constant 0 : index
    %get3A_453 = arith.constant 0 : index
    %get3A_454 = vector.load %arg13[%get3A_452, %get3A_453] : memref<1x768xf32, #tpu.memory_space<vmem>>, vector<1x768xf32>
    %add3A_455 = vector.broadcast %get3A_454 : vector<1x768xf32> to vector<256x768xf32>
    %add3A_456 = arith.addf %dot_general3A_451, %add3A_455 : vector<256x768xf32>
    %convert_element_type3A_457 = arith.truncf %add3A_456 : vector<256x768xf32> to vector<256x768xbf16>
    %get3A_458 = arith.constant 0 : index
    %get3A_459 = arith.constant 0 : index
    %get3A_460 = vector.load %arg14[%get3A_458, %get3A_459] : memref<768x768xf32, #tpu.memory_space<vmem>>, vector<768x768xf32>
    %convert_element_type3A_461 = arith.truncf %get3A_444 : vector<84x768xf32> to vector<84x768xbf16>
    %convert_element_type3A_462 = arith.truncf %get3A_460 : vector<768x768xf32> to vector<768x768xbf16>
    %dot_general3A_463 = arith.constant dense<0.000000e+00> : vector<84x768xf32>
    %dot_general3A_464 = tpu.matmul %convert_element_type3A_461, %convert_element_type3A_462, %dot_general3A_463 {dimension_numbers = #tpu.dot_dimension_numbers<[1], [0], [0], [1], [0, 0, 1, 1], [], []>, transpose_lhs_hint = false} : vector<84x768xbf16>, vector<768x768xbf16>, vector<84x768xf32> -> vector<84x768xf32>
    %get3A_465 = arith.constant 0 : index
    %get3A_466 = arith.constant 0 : index
    %get3A_467 = vector.load %arg15[%get3A_465, %get3A_466] : memref<1x768xf32, #tpu.memory_space<vmem>>, vector<1x768xf32>
    %add3A_468 = vector.broadcast %get3A_467 : vector<1x768xf32> to vector<84x768xf32>
    %add3A_469 = arith.addf %dot_general3A_464, %add3A_468 : vector<84x768xf32>
    %convert_element_type3A_470 = arith.truncf %add3A_469 : vector<84x768xf32> to vector<84x768xbf16>
    %get3A_471 = arith.constant 0 : index
    %get3A_472 = arith.constant 0 : index
    %get3A_473 = vector.load %arg16[%get3A_471, %get3A_472] : memref<768x768xf32, #tpu.memory_space<vmem>>, vector<768x768xf32>
    %convert_element_type3A_474 = arith.truncf %get3A_444 : vector<84x768xf32> to vector<84x768xbf16>
    %convert_element_type3A_475 = arith.truncf %get3A_473 : vector<768x768xf32> to vector<768x768xbf16>
    %dot_general3A_476 = arith.constant dense<0.000000e+00> : vector<84x768xf32>
    %dot_general3A_477 = tpu.matmul %convert_element_type3A_474, %convert_element_type3A_475, %dot_general3A_476 {dimension_numbers = #tpu.dot_dimension_numbers<[1], [0], [0], [1], [0, 0, 1, 1], [], []>, transpose_lhs_hint = false} : vector<84x768xbf16>, vector<768x768xbf16>, vector<84x768xf32> -> vector<84x768xf32>
    %get3A_478 = arith.constant 0 : index
    %get3A_479 = arith.constant 0 : index
    %get3A_480 = vector.load %arg17[%get3A_478, %get3A_479] : memref<1x768xf32, #tpu.memory_space<vmem>>, vector<1x768xf32>
    %add3A_481 = vector.broadcast %get3A_480 : vector<1x768xf32> to vector<84x768xf32>
    %add3A_482 = arith.addf %dot_general3A_477, %add3A_481 : vector<84x768xf32>
    %convert_element_type3A_483 = arith.truncf %add3A_482 : vector<84x768xf32> to vector<84x768xbf16>
    %slice3A_484 = vector.extract_strided_slice %convert_element_type3A_457 {offsets = [0, 0], sizes = [256, 64], strides = [1, 1]} : vector<256x768xbf16> to vector<256x64xbf16>
    %slice3A_485 = vector.extract_strided_slice %convert_element_type3A_470 {offsets = [0, 0], sizes = [84, 64], strides = [1, 1]} : vector<84x768xbf16> to vector<84x64xbf16>
    %slice3A_486 = vector.extract_strided_slice %convert_element_type3A_483 {offsets = [0, 0], sizes = [84, 64], strides = [1, 1]} : vector<84x768xbf16> to vector<84x64xbf16>
    %dot_general3A_487 = arith.constant dense<0.000000e+00> : vector<256x84xf32>
    %dot_general3A_488 = tpu.matmul %slice3A_484, %slice3A_485, %dot_general3A_487 {dimension_numbers = #tpu.dot_dimension_numbers<[1], [1], [0], [0], [0, 0, 1, 0], [], []>, transpose_lhs_hint = false} : vector<256x64xbf16>, vector<84x64xbf16>, vector<256x84xf32> -> vector<256x84xf32>
    %mul3A_489 = arith.constant 1.250000e-01 : f32
    %mul3A_490 = vector.broadcast %mul3A_489 : f32 to vector<256x84xf32>
    %mul3A_491 = arith.mulf %dot_general3A_488, %mul3A_490 : vector<256x84xf32>
    %exp3A = math.exp %mul3A_491 : vector<256x84xf32>
    %reduce_sum3A_492 = arith.constant dense<0.000000e+00> : vector<256xf32>
    %reduce_sum3A_493 = vector.multi_reduction <add>, %exp3A, %reduce_sum3A_492 [1] : vector<256x84xf32> to vector<256xf32>
    %broadcast_in_dim3A_494 = vector.shape_cast %reduce_sum3A_493 : vector<256xf32> to vector<256x1xf32>
    %div3A_495 = vector.broadcast %broadcast_in_dim3A_494 : vector<256x1xf32> to vector<256x84xf32>
    %div3A_496 = arith.divf %exp3A, %div3A_495 : vector<256x84xf32>
    %convert_element_type3A_497 = arith.truncf %div3A_496 : vector<256x84xf32> to vector<256x84xbf16>
    %dot_general3A_498 = arith.constant dense<0.000000e+00> : vector<256x64xf32>
    %dot_general3A_499 = tpu.matmul %convert_element_type3A_497, %slice3A_486, %dot_general3A_498 {dimension_numbers = #tpu.dot_dimension_numbers<[1], [0], [0], [1], [0, 0, 1, 1], [], []>, transpose_lhs_hint = false} : vector<256x84xbf16>, vector<84x64xbf16>, vector<256x64xf32> -> vector<256x64xf32>
    %slice3A_500 = vector.extract_strided_slice %convert_element_type3A_457 {offsets = [0, 64], sizes = [256, 64], strides = [1, 1]} : vector<256x768xbf16> to vector<256x64xbf16>
    %slice3A_501 = vector.extract_strided_slice %convert_element_type3A_470 {offsets = [0, 64], sizes = [84, 64], strides = [1, 1]} : vector<84x768xbf16> to vector<84x64xbf16>
    %slice3A_502 = vector.extract_strided_slice %convert_element_type3A_483 {offsets = [0, 64], sizes = [84, 64], strides = [1, 1]} : vector<84x768xbf16> to vector<84x64xbf16>
    %dot_general3A_503 = arith.constant dense<0.000000e+00> : vector<256x84xf32>
    %dot_general3A_504 = tpu.matmul %slice3A_500, %slice3A_501, %dot_general3A_503 {dimension_numbers = #tpu.dot_dimension_numbers<[1], [1], [0], [0], [0, 0, 1, 0], [], []>, transpose_lhs_hint = false} : vector<256x64xbf16>, vector<84x64xbf16>, vector<256x84xf32> -> vector<256x84xf32>
    %mul3A_505 = arith.constant 1.250000e-01 : f32
    %mul3A_506 = vector.broadcast %mul3A_505 : f32 to vector<256x84xf32>
    %mul3A_507 = arith.mulf %dot_general3A_504, %mul3A_506 : vector<256x84xf32>
    %exp3A_508 = math.exp %mul3A_507 : vector<256x84xf32>
    %reduce_sum3A_509 = arith.constant dense<0.000000e+00> : vector<256xf32>
    %reduce_sum3A_510 = vector.multi_reduction <add>, %exp3A_508, %reduce_sum3A_509 [1] : vector<256x84xf32> to vector<256xf32>
    %broadcast_in_dim3A_511 = vector.shape_cast %reduce_sum3A_510 : vector<256xf32> to vector<256x1xf32>
    %div3A_512 = vector.broadcast %broadcast_in_dim3A_511 : vector<256x1xf32> to vector<256x84xf32>
    %div3A_513 = arith.divf %exp3A_508, %div3A_512 : vector<256x84xf32>
    %convert_element_type3A_514 = arith.truncf %div3A_513 : vector<256x84xf32> to vector<256x84xbf16>
    %dot_general3A_515 = arith.constant dense<0.000000e+00> : vector<256x64xf32>
    %dot_general3A_516 = tpu.matmul %convert_element_type3A_514, %slice3A_502, %dot_general3A_515 {dimension_numbers = #tpu.dot_dimension_numbers<[1], [0], [0], [1], [0, 0, 1, 1], [], []>, transpose_lhs_hint = false} : vector<256x84xbf16>, vector<84x64xbf16>, vector<256x64xf32> -> vector<256x64xf32>
    %slice3A_517 = vector.extract_strided_slice %convert_element_type3A_457 {offsets = [0, 128], sizes = [256, 64], strides = [1, 1]} : vector<256x768xbf16> to vector<256x64xbf16>
    %slice3A_518 = vector.extract_strided_slice %convert_element_type3A_470 {offsets = [0, 128], sizes = [84, 64], strides = [1, 1]} : vector<84x768xbf16> to vector<84x64xbf16>
    %slice3A_519 = vector.extract_strided_slice %convert_element_type3A_483 {offsets = [0, 128], sizes = [84, 64], strides = [1, 1]} : vector<84x768xbf16> to vector<84x64xbf16>
    %dot_general3A_520 = arith.constant dense<0.000000e+00> : vector<256x84xf32>
    %dot_general3A_521 = tpu.matmul %slice3A_517, %slice3A_518, %dot_general3A_520 {dimension_numbers = #tpu.dot_dimension_numbers<[1], [1], [0], [0], [0, 0, 1, 0], [], []>, transpose_lhs_hint = false} : vector<256x64xbf16>, vector<84x64xbf16>, vector<256x84xf32> -> vector<256x84xf32>
    %mul3A_522 = arith.constant 1.250000e-01 : f32
    %mul3A_523 = vector.broadcast %mul3A_522 : f32 to vector<256x84xf32>
    %mul3A_524 = arith.mulf %dot_general3A_521, %mul3A_523 : vector<256x84xf32>
    %exp3A_525 = math.exp %mul3A_524 : vector<256x84xf32>
    %reduce_sum3A_526 = arith.constant dense<0.000000e+00> : vector<256xf32>
    %reduce_sum3A_527 = vector.multi_reduction <add>, %exp3A_525, %reduce_sum3A_526 [1] : vector<256x84xf32> to vector<256xf32>
    %broadcast_in_dim3A_528 = vector.shape_cast %reduce_sum3A_527 : vector<256xf32> to vector<256x1xf32>
    %div3A_529 = vector.broadcast %broadcast_in_dim3A_528 : vector<256x1xf32> to vector<256x84xf32>
    %div3A_530 = arith.divf %exp3A_525, %div3A_529 : vector<256x84xf32>
    %convert_element_type3A_531 = arith.truncf %div3A_530 : vector<256x84xf32> to vector<256x84xbf16>
    %dot_general3A_532 = arith.constant dense<0.000000e+00> : vector<256x64xf32>
    %dot_general3A_533 = tpu.matmul %convert_element_type3A_531, %slice3A_519, %dot_general3A_532 {dimension_numbers = #tpu.dot_dimension_numbers<[1], [0], [0], [1], [0, 0, 1, 1], [], []>, transpose_lhs_hint = false} : vector<256x84xbf16>, vector<84x64xbf16>, vector<256x64xf32> -> vector<256x64xf32>
    %slice3A_534 = vector.extract_strided_slice %convert_element_type3A_457 {offsets = [0, 192], sizes = [256, 64], strides = [1, 1]} : vector<256x768xbf16> to vector<256x64xbf16>
    %slice3A_535 = vector.extract_strided_slice %convert_element_type3A_470 {offsets = [0, 192], sizes = [84, 64], strides = [1, 1]} : vector<84x768xbf16> to vector<84x64xbf16>
    %slice3A_536 = vector.extract_strided_slice %convert_element_type3A_483 {offsets = [0, 192], sizes = [84, 64], strides = [1, 1]} : vector<84x768xbf16> to vector<84x64xbf16>
    %dot_general3A_537 = arith.constant dense<0.000000e+00> : vector<256x84xf32>
    %dot_general3A_538 = tpu.matmul %slice3A_534, %slice3A_535, %dot_general3A_537 {dimension_numbers = #tpu.dot_dimension_numbers<[1], [1], [0], [0], [0, 0, 1, 0], [], []>, transpose_lhs_hint = false} : vector<256x64xbf16>, vector<84x64xbf16>, vector<256x84xf32> -> vector<256x84xf32>
    %mul3A_539 = arith.constant 1.250000e-01 : f32
    %mul3A_540 = vector.broadcast %mul3A_539 : f32 to vector<256x84xf32>
    %mul3A_541 = arith.mulf %dot_general3A_538, %mul3A_540 : vector<256x84xf32>
    %exp3A_542 = math.exp %mul3A_541 : vector<256x84xf32>
    %reduce_sum3A_543 = arith.constant dense<0.000000e+00> : vector<256xf32>
    %reduce_sum3A_544 = vector.multi_reduction <add>, %exp3A_542, %reduce_sum3A_543 [1] : vector<256x84xf32> to vector<256xf32>
    %broadcast_in_dim3A_545 = vector.shape_cast %reduce_sum3A_544 : vector<256xf32> to vector<256x1xf32>
    %div3A_546 = vector.broadcast %broadcast_in_dim3A_545 : vector<256x1xf32> to vector<256x84xf32>
    %div3A_547 = arith.divf %exp3A_542, %div3A_546 : vector<256x84xf32>
    %convert_element_type3A_548 = arith.truncf %div3A_547 : vector<256x84xf32> to vector<256x84xbf16>
    %dot_general3A_549 = arith.constant dense<0.000000e+00> : vector<256x64xf32>
    %dot_general3A_550 = tpu.matmul %convert_element_type3A_548, %slice3A_536, %dot_general3A_549 {dimension_numbers = #tpu.dot_dimension_numbers<[1], [0], [0], [1], [0, 0, 1, 1], [], []>, transpose_lhs_hint = false} : vector<256x84xbf16>, vector<84x64xbf16>, vector<256x64xf32> -> vector<256x64xf32>
    %slice3A_551 = vector.extract_strided_slice %convert_element_type3A_457 {offsets = [0, 256], sizes = [256, 64], strides = [1, 1]} : vector<256x768xbf16> to vector<256x64xbf16>
    %slice3A_552 = vector.extract_strided_slice %convert_element_type3A_470 {offsets = [0, 256], sizes = [84, 64], strides = [1, 1]} : vector<84x768xbf16> to vector<84x64xbf16>
    %slice3A_553 = vector.extract_strided_slice %convert_element_type3A_483 {offsets = [0, 256], sizes = [84, 64], strides = [1, 1]} : vector<84x768xbf16> to vector<84x64xbf16>
    %dot_general3A_554 = arith.constant dense<0.000000e+00> : vector<256x84xf32>
    %dot_general3A_555 = tpu.matmul %slice3A_551, %slice3A_552, %dot_general3A_554 {dimension_numbers = #tpu.dot_dimension_numbers<[1], [1], [0], [0], [0, 0, 1, 0], [], []>, transpose_lhs_hint = false} : vector<256x64xbf16>, vector<84x64xbf16>, vector<256x84xf32> -> vector<256x84xf32>
    %mul3A_556 = arith.constant 1.250000e-01 : f32
    %mul3A_557 = vector.broadcast %mul3A_556 : f32 to vector<256x84xf32>
    %mul3A_558 = arith.mulf %dot_general3A_555, %mul3A_557 : vector<256x84xf32>
    %exp3A_559 = math.exp %mul3A_558 : vector<256x84xf32>
    %reduce_sum3A_560 = arith.constant dense<0.000000e+00> : vector<256xf32>
    %reduce_sum3A_561 = vector.multi_reduction <add>, %exp3A_559, %reduce_sum3A_560 [1] : vector<256x84xf32> to vector<256xf32>
    %broadcast_in_dim3A_562 = vector.shape_cast %reduce_sum3A_561 : vector<256xf32> to vector<256x1xf32>
    %div3A_563 = vector.broadcast %broadcast_in_dim3A_562 : vector<256x1xf32> to vector<256x84xf32>
    %div3A_564 = arith.divf %exp3A_559, %div3A_563 : vector<256x84xf32>
    %convert_element_type3A_565 = arith.truncf %div3A_564 : vector<256x84xf32> to vector<256x84xbf16>
    %dot_general3A_566 = arith.constant dense<0.000000e+00> : vector<256x64xf32>
    %dot_general3A_567 = tpu.matmul %convert_element_type3A_565, %slice3A_553, %dot_general3A_566 {dimension_numbers = #tpu.dot_dimension_numbers<[1], [0], [0], [1], [0, 0, 1, 1], [], []>, transpose_lhs_hint = false} : vector<256x84xbf16>, vector<84x64xbf16>, vector<256x64xf32> -> vector<256x64xf32>
    %slice3A_568 = vector.extract_strided_slice %convert_element_type3A_457 {offsets = [0, 320], sizes = [256, 64], strides = [1, 1]} : vector<256x768xbf16> to vector<256x64xbf16>
    %slice3A_569 = vector.extract_strided_slice %convert_element_type3A_470 {offsets = [0, 320], sizes = [84, 64], strides = [1, 1]} : vector<84x768xbf16> to vector<84x64xbf16>
    %slice3A_570 = vector.extract_strided_slice %convert_element_type3A_483 {offsets = [0, 320], sizes = [84, 64], strides = [1, 1]} : vector<84x768xbf16> to vector<84x64xbf16>
    %dot_general3A_571 = arith.constant dense<0.000000e+00> : vector<256x84xf32>
    %dot_general3A_572 = tpu.matmul %slice3A_568, %slice3A_569, %dot_general3A_571 {dimension_numbers = #tpu.dot_dimension_numbers<[1], [1], [0], [0], [0, 0, 1, 0], [], []>, transpose_lhs_hint = false} : vector<256x64xbf16>, vector<84x64xbf16>, vector<256x84xf32> -> vector<256x84xf32>
    %mul3A_573 = arith.constant 1.250000e-01 : f32
    %mul3A_574 = vector.broadcast %mul3A_573 : f32 to vector<256x84xf32>
    %mul3A_575 = arith.mulf %dot_general3A_572, %mul3A_574 : vector<256x84xf32>
    %exp3A_576 = math.exp %mul3A_575 : vector<256x84xf32>
    %reduce_sum3A_577 = arith.constant dense<0.000000e+00> : vector<256xf32>
    %reduce_sum3A_578 = vector.multi_reduction <add>, %exp3A_576, %reduce_sum3A_577 [1] : vector<256x84xf32> to vector<256xf32>
    %broadcast_in_dim3A_579 = vector.shape_cast %reduce_sum3A_578 : vector<256xf32> to vector<256x1xf32>
    %div3A_580 = vector.broadcast %broadcast_in_dim3A_579 : vector<256x1xf32> to vector<256x84xf32>
    %div3A_581 = arith.divf %exp3A_576, %div3A_580 : vector<256x84xf32>
    %convert_element_type3A_582 = arith.truncf %div3A_581 : vector<256x84xf32> to vector<256x84xbf16>
    %dot_general3A_583 = arith.constant dense<0.000000e+00> : vector<256x64xf32>
    %dot_general3A_584 = tpu.matmul %convert_element_type3A_582, %slice3A_570, %dot_general3A_583 {dimension_numbers = #tpu.dot_dimension_numbers<[1], [0], [0], [1], [0, 0, 1, 1], [], []>, transpose_lhs_hint = false} : vector<256x84xbf16>, vector<84x64xbf16>, vector<256x64xf32> -> vector<256x64xf32>
    %slice3A_585 = vector.extract_strided_slice %convert_element_type3A_457 {offsets = [0, 384], sizes = [256, 64], strides = [1, 1]} : vector<256x768xbf16> to vector<256x64xbf16>
    %slice3A_586 = vector.extract_strided_slice %convert_element_type3A_470 {offsets = [0, 384], sizes = [84, 64], strides = [1, 1]} : vector<84x768xbf16> to vector<84x64xbf16>
    %slice3A_587 = vector.extract_strided_slice %convert_element_type3A_483 {offsets = [0, 384], sizes = [84, 64], strides = [1, 1]} : vector<84x768xbf16> to vector<84x64xbf16>
    %dot_general3A_588 = arith.constant dense<0.000000e+00> : vector<256x84xf32>
    %dot_general3A_589 = tpu.matmul %slice3A_585, %slice3A_586, %dot_general3A_588 {dimension_numbers = #tpu.dot_dimension_numbers<[1], [1], [0], [0], [0, 0, 1, 0], [], []>, transpose_lhs_hint = false} : vector<256x64xbf16>, vector<84x64xbf16>, vector<256x84xf32> -> vector<256x84xf32>
    %mul3A_590 = arith.constant 1.250000e-01 : f32
    %mul3A_591 = vector.broadcast %mul3A_590 : f32 to vector<256x84xf32>
    %mul3A_592 = arith.mulf %dot_general3A_589, %mul3A_591 : vector<256x84xf32>
    %exp3A_593 = math.exp %mul3A_592 : vector<256x84xf32>
    %reduce_sum3A_594 = arith.constant dense<0.000000e+00> : vector<256xf32>
    %reduce_sum3A_595 = vector.multi_reduction <add>, %exp3A_593, %reduce_sum3A_594 [1] : vector<256x84xf32> to vector<256xf32>
    %broadcast_in_dim3A_596 = vector.shape_cast %reduce_sum3A_595 : vector<256xf32> to vector<256x1xf32>
    %div3A_597 = vector.broadcast %broadcast_in_dim3A_596 : vector<256x1xf32> to vector<256x84xf32>
    %div3A_598 = arith.divf %exp3A_593, %div3A_597 : vector<256x84xf32>
    %convert_element_type3A_599 = arith.truncf %div3A_598 : vector<256x84xf32> to vector<256x84xbf16>
    %dot_general3A_600 = arith.constant dense<0.000000e+00> : vector<256x64xf32>
    %dot_general3A_601 = tpu.matmul %convert_element_type3A_599, %slice3A_587, %dot_general3A_600 {dimension_numbers = #tpu.dot_dimension_numbers<[1], [0], [0], [1], [0, 0, 1, 1], [], []>, transpose_lhs_hint = false} : vector<256x84xbf16>, vector<84x64xbf16>, vector<256x64xf32> -> vector<256x64xf32>
    %slice3A_602 = vector.extract_strided_slice %convert_element_type3A_457 {offsets = [0, 448], sizes = [256, 64], strides = [1, 1]} : vector<256x768xbf16> to vector<256x64xbf16>
    %slice3A_603 = vector.extract_strided_slice %convert_element_type3A_470 {offsets = [0, 448], sizes = [84, 64], strides = [1, 1]} : vector<84x768xbf16> to vector<84x64xbf16>
    %slice3A_604 = vector.extract_strided_slice %convert_element_type3A_483 {offsets = [0, 448], sizes = [84, 64], strides = [1, 1]} : vector<84x768xbf16> to vector<84x64xbf16>
    %dot_general3A_605 = arith.constant dense<0.000000e+00> : vector<256x84xf32>
    %dot_general3A_606 = tpu.matmul %slice3A_602, %slice3A_603, %dot_general3A_605 {dimension_numbers = #tpu.dot_dimension_numbers<[1], [1], [0], [0], [0, 0, 1, 0], [], []>, transpose_lhs_hint = false} : vector<256x64xbf16>, vector<84x64xbf16>, vector<256x84xf32> -> vector<256x84xf32>
    %mul3A_607 = arith.constant 1.250000e-01 : f32
    %mul3A_608 = vector.broadcast %mul3A_607 : f32 to vector<256x84xf32>
    %mul3A_609 = arith.mulf %dot_general3A_606, %mul3A_608 : vector<256x84xf32>
    %exp3A_610 = math.exp %mul3A_609 : vector<256x84xf32>
    %reduce_sum3A_611 = arith.constant dense<0.000000e+00> : vector<256xf32>
    %reduce_sum3A_612 = vector.multi_reduction <add>, %exp3A_610, %reduce_sum3A_611 [1] : vector<256x84xf32> to vector<256xf32>
    %broadcast_in_dim3A_613 = vector.shape_cast %reduce_sum3A_612 : vector<256xf32> to vector<256x1xf32>
    %div3A_614 = vector.broadcast %broadcast_in_dim3A_613 : vector<256x1xf32> to vector<256x84xf32>
    %div3A_615 = arith.divf %exp3A_610, %div3A_614 : vector<256x84xf32>
    %convert_element_type3A_616 = arith.truncf %div3A_615 : vector<256x84xf32> to vector<256x84xbf16>
    %dot_general3A_617 = arith.constant dense<0.000000e+00> : vector<256x64xf32>
    %dot_general3A_618 = tpu.matmul %convert_element_type3A_616, %slice3A_604, %dot_general3A_617 {dimension_numbers = #tpu.dot_dimension_numbers<[1], [0], [0], [1], [0, 0, 1, 1], [], []>, transpose_lhs_hint = false} : vector<256x84xbf16>, vector<84x64xbf16>, vector<256x64xf32> -> vector<256x64xf32>
    %slice3A_619 = vector.extract_strided_slice %convert_element_type3A_457 {offsets = [0, 512], sizes = [256, 64], strides = [1, 1]} : vector<256x768xbf16> to vector<256x64xbf16>
    %slice3A_620 = vector.extract_strided_slice %convert_element_type3A_470 {offsets = [0, 512], sizes = [84, 64], strides = [1, 1]} : vector<84x768xbf16> to vector<84x64xbf16>
    %slice3A_621 = vector.extract_strided_slice %convert_element_type3A_483 {offsets = [0, 512], sizes = [84, 64], strides = [1, 1]} : vector<84x768xbf16> to vector<84x64xbf16>
    %dot_general3A_622 = arith.constant dense<0.000000e+00> : vector<256x84xf32>
    %dot_general3A_623 = tpu.matmul %slice3A_619, %slice3A_620, %dot_general3A_622 {dimension_numbers = #tpu.dot_dimension_numbers<[1], [1], [0], [0], [0, 0, 1, 0], [], []>, transpose_lhs_hint = false} : vector<256x64xbf16>, vector<84x64xbf16>, vector<256x84xf32> -> vector<256x84xf32>
    %mul3A_624 = arith.constant 1.250000e-01 : f32
    %mul3A_625 = vector.broadcast %mul3A_624 : f32 to vector<256x84xf32>
    %mul3A_626 = arith.mulf %dot_general3A_623, %mul3A_625 : vector<256x84xf32>
    %exp3A_627 = math.exp %mul3A_626 : vector<256x84xf32>
    %reduce_sum3A_628 = arith.constant dense<0.000000e+00> : vector<256xf32>
    %reduce_sum3A_629 = vector.multi_reduction <add>, %exp3A_627, %reduce_sum3A_628 [1] : vector<256x84xf32> to vector<256xf32>
    %broadcast_in_dim3A_630 = vector.shape_cast %reduce_sum3A_629 : vector<256xf32> to vector<256x1xf32>
    %div3A_631 = vector.broadcast %broadcast_in_dim3A_630 : vector<256x1xf32> to vector<256x84xf32>
    %div3A_632 = arith.divf %exp3A_627, %div3A_631 : vector<256x84xf32>
    %convert_element_type3A_633 = arith.truncf %div3A_632 : vector<256x84xf32> to vector<256x84xbf16>
    %dot_general3A_634 = arith.constant dense<0.000000e+00> : vector<256x64xf32>
    %dot_general3A_635 = tpu.matmul %convert_element_type3A_633, %slice3A_621, %dot_general3A_634 {dimension_numbers = #tpu.dot_dimension_numbers<[1], [0], [0], [1], [0, 0, 1, 1], [], []>, transpose_lhs_hint = false} : vector<256x84xbf16>, vector<84x64xbf16>, vector<256x64xf32> -> vector<256x64xf32>
    %slice3A_636 = vector.extract_strided_slice %convert_element_type3A_457 {offsets = [0, 576], sizes = [256, 64], strides = [1, 1]} : vector<256x768xbf16> to vector<256x64xbf16>
    %slice3A_637 = vector.extract_strided_slice %convert_element_type3A_470 {offsets = [0, 576], sizes = [84, 64], strides = [1, 1]} : vector<84x768xbf16> to vector<84x64xbf16>
    %slice3A_638 = vector.extract_strided_slice %convert_element_type3A_483 {offsets = [0, 576], sizes = [84, 64], strides = [1, 1]} : vector<84x768xbf16> to vector<84x64xbf16>
    %dot_general3A_639 = arith.constant dense<0.000000e+00> : vector<256x84xf32>
    %dot_general3A_640 = tpu.matmul %slice3A_636, %slice3A_637, %dot_general3A_639 {dimension_numbers = #tpu.dot_dimension_numbers<[1], [1], [0], [0], [0, 0, 1, 0], [], []>, transpose_lhs_hint = false} : vector<256x64xbf16>, vector<84x64xbf16>, vector<256x84xf32> -> vector<256x84xf32>
    %mul3A_641 = arith.constant 1.250000e-01 : f32
    %mul3A_642 = vector.broadcast %mul3A_641 : f32 to vector<256x84xf32>
    %mul3A_643 = arith.mulf %dot_general3A_640, %mul3A_642 : vector<256x84xf32>
    %exp3A_644 = math.exp %mul3A_643 : vector<256x84xf32>
    %reduce_sum3A_645 = arith.constant dense<0.000000e+00> : vector<256xf32>
    %reduce_sum3A_646 = vector.multi_reduction <add>, %exp3A_644, %reduce_sum3A_645 [1] : vector<256x84xf32> to vector<256xf32>
    %broadcast_in_dim3A_647 = vector.shape_cast %reduce_sum3A_646 : vector<256xf32> to vector<256x1xf32>
    %div3A_648 = vector.broadcast %broadcast_in_dim3A_647 : vector<256x1xf32> to vector<256x84xf32>
    %div3A_649 = arith.divf %exp3A_644, %div3A_648 : vector<256x84xf32>
    %convert_element_type3A_650 = arith.truncf %div3A_649 : vector<256x84xf32> to vector<256x84xbf16>
    %dot_general3A_651 = arith.constant dense<0.000000e+00> : vector<256x64xf32>
    %dot_general3A_652 = tpu.matmul %convert_element_type3A_650, %slice3A_638, %dot_general3A_651 {dimension_numbers = #tpu.dot_dimension_numbers<[1], [0], [0], [1], [0, 0, 1, 1], [], []>, transpose_lhs_hint = false} : vector<256x84xbf16>, vector<84x64xbf16>, vector<256x64xf32> -> vector<256x64xf32>
    %slice3A_653 = vector.extract_strided_slice %convert_element_type3A_457 {offsets = [0, 640], sizes = [256, 64], strides = [1, 1]} : vector<256x768xbf16> to vector<256x64xbf16>
    %slice3A_654 = vector.extract_strided_slice %convert_element_type3A_470 {offsets = [0, 640], sizes = [84, 64], strides = [1, 1]} : vector<84x768xbf16> to vector<84x64xbf16>
    %slice3A_655 = vector.extract_strided_slice %convert_element_type3A_483 {offsets = [0, 640], sizes = [84, 64], strides = [1, 1]} : vector<84x768xbf16> to vector<84x64xbf16>
    %dot_general3A_656 = arith.constant dense<0.000000e+00> : vector<256x84xf32>
    %dot_general3A_657 = tpu.matmul %slice3A_653, %slice3A_654, %dot_general3A_656 {dimension_numbers = #tpu.dot_dimension_numbers<[1], [1], [0], [0], [0, 0, 1, 0], [], []>, transpose_lhs_hint = false} : vector<256x64xbf16>, vector<84x64xbf16>, vector<256x84xf32> -> vector<256x84xf32>
    %mul3A_658 = arith.constant 1.250000e-01 : f32
    %mul3A_659 = vector.broadcast %mul3A_658 : f32 to vector<256x84xf32>
    %mul3A_660 = arith.mulf %dot_general3A_657, %mul3A_659 : vector<256x84xf32>
    %exp3A_661 = math.exp %mul3A_660 : vector<256x84xf32>
    %reduce_sum3A_662 = arith.constant dense<0.000000e+00> : vector<256xf32>
    %reduce_sum3A_663 = vector.multi_reduction <add>, %exp3A_661, %reduce_sum3A_662 [1] : vector<256x84xf32> to vector<256xf32>
    %broadcast_in_dim3A_664 = vector.shape_cast %reduce_sum3A_663 : vector<256xf32> to vector<256x1xf32>
    %div3A_665 = vector.broadcast %broadcast_in_dim3A_664 : vector<256x1xf32> to vector<256x84xf32>
    %div3A_666 = arith.divf %exp3A_661, %div3A_665 : vector<256x84xf32>
    %convert_element_type3A_667 = arith.truncf %div3A_666 : vector<256x84xf32> to vector<256x84xbf16>
    %dot_general3A_668 = arith.constant dense<0.000000e+00> : vector<256x64xf32>
    %dot_general3A_669 = tpu.matmul %convert_element_type3A_667, %slice3A_655, %dot_general3A_668 {dimension_numbers = #tpu.dot_dimension_numbers<[1], [0], [0], [1], [0, 0, 1, 1], [], []>, transpose_lhs_hint = false} : vector<256x84xbf16>, vector<84x64xbf16>, vector<256x64xf32> -> vector<256x64xf32>
    %slice3A_670 = vector.extract_strided_slice %convert_element_type3A_457 {offsets = [0, 704], sizes = [256, 64], strides = [1, 1]} : vector<256x768xbf16> to vector<256x64xbf16>
    %slice3A_671 = vector.extract_strided_slice %convert_element_type3A_470 {offsets = [0, 704], sizes = [84, 64], strides = [1, 1]} : vector<84x768xbf16> to vector<84x64xbf16>
    %slice3A_672 = vector.extract_strided_slice %convert_element_type3A_483 {offsets = [0, 704], sizes = [84, 64], strides = [1, 1]} : vector<84x768xbf16> to vector<84x64xbf16>
    %dot_general3A_673 = arith.constant dense<0.000000e+00> : vector<256x84xf32>
    %dot_general3A_674 = tpu.matmul %slice3A_670, %slice3A_671, %dot_general3A_673 {dimension_numbers = #tpu.dot_dimension_numbers<[1], [1], [0], [0], [0, 0, 1, 0], [], []>, transpose_lhs_hint = false} : vector<256x64xbf16>, vector<84x64xbf16>, vector<256x84xf32> -> vector<256x84xf32>
    %mul3A_675 = arith.constant 1.250000e-01 : f32
    %mul3A_676 = vector.broadcast %mul3A_675 : f32 to vector<256x84xf32>
    %mul3A_677 = arith.mulf %dot_general3A_674, %mul3A_676 : vector<256x84xf32>
    %exp3A_678 = math.exp %mul3A_677 : vector<256x84xf32>
    %reduce_sum3A_679 = arith.constant dense<0.000000e+00> : vector<256xf32>
    %reduce_sum3A_680 = vector.multi_reduction <add>, %exp3A_678, %reduce_sum3A_679 [1] : vector<256x84xf32> to vector<256xf32>
    %broadcast_in_dim3A_681 = vector.shape_cast %reduce_sum3A_680 : vector<256xf32> to vector<256x1xf32>
    %div3A_682 = vector.broadcast %broadcast_in_dim3A_681 : vector<256x1xf32> to vector<256x84xf32>
    %div3A_683 = arith.divf %exp3A_678, %div3A_682 : vector<256x84xf32>
    %convert_element_type3A_684 = arith.truncf %div3A_683 : vector<256x84xf32> to vector<256x84xbf16>
    %dot_general3A_685 = arith.constant dense<0.000000e+00> : vector<256x64xf32>
    %dot_general3A_686 = tpu.matmul %convert_element_type3A_684, %slice3A_672, %dot_general3A_685 {dimension_numbers = #tpu.dot_dimension_numbers<[1], [0], [0], [1], [0, 0, 1, 1], [], []>, transpose_lhs_hint = false} : vector<256x84xbf16>, vector<84x64xbf16>, vector<256x64xf32> -> vector<256x64xf32>
    %concatenate3A_687 = tpu.concatenate %dot_general3A_499, %dot_general3A_516, %dot_general3A_533, %dot_general3A_550, %dot_general3A_567, %dot_general3A_584, %dot_general3A_601, %dot_general3A_618, %dot_general3A_635, %dot_general3A_652, %dot_general3A_669, %dot_general3A_686 in 1 : vector<256x64xf32>, vector<256x64xf32>, vector<256x64xf32>, vector<256x64xf32>, vector<256x64xf32>, vector<256x64xf32>, vector<256x64xf32>, vector<256x64xf32>, vector<256x64xf32>, vector<256x64xf32>, vector<256x64xf32>, vector<256x64xf32> -> vector<256x768xf32>
    %get3A_688 = arith.constant 0 : index
    %get3A_689 = arith.constant 0 : index
    %get3A_690 = vector.load %arg18[%get3A_688, %get3A_689] : memref<768x768xf32, #tpu.memory_space<vmem>>, vector<768x768xf32>
    %convert_element_type3A_691 = arith.truncf %concatenate3A_687 : vector<256x768xf32> to vector<256x768xbf16>
    %convert_element_type3A_692 = arith.truncf %get3A_690 : vector<768x768xf32> to vector<768x768xbf16>
    %dot_general3A_693 = arith.constant dense<0.000000e+00> : vector<256x768xf32>
    %dot_general3A_694 = tpu.matmul %convert_element_type3A_691, %convert_element_type3A_692, %dot_general3A_693 {dimension_numbers = #tpu.dot_dimension_numbers<[1], [0], [0], [1], [0, 0, 1, 1], [], []>, transpose_lhs_hint = false} : vector<256x768xbf16>, vector<768x768xbf16>, vector<256x768xf32> -> vector<256x768xf32>
    %get3A_695 = arith.constant 0 : index
    %get3A_696 = arith.constant 0 : index
    %get3A_697 = vector.load %arg19[%get3A_695, %get3A_696] : memref<1x768xf32, #tpu.memory_space<vmem>>, vector<1x768xf32>
    %add3A_698 = vector.broadcast %get3A_697 : vector<1x768xf32> to vector<256x768xf32>
    %add3A_699 = arith.addf %dot_general3A_694, %add3A_698 : vector<256x768xf32>
    %add3A_700 = arith.addf %add3A_699, %add3A_439 : vector<256x768xf32>
    %get3A_701 = arith.constant 0 : index
    %get3A_702 = arith.constant 0 : index
    %get3A_703 = vector.load %arg20[%get3A_701, %get3A_702] : memref<1x768xf32, #tpu.memory_space<vmem>>, vector<1x768xf32>
    %get3A_704 = arith.constant 0 : index
    %get3A_705 = arith.constant 0 : index
    %get3A_706 = vector.load %arg21[%get3A_704, %get3A_705] : memref<1x768xf32, #tpu.memory_space<vmem>>, vector<1x768xf32>
    %reduce_sum3A_707 = arith.constant dense<0.000000e+00> : vector<256xf32>
    %reduce_sum3A_708 = vector.multi_reduction <add>, %add3A_700, %reduce_sum3A_707 [1] : vector<256x768xf32> to vector<256xf32>
    %broadcast_in_dim3A_709 = vector.shape_cast %reduce_sum3A_708 : vector<256xf32> to vector<256x1xf32>
    %div3A_710 = arith.constant 7.680000e+02 : f32
    %div3A_711 = vector.broadcast %div3A_710 : f32 to vector<256x1xf32>
    %div3A_712 = arith.divf %broadcast_in_dim3A_709, %div3A_711 : vector<256x1xf32>
    %sub3A_713 = vector.broadcast %div3A_712 : vector<256x1xf32> to vector<256x768xf32>
    %sub3A_714 = arith.subf %add3A_700, %sub3A_713 : vector<256x768xf32>
    %integer_pow3A_715 = arith.mulf %sub3A_714, %sub3A_714 : vector<256x768xf32>
    %reduce_sum3A_716 = arith.constant dense<0.000000e+00> : vector<256xf32>
    %reduce_sum3A_717 = vector.multi_reduction <add>, %integer_pow3A_715, %reduce_sum3A_716 [1] : vector<256x768xf32> to vector<256xf32>
    %broadcast_in_dim3A_718 = vector.shape_cast %reduce_sum3A_717 : vector<256xf32> to vector<256x1xf32>
    %div3A_719 = arith.constant 7.680000e+02 : f32
    %div3A_720 = vector.broadcast %div3A_719 : f32 to vector<256x1xf32>
    %div3A_721 = arith.divf %broadcast_in_dim3A_718, %div3A_720 : vector<256x1xf32>
    %sub3A_722 = vector.broadcast %div3A_712 : vector<256x1xf32> to vector<256x768xf32>
    %sub3A_723 = arith.subf %add3A_700, %sub3A_722 : vector<256x768xf32>
    %add3A_724 = arith.constant 9.99999996E-13 : f32
    %add3A_725 = vector.broadcast %add3A_724 : f32 to vector<256x1xf32>
    %add3A_726 = arith.addf %div3A_721, %add3A_725 : vector<256x1xf32>
    %sqrt3A_727 = math.sqrt %add3A_726 : vector<256x1xf32>
    %div3A_728 = vector.broadcast %sqrt3A_727 : vector<256x1xf32> to vector<256x768xf32>
    %div3A_729 = arith.divf %sub3A_723, %div3A_728 : vector<256x768xf32>
    %mul3A_730 = vector.broadcast %get3A_703 : vector<1x768xf32> to vector<256x768xf32>
    %mul3A_731 = arith.mulf %div3A_729, %mul3A_730 : vector<256x768xf32>
    %add3A_732 = vector.broadcast %get3A_706 : vector<1x768xf32> to vector<256x768xf32>
    %add3A_733 = arith.addf %mul3A_731, %add3A_732 : vector<256x768xf32>
    %swap3A = arith.constant 0 : index
    %swap3A_734 = arith.constant 0 : index
    %swap3A_735 = arith.constant 0 : index
    %swap3A_736 = vector.load %arg22[%swap3A, %swap3A_734, %swap3A_735] : memref<1x256x768xf32, #tpu.memory_space<vmem>>, vector<1x256x768xf32>
    %swap3A_737 = vector.shape_cast %swap3A_736 : vector<1x256x768xf32> to vector<256x768xf32>
    %swap3A_738 = vector.shape_cast %add3A_733 : vector<256x768xf32> to vector<1x256x768xf32>
    tpu.vector_store %arg22[%swap3A, %swap3A_734, %swap3A_735], %swap3A_738 {strides = array<i32>} : memref<1x256x768xf32, #tpu.memory_space<vmem>>, vector<1x256x768xf32>,
    return
  }
  func.func @transform_0(%arg0: i32, %arg1: i32) -> (i32, i32, i32) {
    %c0_i32 = arith.constant 0 : i32
    %c0_i32_0 = arith.constant 0 : i32
    return %arg0, %arg1, %c0_i32 : i32, i32, i32
  }
  func.func @transform_1(%arg0: i32, %arg1: i32) -> (i32, i32, i32, i32) {
    %c0_i32 = arith.constant 0 : i32
    %c0_i32_0 = arith.constant 0 : i32
    %c0_i32_1 = arith.constant 0 : i32
    %c0_i32_2 = arith.constant 0 : i32
    return %arg0, %c0_i32, %c0_i32_0, %c0_i32_1 : i32, i32, i32, i32
  }
  func.func @transform_2(%arg0: i32, %arg1: i32) -> (i32, i32, i32, i32) {
    %c0_i32 = arith.constant 0 : i32
    %c0_i32_0 = arith.constant 0 : i32
    %c0_i32_1 = arith.constant 0 : i32
    %c0_i32_2 = arith.constant 0 : i32
    return %arg0, %c0_i32, %c0_i32_0, %c0_i32_1 : i32, i32, i32, i32
  }
  func.func @transform_3(%arg0: i32, %arg1: i32) -> (i32, i32) {
    %c0_i32 = arith.constant 0 : i32
    %c0_i32_0 = arith.constant 0 : i32
    %c0_i32_1 = arith.constant 0 : i32
    return %c0_i32, %c0_i32_0 : i32, i32
  }
  func.func @transform_4(%arg0: i32, %arg1: i32) -> (i32, i32) {
    %c0_i32 = arith.constant 0 : i32
    %c0_i32_0 = arith.constant 0 : i32
    %c0_i32_1 = arith.constant 0 : i32
    return %c0_i32, %c0_i32_0 : i32, i32
  }
  func.func @transform_5(%arg0: i32, %arg1: i32) -> (i32, i32) {
    %c0_i32 = arith.constant 0 : i32
    %c0_i32_0 = arith.constant 0 : i32
    %c0_i32_1 = arith.constant 0 : i32
    return %c0_i32, %c0_i32_0 : i32, i32
  }
  func.func @transform_6(%arg0: i32, %arg1: i32) -> (i32, i32) {
    %c0_i32 = arith.constant 0 : i32
    %c0_i32_0 = arith.constant 0 : i32
    %c0_i32_1 = arith.constant 0 : i32
    return %c0_i32, %c0_i32_0 : i32, i32
  }
  func.func @transform_7(%arg0: i32, %arg1: i32) -> (i32, i32) {
    %c0_i32 = arith.constant 0 : i32
    %c0_i32_0 = arith.constant 0 : i32
    %c0_i32_1 = arith.constant 0 : i32
    return %c0_i32, %c0_i32_0 : i32, i32
  }
  func.func @transform_8(%arg0: i32, %arg1: i32) -> (i32, i32) {
    %c0_i32 = arith.constant 0 : i32
    %c0_i32_0 = arith.constant 0 : i32
    %c0_i32_1 = arith.constant 0 : i32
    return %c0_i32, %c0_i32_0 : i32, i32
  }
  func.func @transform_9(%arg0: i32, %arg1: i32) -> (i32, i32, i32) {
    %c0_i32 = arith.constant 0 : i32
    %c0_i32_0 = arith.constant 0 : i32
    %c0_i32_1 = arith.constant 0 : i32
    return %arg0, %c0_i32, %c0_i32_0 : i32, i32, i32
  }
  func.func @transform_10(%arg0: i32, %arg1: i32) -> (i32, i32) {
    %c0_i32 = arith.constant 0 : i32
    %c0_i32_0 = arith.constant 0 : i32
    %c0_i32_1 = arith.constant 0 : i32
    return %c0_i32, %c0_i32_0 : i32, i32
  }
  func.func @transform_11(%arg0: i32, %arg1: i32) -> (i32, i32) {
    %c0_i32 = arith.constant 0 : i32
    %c0_i32_0 = arith.constant 0 : i32
    %c0_i32_1 = arith.constant 0 : i32
    return %c0_i32, %c0_i32_0 : i32, i32
  }
  func.func @transform_12(%arg0: i32, %arg1: i32) -> (i32, i32) {
    %c0_i32 = arith.constant 0 : i32
    %c0_i32_0 = arith.constant 0 : i32
    %c0_i32_1 = arith.constant 0 : i32
    return %c0_i32, %c0_i32_0 : i32, i32
  }
  func.func @transform_13(%arg0: i32, %arg1: i32) -> (i32, i32) {
    %c0_i32 = arith.constant 0 : i32
    %c0_i32_0 = arith.constant 0 : i32
    %c0_i32_1 = arith.constant 0 : i32
    return %c0_i32, %c0_i32_0 : i32, i32
  }
  func.func @transform_14(%arg0: i32, %arg1: i32) -> (i32, i32) {
    %c0_i32 = arith.constant 0 : i32
    %c0_i32_0 = arith.constant 0 : i32
    %c0_i32_1 = arith.constant 0 : i32
    return %c0_i32, %c0_i32_0 : i32, i32
  }
  func.func @transform_15(%arg0: i32, %arg1: i32) -> (i32, i32) {
    %c0_i32 = arith.constant 0 : i32
    %c0_i32_0 = arith.constant 0 : i32
    %c0_i32_1 = arith.constant 0 : i32
    return %c0_i32, %c0_i32_0 : i32, i32
  }
  func.func @transform_16(%arg0: i32, %arg1: i32) -> (i32, i32) {
    %c0_i32 = arith.constant 0 : i32
    %c0_i32_0 = arith.constant 0 : i32
    %c0_i32_1 = arith.constant 0 : i32
    return %c0_i32, %c0_i32_0 : i32, i32
  }
  func.func @transform_17(%arg0: i32, %arg1: i32) -> (i32, i32) {
    %c0_i32 = arith.constant 0 : i32
    %c0_i32_0 = arith.constant 0 : i32
    %c0_i32_1 = arith.constant 0 : i32
    return %c0_i32, %c0_i32_0 : i32, i32
  }
  func.func @transform_18(%arg0: i32, %arg1: i32) -> (i32, i32) {
    %c0_i32 = arith.constant 0 : i32
    %c0_i32_0 = arith.constant 0 : i32
    %c0_i32_1 = arith.constant 0 : i32
    return %c0_i32, %c0_i32_0 : i32, i32
  }
  func.func @transform_19(%arg0: i32, %arg1: i32) -> (i32, i32) {
    %c0_i32 = arith.constant 0 : i32
    %c0_i32_0 = arith.constant 0 : i32
    %c0_i32_1 = arith.constant 0 : i32
    return %c0_i32, %c0_i32_0 : i32, i32
  }
  func.func @transform_20(%arg0: i32, %arg1: i32) -> (i32, i32, i32) {
    %c0_i32 = arith.constant 0 : i32
    %c0_i32_0 = arith.constant 0 : i32
    return %arg0, %arg1, %c0_i32 : i32, i32, i32
  }
}

</mosaic_0001>

<sc_bundles>
// kernel: kernel.7.cloned.1.call-start
scs
__scs_entry_jumppad:
0x0: {  	(pc) =	sbr.rel $0x88, $3  }
0x1: {  	(tag) =	ssettag $0x0;
	lr =	simm.s32 $0x1  }
0x2: {  	[smem:$0x3F77] =	sst lr;
	_ =	strace $0xD0000000  }
0x3: {  	_ = 	snop  }
0x4: {  	_ = 	snop  }
0x5: {  	_ = 	snop  }
0x6: {  	_ = 	snop  }
0x7: {  	_ = 	snop  }
__scs_overlays_trampoline_lowered:
0x8: {  	[smem:$0x3F86] =	sst s0  }
0x9: {  	[smem:$0x3F87] =	sst s1  }
0xa: {  	[smem:$0x3F88] =	sst s2  }
0xb: {  	[smem:$0x3F89] =	sst s3  }
0xc: {  	[smem:$0x3F8A] =	sst s4  }
0xd: {  	[smem:$0x3F8B] =	sst s5  }
0xe: {  	[smem:$0x3F8C] =	sst s6  }
0xf: {  	[smem:$0x3F8D] =	sst s7  }
0x10: {  	[smem:$0x3F8E] =	sst s8  }
0x11: {  	[smem:$0x3F8F] =	sst s9;
	s0 =	simm.s32 @!p0 $0x0  }
0x12: {  	s1 =	sld [smem:$0x3F75];
	s0 =	simm.s32 @p0 $0x1  }
0x13: {  	[smem:$0x3F90] =	sst s0;
	s0 =	simm.s32 @!p1 $0x0  }
0x14: {  	s2 =	sld [smem:$0x3F74];
	s0 =	simm.s32 @p1 $0x1  }
0x15: {  	[smem:$0x3F91] =	sst s0;
	s0 =	simm.s32 @!p2 $0x0  }
0x16: {  	s3 =	sld [smem:$0x3FDB];
	s0 =	simm.s32 @p2 $0x1  }
0x17: {  	s4 =	simm.s32 $0x1BF5;
	[smem:$0x3F93] =	sst s0  }
0x18: {  	s0 =	sld [smem:$0x3F76];
	_ =	swait.ge [sflag:s4], $0x0  }
0x19: {  	s7 =	sld [smem:$0x3F77]  }
0x1a: {  	s8 =	sadd.s32 $0xFFFFE003, lr  }
0x1b: {  	s9 =	sadd.s32 $0xFFFFFEF7, lr;
	s5 =	simm.s32 $0xFFFFFFFF;
	p2 =	slt.u32 s8, $0xFFFFF086  }
0x1c: {  	p1 =	slt.u32 s9, $0xF7A;
	s5 =	simm.s32 @!p2 $0x0  }
0x1d: {  	s5 =	simm.s32 @p1 $0x1;
	p0 =	seq.s32 s7, s2  }
0x1e: {  	s7 =	smul.u32 @!p0 $0xF7A, s2;
	p2 =	seq.s32 @!p0 s5, $0x0  }
0x1f: {  	s9 =	smul.u32 $0xF7A, s1;
	s8 =	simm.s32 @!p0 $0x1BF5;
	p2 =	por !p2, p0  }
0x20: {  	[sflag:s8] =	ssyncset.s32 @!p0 $0xFFFFF086;
	s6 =	sadd.s32 @!p0 s3, s7;
	s7 =	simm.s32 @!p0 $0x108  }
0x21: {  	s3 =	sadd.s32 s3, s9;
	s6 =	sadd.s32 @!p0 $0x88, s6;
	s7 =	simm.s32 @p2 $0x1082  }
0x22: {  	[simem:s7], [sflag:s8] =	dma.local @!p0 [hbm:s6], $0xF7A  }
0x23: {  	s9 =	sor.u32 $0xD0000000, s2;
	s6 =	simm.s32 $0x108;
	_ =	swait.ge @!p0 [sflag:s8], $0x0  }
0x24: {  	s3 =	sadd.s32 $0x88, s3;
	s6 =	simm.s32 @!p1 $0x1082;
	[sflag:s4] =	ssyncset.s32 $0xFFFFF086  }
0x25: {  	[simem:s6], [sflag:s4] =	dma.local [hbm:s3], $0xF7A  }
0x26: {  	[smem:$0x3F77] =	sst s1;
	(tag) =	ssettag s2;
	_ =	strace s9  }
0x27: {  	s1 =	sld [smem:$0x3F87]  }
0x28: {  	s2 =	sld [smem:$0x3F88]  }
0x29: {  	s4 =	sld [smem:$0x3F8A]  }
0x2a: {  	p0 =	seq.s32 s5, $0x0;
	s5 =	sld [smem:$0x3F8B]  }
0x2b: {  	s6 =	sld [smem:$0x3F8C]  }
0x2c: {  	s7 =	sld [smem:$0x3F8D]  }
0x2d: {  	s3 =	simm.s32 $0x108;
	s8 =	sld [smem:$0x3F8E]  }
0x2e: {  	s3 =	simm.s32 @!p0 $0x1082;
	s9 =	sld [smem:$0x3F8F]  }
0x2f: {  	lr =	sadd.s32 s0, s3;
	s0 =	sld [smem:$0x3F86]  }
0x30: {  	s3 =	sld [smem:$0x3F89]  }
0x31: {  	[smem:$0x3F92] =	sst s10  }
0x32: {  	s10 =	sld [smem:$0x3F90];
	_ =	sdelay $0x3  }
0x33: {  	p0 =	seq.s32 s10, $0x1;
	s10 =	sld [smem:$0x3F92];
	_ =	sdelay $0x3  }
0x34: {  	[smem:$0x3F92] =	sst s10  }
0x35: {  	s10 =	sld [smem:$0x3F91];
	_ =	sdelay $0x3  }
0x36: {  	p1 =	seq.s32 s10, $0x1;
	s10 =	sld [smem:$0x3F92];
	_ =	sdelay $0x3  }
0x37: {  	[smem:$0x3F92] =	sst s10  }
0x38: {  	s10 =	sld [smem:$0x3F93]  }
0x39: {  	_ = 	snop;
	(pc) =	sbr.ind lr, $3  }
0x3a: {  	_ = 	snop  }
0x3b: {  	_ = 	snop  }
0x3c: {  	p2 =	seq.s32 s10, $0x1;
	s10 =	sld [smem:$0x3F92]  }
0x3d: {  	_ =	shalt  }
0x3e: {  	_ =	shalt  }
0x3f: {  	_ =	shalt  }
0x40: {  	_ =	shalt  }
0x41: {  	_ =	shalt  }
0x42: {  	_ =	shalt  }
0x43: {  	_ =	shalt  }
0x44: {  	_ =	shalt  }
0x45: {  	_ =	shalt  }
0x46: {  	_ =	shalt  }
0x47: {  	_ =	shalt  }
0x48: {  	_ =	shalt  }
0x49: {  	_ =	shalt  }
0x4a: {  	_ =	shalt  }
0x4b: {  	_ =	shalt  }
0x4c: {  	_ =	shalt  }
0x4d: {  	_ =	shalt  }
0x4e: {  	_ =	shalt  }
0x4f: {  	_ =	shalt  }
0x50: {  	_ =	shalt  }
0x51: {  	_ =	shalt  }
0x52: {  	_ =	shalt  }
0x53: {  	_ =	shalt  }
0x54: {  	_ =	shalt  }
0x55: {  	_ =	shalt  }
0x56: {  	_ =	shalt  }
0x57: {  	_ =	shalt  }
0x58: {  	_ =	shalt  }
0x59: {  	_ =	shalt  }
0x5a: {  	_ =	shalt  }
0x5b: {  	_ =	shalt  }
0x5c: {  	_ =	shalt  }
0x5d: {  	_ =	shalt  }
0x5e: {  	_ =	shalt  }
0x5f: {  	_ =	shalt  }
0x60: {  	_ =	shalt  }
0x61: {  	_ =	shalt  }
0x62: {  	_ =	shalt  }
0x63: {  	_ =	shalt  }
0x64: {  	_ =	shalt  }
0x65: {  	_ =	shalt  }
0x66: {  	_ =	shalt  }
0x67: {  	_ =	shalt  }
0x68: {  	_ =	shalt  }
0x69: {  	_ =	shalt  }
0x6a: {  	_ =	shalt  }
0x6b: {  	_ =	shalt  }
0x6c: {  	_ =	shalt  }
0x6d: {  	_ =	shalt  }
0x6e: {  	_ =	shalt  }
0x6f: {  	_ =	shalt  }
0x70: {  	_ =	shalt  }
0x71: {  	_ =	shalt  }
0x72: {  	_ =	shalt  }
0x73: {  	_ =	shalt  }
0x74: {  	_ =	shalt  }
0x75: {  	_ =	shalt  }
0x76: {  	_ =	shalt  }
0x77: {  	_ =	shalt  }
0x78: {  	_ =	shalt  }
0x79: {  	_ =	shalt  }
0x7a: {  	_ =	shalt  }
0x7b: {  	_ =	shalt  }
0x7c: {  	_ =	shalt  }
0x7d: {  	_ =	shalt  }
0x7e: {  	_ =	shalt  }
0x7f: {  	_ =	shalt  }
0x80: {  	_ =	shalt  }
0x81: {  	_ =	shalt  }
0x82: {  	_ =	shalt  }
0x83: {  	_ =	shalt  }
0x84: {  	_ =	shalt  }
0x85: {  	_ =	shalt  }
0x86: {  	_ =	shalt  }
0x87: {  	_ =	shalt  }
.Lfunc_end0:
.L_simem_size_0:
called_computation_lowered:
.L_overlay_start_0:
0x88: {  	s2 =	sld [smem:$0x3FD9]  }
0x89: {  	s3 =	sld [smem:$0x3FFE];
	_ =	sdelay $0x1  }
0x8a: {  	s1 =	srdreg.scid  }
0x8b: {  	s0 =	sand.u32 $0x1, s1  }
0x8c: {  	s15 =	sshll.u32 s0, $0xA;
	s2 =	sadd.s32 s3, s2  }
0x8d: {  	s2 =	sadd.s32 s2, s15  }
0x8e: {  	[smem:$0x3F9E] =	sst s2  }
0x8f: {  	_ = 	snop  }
0x90: {  	s2 =	sld [smem:$0x3FD0];
	_ =	sdelay $0x2  }
0x91: {  	s16 =	simm.s32 $0xA;
	s4 =	simm.s32 $0x10  }
0x92: {  	[smem:s4], [sflag:s16] =	dma.local [hbm:s2], $0x1  }
0x93: {  	_ =	swait.eq [sflag:s16], $0x1  }
0x94: {  	[sflag:s16] =	ssyncset.done $0x0  }
0x95: {  	s17 =	sld [smem:$0x11];
	[sflag:s16] =	ssyncadd.s32 $0xFFFFFFFF  }
0x96: {  	s18 =	sld [smem:$0x12];
	(tm) =	ssettm $0x1  }
0x97: {  	s19 =	sld [smem:$0x3FFB];
	_ =	sdelay $0x3  }
0x98: {  	_ =	strace s19  }
0x99: {  	s4 =	sld [smem:$0x3FFC];
	_ =	sdelay $0x3  }
0x9a: {  	_ =	strace s4  }
0x9b: {  	s4 =	sld [smem:$0x3FFD];
	_ =	sdelay $0x3  }
0x9c: {  	_ =	strace s4  }
0x9d: {  	_ =	strace $0x8FFFFFFF  }
0x9e: {  	s20 =	sld [smem:$0x3FDB];
	_ =	sdelay $0x1  }
0x9f: {  	s5 =	simm.s32 $_scs_section_size  }
0xa0: {  	s6 =	simm.s32 $_size__tile_overlayer_lowered;
	s7 =	simm.s32 $_tile_overlayer_lowered  }
0xa1: {  	s23 =	simm.s32 $0x1BFF;
	s22 =	sshll.u32 s7, $0x1;
	s4 =	sadd.s32 s5, s20  }
0xa2: {  	s8 =	simm.s32 $0x0;
	s21 =	sshll.u32 s6, $0x1;
	s6 =	sadd.s32 s22, s4  }
0xa3: {  	[timem:s8], [sflag:s23] =	dma.local [hbm:s6], s21  }
0xa4: {  	_ =	swait.ge [sflag:s23], s21  }
0xa5: {  	s5 =	ssub.s32 $0x0, s21;
	[sflag:s23] =	ssyncset.done $0x0  }
0xa6: {  	[sflag:s23] =	ssyncadd.s32 s5;
	_ =	sdelay $0x1  }
0xa7: {  	s24 =	simm.s32 $0x1B8B  }
0xa8: {  	_ =	swait.ge [sflag:s24], $0x1  }
0xa9: {  	[sflag:s24] =	ssyncset.done $0x0  }
0xaa: {  	s25 =	simm.s32 $0x1B8E;
	[sflag:s24] =	ssyncadd.s32 $0xFFFFFFFF  }
0xab: {  	s26 =	simm.s32 $execute0_lowered;
	[smem:$0x3FD2] =	sst s25  }
0xac: {  	s5 =	sshll.u32 s26, $0x1;
	_ =	strace $0x80000046;
	[dreg:$0x1] =	wrdreg $0xFFFFFFFF  }
0xad: {  	s28 =	simm.s32 $_size_execute0_lowered;
	s4 =	sadd.s32 s4, s5;
	[dreg:$0x0] =	wrdreg $0x0  }
0xae: {  	s5 =	sshll.u32 s28, $0x1;
	[dreg:$0x2] =	wrdreg s4  }
0xaf: {  	[dreg:$0x3] =	wrdreg s5  }
0xb0: {  	[dreg:$0x4] =	wrdreg $0xC0  }
0xb1: {  	_ =	task [dreg:s8], $0x5FFFF  }
0xb2: {  	[dreg:$0x1] =	wrdreg $0xFFFFFFFF  }
0xb3: {  	[dreg:$0x0] =	wrdreg $0x60  }
0xb4: {  	[dreg:$0x2] =	wrdreg s18  }
0xb5: {  	[dreg:$0x3] =	wrdreg s17  }
0xb6: {  	[dreg:$0x4] =	wrdreg $0x9  }
0xb7: {  	_ =	task.clear_ibuf [dreg:s8], $0x5FFFF;
	_ =	strace $0x90000046  }
0xb8: {  	s29 =	simm.s32 $0x9;
	_ =	strace $0x80000048  }
0xb9: {  	_ =	swait.ge [sflag:s29], $0x1  }
0xba: {  	[sflag:s29] =	ssyncadd.s32 $0xFFFFFFFF  }
0xbb: {  	_ =	strace $0x90000048  }
0xbc: {  	_ =	sfence  }
0xbd: {  	s30 =	sld [smem:$0x0];
	_ =	sdelay $0x2  }
0xbe: {  	s31 =	sshll.u32 s1, $0xD;
	s1 =	sshrl.u32 s1, $0x2  }
0xbf: {  	s3 =	sand.u32 $0x4000, s31;
	s1 =	sadd.s32 s1, s30  }
0xc0: {  	s0 =	sor.u32 s3, s0;
	s1 =	sshll.u32 s1, $0x11  }
0xc1: {  	s0 =	sor.u32 s1, s0  }
0xc2: {  	s0 =	sadd.s32 $0x8F2B, s0  }
0xc3: {  	[sflag:s0] =	ssyncadd.remote.s32 $0x1  }
0xc4: {  	_ =	sfence.sel $0xFFFF  }
0xc5: {  	[dreg:$0x0] =	wrdreg $0xFFFFFFFF;
	(pc) =	sbr.abs _section_cstart, $3  }
0xc6: {  	[dreg:$0x1] =	wrdreg $0xFFFFFFFF  }
0xc7: {  	_ =	task.clear_ibuf [dreg:s8], $0x2FFFF;
	_ =	strace $0x9FFFFFFF  }
0xc8: {  	(tm) =	ssettm $0x7FFFFFFF  }
0xc9: {  	_ =	shalt  }
tec
execute0_lowered:
.L_overlay_start_1:
0x0: {  	(tag) =	ssettag $0x1  }
0x1: {  	s3 =	rddreg [dreg:$0x0]  }
0x2: {  	s4 =	rddreg [dreg:$0x1]  }
0x3: {  	s0 =	rddreg [dreg:$0x2];
	s2 =	simm.s32 $0x0;
	s5 =	srdreg.scid  }
0x4: {  	s1 =	stileid.u32;
	[smem:$0x7FF] =	sst s2;
	s5 =	sand.u32 $0x1, s5  }
0x5: {  	s7 =	sshll.u32 s1, $0x8;
	s6 =	ssub.s32 $0x2, s5;
	s5 =	sshll.u32 s5, $0x7  }
0x6: {  	_ =	strace $0x80000047;
	s5 =	sor.u32 s5, s7;
	s31 =	sshrl.u32 s6, $0x1  }
0x7: {  	s7 =	simm.s32 $0x400;
	s6 =	ssub.s32 s6, s31;
	s3 =	sadd.s32 s3, s5  }
0x8: {  	v58 =	vimm.f32 $0.0e+00;
	s4 =	sadd.s32 s4, s5;
	s5 =	smax.u32 s6, $0x1;
	s6 =	simm.s32 $0x1  }
.LBB2_1:
0x9: {  	[tilespmem:s2], [sflag:$0x1] =	stream.linear.gather [hbm4b:s3+s2], $0x400, $0x38;
	[tilespmem:$0x800] =	vst v63  }
0xa: {  	_ =	swait.ge [sflag:s6], $0x400  }
0xb: {  	[sflag:s6] =	ssyncset.done $0x0  }
0xc: {  	[sflag:s6] =	ssyncadd.s32 $0xFFFFFC00  }
0xd: {  	v2 =	vld [tilespmem:$0x0]  }
0xe: {  	v3 =	vld [tilespmem:$0x80]  }
0xf: {  	v4 =	vld [tilespmem:$0x100]  }
0x10: {  	v5 =	vld [tilespmem:$0x180]  }
0x11: {  	v6 =	vld [tilespmem:$0x200]  }
0x12: {  	v7 =	vld [tilespmem:$0x280]  }
0x13: {  	v1 =	vmax.f32 v2, v3  }
0x14: {  	v1 =	vmax.f32 v1, v4  }
0x15: {  	v1 =	vmax.f32 v1, v5  }
0x16: {  	v1 =	vmax.f32 v1, v6  }
0x17: {  	v8 =	vmax.f32 v1, v7  }
0x18: {  	vm0 =	veq.f32 v2, v8;
	vm6 =	veq.f32 v3, v8;
	vm7 =	veq.f32 v4, v8  }
0x19: {  	vm8 =	veq.f32 v5, v8;
	vm9 =	veq.f32 v6, v8;
	vm10 =	veq.f32 v7, v8  }
0x1a: {  	v1 =	vsel vm0, $0x3F800000, v58;
	v10 =	vsel vm6, $0x3F800000, v58;
	v12 =	vsel vm7, $0x3F800000, v58  }
0x1b: {  	v14 =	vsel vm8, $0x3F800000, v58;
	v50 =	vsel vm9, $0x3F800000, v58;
	v9 =	vmax.f32 v1, $0.0e+00  }
0x1c: {  	v51 =	vsel vm10, $0x3F800000, v58;
	v11 =	vsub.f32 $1.000000000e+00, v1;
	v9 =	vmax.f32 v9, v10  }
0x1d: {  	v52 =	vmul.f32 $1.000000020e+30, v1;
	v13 =	vsub.f32 $1.000000000e+00, v9;
	v9 =	vmax.f32 v9, v12  }
0x1e: {  	v11 =	vmul.f32 v11, v10;
	v15 =	vsub.f32 $1.000000000e+00, v9;
	v9 =	vmax.f32 v9, v14  }
0x1f: {  	v16 =	vsub.f32 $1.000000000e+00, v9;
	v12 =	vmul.f32 v13, v12;
	v9 =	vmax.f32 v9, v50  }
0x20: {  	v53 =	vmul.f32 $1.000000020e+30, v11;
	v14 =	vmul.f32 v15, v14;
	v9 =	vsub.f32 $1.000000000e+00, v9  }
0x21: {  	v2 =	vsub.f32 v2, v52;
	v15 =	vmul.f32 v16, v50;
	v54 =	vmul.f32 $1.000000020e+30, v12  }
0x22: {  	v18 =	vld [tilespmem:$0x10];
	v3 =	vsub.f32 v3, v53;
	v17 =	vmul.f32 v9, v51;
	v55 =	vmul.f32 $1.000000020e+30, v14  }
0x23: {  	v63 =	vld [tilespmem:$0x90];
	v4 =	vsub.f32 v4, v54;
	v56 =	vmul.f32 $1.000000020e+30, v15  }
0x24: {  	v20 =	vld [tilespmem:$0x110];
	v13 =	vmax.f32 v2, v3;
	v5 =	vsub.f32 v5, v55;
	v57 =	vmul.f32 $1.000000020e+30, v17  }
0x25: {  	v21 =	vld [tilespmem:$0x190];
	v6 =	vsub.f32 v6, v56;
	v59 =	vmax.f32 v13, v4  }
0x26: {  	v36 =	vld [tilespmem:$0x210];
	v60 =	vsub.f32 v7, v57;
	v61 =	vmax.f32 v59, v5  }
0x27: {  	v22 =	vld [tilespmem:$0x290];
	v7 =	vmax.f32 v61, v6  }
0x28: {  	v39 =	vmax.f32 v18, v63;
	v62 =	vmax.f32 v7, v60  }
0x29: {  	v10 =	vmax.f32 v39, v20;
	v7 =	vsub.f32 v62, v8  }
0x2a: {  	v42 =	vmax.f32 v10, v21  }
0x2b: {  	v44 =	vmax.f32 v42, v36;
	v7 =	vmul.f32 $1.442695020e+00, v7  }
0x2c: {  	v26 =	vmax.f32 v44, v22  }
0x2d: {  	vm4 =	veq.f32 v18, v26;
	vm5 =	veq.f32 v63, v26;
	(erf) = vpow2.f32 v7  }
0x2e: {  	vm6 =	veq.f32 v20, v26;
	vm7 =	veq.f32 v21, v26;
	vm8 =	veq.f32 v36, v26  }
0x2f: {  	vm9 =	veq.f32 v22, v26;
	v49 =	vsel vm5, $0x3F800000, v58;
	v51 =	vsel vm6, $0x3F800000, v58  }
0x30: {  	v29 =	vsel vm7, $0x3F800000, v58;
	v31 =	vsel vm8, $0x3F800000, v58;
	v53 =	vsel vm9, $0x3F800000, v58  }
0x31: {  	vm11 =	veq.f32 v2, v62;
	vm12 =	veq.f32 v3, v62;
	vm13 =	veq.f32 v4, v62  }
0x32: {  	vm14 =	veq.f32 v5, v62;
	vm15 =	veq.f32 v6, v62;
	v6 =	vsel vm4, $0x3F800000, v58  }
0x33: {  	vm10 =	veq.f32 v60, v62;
	v19 =	vsel vm11, $0x3F800000, v58;
	v35 =	vsel vm12, $0x3F800000, v58  }
0x34: {  	v37 =	vsel vm13, $0x3F800000, v58;
	v41 =	vsel vm14, $0x3F800000, v58;
	v46 =	vsel vm15, $0x3F800000, v58  }
0x35: {  	v48 =	vmax.f32 v6, $0.0e+00;
	v50 =	vsub.f32 $1.000000000e+00, v6;
	v54 =	vmul.f32 $1.000000020e+30, v6  }
0x36: {  	v60 =	vsel vm10, $0x3F800000, v58;
	v33 =	vsub.f32 $1.000000000e+00, v19;
	v34 =	vmax.f32 v19, $0.0e+00;
	v25 =	vpop (erf)  }
0x37: {  	v9 =	vmul.f32 v50, v49;
	v7 =	vmax.f32 v34, v35;
	v47 =	vadd.f32 $1.000000000e+00, v25  }
0x38: {  	v18 =	vsub.f32 v18, v54;
	v3 =	vmul.f32 v33, v35;
	v38 =	vsub.f32 $1.000000000e+00, v7  }
0x39: {  	v7 =	vmax.f32 v7, v37;
	v55 =	vmul.f32 $1.000000020e+30, v9;
	(erf) = vrcp.f32 v47  }
0x3a: {  	v40 =	vsub.f32 $1.000000000e+00, v7;
	v43 =	vmax.f32 v7, v41;
	v7 =	vmax.f32 v48, v49  }
0x3b: {  	v23 =	vmul.f32 v38, v37;
	v45 =	vsub.f32 $1.000000000e+00, v43;
	v5 =	vmax.f32 v43, v46  }
0x3c: {  	v28 =	vsub.f32 $1.000000000e+00, v7;
	v7 =	vmax.f32 v7, v51;
	v57 =	vsub.f32 v63, v55  }
0x3d: {  	v24 =	vmul.f32 v40, v41;
	v30 =	vsub.f32 $1.000000000e+00, v7;
	v7 =	vmax.f32 v7, v29  }
0x3e: {  	v32 =	vsub.f32 $1.000000000e+00, v7;
	v10 =	vmul.f32 v28, v51;
	v52 =	vmax.f32 v7, v31  }
0x3f: {  	v27 =	vmul.f32 v45, v46;
	v8 =	vmul.f32 v30, v29;
	v28 =	vsub.f32 $1.000000000e+00, v52  }
0x40: {  	v5 =	vsub.f32 $1.000000000e+00, v5;
	v7 =	vmul.f32 v32, v31;
	v56 =	vmul.f32 $1.000000020e+30, v10  }
0x41: {  	v30 =	vmax.f32 v18, v57;
	v13 =	vmul.f32 v28, v53;
	v59 =	vmul.f32 $1.000000020e+30, v8  }
0x42: {  	v29 =	vmul.f32 v5, v60;
	v16 =	vsub.f32 v20, v56;
	v61 =	vmul.f32 $1.000000020e+30, v7;
	v63 =	vpop (erf)  }
0x43: {  	v21 =	vsub.f32 v21, v59;
	v62 =	vmul.f32 $1.000000020e+30, v13;
	v25 =	vmul.f32 v63, v25  }
0x44: {  	v20 =	vsub.f32 v36, v61;
	v1 =	vmul.f32 v63, v1;
	v11 =	vmul.f32 v63, v11  }
0x45: {  	v33 =	vmax.f32 v30, v16;
	v37 =	vmul.f32 v63, v12;
	v14 =	vmul.f32 v63, v14  }
0x46: {  	v22 =	vsub.f32 v22, v62;
	v43 =	vmul.f32 v63, v15;
	v35 =	vmul.f32 v25, v19  }
0x47: {  	v34 =	vmax.f32 v33, v21;
	v36 =	vmul.f32 v25, v3;
	v39 =	vmul.f32 v25, v23  }
0x48: {  	v2 =	vmax.f32 v34, v20;
	v40 =	vmul.f32 v24, v25;
	v44 =	vmul.f32 v27, v25  }
0x49: {  	v19 =	vmax.f32 v2, v22;
	v24 =	vmul.f32 v63, v17;
	v25 =	vmul.f32 v29, v25  }
0x4a: {  	v46 =	vld [tilespmem:$0xA0];
	v38 =	vsub.f32 v19, v26;
	vm11 =	veq.f32 v18, v19;
	vm12 =	veq.f32 v57, v19  }
0x4b: {  	v23 =	vld [tilespmem:$0x20];
	vm13 =	veq.f32 v16, v19;
	vm14 =	veq.f32 v21, v19;
	v5 =	vadd.f32 v35, v1  }
0x4c: {  	v27 =	vld [tilespmem:$0x120];
	vm15 =	veq.f32 v20, v19;
	v0 =	vadd.f32 v36, v11;
	v42 =	vadd.f32 v39, v37  }
0x4d: {  	v28 =	vld [tilespmem:$0x1A0];
	vm10 =	veq.f32 v22, v19;
	v45 =	vadd.f32 v40, v14;
	v47 =	vadd.f32 v44, v43  }
0x4e: {  	v29 =	vld [tilespmem:$0x220];
	v26 =	vsel vm11, $0x3F800000, v58;
	v50 =	vsel vm12, $0x3F800000, v58;
	v52 =	vsel vm13, $0x3F800000, v58  }
0x4f: {  	v31 =	vld [tilespmem:$0x2A0];
	v55 =	vsel vm14, $0x3F800000, v58;
	v61 =	vsel vm15, $0x3F800000, v58;
	v41 =	vmul.f32 $1.442695020e+00, v38  }
0x50: {  	v48 =	vsub.f32 $1.000000000e+00, v26;
	v49 =	vmax.f32 v26, $0.0e+00;
	v53 =	vmax.f32 v23, v46  }
0x51: {  	v51 =	vmax.f32 v49, v50;
	(erf) = vpow2.f32 v41;
	v16 =	vmax.f32 v53, v27  }
0x52: {  	v15 =	vsub.f32 $1.000000000e+00, v51;
	v12 =	vmax.f32 v51, v52;
	v56 =	vmax.f32 v16, v28  }
0x53: {  	v54 =	vsub.f32 $1.000000000e+00, v12;
	v12 =	vmax.f32 v12, v55;
	v57 =	vmax.f32 v56, v29  }
0x54: {  	v21 =	vmul.f32 v15, v52;
	v59 =	vsub.f32 $1.000000000e+00, v12;
	v33 =	vmax.f32 v57, v31  }
0x55: {  	v35 =	vmax.f32 v12, v61;
	vm4 =	veq.f32 v23, v33;
	vm5 =	veq.f32 v46, v33  }
0x56: {  	vm6 =	veq.f32 v27, v33;
	vm7 =	veq.f32 v28, v33;
	vm8 =	veq.f32 v29, v33  }
0x57: {  	[tilespmem:$0x1FF90] =	vst v0;
	vm9 =	veq.f32 v31, v33;
	v12 =	vsel vm4, $0x3F800000, v58;
	v0 =	vsel vm5, $0x3F800000, v58  }
0x58: {  	v2 =	vsel vm6, $0x3F800000, v58;
	v37 =	vsel vm7, $0x3F800000, v58;
	v63 =	vmax.f32 v12, $0.0e+00  }
0x59: {  	v3 =	vsel vm8, $0x3F800000, v58;
	v1 =	vsub.f32 $1.000000000e+00, v12;
	v14 =	vmax.f32 v63, v0  }
0x5a: {  	v41 =	vsel vm9, $0x3F800000, v58;
	v36 =	vsub.f32 $1.000000000e+00, v14;
	v14 =	vmax.f32 v14, v2  }
0x5b: {  	v60 =	vpop (erf);
	v17 =	vmul.f32 v1, v0;
	v38 =	vsub.f32 $1.000000000e+00, v14;
	v14 =	vmax.f32 v14, v37  }
0x5c: {  	[tilespmem:$0x1FFA0] =	vst v42;
	v42 =	vmul.f32 $1.000000020e+30, v12;
	v62 =	vadd.f32 $1.000000000e+00, v60;
	v39 =	vsub.f32 $1.000000000e+00, v14  }
0x5d: {  	v15 =	vmul.f32 v36, v2;
	v4 =	vmax.f32 v14, v3;
	v43 =	vmul.f32 $1.000000020e+30, v17  }
0x5e: {  	(erf) = vrcp.f32 v62;
	v18 =	vmul.f32 v38, v37;
	v40 =	vsub.f32 $1.000000000e+00, v4  }
0x5f: {  	[tilespmem:$0x1FFB0] =	vst v45;
	v45 =	vsub.f32 v23, v42;
	v14 =	vmul.f32 v39, v3;
	v44 =	vmul.f32 $1.000000020e+30, v15  }
0x60: {  	[tilespmem:$0x1FFC0] =	vst v47;
	v46 =	vsub.f32 v46, v43;
	v16 =	vmul.f32 v40, v41;
	v47 =	vmul.f32 $1.000000020e+30, v18  }
0x61: {  	v30 =	vmul.f32 v48, v50;
	v19 =	vsub.f32 v27, v44;
	v49 =	vmul.f32 $1.000000020e+30, v14  }
0x62: {  	v37 =	vmax.f32 v45, v46;
	v28 =	vsub.f32 v28, v47;
	v50 =	vmul.f32 $1.000000020e+30, v16  }
0x63: {  	v27 =	vsub.f32 v29, v49;
	v52 =	vmax.f32 v37, v19  }
0x64: {  	v35 =	vsub.f32 $1.000000000e+00, v35;
	v31 =	vsub.f32 v31, v50;
	v53 =	vmax.f32 v52, v28  }
0x65: {  	v48 =	vsel vm10, $0x3F800000, v58;
	v11 =	vmax.f32 v53, v27  }
0x66: {  	v32 =	vmul.f32 v54, v55;
	v54 =	vmul.f32 v35, v48;
	v35 =	vmax.f32 v11, v31  }
0x67: {  	v34 =	vmul.f32 v59, v61;
	v11 =	vadd.f32 v25, v24;
	v33 =	vsub.f32 v35, v33  }
0x68: {  	v51 =	vpop (erf);
	vm11 =	veq.f32 v45, v35;
	vm12 =	veq.f32 v46, v35;
	vm13 =	veq.f32 v19, v35  }
0x69: {  	vm14 =	veq.f32 v28, v35;
	v20 =	vmul.f32 v51, v60;
	v6 =	vmul.f32 v51, v6  }
0x6a: {  	vm15 =	veq.f32 v27, v35;
	v9 =	vmul.f32 v51, v9;
	v55 =	vmul.f32 v51, v10  }
0x6b: {  	vm10 =	veq.f32 v31, v35;
	v56 =	vmul.f32 v51, v8;
	v60 =	vmul.f32 v51, v7  }
0x6c: {  	v13 =	vmul.f32 v51, v13;
	v44 =	vsel vm12, $0x3F800000, v58;
	v59 =	vmul.f32 $1.442695020e+00, v33  }
0x6d: {  	v4 =	vld [tilespmem:$0xB0];
	v46 =	vsel vm13, $0x3F800000, v58;
	v26 =	vmul.f32 v20, v26;
	v30 =	vmul.f32 v20, v30  }
0x6e: {  	v50 =	vsel vm14, $0x3F800000, v58;
	v21 =	vmul.f32 v20, v21;
	v57 =	vmul.f32 v32, v20;
	v32 =	vld [tilespmem:$0x30]  }
0x6f: {  	v7 =	vld [tilespmem:$0x130];
	v40 =	vsel vm15, $0x3F800000, v58;
	v61 =	vmul.f32 v34, v20;
	v29 =	vmul.f32 v54, v20  }
0x70: {  	(erf) = vpow2.f32 v59;
	v8 =	vadd.f32 v30, v9;
	v30 =	vsel vm11, $0x3F800000, v58;
	v9 =	vld [tilespmem:$0x1B0]  }
0x71: {  	v34 =	vld [tilespmem:$0x230];
	v10 =	vadd.f32 v26, v6;
	v62 =	vadd.f32 v21, v55;
	v43 =	vmax.f32 v30, $0.0e+00  }
0x72: {  	v36 =	vld [tilespmem:$0x2B0];
	v63 =	vadd.f32 v57, v56;
	v45 =	vsub.f32 $1.000000000e+00, v30;
	v20 =	vmax.f32 v43, v44  }
0x73: {  	v6 =	vadd.f32 v61, v60;
	v47 =	vsub.f32 $1.000000000e+00, v20;
	v48 =	vmax.f32 v32, v4  }
0x74: {  	v20 =	vmax.f32 v20, v46;
	v37 =	vmul.f32 v45, v44;
	v24 =	vmax.f32 v48, v7  }
0x75: {  	v49 =	vsub.f32 $1.000000000e+00, v20;
	v19 =	vmax.f32 v20, v50;
	v51 =	vmax.f32 v24, v9  }
0x76: {  	v38 =	vmul.f32 v47, v46;
	v41 =	vsub.f32 $1.000000000e+00, v19;
	v21 =	vmax.f32 v51, v34  }
0x77: {  	v42 =	vmax.f32 v19, v40;
	v28 =	vmul.f32 v49, v50;
	v53 =	vmax.f32 v21, v36  }
0x78: {  	v42 =	vsub.f32 $1.000000000e+00, v42;
	v48 =	vmul.f32 v41, v40;
	vm4 =	veq.f32 v32, v53  }
0x79: {  	v52 =	vpop (erf);
	vm5 =	veq.f32 v4, v53;
	vm6 =	veq.f32 v7, v53;
	vm7 =	veq.f32 v9, v53  }
0x7a: {  	vm8 =	veq.f32 v34, v53;
	vm9 =	veq.f32 v36, v53;
	v54 =	vadd.f32 $1.000000000e+00, v52  }
0x7b: {  	v19 =	vsel vm4, $0x3F800000, v58;
	v56 =	vsel vm5, $0x3F800000, v58;
	v59 =	vsel vm6, $0x3F800000, v58  }
0x7c: {  	v43 =	vsel vm7, $0x3F800000, v58;
	v61 =	vsel vm8, $0x3F800000, v58;
	v55 =	vmax.f32 v19, $0.0e+00  }
0x7d: {  	v57 =	vsub.f32 $1.000000000e+00, v19;
	(erf) = vrcp.f32 v54;
	v20 =	vmax.f32 v55, v56  }
0x7e: {  	[tilespmem:$0x1FFE0] =	vst v63;
	v63 =	vsel vm9, $0x3F800000, v58;
	v60 =	vsub.f32 $1.000000000e+00, v20;
	v20 =	vmax.f32 v20, v59  }
0x7f: {  	v0 =	vmul.f32 $1.000000020e+30, v19;
	v21 =	vmul.f32 v57, v56;
	v45 =	vmax.f32 v20, v43  }
0x80: {  	[tilespmem:$0x1FFD0] =	vst v62;
	v44 =	vsub.f32 $1.000000000e+00, v20;
	v46 =	vsub.f32 $1.000000000e+00, v45;
	v62 =	vmax.f32 v45, v61  }
0x81: {  	v24 =	vmul.f32 v60, v59;
	v1 =	vmul.f32 $1.000000020e+30, v21;
	v23 =	vsub.f32 $1.000000000e+00, v62  }
0x82: {  	v32 =	vsub.f32 v32, v0;
	v20 =	vmul.f32 v44, v43;
	v22 =	vmul.f32 v46, v61  }
0x83: {  	v2 =	vmul.f32 $1.000000020e+30, v24;
	v25 =	vsub.f32 v4, v1;
	v23 =	vmul.f32 v23, v63  }
0x84: {  	[tilespmem:$0x1FFF0] =	vst v6;
	v4 =	vsel vm10, $0x3F800000, v58;
	v3 =	vmul.f32 $1.000000020e+30, v20;
	v6 =	vmul.f32 $1.000000020e+30, v22  }
0x85: {  	v49 =	vmul.f32 v42, v4;
	v26 =	vsub.f32 v7, v2;
	v44 =	vmax.f32 v32, v25  }
0x86: {  	v33 =	vsub.f32 v9, v3;
	v7 =	vmul.f32 $1.000000020e+30, v23;
	v9 =	vpop (erf);
	v31 =	vsub.f32 v34, v6  }
0x87: {  	v47 =	vmax.f32 v44, v26;
	v27 =	vmul.f32 v9, v52;
	v12 =	vmul.f32 v9, v12  }
0x88: {  	v35 =	vsub.f32 v36, v7;
	v50 =	vmul.f32 v9, v17;
	v51 =	vmul.f32 v9, v15  }
0x89: {  	v34 =	vmax.f32 v47, v33;
	v18 =	vmul.f32 v9, v18;
	v14 =	vmul.f32 v9, v14  }
0x8a: {  	v17 =	vadd.f32 v29, v13;
	v55 =	vmul.f32 v9, v16;
	v30 =	vmul.f32 v27, v30  }
0x8b: {  	v34 =	vmax.f32 v34, v31;
	v37 =	vmul.f32 v27, v37;
	v52 =	vmul.f32 v27, v38  }
0x8c: {  	v34 =	vmax.f32 v34, v35;
	v28 =	vmul.f32 v28, v27;
	v54 =	vmul.f32 v48, v27  }
0x8d: {  	v27 =	vmul.f32 v49, v27;
	v39 =	vsub.f32 v34, v53;
	vm11 =	veq.f32 v32, v34  }
0x8e: {  	vm12 =	veq.f32 v25, v34;
	vm13 =	veq.f32 v26, v34;
	vm14 =	veq.f32 v33, v34  }
0x8f: {  	v41 =	vld [tilespmem:$0x40];
	vm15 =	veq.f32 v31, v34;
	v15 =	vadd.f32 v30, v12;
	v12 =	vadd.f32 v37, v50  }
0x90: {  	vm9 =	veq.f32 v35, v34;
	v13 =	vadd.f32 v52, v51;
	v30 =	vld [tilespmem:$0xC0];
	v18 =	vadd.f32 v28, v18  }
0x91: {  	v32 =	vld [tilespmem:$0x140];
	v16 =	vadd.f32 v54, v14;
	v28 =	vsel vm11, $0x3F800000, v58;
	v53 =	vmul.f32 $1.442695020e+00, v39  }
0x92: {  	v29 =	vld [tilespmem:$0x1C0];
	v14 =	vadd.f32 v27, v55;
	v25 =	vsel vm12, $0x3F800000, v58;
	v60 =	vsel vm13, $0x3F800000, v58  }
0x93: {  	v36 =	vld [tilespmem:$0x240];
	v0 =	vsel vm14, $0x3F800000, v58;
	v56 =	vmax.f32 v28, $0.0e+00;
	(erf) = vpow2.f32 v53  }
0x94: {  	v42 =	vld [tilespmem:$0x2C0];
	v47 =	vsel vm15, $0x3F800000, v58;
	v57 =	vsub.f32 $1.000000000e+00, v28;
	v59 =	vmax.f32 v56, v25  }
0x95: {  	v62 =	vsub.f32 $1.000000000e+00, v59;
	v26 =	vmax.f32 v59, v60;
	v61 =	vmax.f32 v41, v30  }
0x96: {  	v63 =	vsub.f32 $1.000000000e+00, v26;
	v46 =	vmax.f32 v26, v0;
	v38 =	vmax.f32 v61, v32  }
0x97: {  	v27 =	vmul.f32 v62, v60;
	v60 =	vsub.f32 $1.000000000e+00, v46;
	v38 =	vmax.f32 v38, v29  }
0x98: {  	v43 =	vmul.f32 v57, v25;
	v46 =	vmax.f32 v46, v47;
	v1 =	vmax.f32 v38, v36  }
0x99: {  	v33 =	vmul.f32 v63, v0;
	v63 =	vmul.f32 v60, v47;
	v45 =	vmax.f32 v1, v42  }
0x9a: {  	vm1 =	veq.f32 v41, v45;
	vm4 =	veq.f32 v30, v45;
	vm5 =	veq.f32 v32, v45  }
0x9b: {  	vm6 =	veq.f32 v29, v45;
	vm7 =	veq.f32 v36, v45;
	vm8 =	veq.f32 v42, v45  }
0x9c: {  	v26 =	vsel vm1, $0x3F800000, v58;
	v4 =	vsel vm4, $0x3F800000, v58;
	v7 =	vsel vm5, $0x3F800000, v58;
	v44 =	vpop (erf)  }
0x9d: {  	v48 =	vsel vm6, $0x3F800000, v58;
	v3 =	vmax.f32 v26, $0.0e+00;
	v2 =	vadd.f32 $1.000000000e+00, v44  }
0x9e: {  	v52 =	vsel vm7, $0x3F800000, v58;
	v6 =	vsub.f32 $1.000000000e+00, v26;
	v25 =	vmax.f32 v3, v4  }
0x9f: {  	v9 =	vsub.f32 $1.000000000e+00, v25;
	v25 =	vmax.f32 v25, v7;
	(erf) = vrcp.f32 v2  }
0xa0: {  	v57 =	vmul.f32 $1.000000020e+30, v26;
	v49 =	vsub.f32 $1.000000000e+00, v25;
	v50 =	vmax.f32 v25, v48  }
0xa1: {  	v25 =	vmul.f32 v6, v4;
	v53 =	vsub.f32 $1.000000000e+00, v50;
	v54 =	vmax.f32 v50, v52  }
0xa2: {  	v40 =	vmul.f32 v9, v7;
	v39 =	vmul.f32 v49, v48;
	v55 =	vsub.f32 $1.000000000e+00, v54  }
0xa3: {  	v56 =	vsel vm8, $0x3F800000, v58;
	v59 =	vmul.f32 $1.000000020e+30, v25;
	v38 =	vmul.f32 v53, v52  }
0xa4: {  	v41 =	vsub.f32 v41, v57;
	v61 =	vmul.f32 $1.000000020e+30, v40;
	v37 =	vmul.f32 v55, v56  }
0xa5: {  	v53 =	vsub.f32 $1.000000000e+00, v46;
	v30 =	vsub.f32 v30, v59;
	v62 =	vmul.f32 $1.000000020e+30, v39  }
0xa6: {  	v31 =	vsub.f32 v32, v61;
	v0 =	vmul.f32 $1.000000020e+30, v38;
	v1 =	vmul.f32 $1.000000020e+30, v37  }
0xa7: {  	v55 =	vsel vm9, $0x3F800000, v58;
	v29 =	vsub.f32 v29, v62;
	v2 =	vmax.f32 v41, v30  }
0xa8: {  	v32 =	vsub.f32 v36, v0;
	v4 =	vmax.f32 v2, v31;
	v42 =	vsub.f32 v42, v1;
	v3 =	vpop (erf)  }
0xa9: {  	v36 =	vmax.f32 v4, v29;
	v44 =	vmul.f32 v3, v44;
	v19 =	vmul.f32 v3, v19  }
0xaa: {  	v6 =	vmax.f32 v36, v32;
	v21 =	vmul.f32 v3, v21;
	v9 =	vmul.f32 v3, v24  }
0xab: {  	v36 =	vmax.f32 v6, v42;
	v54 =	vmul.f32 v3, v20;
	v22 =	vmul.f32 v3, v22  }
0xac: {  	v23 =	vmul.f32 v3, v23;
	v52 =	vsub.f32 v36, v45;
	vm10 =	veq.f32 v41, v36  }
0xad: {  	vm11 =	veq.f32 v30, v36;
	vm12 =	veq.f32 v31, v36;
	vm13 =	veq.f32 v29, v36  }
0xae: {  	vm15 =	veq.f32 v32, v36;
	v28 =	vmul.f32 v44, v28;
	v27 =	vmul.f32 v44, v27  }
0xaf: {  	v48 =	vld [tilespmem:$0x50];
	vm9 =	veq.f32 v42, v36;
	v7 =	vmul.f32 v44, v43;
	v33 =	vmul.f32 v33, v44  }
0xb0: {  	v43 =	vmul.f32 v53, v55;
	v56 =	vmul.f32 $1.442695020e+00, v52;
	v20 =	vadd.f32 v27, v9;
	v27 =	vld [tilespmem:$0xD0]  }
0xb1: {  	v57 =	vmul.f32 v63, v44;
	v24 =	vadd.f32 v28, v19;
	v19 =	vadd.f32 v33, v54;
	v33 =	vld [tilespmem:$0x150]  }
0xb2: {  	v41 =	vsel vm10, $0x3F800000, v58;
	v59 =	vmul.f32 v43, v44;
	v43 =	vld [tilespmem:$0x1D0];
	(erf) = vpow2.f32 v56  }
0xb3: {  	v62 =	vsel vm11, $0x3F800000, v58;
	v31 =	vsel vm12, $0x3F800000, v58;
	v1 =	vsel vm13, $0x3F800000, v58;
	v44 =	vld [tilespmem:$0x250]  }
0xb4: {  	v45 =	vld [tilespmem:$0x2D0];
	v60 =	vsub.f32 $1.000000000e+00, v41;
	v61 =	vmax.f32 v41, $0.0e+00;
	v21 =	vadd.f32 v7, v21  }
0xb5: {  	v22 =	vadd.f32 v57, v22;
	v30 =	vmax.f32 v61, v62;
	v63 =	vmax.f32 v48, v27  }
0xb6: {  	v46 =	vmul.f32 v60, v62;
	v34 =	vsub.f32 $1.000000000e+00, v30;
	v28 =	vmax.f32 v63, v33  }
0xb7: {  	v30 =	vmax.f32 v30, v31;
	v23 =	vadd.f32 v59, v23;
	v28 =	vmax.f32 v28, v43  }
0xb8: {  	v0 =	vsub.f32 $1.000000000e+00, v30;
	v52 =	vmax.f32 v30, v1;
	v28 =	vmax.f32 v28, v44  }
0xb9: {  	v47 =	vmul.f32 v34, v31;
	v57 =	vsub.f32 $1.000000000e+00, v52;
	v50 =	vmax.f32 v28, v45  }
0xba: {  	v4 =	vmul.f32 v0, v1;
	vm14 =	veq.f32 v48, v50;
	vm4 =	veq.f32 v27, v50  }
0xbb: {  	v49 =	vpop (erf);
	vm5 =	veq.f32 v33, v50;
	vm6 =	veq.f32 v43, v50;
	vm7 =	veq.f32 v44, v50  }
0xbc: {  	vm8 =	veq.f32 v45, v50;
	v2 =	vadd.f32 $1.000000000e+00, v49;
	v34 =	vsel vm14, $0x3F800000, v58  }
0xbd: {  	v6 =	vsel vm4, $0x3F800000, v58;
	v9 =	vsel vm5, $0x3F800000, v58;
	v53 =	vsel vm6, $0x3F800000, v58  }
0xbe: {  	v61 =	vsel vm7, $0x3F800000, v58;
	v63 =	vsel vm8, $0x3F800000, v58;
	v3 =	vmax.f32 v34, $0.0e+00  }
0xbf: {  	v7 =	vsub.f32 $1.000000000e+00, v34;
	v0 =	vmul.f32 $1.000000020e+30, v34;
	v28 =	vmax.f32 v3, v6  }
0xc0: {  	(erf) = vrcp.f32 v2;
	v60 =	vsub.f32 $1.000000000e+00, v28;
	v28 =	vmax.f32 v28, v9  }
0xc1: {  	v35 =	vmul.f32 v7, v6;
	v54 =	vsub.f32 $1.000000000e+00, v28;
	v55 =	vmax.f32 v28, v53  }
0xc2: {  	v56 =	vsub.f32 $1.000000000e+00, v55;
	v30 =	vmul.f32 v60, v9;
	v62 =	vmax.f32 v55, v61  }
0xc3: {  	v1 =	vmul.f32 $1.000000020e+30, v35;
	v28 =	vmul.f32 v54, v53;
	v31 =	vsub.f32 $1.000000000e+00, v62  }
0xc4: {  	v53 =	vsub.f32 v48, v0;
	v48 =	vld [tilespmem:$0xE0];
	v29 =	vmul.f32 v56, v61;
	v3 =	vmul.f32 $1.000000020e+30, v30  }
0xc5: {  	v2 =	vsel vm15, $0x3F800000, v58;
	v56 =	vld [tilespmem:$0x60];
	v54 =	vsub.f32 v27, v1;
	v6 =	vmul.f32 $1.000000020e+30, v28  }
0xc6: {  	v59 =	vld [tilespmem:$0x160];
	v31 =	vmul.f32 v31, v63;
	v51 =	vsub.f32 v33, v3;
	v7 =	vmul.f32 $1.000000020e+30, v29  }
0xc7: {  	v0 =	vmax.f32 v52, v2;
	v60 =	vsub.f32 v43, v6;
	v43 =	vmax.f32 v53, v54  }
0xc8: {  	v61 =	vld [tilespmem:$0x1E0];
	v9 =	vmul.f32 $1.000000020e+30, v31;
	v62 =	vsub.f32 v44, v7;
	v44 =	vmax.f32 v43, v51  }
0xc9: {  	v57 =	vmul.f32 v57, v2;
	v63 =	vld [tilespmem:$0x260];
	v6 =	vsub.f32 $1.000000000e+00, v0;
	v1 =	vmax.f32 v44, v60  }
0xca: {  	v52 =	vsub.f32 v45, v9;
	v45 =	vpop (erf);
	v2 =	vmax.f32 v56, v48;
	v27 =	vmax.f32 v1, v62  }
0xcb: {  	v55 =	vld [tilespmem:$0x2E0];
	v49 =	vmul.f32 v45, v49;
	v3 =	vmax.f32 v2, v59;
	v26 =	vmul.f32 v45, v26  }
0xcc: {  	v25 =	vmul.f32 v45, v25;
	v37 =	vmul.f32 v45, v37;
	v42 =	vmax.f32 v27, v52  }
0xcd: {  	v27 =	vmax.f32 v3, v61;
	v7 =	vsub.f32 v42, v50;
	v9 =	vmul.f32 v49, v41  }
0xce: {  	v27 =	vmax.f32 v27, v63;
	v50 =	vsel vm9, $0x3F800000, v58;
	v46 =	vmul.f32 v49, v46  }
0xcf: {  	v4 =	vmul.f32 v4, v49;
	v57 =	vmul.f32 v57, v49;
	vm4 =	veq.f32 v53, v42  }
0xd0: {  	vm5 =	veq.f32 v54, v42;
	v43 =	vmax.f32 v27, v55;
	v33 =	vmul.f32 $1.442695020e+00, v7  }
0xd1: {  	vm6 =	veq.f32 v51, v42;
	v3 =	vmul.f32 v6, v50;
	vm10 =	veq.f32 v56, v43  }
0xd2: {  	vm11 =	veq.f32 v48, v43;
	(erf) = vpow2.f32 v33;
	v33 =	vsel vm10, $0x3F800000, v58  }
0xd3: {  	vm12 =	veq.f32 v59, v43;
	v1 =	vsel vm11, $0x3F800000, v58;
	v0 =	vmax.f32 v33, $0.0e+00  }
0xd4: {  	v41 =	vadd.f32 v9, v26;
	v44 =	vsel vm12, $0x3F800000, v58;
	v26 =	vmax.f32 v0, v1  }
0xd5: {  	vm13 =	veq.f32 v61, v43;
	v6 =	vsub.f32 $1.000000000e+00, v26;
	v26 =	vmax.f32 v26, v44  }
0xd6: {  	vm14 =	veq.f32 v63, v43;
	v7 =	vsel vm13, $0x3F800000, v58;
	v9 =	vsub.f32 $1.000000000e+00, v26  }
0xd7: {  	v2 =	vsub.f32 $1.000000000e+00, v33;
	v50 =	vmax.f32 v26, v7;
	v32 =	vmul.f32 v6, v44  }
0xd8: {  	v6 =	vsel vm14, $0x3F800000, v58;
	v26 =	vmul.f32 v9, v7;
	v7 =	vsub.f32 $1.000000000e+00, v50  }
0xd9: {  	vm15 =	veq.f32 v55, v43;
	v36 =	vmul.f32 v2, v1;
	v44 =	vmax.f32 v50, v6  }
0xda: {  	v2 =	vmul.f32 v45, v40;
	v0 =	vsub.f32 $1.000000000e+00, v44;
	v27 =	vmul.f32 v7, v6  }
0xdb: {  	v9 =	vsel vm15, $0x3F800000, v58;
	v6 =	vmul.f32 $1.000000020e+30, v33;
	v7 =	vmul.f32 $1.000000020e+30, v36  }
0xdc: {  	v50 =	vadd.f32 v46, v25;
	v25 =	vmul.f32 v0, v9;
	v9 =	vmul.f32 $1.000000020e+30, v32  }
0xdd: {  	v46 =	vsub.f32 v56, v6;
	v44 =	vsub.f32 v48, v7;
	v6 =	vmul.f32 $1.000000020e+30, v26  }
0xde: {  	v40 =	vmul.f32 v49, v47;
	v7 =	vmul.f32 $1.000000020e+30, v27;
	v59 =	vsub.f32 v59, v9  }
0xdf: {  	v9 =	vmul.f32 $1.000000020e+30, v25;
	v56 =	vsub.f32 v61, v6;
	v48 =	vmax.f32 v46, v44  }
0xe0: {  	v47 =	vmul.f32 v45, v39;
	v39 =	vsub.f32 v63, v7;
	v1 =	vmax.f32 v48, v59  }
0xe1: {  	v7 =	vmul.f32 v45, v38;
	v38 =	vsub.f32 v55, v9;
	v1 =	vmax.f32 v1, v56  }
0xe2: {  	vm7 =	veq.f32 v60, v42;
	vm8 =	veq.f32 v62, v42;
	v1 =	vmax.f32 v1, v39  }
0xe3: {  	vm9 =	veq.f32 v52, v42;
	v9 =	vadd.f32 v40, v2;
	v40 =	vmax.f32 v1, v38  }
0xe4: {  	v54 =	vld [tilespmem:$0xF0];
	v49 =	vmul.f32 v3, v49;
	v45 =	vsel vm4, $0x3F800000, v58;
	v6 =	vpop (erf);
	v1 =	vsub.f32 v40, v43  }
0xe5: {  	v3 =	vsel vm5, $0x3F800000, v58;
	v61 =	vsub.f32 $1.000000000e+00, v45;
	v63 =	vadd.f32 $1.000000000e+00, v6;
	v43 =	vld [tilespmem:$0x70]  }
0xe6: {  	v48 =	vadd.f32 v4, v47;
	v55 =	vld [tilespmem:$0x170];
	v47 =	vadd.f32 v57, v7;
	v1 =	vmul.f32 $1.442695020e+00, v1  }
0xe7: {  	v7 =	vmax.f32 v45, $0.0e+00;
	v57 =	vmul.f32 v61, v3;
	v61 =	vld [tilespmem:$0x1F0];
	(erf) = vrcp.f32 v63  }
0xe8: {  	v53 =	vld [tilespmem:$0x270];
	v2 =	vmax.f32 v7, v3;
	(erf) = vpow2.f32 v1;
	v1 =	vsel vm6, $0x3F800000, v58  }
0xe9: {  	v4 =	vld [tilespmem:$0x2F0];
	v3 =	vsel vm7, $0x3F800000, v58;
	v7 =	vsub.f32 $1.000000000e+00, v2;
	v2 =	vmax.f32 v2, v1  }
0xea: {  	v63 =	vmax.f32 v43, v54;
	v60 =	vsub.f32 $1.000000000e+00, v2;
	v2 =	vmax.f32 v2, v3  }
0xeb: {  	v52 =	vmul.f32 v7, v1;
	v42 =	vmax.f32 v63, v55;
	v1 =	vsub.f32 $1.000000000e+00, v2  }
0xec: {  	v51 =	vsel vm8, $0x3F800000, v58;
	v7 =	vld [tilespmem:$0x1FFB0];
	v42 =	vmax.f32 v42, v61  }
0xed: {  	[tilespmem:$0x400] =	vst v5;
	v2 =	vmax.f32 v2, v51;
	v5 =	vmax.f32 v42, v53;
	v63 =	vmul.f32 v1, v51;
	v51 =	vld [tilespmem:$0x1FFC0]  }
0xee: {  	v62 =	vmax.f32 v5, v4;
	v5 =	vld [tilespmem:$0x1FFA0];
	_ =	sdelay $0x1  }
0xef: {  	[tilespmem:$0x700] =	vst v58;
	vm10 =	veq.f32 v43, v62  }
0xf0: {  	v42 =	vld [tilespmem:$0x1FF90];
	[tilespmem:$0x580] =	vst v7;
	vm11 =	veq.f32 v54, v62;
	v7 =	vsel vm10, $0x3F800000, v58  }
0xf1: {  	v1 =	vmax.f32 v7, $0.0e+00;
	[tilespmem:$0x600] =	vst v51;
	v51 =	vsel vm11, $0x3F800000, v58  }
0xf2: {  	v2 =	vsub.f32 $1.000000000e+00, v2;
	[tilespmem:$0x500] =	vst v5;
	v5 =	vmax.f32 v1, v51;
	v1 =	vsub.f32 $1.000000000e+00, v7  }
0xf3: {  	[tilespmem:$0x680] =	vst v11;
	v60 =	vmul.f32 v60, v3;
	v3 =	vsel vm9, $0x3F800000, v58  }
0xf4: {  	[tilespmem:$0x410] =	vst v10;
	v0 =	vpop (erf);
	v10 =	vmul.f32 v2, v3;
	v3 =	vmul.f32 v1, v51;
	v51 =	vld [tilespmem:$0x1FFD0]  }
0xf5: {  	[tilespmem:$0x480] =	vst v42;
	v42 =	vpop (erf)  }
0xf6: {  	[tilespmem:$0x520] =	vst v13;
	v13 =	vadd.f32 v49, v37;
	v11 =	vadd.f32 $1.000000000e+00, v42  }
0xf7: {  	[tilespmem:$0x780] =	vst v58;
	vm4 =	veq.f32 v46, v40;
	vm5 =	veq.f32 v44, v40;
	vm7 =	veq.f32 v56, v40  }
0xf8: {  	[tilespmem:$0x490] =	vst v8;
	vm12 =	veq.f32 v55, v62;
	v2 =	vsub.f32 $1.000000000e+00, v5;
	(erf) = vrcp.f32 v11;
	v11 =	vld [tilespmem:$0x1FFE0]  }
0xf9: {  	vm13 =	veq.f32 v61, v62;
	vm14 =	veq.f32 v53, v62;
	v1 =	vsel vm12, $0x3F800000, v58;
	[tilespmem:$0x510] =	vst v51;
	v51 =	vld [tilespmem:$0x1FFF0]  }
0xfa: {  	[tilespmem:$0x420] =	vst v15;
	v15 =	vmul.f32 v0, v34;
	v2 =	vmul.f32 v2, v1;
	v1 =	vmax.f32 v5, v1  }
0xfb: {  	[tilespmem:$0x690] =	vst v17;
	vm15 =	veq.f32 v4, v62;
	v5 =	vsel vm13, $0x3F800000, v58;
	v8 =	vsub.f32 $1.000000000e+00, v1  }
0xfc: {  	[tilespmem:$0x620] =	vst v16;
	v16 =	vmul.f32 v0, v35;
	v17 =	vsel vm15, $0x3F800000, v58;
	v1 =	vmax.f32 v1, v5  }
0xfd: {  	[tilespmem:$0x590] =	vst v11;
	v11 =	vmul.f32 v0, v6;
	v6 =	vsel vm14, $0x3F800000, v58;
	v8 =	vmul.f32 v8, v5  }
0xfe: {  	v34 =	vmul.f32 $1.000000020e+30, v7;
	[tilespmem:$0x610] =	vst v51;
	v51 =	vsub.f32 $1.000000000e+00, v1;
	v1 =	vmax.f32 v1, v6  }
0xff: {  	[tilespmem:$0x710] =	vst v58;
	v49 =	vmul.f32 $1.000000020e+30, v3;
	v37 =	vmul.f32 $1.000000020e+30, v8;
	v1 =	vsub.f32 $1.000000000e+00, v1  }
0x100: {  	[tilespmem:$0x4A0] =	vst v12;
	v12 =	vsub.f32 v43, v34;
	v5 =	vmul.f32 v51, v6;
	v51 =	vmul.f32 $1.000000020e+30, v2  }
0x101: {  	[tilespmem:$0x790] =	vst v58;
	v43 =	vmul.f32 v11, v57;
	v6 =	vmul.f32 v1, v17;
	v1 =	vsub.f32 v54, v49  }
0x102: {  	[tilespmem:$0x5A0] =	vst v18;
	v17 =	vmul.f32 v11, v45;
	v18 =	vsub.f32 v55, v51;
	v45 =	vmul.f32 $1.000000020e+30, v5  }
0x103: {  	[tilespmem:$0x430] =	vst v24;
	v24 =	vsub.f32 v61, v37;
	v49 =	vmul.f32 $1.000000020e+30, v6;
	v51 =	vmax.f32 v12, v1  }
0x104: {  	[tilespmem:$0x720] =	vst v58;
	v15 =	vadd.f32 v17, v15;
	v17 =	vsub.f32 v53, v45;
	v53 =	vmax.f32 v51, v18  }
0x105: {  	[tilespmem:$0x7A0] =	vst v58;
	vm8 =	veq.f32 v39, v40;
	v4 =	vsub.f32 v4, v49;
	v54 =	vmax.f32 v53, v24  }
0x106: {  	[tilespmem:$0x6A0] =	vst v14;
	vm6 =	veq.f32 v59, v40;
	v14 =	vadd.f32 v43, v16;
	v16 =	vmax.f32 v54, v17  }
0x107: {  	[tilespmem:$0x730] =	vst v58;
	v34 =	vmul.f32 v0, v29;
	v57 =	vmul.f32 v11, v52;
	v16 =	vmax.f32 v16, v4  }
0x108: {  	[tilespmem:$0x440] =	vst v41;
	v35 =	vmul.f32 v60, v11;
	v61 =	vmul.f32 v0, v28;
	v37 =	vsub.f32 v16, v62  }
0x109: {  	[tilespmem:$0x4C0] =	vst v50;
	vm9 =	veq.f32 v38, v40;
	v41 =	vmul.f32 v63, v11;
	v10 =	vmul.f32 v10, v11;
	v50 =	vpop (erf)  }
0x10a: {  	[tilespmem:$0x7B0] =	vst v58;
	v63 =	vmul.f32 v50, v36;
	v43 =	vadd.f32 v35, v61;
	v45 =	vmul.f32 $1.442695020e+00, v37  }
0x10b: {  	[tilespmem:$0x740] =	vst v58;
	v29 =	vsel vm7, $0x3F800000, v58;
	v38 =	vmul.f32 v50, v27;
	v61 =	vmul.f32 v50, v33  }
0x10c: {  	v46 =	vadd.f32 v41, v34;
	[tilespmem:$0x5D0] =	vst v43;
	v43 =	vmul.f32 v50, v25;
	(erf) = vpow2.f32 v45  }
0x10d: {  	[tilespmem:$0x7C0] =	vst v58;
	v36 =	vsel vm9, $0x3F800000, v58;
	v55 =	vmul.f32 v0, v30;
	v0 =	vmul.f32 v0, v31  }
0x10e: {  	[tilespmem:$0x750] =	vst v58;
	v30 =	vmul.f32 v50, v32;
	v32 =	vsel vm8, $0x3F800000, v58;
	v49 =	vsel vm4, $0x3F800000, v58  }
0x10f: {  	[tilespmem:$0x7D0] =	vst v58;
	v53 =	vsel vm5, $0x3F800000, v58;
	v51 =	vsub.f32 $1.000000000e+00, v49;
	v52 =	vmax.f32 v49, $0.0e+00  }
0x110: {  	[tilespmem:$0x5B0] =	vst v19;
	v19 =	vadd.f32 v57, v55;
	v54 =	vmul.f32 v50, v42;
	v57 =	vmax.f32 v52, v53  }
0x111: {  	[tilespmem:$0x760] =	vst v58;
	v0 =	vadd.f32 v10, v0;
	v55 =	vmul.f32 v51, v53;
	v60 =	vsub.f32 $1.000000000e+00, v57  }
0x112: {  	[tilespmem:$0x7E0] =	vst v58;
	v10 =	vmul.f32 v54, v49;
	v62 =	vsel vm6, $0x3F800000, v58;
	vm10 =	veq.f32 v12, v16  }
0x113: {  	[tilespmem:$0x770] =	vst v58;
	vm11 =	veq.f32 v1, v16;
	vm12 =	veq.f32 v18, v16;
	vm13 =	veq.f32 v24, v16  }
0x114: {  	[tilespmem:$0x4D0] =	vst v14;
	vm14 =	veq.f32 v17, v16;
	vm15 =	veq.f32 v4, v16;
	v14 =	vmax.f32 v57, v62  }
0x115: {  	[tilespmem:$0x7F0] =	vst v58;
	v12 =	vsel vm10, $0x3F800000, v58;
	v39 =	vsel vm11, $0x3F800000, v58;
	v40 =	vsel vm12, $0x3F800000, v58;
	v34 =	vpop (erf)  }
0x116: {  	[tilespmem:$0x6C0] =	vst v13;
	v41 =	vsel vm13, $0x3F800000, v58;
	v17 =	vsel vm14, $0x3F800000, v58;
	v35 =	vadd.f32 $1.000000000e+00, v34  }
0x117: {  	[tilespmem:$0x450] =	vst v15;
	v13 =	vmul.f32 v54, v55;
	v15 =	vmul.f32 v60, v62;
	v10 =	vadd.f32 v10, v61  }
0x118: {  	[tilespmem:$0x4B0] =	vst v21;
	v31 =	vsub.f32 $1.000000000e+00, v14;
	v14 =	vmax.f32 v14, v29;
	(erf) = vrcp.f32 v35  }
0x119: {  	[tilespmem:$0x6B0] =	vst v23;
	v37 =	vmul.f32 v50, v26;
	v42 =	vmax.f32 v12, $0.0e+00;
	v44 =	vsub.f32 $1.000000000e+00, v12  }
0x11a: {  	[tilespmem:$0x540] =	vst v9;
	v33 =	vsub.f32 $1.000000000e+00, v14;
	v14 =	vmax.f32 v14, v32;
	v23 =	vadd.f32 v13, v63  }
0x11b: {  	[tilespmem:$0x6D0] =	vst v0;
	v15 =	vmul.f32 v54, v15;
	v14 =	vsub.f32 $1.000000000e+00, v14;
	v0 =	vmul.f32 v31, v29  }
0x11c: {  	[tilespmem:$0x460] =	vst v10;
	v13 =	vmax.f32 v42, v39;
	v4 =	vmul.f32 v44, v39;
	v10 =	vmul.f32 v33, v32  }
0x11d: {  	[tilespmem:$0x640] =	vst v47;
	v45 =	vmax.f32 v13, v40;
	v13 =	vsub.f32 $1.000000000e+00, v13;
	v9 =	vadd.f32 v15, v30  }
0x11e: {  	[tilespmem:$0x650] =	vst v46;
	v0 =	vmul.f32 v0, v54;
	v46 =	vmax.f32 v45, v41;
	v47 =	vsub.f32 $1.000000000e+00, v45  }
0x11f: {  	[tilespmem:$0x5C0] =	vst v48;
	v10 =	vmul.f32 v10, v54;
	v48 =	vmax.f32 v46, v17;
	v49 =	vsub.f32 $1.000000000e+00, v46  }
0x120: {  	[tilespmem:$0x560] =	vst v9;
	v9 =	vmul.f32 v14, v36;
	v0 =	vadd.f32 v0, v37;
	v16 =	vsub.f32 $1.000000000e+00, v48  }
0x121: {  	[tilespmem:$0x530] =	vst v20;
	v1 =	vadd.f32 v10, v38;
	v10 =	vmul.f32 v13, v40;
	v13 =	vmul.f32 v49, v17;
	v50 =	vpop (erf)  }
0x122: {  	[tilespmem:$0x630] =	vst v22;
	v51 =	vsel vm15, $0x3F800000, v58;
	v9 =	vmul.f32 v9, v54;
	v15 =	vmul.f32 v50, v34  }
0x123: {  	[tilespmem:$0x5E0] =	vst v0;
	v0 =	vmul.f32 v47, v41;
	v11 =	vmul.f32 v16, v51  }
0x124: {  	[tilespmem:$0x550] =	vst v19;
	v52 =	vmul.f32 v50, v7;
	v53 =	vmul.f32 v15, v12  }
0x125: {  	[tilespmem:$0x4E0] =	vst v23;
	v9 =	vadd.f32 v9, v43;
	v3 =	vmul.f32 v50, v3;
	v4 =	vmul.f32 v15, v4  }
0x126: {  	[tilespmem:$0x660] =	vst v1;
	v2 =	vmul.f32 v50, v2;
	v54 =	vmul.f32 v15, v10;
	v1 =	vadd.f32 v53, v52  }
0x127: {  	[tilespmem:$0x6E0] =	vst v9;
	v55 =	vmul.f32 v50, v8;
	v0 =	vmul.f32 v0, v15;
	v3 =	vadd.f32 v4, v3  }
0x128: {  	v57 =	vmul.f32 v50, v5;
	v59 =	vmul.f32 v13, v15;
	v56 =	vadd.f32 v54, v2;
	[tilespmem:$0x470] =	vst v1  }
0x129: {  	v60 =	vmul.f32 v50, v6;
	v61 =	vmul.f32 v11, v15;
	v0 =	vadd.f32 v0, v55;
	[tilespmem:$0x4F0] =	vst v3  }
0x12a: {  	v62 =	vadd.f32 v59, v57;
	[tilespmem:$0x570] =	vst v56  }
0x12b: {  	v63 =	vadd.f32 v61, v60;
	[tilespmem:$0x5F0] =	vst v0  }
0x12c: {  	p0 =	sne.s32 s5, $0x1;
	[tilespmem:$0x670] =	vst v62  }
.Ltmp0:
0x12d: {  	[tilespmem:$0x6F0] =	vst v63;
	(pc) =	sbr.rel @p0 .LBB2_1-.Ltmp0, $4  }
0x12e: {  	[hbm4b:s4+s2] =	stream.linear.scatter [tilespmem:s7], [sflag:$0x1], $0x400, $0x38;
	[tilespmem:$0x800] =	vst v63  }
0x12f: {  	_ =	swait.ge [sflag:s6], $0x400  }
0x130: {  	[sflag:s6] =	ssyncset.done $0x0  }
0x131: {  	s5 =	sadd.s32 $0xFFFFFFFF, s5;
	[sflag:s6] =	ssyncadd.s32 $0xFFFFFC00  }
0x132: {  	_ =	sfence.sel $0x180000  }
0x133: {  	[bflag:$0x0] =	sbarrier.arrive $0xFFFF  }
0x134: {  	p0 =	sne.s32 s1, $0x0;
	_ =	strace $0x90000047  }
0x135: {  	s0 =	sadd.s32 @!p0 $0x100000, s0;
	[bflag:$0x2] =	sbarrier.arrive $0xFFFF  }
0x136: {  	[sflag:s0] =	ssyncadd.tile.s32 @!p0 $0x1;
	_ =	shalt  }
.Lfunc_end2:
_tile_overlayer_lowered:
.L_overlay_start_2:
0x137: {  	(tag) =	ssettag $0x2  }
0x138: {  	s0 =	rddreg [dreg:$0x0];
	s2 =	stileid.u32  }
0x139: {  	s1 =	rddreg [dreg:$0x1];
	p0 =	sne.s32 s2, $0x0  }
0x13a: {  	s3 =	rddreg [dreg:$0x2];
	[bflag:$0x3] =	sbarrier.arrive $0xFFFF;
	s2 =	simm.s32 @!p0 $0x1C01  }
0x13b: {  	[timem:s3], [sflag:s2] =	dma.local @!p0 [hbm:s0], s1  }
0x13c: {  	s0 =	simm.s32 @!p0 $0x1  }
0x13d: {  	_ =	swait.ge @!p0 [sflag:s0], s1  }
0x13e: {  	s1 =	ssub.s32 @!p0 $0x0, s1;
	[sflag:s0] =	ssyncset.done @!p0 $0x0  }
0x13f: {  	[sflag:s0] =	ssyncadd.s32 @!p0 s1  }
0x140: {  	[bflag:$0x3] =	sbarrier.arrive $0xFFFF  }
0x141: {  	_ =	shalt  }

</sc_bundles>
